<compile_context>
chip_gen: v7x
topology: tpu7x:2x2x1
jax: 0.10.2.dev20260603
libtpu: 0.0.44.dev20260713+nightly
codegen_flags: <defaults>
</compile_context>

<pallas_src>
import functools

import jax
import jax.numpy as jnp
from jax import lax
from jax.experimental import pallas as pl
from jax.experimental.pallas import tpu as pltpu
from jax.experimental.pallas import tpu_sc as plsc

N = 10000
E = 320000
D = 128
H = 128

NC = 2
NS = 16
LANES = 16
NW = NC * NS
EPW = E // NW
CH = 80
NCHK = EPW // CH
G = 5
NGR = NCHK // G
RPS = 624
TAIL = N - NS * RPS
VPG = G * CH // LANES

_mesh = plsc.VectorSubcoreMesh(
    core_axis_name="c", subcore_axis_name="s", num_cores=NC, num_subcores=NS
)


def _copy_rows(buf, dst, start, nrows):
    nb = buf.shape[0]
    for t in range(nrows // nb):
        pltpu.sync_copy(buf, dst.at[pl.ds(start + t * nb, nb)])
    rem = nrows % nb
    if rem:
        pltpu.sync_copy(
            buf.at[pl.ds(0, rem)], dst.at[pl.ds(start + (nrows // nb) * nb, rem)]
        )


def _bounce_rows(stage, src, dst, src0, dst0, nrows):
    nb = stage.shape[0]
    done = 0
    while done < nrows:
        m = min(nb, nrows - done)
        sview = stage if m == nb else stage.at[pl.ds(0, m)]
        pltpu.sync_copy(src.at[pl.ds(src0 + done, m)], sview)
        pltpu.sync_copy(sview, dst.at[pl.ds(dst0 + done, m)])
        done += m


def _zero_fill_2d(ref, nrows, ncols):
    zeros = jnp.zeros((LANES,), jnp.float32)
    cpr = ncols // LANES

    def body(k, _):
        r = k // cpr
        c = k % cpr
        ref[r, pl.ds(c * LANES, LANES)] = zeros
        return 0

    lax.fori_loop(0, nrows * cpr, body, 0)


def _zero_fill_1d(ref, n):
    zeros = jnp.zeros((LANES,), jnp.float32)

    def body(k, _):
        ref[pl.ds(k * LANES, LANES)] = zeros
        return 0

    lax.fori_loop(0, n // LANES, body, 0)


def _agg_rows_body(table_hbm, src_hbm, dst_hbm, acc_hbm,
                   src_v, dst_v, rows_v, acc_sh, sem):
    cid = lax.axis_index("c")
    sid = lax.axis_index("s")
    wid = cid * NS + sid

    row0 = pl.multiple_of(sid * RPS, 8)
    _zero_fill_2d(rows_v, CH, D)
    _copy_rows(rows_v, acc_sh, row0, RPS)

    @pl.when(sid == NS - 1)
    def _():
        _copy_rows(rows_v, acc_sh, NS * RPS, TAIL)

    plsc.subcore_barrier()

    def group(g, _):
        pltpu.sync_copy(src_hbm.at[wid, g], src_v)
        pltpu.sync_copy(dst_hbm.at[wid, g], dst_v)
        for j in range(G):
            pltpu.async_copy(table_hbm.at[src_v.at[j]], rows_v, sem).wait()
            pltpu.sync_copy(rows_v, acc_sh.at[dst_v.at[j]], add=True)
        return 0

    lax.fori_loop(0, NGR, group, 0)

    plsc.subcore_barrier()

    _bounce_rows(rows_v, acc_sh, acc_hbm.at[cid], row0, row0, RPS)

    @pl.when(sid == NS - 1)
    def _():
        _bounce_rows(rows_v, acc_sh, acc_hbm.at[cid], NS * RPS, NS * RPS, TAIL)


_agg_rows = pl.kernel(
    _agg_rows_body,
    out_type=jax.ShapeDtypeStruct((NC, N, D), jnp.float32),
    mesh=_mesh,
    scratch_types=[
        pltpu.VMEM((G, CH), jnp.int32),
        pltpu.VMEM((G, CH), jnp.int32),
        pltpu.VMEM((CH, D), jnp.float32),
        pltpu.VMEM_SHARED((N, D), jnp.float32),
        pltpu.SemaphoreType.DMA,
    ],
)


def _fill_ones_2d(ref, nrows):
    ones = jnp.ones((LANES,), jnp.float32)

    def body(r, _):
        ref[r, pl.ds(0, LANES)] = ones
        return 0

    lax.fori_loop(0, nrows, body, 0)


def _deg_body(dst_hbm, deg_hbm, dst_v, ones_v, deg_sh):
    cid = lax.axis_index("c")
    sid = lax.axis_index("s")
    wid = cid * NS + sid
    row0 = pl.multiple_of(sid * RPS, 8)

    _zero_fill_2d(ones_v, CH, D)
    _copy_rows(ones_v, deg_sh, row0, RPS)

    @pl.when(sid == NS - 1)
    def _():
        _copy_rows(ones_v, deg_sh, NS * RPS, TAIL)

    _fill_ones_2d(ones_v, CH)
    plsc.subcore_barrier()

    def group(g, _):
        pltpu.sync_copy(dst_hbm.at[wid, g], dst_v)
        for j in range(G):
            pltpu.sync_copy(ones_v, deg_sh.at[dst_v.at[j]], add=True)
        return 0

    lax.fori_loop(0, NGR, group, 0)

    plsc.subcore_barrier()
    _bounce_rows(ones_v, deg_sh, deg_hbm.at[cid], row0, row0, RPS)

    @pl.when(sid == NS - 1)
    def _():
        _bounce_rows(ones_v, deg_sh, deg_hbm.at[cid], NS * RPS, NS * RPS, TAIL)


_deg_count = pl.kernel(
    _deg_body,
    out_type=jax.ShapeDtypeStruct((NC, N, D), jnp.float32),
    mesh=_mesh,
    scratch_types=[
        pltpu.VMEM((G, CH), jnp.int32),
        pltpu.VMEM((CH, D), jnp.float32),
        pltpu.VMEM_SHARED((N, D), jnp.float32),
    ],
)


BLK = 2000


def _mid_body(x_ref, accp_ref, degp_ref, ws0_ref, wn0_ref, b0_ref,
              ws1_ref, wn1_ref, b1_ref, srep_ref, sh_ref, degc_ref):
    x = x_ref[...]
    acc = accp_ref[0] + accp_ref[1]
    deg = degp_ref[0, :, 0] + degp_ref[1, :, 0]
    degc = jnp.maximum(deg, 1.0)
    hn = acc / degc[:, None]
    h = x @ ws0_ref[...] + hn @ wn0_ref[...] + b0_ref[...]
    h = jnp.maximum(h, 0.0)
    s = h @ wn1_ref[...]
    sh = h @ ws1_ref[...] + b1_ref[...]
    srep_ref[...] = jnp.broadcast_to(s, (BLK, D))
    sh_ref[...] = sh
    degc_ref[...] = degc[:, None]


def _mid(features, acc_p, deg_p, ws0, wn0, b0, ws1, wn1, b1):
    grid = (N // BLK,)
    return pl.pallas_call(
        _mid_body,
        grid=grid,
        in_specs=[
            pl.BlockSpec((BLK, D), lambda i: (i, 0)),
            pl.BlockSpec((NC, BLK, D), lambda i: (0, i, 0)),
            pl.BlockSpec((NC, BLK, D), lambda i: (0, i, 0)),
            pl.BlockSpec((D, H), lambda i: (0, 0)),
            pl.BlockSpec((D, H), lambda i: (0, 0)),
            pl.BlockSpec((1, H), lambda i: (0, 0)),
            pl.BlockSpec((H, 1), lambda i: (0, 0)),
            pl.BlockSpec((H, 1), lambda i: (0, 0)),
            pl.BlockSpec((1, 1), lambda i: (0, 0)),
        ],
        out_specs=[
            pl.BlockSpec((BLK, D), lambda i: (i, 0)),
            pl.BlockSpec((BLK, 1), lambda i: (i, 0)),
            pl.BlockSpec((BLK, 1), lambda i: (i, 0)),
        ],
        out_shape=[
            jax.ShapeDtypeStruct((N, D), jnp.float32),
            jax.ShapeDtypeStruct((N, 1), jnp.float32),
            jax.ShapeDtypeStruct((N, 1), jnp.float32),
        ],
    )(features, acc_p, deg_p, ws0, wn0, b0, ws1, wn1, b1)


def _final_body(sh_ref, accp_ref, degc_ref, out_ref):
    agg = accp_ref[0, :, 0:1] + accp_ref[1, :, 0:1]
    out_ref[...] = sh_ref[...] + agg / degc_ref[...]


def _final(sh, acc1_p, degc):
    grid = (N // BLK,)
    return pl.pallas_call(
        _final_body,
        grid=grid,
        in_specs=[
            pl.BlockSpec((BLK, 1), lambda i: (i, 0)),
            pl.BlockSpec((NC, BLK, D), lambda i: (0, i, 0)),
            pl.BlockSpec((BLK, 1), lambda i: (i, 0)),
        ],
        out_specs=pl.BlockSpec((BLK, 1), lambda i: (i, 0)),
        out_shape=jax.ShapeDtypeStruct((N, 1), jnp.float32),
    )(sh, acc1_p, degc)


def kernel(features, edge_index, W_self0, W_neigh0, b0, W_self1, W_neigh1, b1):
    src = edge_index[0].reshape(NW, NGR, G, CH)
    dst = edge_index[1].reshape(NW, NGR, G, CH)

    acc_p = _agg_rows(features, src, dst)
    deg_p = _deg_count(dst)
    s_rep, sh, degc = _mid(
        features, acc_p, deg_p,
        W_self0, W_neigh0, b0.reshape(1, H),
        W_self1, W_neigh1, b1.reshape(1, 1),
    )
    acc1_p = _agg_rows(s_rep, src, dst)
    return _final(sh, acc1_p, degc)

# --- scband reference (transcript-rebuilt; emitter-appended) ---
"""Pipeline reference for scband-gnnsage-67851893342765 (READ-ONLY COPY).

The authoritative reference and input builder live on the scoring server;
editing this copy changes nothing except your own understanding.
"""

import jax, jax.numpy as jnp
import numpy as np

N = 10000
E = 320000
D = 128
H = 128

def setup_inputs(seed: int = 0) -> dict:
    key = jax.random.key(seed)
    ks = jax.random.split(key, 10)
    features = jax.random.normal(ks[0], (N, D), dtype=jnp.float32)
    edge_index = jax.random.randint(ks[1], (2, E), 0, N, dtype=jnp.int32)
    W_self0 = jax.random.normal(ks[2], (D, H), dtype=jnp.float32) * 0.05
    W_neigh0 = jax.random.normal(ks[3], (D, H), dtype=jnp.float32) * 0.05
    b0 = jnp.zeros((H,), dtype=jnp.float32)
    W_self1 = jax.random.normal(ks[4], (H, 1), dtype=jnp.float32) * 0.05
    W_neigh1 = jax.random.normal(ks[5], (H, 1), dtype=jnp.float32) * 0.05
    b1 = jnp.zeros((1,), dtype=jnp.float32)
    return {
        "features": features,
        "edge_index": edge_index,
        "W_self0": W_self0,
        "W_neigh0": W_neigh0,
        "b0": b0,
        "W_self1": W_self1,
        "W_neigh1": W_neigh1,
        "b1": b1,
    }


def _sage_conv(h, src, dst, W_self, W_neigh, b):
    # DGL SAGEConv with 'mean' aggregation:
    # h_neigh = mean over in-neighbor features (degree clamped to >= 1)
    msg = h[src]  # gather source node features onto edges
    summed = jax.ops.segment_sum(msg, dst, num_segments=N)
    deg = jax.ops.segment_sum(jnp.ones((src.shape[0], 1), h.dtype), dst, num_segments=N)
    h_neigh = summed / jnp.clip(deg, 1.0)
    return h @ W_self + h_neigh @ W_neigh + b


def reference(features, edge_index, W_self0, W_neigh0, b0, W_self1, W_neigh1, b1):
    src = edge_index[0]
    dst = edge_index[1]
    # Layer 0: SAGEConv(in_feats -> hidden) with ReLU activation
    h = _sage_conv(features, src, dst, W_self0, W_neigh0, b0)
    h = jax.nn.relu(h)
    # Dropout (p=0.0 / eval mode) is identity
    # Layer 1: SAGEConv(hidden -> 1), no activation
    h = _sage_conv(h, src, dst, W_self1, W_neigh1, b1)
    return h

if __name__ == "__main__":
    import jax
    _d = setup_inputs()
    print(jax.jit(kernel)(*tuple(_d.values())))

</pallas_src>

<mosaic_0001>
#map = affine_map<(d0, d1) -> (0, 0, 0, 0)>
#map1 = affine_map<(d0, d1) -> (0, 0, 0)>
module attributes {stable_mosaic.version = 14 : i64} {
  func.func @_deg_body(%arg0: i32, %arg1: i32, %arg2: memref<32x25x5x80xi32, #tpu.memory_space<hbm>>, %arg3: memref<2x10000x128xf32, #tpu.memory_space<hbm>>, %arg4: memref<5x80xi32, #tpu.memory_space<vmem>>, %arg5: memref<80x128xf32, #tpu.memory_space<vmem>>, %arg6: memref<10000x128xf32, #tpu.memory_space<vmem_shared>>) attributes {dimension_semantics = [#tpu.dimension_semantics<core_parallel>, #tpu.dimension_semantics<subcore_parallel>], iteration_bounds = array<i64: 2, 16>, scalar_prefetch = 0 : i64, scratch_operands = 3 : i64, tpu.core_type = #tpu.core_type<sc_vector_subcore>, window_params = [{transform_indices = #map}, {transform_indices = #map1}]} {
    %mul3A = arith.constant 16 : i32
    %mul3A_0 = arith.muli %arg0, %mul3A : i32
    %add3A = arith.addi %mul3A_0, %arg1 : i32
    %mul3A_1 = arith.constant 624 : i32
    %mul3A_2 = arith.muli %arg1, %mul3A_1 : i32
    %multiple_of3A = tpu.assume_multiple %mul3A_2, 8 : i32
    %broadcast_in_dim3A = arith.constant 0.000000e+00 : f32
    %broadcast_in_dim3A_3 = vector.broadcast %broadcast_in_dim3A : f32 to vector<16xf32>
    %scan3A = arith.constant 0 : i32
    %scan3A_4 = arith.constant 0 : i32
    %scan3A_5 = arith.constant 640 : i32
    %scan3A_6 = arith.addi %scan3A_4, %scan3A_5 : i32
    %scan3A_7 = arith.constant 1 : i32
    %scan3A_8 = scf.for %scan3A_82 = %scan3A_4 to %scan3A_6 step %scan3A_7 iter_args(%scan3A_83 = %scan3A) -> (i32)  : i32 {
      %jit3A = arith.constant 8 : i32
      %div3A = arith.divsi %scan3A_82, %jit3A : i32
      %sign3A = arith.constant 0 : i32
      %sign3A_84 = arith.cmpi sgt, %scan3A_82, %sign3A : i32
      %sign3A_85 = arith.extui %sign3A_84 : i1 to i32
      %sign3A_86 = arith.constant 0 : i32
      %sign3A_87 = arith.cmpi slt, %scan3A_82, %sign3A_86 : i32
      %sign3A_88 = arith.extui %sign3A_87 : i1 to i32
      %sign3A_89 = arith.subi %sign3A_85, %sign3A_88 : i32
      %sign3A_90 = arith.constant 0 : i32
      %sign3A_91 = arith.cmpi sgt, %jit3A, %sign3A_90 : i32
      %sign3A_92 = arith.extui %sign3A_91 : i1 to i32
      %sign3A_93 = arith.constant 0 : i32
      %sign3A_94 = arith.cmpi slt, %jit3A, %sign3A_93 : i32
      %sign3A_95 = arith.extui %sign3A_94 : i1 to i32
      %sign3A_96 = arith.subi %sign3A_92, %sign3A_95 : i32
      %ne3A = arith.cmpi ne, %sign3A_89, %sign3A_96 : i32
      %rem3A = arith.remsi %scan3A_82, %jit3A : i32
      %ne3A_97 = arith.constant 0 : i32
      %ne3A_98 = arith.cmpi ne, %rem3A, %ne3A_97 : i32
      %and3A = arith.andi %ne3A, %ne3A_98 : i1
      %sub3A = arith.constant 1 : i32
      %sub3A_99 = arith.subi %div3A, %sub3A : i32
      %select_n3A = arith.select %and3A, %sub3A_99, %div3A : i32
      %jit3A_100 = arith.constant 8 : i32
      %eq3A_101 = arith.constant 0 : i32
      %eq3A_102 = arith.cmpi eq, %jit3A_100, %eq3A_101 : i32
      %jit3A_103 = arith.constant 1 : i32
      %select_n3A_104 = arith.select %eq3A_102, %jit3A_103, %jit3A_100 : i32
      %rem3A_105 = arith.remsi %scan3A_82, %select_n3A_104 : i32
      %ne3A_106 = arith.constant 0 : i32
      %ne3A_107 = arith.cmpi ne, %rem3A_105, %ne3A_106 : i32
      %lt3A = arith.constant 0 : i32
      %lt3A_108 = arith.cmpi slt, %rem3A_105, %lt3A : i32
      %lt3A_109 = arith.constant 0 : i32
      %lt3A_110 = arith.cmpi slt, %select_n3A_104, %lt3A_109 : i32
      %ne3A_111 = arith.xori %lt3A_108, %lt3A_110 : i1
      %and3A_112 = arith.andi %ne3A_111, %ne3A_107 : i1
      %add3A_113 = arith.addi %rem3A_105, %select_n3A_104 : i32
      %select_n3A_114 = arith.select %and3A_112, %add3A_113, %rem3A_105 : i32
      %mul3A_115 = arith.constant 16 : i32
      %mul3A_116 = arith.muli %select_n3A_114, %mul3A_115 : i32
      %swap3A = arith.index_cast %select_n3A : i32 to index
      %swap3A_117 = arith.index_cast %mul3A_116 : i32 to index
      %swap3A_118 = tpu.vector_load %arg5[%swap3A, %swap3A_117] {strides = array<i32>} : memref<80x128xf32, #tpu.memory_space<vmem>>, vector<1x16xf32>,
      %swap3A_119 = vector.shape_cast %swap3A_118 : vector<1x16xf32> to vector<16xf32>
      %swap3A_120 = vector.shape_cast %broadcast_in_dim3A_3 : vector<16xf32> to vector<1x16xf32>
      tpu.vector_store %arg5[%swap3A, %swap3A_117], %swap3A_120 {strides = array<i32>} : memref<80x128xf32, #tpu.memory_space<vmem>>, vector<1x16xf32>,
      %scan3A_121 = arith.constant 0 : i32
      scf.yield %scan3A_121 : i32
    }
    %scan3A_9 = arith.constant 640 : i32
    %add3A_10 = arith.constant 0 : i32
    %add3A_11 = arith.addi %multiple_of3A, %add3A_10 : i32
    "tpu.region"() ({
      %run_scoped3A = tpu.sem_alloc : memref<!tpu.dma_semaphore, #tpu.memory_space<semaphore_mem>>
      %dma_start3A = arith.constant 0 : i32
      %dma_start3A_82 = tpu.memref_slice %arg6[%add3A_11, %dma_start3A] : memref<10000x128xf32, #tpu.memory_space<vmem_shared>> -> memref<80x128xf32, #tpu.memory_space<vmem_shared>>
      %dma_start3A_83 = arith.constant 0 : i32
      %dma_start3A_84 = tpu.memref_slice %arg6[%add3A_11, %dma_start3A_83] : memref<10000x128xf32, #tpu.memory_space<vmem_shared>> -> memref<80x128xf32, #tpu.memory_space<vmem_shared>>
      tpu.enqueue_dma source(%arg5 : memref<80x128xf32, #tpu.memory_space<vmem>>) target(%dma_start3A_84 : memref<80x128xf32, #tpu.memory_space<vmem_shared>>) target_semaphore(%run_scoped3A : memref<!tpu.dma_semaphore, #tpu.memory_space<semaphore_mem>>)
      %dma_wait3A = arith.constant 0 : i32
      %dma_wait3A_85 = tpu.memref_slice %arg6[%add3A_11, %dma_wait3A] : memref<10000x128xf32, #tpu.memory_space<vmem_shared>> -> memref<80x128xf32, #tpu.memory_space<vmem_shared>>
      %dma_wait3A_86 = arith.constant 0 : i32
      %dma_wait3A_87 = tpu.memref_slice %arg6[%add3A_11, %dma_wait3A_86] : memref<10000x128xf32, #tpu.memory_space<vmem_shared>> -> memref<80x128xf32, #tpu.memory_space<vmem_shared>>
      tpu.wait_dma2 semaphore(%run_scoped3A : memref<!tpu.dma_semaphore, #tpu.memory_space<semaphore_mem>>) src(%arg5 : memref<80x128xf32, #tpu.memory_space<vmem>>) dst(%dma_wait3A_87 : memref<80x128xf32, #tpu.memory_space<vmem_shared>>)
      tpu.yield
    }) : () -> ()
    %add3A_12 = arith.constant 80 : i32
    %add3A_13 = arith.addi %multiple_of3A, %add3A_12 : i32
    "tpu.region"() ({
      %run_scoped3A = tpu.sem_alloc : memref<!tpu.dma_semaphore, #tpu.memory_space<semaphore_mem>>
      %dma_start3A = arith.constant 0 : i32
      %dma_start3A_82 = tpu.memref_slice %arg6[%add3A_13, %dma_start3A] : memref<10000x128xf32, #tpu.memory_space<vmem_shared>> -> memref<80x128xf32, #tpu.memory_space<vmem_shared>>
      %dma_start3A_83 = arith.constant 0 : i32
      %dma_start3A_84 = tpu.memref_slice %arg6[%add3A_13, %dma_start3A_83] : memref<10000x128xf32, #tpu.memory_space<vmem_shared>> -> memref<80x128xf32, #tpu.memory_space<vmem_shared>>
      tpu.enqueue_dma source(%arg5 : memref<80x128xf32, #tpu.memory_space<vmem>>) target(%dma_start3A_84 : memref<80x128xf32, #tpu.memory_space<vmem_shared>>) target_semaphore(%run_scoped3A : memref<!tpu.dma_semaphore, #tpu.memory_space<semaphore_mem>>)
      %dma_wait3A = arith.constant 0 : i32
      %dma_wait3A_85 = tpu.memref_slice %arg6[%add3A_13, %dma_wait3A] : memref<10000x128xf32, #tpu.memory_space<vmem_shared>> -> memref<80x128xf32, #tpu.memory_space<vmem_shared>>
      %dma_wait3A_86 = arith.constant 0 : i32
      %dma_wait3A_87 = tpu.memref_slice %arg6[%add3A_13, %dma_wait3A_86] : memref<10000x128xf32, #tpu.memory_space<vmem_shared>> -> memref<80x128xf32, #tpu.memory_space<vmem_shared>>
      tpu.wait_dma2 semaphore(%run_scoped3A : memref<!tpu.dma_semaphore, #tpu.memory_space<semaphore_mem>>) src(%arg5 : memref<80x128xf32, #tpu.memory_space<vmem>>) dst(%dma_wait3A_87 : memref<80x128xf32, #tpu.memory_space<vmem_shared>>)
      tpu.yield
    }) : () -> ()
    %add3A_14 = arith.constant 160 : i32
    %add3A_15 = arith.addi %multiple_of3A, %add3A_14 : i32
    "tpu.region"() ({
      %run_scoped3A = tpu.sem_alloc : memref<!tpu.dma_semaphore, #tpu.memory_space<semaphore_mem>>
      %dma_start3A = arith.constant 0 : i32
      %dma_start3A_82 = tpu.memref_slice %arg6[%add3A_15, %dma_start3A] : memref<10000x128xf32, #tpu.memory_space<vmem_shared>> -> memref<80x128xf32, #tpu.memory_space<vmem_shared>>
      %dma_start3A_83 = arith.constant 0 : i32
      %dma_start3A_84 = tpu.memref_slice %arg6[%add3A_15, %dma_start3A_83] : memref<10000x128xf32, #tpu.memory_space<vmem_shared>> -> memref<80x128xf32, #tpu.memory_space<vmem_shared>>
      tpu.enqueue_dma source(%arg5 : memref<80x128xf32, #tpu.memory_space<vmem>>) target(%dma_start3A_84 : memref<80x128xf32, #tpu.memory_space<vmem_shared>>) target_semaphore(%run_scoped3A : memref<!tpu.dma_semaphore, #tpu.memory_space<semaphore_mem>>)
      %dma_wait3A = arith.constant 0 : i32
      %dma_wait3A_85 = tpu.memref_slice %arg6[%add3A_15, %dma_wait3A] : memref<10000x128xf32, #tpu.memory_space<vmem_shared>> -> memref<80x128xf32, #tpu.memory_space<vmem_shared>>
      %dma_wait3A_86 = arith.constant 0 : i32
      %dma_wait3A_87 = tpu.memref_slice %arg6[%add3A_15, %dma_wait3A_86] : memref<10000x128xf32, #tpu.memory_space<vmem_shared>> -> memref<80x128xf32, #tpu.memory_space<vmem_shared>>
      tpu.wait_dma2 semaphore(%run_scoped3A : memref<!tpu.dma_semaphore, #tpu.memory_space<semaphore_mem>>) src(%arg5 : memref<80x128xf32, #tpu.memory_space<vmem>>) dst(%dma_wait3A_87 : memref<80x128xf32, #tpu.memory_space<vmem_shared>>)
      tpu.yield
    }) : () -> ()
    %add3A_16 = arith.constant 240 : i32
    %add3A_17 = arith.addi %multiple_of3A, %add3A_16 : i32
    "tpu.region"() ({
      %run_scoped3A = tpu.sem_alloc : memref<!tpu.dma_semaphore, #tpu.memory_space<semaphore_mem>>
      %dma_start3A = arith.constant 0 : i32
      %dma_start3A_82 = tpu.memref_slice %arg6[%add3A_17, %dma_start3A] : memref<10000x128xf32, #tpu.memory_space<vmem_shared>> -> memref<80x128xf32, #tpu.memory_space<vmem_shared>>
      %dma_start3A_83 = arith.constant 0 : i32
      %dma_start3A_84 = tpu.memref_slice %arg6[%add3A_17, %dma_start3A_83] : memref<10000x128xf32, #tpu.memory_space<vmem_shared>> -> memref<80x128xf32, #tpu.memory_space<vmem_shared>>
      tpu.enqueue_dma source(%arg5 : memref<80x128xf32, #tpu.memory_space<vmem>>) target(%dma_start3A_84 : memref<80x128xf32, #tpu.memory_space<vmem_shared>>) target_semaphore(%run_scoped3A : memref<!tpu.dma_semaphore, #tpu.memory_space<semaphore_mem>>)
      %dma_wait3A = arith.constant 0 : i32
      %dma_wait3A_85 = tpu.memref_slice %arg6[%add3A_17, %dma_wait3A] : memref<10000x128xf32, #tpu.memory_space<vmem_shared>> -> memref<80x128xf32, #tpu.memory_space<vmem_shared>>
      %dma_wait3A_86 = arith.constant 0 : i32
      %dma_wait3A_87 = tpu.memref_slice %arg6[%add3A_17, %dma_wait3A_86] : memref<10000x128xf32, #tpu.memory_space<vmem_shared>> -> memref<80x128xf32, #tpu.memory_space<vmem_shared>>
      tpu.wait_dma2 semaphore(%run_scoped3A : memref<!tpu.dma_semaphore, #tpu.memory_space<semaphore_mem>>) src(%arg5 : memref<80x128xf32, #tpu.memory_space<vmem>>) dst(%dma_wait3A_87 : memref<80x128xf32, #tpu.memory_space<vmem_shared>>)
      tpu.yield
    }) : () -> ()
    %add3A_18 = arith.constant 320 : i32
    %add3A_19 = arith.addi %multiple_of3A, %add3A_18 : i32
    "tpu.region"() ({
      %run_scoped3A = tpu.sem_alloc : memref<!tpu.dma_semaphore, #tpu.memory_space<semaphore_mem>>
      %dma_start3A = arith.constant 0 : i32
      %dma_start3A_82 = tpu.memref_slice %arg6[%add3A_19, %dma_start3A] : memref<10000x128xf32, #tpu.memory_space<vmem_shared>> -> memref<80x128xf32, #tpu.memory_space<vmem_shared>>
      %dma_start3A_83 = arith.constant 0 : i32
      %dma_start3A_84 = tpu.memref_slice %arg6[%add3A_19, %dma_start3A_83] : memref<10000x128xf32, #tpu.memory_space<vmem_shared>> -> memref<80x128xf32, #tpu.memory_space<vmem_shared>>
      tpu.enqueue_dma source(%arg5 : memref<80x128xf32, #tpu.memory_space<vmem>>) target(%dma_start3A_84 : memref<80x128xf32, #tpu.memory_space<vmem_shared>>) target_semaphore(%run_scoped3A : memref<!tpu.dma_semaphore, #tpu.memory_space<semaphore_mem>>)
      %dma_wait3A = arith.constant 0 : i32
      %dma_wait3A_85 = tpu.memref_slice %arg6[%add3A_19, %dma_wait3A] : memref<10000x128xf32, #tpu.memory_space<vmem_shared>> -> memref<80x128xf32, #tpu.memory_space<vmem_shared>>
      %dma_wait3A_86 = arith.constant 0 : i32
      %dma_wait3A_87 = tpu.memref_slice %arg6[%add3A_19, %dma_wait3A_86] : memref<10000x128xf32, #tpu.memory_space<vmem_shared>> -> memref<80x128xf32, #tpu.memory_space<vmem_shared>>
      tpu.wait_dma2 semaphore(%run_scoped3A : memref<!tpu.dma_semaphore, #tpu.memory_space<semaphore_mem>>) src(%arg5 : memref<80x128xf32, #tpu.memory_space<vmem>>) dst(%dma_wait3A_87 : memref<80x128xf32, #tpu.memory_space<vmem_shared>>)
      tpu.yield
    }) : () -> ()
    %add3A_20 = arith.constant 400 : i32
    %add3A_21 = arith.addi %multiple_of3A, %add3A_20 : i32
    "tpu.region"() ({
      %run_scoped3A = tpu.sem_alloc : memref<!tpu.dma_semaphore, #tpu.memory_space<semaphore_mem>>
      %dma_start3A = arith.constant 0 : i32
      %dma_start3A_82 = tpu.memref_slice %arg6[%add3A_21, %dma_start3A] : memref<10000x128xf32, #tpu.memory_space<vmem_shared>> -> memref<80x128xf32, #tpu.memory_space<vmem_shared>>
      %dma_start3A_83 = arith.constant 0 : i32
      %dma_start3A_84 = tpu.memref_slice %arg6[%add3A_21, %dma_start3A_83] : memref<10000x128xf32, #tpu.memory_space<vmem_shared>> -> memref<80x128xf32, #tpu.memory_space<vmem_shared>>
      tpu.enqueue_dma source(%arg5 : memref<80x128xf32, #tpu.memory_space<vmem>>) target(%dma_start3A_84 : memref<80x128xf32, #tpu.memory_space<vmem_shared>>) target_semaphore(%run_scoped3A : memref<!tpu.dma_semaphore, #tpu.memory_space<semaphore_mem>>)
      %dma_wait3A = arith.constant 0 : i32
      %dma_wait3A_85 = tpu.memref_slice %arg6[%add3A_21, %dma_wait3A] : memref<10000x128xf32, #tpu.memory_space<vmem_shared>> -> memref<80x128xf32, #tpu.memory_space<vmem_shared>>
      %dma_wait3A_86 = arith.constant 0 : i32
      %dma_wait3A_87 = tpu.memref_slice %arg6[%add3A_21, %dma_wait3A_86] : memref<10000x128xf32, #tpu.memory_space<vmem_shared>> -> memref<80x128xf32, #tpu.memory_space<vmem_shared>>
      tpu.wait_dma2 semaphore(%run_scoped3A : memref<!tpu.dma_semaphore, #tpu.memory_space<semaphore_mem>>) src(%arg5 : memref<80x128xf32, #tpu.memory_space<vmem>>) dst(%dma_wait3A_87 : memref<80x128xf32, #tpu.memory_space<vmem_shared>>)
      tpu.yield
    }) : () -> ()
    %add3A_22 = arith.constant 480 : i32
    %add3A_23 = arith.addi %multiple_of3A, %add3A_22 : i32
    "tpu.region"() ({
      %run_scoped3A = tpu.sem_alloc : memref<!tpu.dma_semaphore, #tpu.memory_space<semaphore_mem>>
      %dma_start3A = arith.constant 0 : i32
      %dma_start3A_82 = tpu.memref_slice %arg6[%add3A_23, %dma_start3A] : memref<10000x128xf32, #tpu.memory_space<vmem_shared>> -> memref<80x128xf32, #tpu.memory_space<vmem_shared>>
      %dma_start3A_83 = arith.constant 0 : i32
      %dma_start3A_84 = tpu.memref_slice %arg6[%add3A_23, %dma_start3A_83] : memref<10000x128xf32, #tpu.memory_space<vmem_shared>> -> memref<80x128xf32, #tpu.memory_space<vmem_shared>>
      tpu.enqueue_dma source(%arg5 : memref<80x128xf32, #tpu.memory_space<vmem>>) target(%dma_start3A_84 : memref<80x128xf32, #tpu.memory_space<vmem_shared>>) target_semaphore(%run_scoped3A : memref<!tpu.dma_semaphore, #tpu.memory_space<semaphore_mem>>)
      %dma_wait3A = arith.constant 0 : i32
      %dma_wait3A_85 = tpu.memref_slice %arg6[%add3A_23, %dma_wait3A] : memref<10000x128xf32, #tpu.memory_space<vmem_shared>> -> memref<80x128xf32, #tpu.memory_space<vmem_shared>>
      %dma_wait3A_86 = arith.constant 0 : i32
      %dma_wait3A_87 = tpu.memref_slice %arg6[%add3A_23, %dma_wait3A_86] : memref<10000x128xf32, #tpu.memory_space<vmem_shared>> -> memref<80x128xf32, #tpu.memory_space<vmem_shared>>
      tpu.wait_dma2 semaphore(%run_scoped3A : memref<!tpu.dma_semaphore, #tpu.memory_space<semaphore_mem>>) src(%arg5 : memref<80x128xf32, #tpu.memory_space<vmem>>) dst(%dma_wait3A_87 : memref<80x128xf32, #tpu.memory_space<vmem_shared>>)
      tpu.yield
    }) : () -> ()
    %add3A_24 = arith.constant 560 : i32
    %add3A_25 = arith.addi %multiple_of3A, %add3A_24 : i32
    "tpu.region"() ({
      %run_scoped3A = tpu.sem_alloc : memref<!tpu.dma_semaphore, #tpu.memory_space<semaphore_mem>>
      %dma_start3A = arith.constant 0 : i32
      %dma_start3A_82 = arith.constant 0 : i32
      %dma_start3A_83 = tpu.memref_slice %arg5[%dma_start3A, %dma_start3A_82] : memref<80x128xf32, #tpu.memory_space<vmem>> -> memref<64x128xf32, #tpu.memory_space<vmem>>
      %dma_start3A_84 = arith.constant 0 : i32
      %dma_start3A_85 = tpu.memref_slice %arg6[%add3A_25, %dma_start3A_84] : memref<10000x128xf32, #tpu.memory_space<vmem_shared>> -> memref<64x128xf32, #tpu.memory_space<vmem_shared>>
      %dma_start3A_86 = arith.constant 0 : i32
      %dma_start3A_87 = tpu.memref_slice %arg6[%add3A_25, %dma_start3A_86] : memref<10000x128xf32, #tpu.memory_space<vmem_shared>> -> memref<64x128xf32, #tpu.memory_space<vmem_shared>>
      %dma_start3A_88 = arith.constant 0 : i32
      %dma_start3A_89 = arith.constant 0 : i32
      %dma_start3A_90 = tpu.memref_slice %arg5[%dma_start3A_88, %dma_start3A_89] : memref<80x128xf32, #tpu.memory_space<vmem>> -> memref<64x128xf32, #tpu.memory_space<vmem>>
      tpu.enqueue_dma source(%dma_start3A_90 : memref<64x128xf32, #tpu.memory_space<vmem>>) target(%dma_start3A_87 : memref<64x128xf32, #tpu.memory_space<vmem_shared>>) target_semaphore(%run_scoped3A : memref<!tpu.dma_semaphore, #tpu.memory_space<semaphore_mem>>)
      %dma_wait3A = arith.constant 0 : i32
      %dma_wait3A_91 = arith.constant 0 : i32
      %dma_wait3A_92 = tpu.memref_slice %arg5[%dma_wait3A, %dma_wait3A_91] : memref<80x128xf32, #tpu.memory_space<vmem>> -> memref<64x128xf32, #tpu.memory_space<vmem>>
      %dma_wait3A_93 = arith.constant 0 : i32
      %dma_wait3A_94 = tpu.memref_slice %arg6[%add3A_25, %dma_wait3A_93] : memref<10000x128xf32, #tpu.memory_space<vmem_shared>> -> memref<64x128xf32, #tpu.memory_space<vmem_shared>>
      %dma_wait3A_95 = arith.constant 0 : i32
      %dma_wait3A_96 = tpu.memref_slice %arg6[%add3A_25, %dma_wait3A_95] : memref<10000x128xf32, #tpu.memory_space<vmem_shared>> -> memref<64x128xf32, #tpu.memory_space<vmem_shared>>
      %dma_wait3A_97 = arith.constant 0 : i32
      %dma_wait3A_98 = arith.constant 0 : i32
      %dma_wait3A_99 = tpu.memref_slice %arg5[%dma_wait3A_97, %dma_wait3A_98] : memref<80x128xf32, #tpu.memory_space<vmem>> -> memref<64x128xf32, #tpu.memory_space<vmem>>
      tpu.wait_dma2 semaphore(%run_scoped3A : memref<!tpu.dma_semaphore, #tpu.memory_space<semaphore_mem>>) src(%dma_wait3A_99 : memref<64x128xf32, #tpu.memory_space<vmem>>) dst(%dma_wait3A_96 : memref<64x128xf32, #tpu.memory_space<vmem_shared>>)
      tpu.yield
    }) : () -> ()
    %eq3A = arith.constant 15 : i32
    %eq3A_26 = arith.cmpi eq, %arg1, %eq3A : i32
    %convert_element_type3A = arith.extui %eq3A_26 : i1 to i32
    %cond3A = arith.constant 0 : i32
    %cond3A_27 = arith.cmpi ne, %convert_element_type3A, %cond3A : i32
    scf.if %cond3A_27 {
      "tpu.region"() ({
        %run_scoped3A = tpu.sem_alloc : memref<!tpu.dma_semaphore, #tpu.memory_space<semaphore_mem>>
        %dma_start3A = arith.constant 0 : i32
        %dma_start3A_82 = arith.constant 0 : i32
        %dma_start3A_83 = tpu.memref_slice %arg5[%dma_start3A, %dma_start3A_82] : memref<80x128xf32, #tpu.memory_space<vmem>> -> memref<16x128xf32, #tpu.memory_space<vmem>>
        %dma_start3A_84 = arith.constant 9984 : i32
        %dma_start3A_85 = arith.constant 0 : i32
        %dma_start3A_86 = tpu.memref_slice %arg6[%dma_start3A_84, %dma_start3A_85] : memref<10000x128xf32, #tpu.memory_space<vmem_shared>> -> memref<16x128xf32, #tpu.memory_space<vmem_shared>>
        %dma_start3A_87 = arith.constant 9984 : i32
        %dma_start3A_88 = arith.constant 0 : i32
        %dma_start3A_89 = tpu.memref_slice %arg6[%dma_start3A_87, %dma_start3A_88] : memref<10000x128xf32, #tpu.memory_space<vmem_shared>> -> memref<16x128xf32, #tpu.memory_space<vmem_shared>>
        %dma_start3A_90 = arith.constant 0 : i32
        %dma_start3A_91 = arith.constant 0 : i32
        %dma_start3A_92 = tpu.memref_slice %arg5[%dma_start3A_90, %dma_start3A_91] : memref<80x128xf32, #tpu.memory_space<vmem>> -> memref<16x128xf32, #tpu.memory_space<vmem>>
        tpu.enqueue_dma source(%dma_start3A_92 : memref<16x128xf32, #tpu.memory_space<vmem>>) target(%dma_start3A_89 : memref<16x128xf32, #tpu.memory_space<vmem_shared>>) target_semaphore(%run_scoped3A : memref<!tpu.dma_semaphore, #tpu.memory_space<semaphore_mem>>)
        %dma_wait3A = arith.constant 0 : i32
        %dma_wait3A_93 = arith.constant 0 : i32
        %dma_wait3A_94 = tpu.memref_slice %arg5[%dma_wait3A, %dma_wait3A_93] : memref<80x128xf32, #tpu.memory_space<vmem>> -> memref<16x128xf32, #tpu.memory_space<vmem>>
        %dma_wait3A_95 = arith.constant 9984 : i32
        %dma_wait3A_96 = arith.constant 0 : i32
        %dma_wait3A_97 = tpu.memref_slice %arg6[%dma_wait3A_95, %dma_wait3A_96] : memref<10000x128xf32, #tpu.memory_space<vmem_shared>> -> memref<16x128xf32, #tpu.memory_space<vmem_shared>>
        %dma_wait3A_98 = arith.constant 9984 : i32
        %dma_wait3A_99 = arith.constant 0 : i32
        %dma_wait3A_100 = tpu.memref_slice %arg6[%dma_wait3A_98, %dma_wait3A_99] : memref<10000x128xf32, #tpu.memory_space<vmem_shared>> -> memref<16x128xf32, #tpu.memory_space<vmem_shared>>
        %dma_wait3A_101 = arith.constant 0 : i32
        %dma_wait3A_102 = arith.constant 0 : i32
        %dma_wait3A_103 = tpu.memref_slice %arg5[%dma_wait3A_101, %dma_wait3A_102] : memref<80x128xf32, #tpu.memory_space<vmem>> -> memref<16x128xf32, #tpu.memory_space<vmem>>
        tpu.wait_dma2 semaphore(%run_scoped3A : memref<!tpu.dma_semaphore, #tpu.memory_space<semaphore_mem>>) src(%dma_wait3A_103 : memref<16x128xf32, #tpu.memory_space<vmem>>) dst(%dma_wait3A_100 : memref<16x128xf32, #tpu.memory_space<vmem_shared>>)
        tpu.yield
      }) : () -> ()
    } else {
    }
    %broadcast_in_dim3A_28 = arith.constant 1.000000e+00 : f32
    %broadcast_in_dim3A_29 = vector.broadcast %broadcast_in_dim3A_28 : f32 to vector<16xf32>
    %scan3A_30 = arith.constant 0 : i32
    %scan3A_31 = arith.constant 0 : i32
    %scan3A_32 = arith.constant 80 : i32
    %scan3A_33 = arith.addi %scan3A_31, %scan3A_32 : i32
    %scan3A_34 = arith.constant 1 : i32
    %scan3A_35 = scf.for %scan3A_82 = %scan3A_31 to %scan3A_33 step %scan3A_34 iter_args(%scan3A_83 = %scan3A_30) -> (i32)  : i32 {
      %swap3A = arith.index_cast %scan3A_82 : i32 to index
      %swap3A_84 = arith.constant 0 : index
      %swap3A_85 = tpu.vector_load %arg5[%swap3A, %swap3A_84] {strides = array<i32>} : memref<80x128xf32, #tpu.memory_space<vmem>>, vector<1x16xf32>,
      %swap3A_86 = vector.shape_cast %swap3A_85 : vector<1x16xf32> to vector<16xf32>
      %swap3A_87 = vector.shape_cast %broadcast_in_dim3A_29 : vector<16xf32> to vector<1x16xf32>
      tpu.vector_store %arg5[%swap3A, %swap3A_84], %swap3A_87 {strides = array<i32>} : memref<80x128xf32, #tpu.memory_space<vmem>>, vector<1x16xf32>,
      %scan3A_88 = arith.constant 0 : i32
      scf.yield %scan3A_88 : i32
    }
    %scan3A_36 = arith.constant 80 : i32
    %barrier3A = arith.constant 0 : index
    tpu.barrier barrier_id(%barrier3A)
    %scan3A_37 = arith.constant 0 : i32
    %scan3A_38 = arith.constant 0 : i32
    %scan3A_39 = arith.constant 25 : i32
    %scan3A_40 = arith.addi %scan3A_38, %scan3A_39 : i32
    %scan3A_41 = arith.constant 1 : i32
    %scan3A_42 = scf.for %scan3A_82 = %scan3A_38 to %scan3A_40 step %scan3A_41 iter_args(%scan3A_83 = %scan3A_37) -> (i32)  : i32 {
      "tpu.region"() ({
        %run_scoped3A_89 = tpu.sem_alloc : memref<!tpu.dma_semaphore, #tpu.memory_space<semaphore_mem>>
        %dma_start3A = arith.constant 0 : i32
        %dma_start3A_90 = arith.constant 0 : i32
        %dma_start3A_91 = tpu.memref_slice %arg2[%add3A, %scan3A_82, %dma_start3A, %dma_start3A_90] : memref<32x25x5x80xi32, #tpu.memory_space<hbm>> -> memref<1x1x5x80xi32, #tpu.memory_space<hbm>>
        %dma_start3A_92 = tpu.memref_squeeze %dma_start3A_91 : memref<1x1x5x80xi32, #tpu.memory_space<hbm>> -> memref<5x80xi32, #tpu.memory_space<hbm>>
        %dma_start3A_93 = arith.constant 0 : i32
        %dma_start3A_94 = arith.constant 0 : i32
        %dma_start3A_95 = tpu.memref_slice %arg2[%add3A, %scan3A_82, %dma_start3A_93, %dma_start3A_94] : memref<32x25x5x80xi32, #tpu.memory_space<hbm>> -> memref<1x1x5x80xi32, #tpu.memory_space<hbm>>
        %dma_start3A_96 = tpu.memref_squeeze %dma_start3A_95 : memref<1x1x5x80xi32, #tpu.memory_space<hbm>> -> memref<5x80xi32, #tpu.memory_space<hbm>>
        tpu.enqueue_dma source(%dma_start3A_96 : memref<5x80xi32, #tpu.memory_space<hbm>>) target(%arg4 : memref<5x80xi32, #tpu.memory_space<vmem>>) target_semaphore(%run_scoped3A_89 : memref<!tpu.dma_semaphore, #tpu.memory_space<semaphore_mem>>)
        %dma_wait3A = arith.constant 0 : i32
        %dma_wait3A_97 = arith.constant 0 : i32
        %dma_wait3A_98 = tpu.memref_slice %arg2[%add3A, %scan3A_82, %dma_wait3A, %dma_wait3A_97] : memref<32x25x5x80xi32, #tpu.memory_space<hbm>> -> memref<1x1x5x80xi32, #tpu.memory_space<hbm>>
        %dma_wait3A_99 = tpu.memref_squeeze %dma_wait3A_98 : memref<1x1x5x80xi32, #tpu.memory_space<hbm>> -> memref<5x80xi32, #tpu.memory_space<hbm>>
        %dma_wait3A_100 = arith.constant 0 : i32
        %dma_wait3A_101 = arith.constant 0 : i32
        %dma_wait3A_102 = tpu.memref_slice %arg2[%add3A, %scan3A_82, %dma_wait3A_100, %dma_wait3A_101] : memref<32x25x5x80xi32, #tpu.memory_space<hbm>> -> memref<1x1x5x80xi32, #tpu.memory_space<hbm>>
        %dma_wait3A_103 = tpu.memref_squeeze %dma_wait3A_102 : memref<1x1x5x80xi32, #tpu.memory_space<hbm>> -> memref<5x80xi32, #tpu.memory_space<hbm>>
        tpu.wait_dma2 semaphore(%run_scoped3A_89 : memref<!tpu.dma_semaphore, #tpu.memory_space<semaphore_mem>>) src(%dma_wait3A_103 : memref<5x80xi32, #tpu.memory_space<hbm>>) dst(%arg4 : memref<5x80xi32, #tpu.memory_space<vmem>>)
        tpu.yield
      }) : () -> ()
      %run_scoped3A = arith.constant 0 : i32
      "tpu.region"() ({
        %run_scoped3A_89 = tpu.sem_alloc : memref<!tpu.dma_semaphore, #tpu.memory_space<semaphore_mem>>
        %dma_start3A = arith.constant 0 : i32
        %dma_start3A_90 = tpu.memref_slice %arg4[%run_scoped3A, %dma_start3A] : memref<5x80xi32, #tpu.memory_space<vmem>> -> memref<1x80xi32, #tpu.memory_space<vmem>>
        %dma_start3A_91 = tpu.memref_squeeze %dma_start3A_90 : memref<1x80xi32, #tpu.memory_space<vmem>> -> memref<80xi32, #tpu.memory_space<vmem>>
        %dma_start3A_92 = arith.constant 0 : i32
        %dma_start3A_93 = arith.constant 0 : i32
        %dma_start3A_94 = tpu.memref_slice %arg6[%dma_start3A_92, %dma_start3A_93] : memref<10000x128xf32, #tpu.memory_space<vmem_shared>> -> memref<10000x128xf32, #tpu.memory_space<vmem_shared>>
        tpu.enqueue_indirect_dma source(%arg5 : memref<80x128xf32, #tpu.memory_space<vmem>>) target(%dma_start3A_94 : memref<10000x128xf32, #tpu.memory_space<vmem_shared>>) offsets(%dma_start3A_91 : memref<80xi32, #tpu.memory_space<vmem>>) semaphore(%run_scoped3A_89 : memref<!tpu.dma_semaphore, #tpu.memory_space<semaphore_mem>>) {add = true}
        %dma_wait3A = arith.constant 0 : i32
        %dma_wait3A_95 = tpu.memref_slice %arg4[%run_scoped3A, %dma_wait3A] : memref<5x80xi32, #tpu.memory_space<vmem>> -> memref<1x80xi32, #tpu.memory_space<vmem>>
        %dma_wait3A_96 = tpu.memref_squeeze %dma_wait3A_95 : memref<1x80xi32, #tpu.memory_space<vmem>> -> memref<80xi32, #tpu.memory_space<vmem>>
        %dma_wait3A_97 = arith.constant 0 : i32
        %dma_wait3A_98 = arith.constant 0 : i32
        %dma_wait3A_99 = tpu.memref_slice %arg6[%dma_wait3A_97, %dma_wait3A_98] : memref<10000x128xf32, #tpu.memory_space<vmem_shared>> -> memref<10000x128xf32, #tpu.memory_space<vmem_shared>>
        tpu.wait_indirect_dma semaphore(%run_scoped3A_89 : memref<!tpu.dma_semaphore, #tpu.memory_space<semaphore_mem>>) src(%arg5 : memref<80x128xf32, #tpu.memory_space<vmem>>) dst(%dma_wait3A_99 : memref<10000x128xf32, #tpu.memory_space<vmem_shared>>)
        tpu.yield
      }) : () -> ()
      %run_scoped3A_84 = arith.constant 1 : i32
      "tpu.region"() ({
        %run_scoped3A_89 = tpu.sem_alloc : memref<!tpu.dma_semaphore, #tpu.memory_space<semaphore_mem>>
        %dma_start3A = arith.constant 0 : i32
        %dma_start3A_90 = tpu.memref_slice %arg4[%run_scoped3A_84, %dma_start3A] : memref<5x80xi32, #tpu.memory_space<vmem>> -> memref<1x80xi32, #tpu.memory_space<vmem>>
        %dma_start3A_91 = tpu.memref_squeeze %dma_start3A_90 : memref<1x80xi32, #tpu.memory_space<vmem>> -> memref<80xi32, #tpu.memory_space<vmem>>
        %dma_start3A_92 = arith.constant 0 : i32
        %dma_start3A_93 = arith.constant 0 : i32
        %dma_start3A_94 = tpu.memref_slice %arg6[%dma_start3A_92, %dma_start3A_93] : memref<10000x128xf32, #tpu.memory_space<vmem_shared>> -> memref<10000x128xf32, #tpu.memory_space<vmem_shared>>
        tpu.enqueue_indirect_dma source(%arg5 : memref<80x128xf32, #tpu.memory_space<vmem>>) target(%dma_start3A_94 : memref<10000x128xf32, #tpu.memory_space<vmem_shared>>) offsets(%dma_start3A_91 : memref<80xi32, #tpu.memory_space<vmem>>) semaphore(%run_scoped3A_89 : memref<!tpu.dma_semaphore, #tpu.memory_space<semaphore_mem>>) {add = true}
        %dma_wait3A = arith.constant 0 : i32
        %dma_wait3A_95 = tpu.memref_slice %arg4[%run_scoped3A_84, %dma_wait3A] : memref<5x80xi32, #tpu.memory_space<vmem>> -> memref<1x80xi32, #tpu.memory_space<vmem>>
        %dma_wait3A_96 = tpu.memref_squeeze %dma_wait3A_95 : memref<1x80xi32, #tpu.memory_space<vmem>> -> memref<80xi32, #tpu.memory_space<vmem>>
        %dma_wait3A_97 = arith.constant 0 : i32
        %dma_wait3A_98 = arith.constant 0 : i32
        %dma_wait3A_99 = tpu.memref_slice %arg6[%dma_wait3A_97, %dma_wait3A_98] : memref<10000x128xf32, #tpu.memory_space<vmem_shared>> -> memref<10000x128xf32, #tpu.memory_space<vmem_shared>>
        tpu.wait_indirect_dma semaphore(%run_scoped3A_89 : memref<!tpu.dma_semaphore, #tpu.memory_space<semaphore_mem>>) src(%arg5 : memref<80x128xf32, #tpu.memory_space<vmem>>) dst(%dma_wait3A_99 : memref<10000x128xf32, #tpu.memory_space<vmem_shared>>)
        tpu.yield
      }) : () -> ()
      %run_scoped3A_85 = arith.constant 2 : i32
      "tpu.region"() ({
        %run_scoped3A_89 = tpu.sem_alloc : memref<!tpu.dma_semaphore, #tpu.memory_space<semaphore_mem>>
        %dma_start3A = arith.constant 0 : i32
        %dma_start3A_90 = tpu.memref_slice %arg4[%run_scoped3A_85, %dma_start3A] : memref<5x80xi32, #tpu.memory_space<vmem>> -> memref<1x80xi32, #tpu.memory_space<vmem>>
        %dma_start3A_91 = tpu.memref_squeeze %dma_start3A_90 : memref<1x80xi32, #tpu.memory_space<vmem>> -> memref<80xi32, #tpu.memory_space<vmem>>
        %dma_start3A_92 = arith.constant 0 : i32
        %dma_start3A_93 = arith.constant 0 : i32
        %dma_start3A_94 = tpu.memref_slice %arg6[%dma_start3A_92, %dma_start3A_93] : memref<10000x128xf32, #tpu.memory_space<vmem_shared>> -> memref<10000x128xf32, #tpu.memory_space<vmem_shared>>
        tpu.enqueue_indirect_dma source(%arg5 : memref<80x128xf32, #tpu.memory_space<vmem>>) target(%dma_start3A_94 : memref<10000x128xf32, #tpu.memory_space<vmem_shared>>) offsets(%dma_start3A_91 : memref<80xi32, #tpu.memory_space<vmem>>) semaphore(%run_scoped3A_89 : memref<!tpu.dma_semaphore, #tpu.memory_space<semaphore_mem>>) {add = true}
        %dma_wait3A = arith.constant 0 : i32
        %dma_wait3A_95 = tpu.memref_slice %arg4[%run_scoped3A_85, %dma_wait3A] : memref<5x80xi32, #tpu.memory_space<vmem>> -> memref<1x80xi32, #tpu.memory_space<vmem>>
        %dma_wait3A_96 = tpu.memref_squeeze %dma_wait3A_95 : memref<1x80xi32, #tpu.memory_space<vmem>> -> memref<80xi32, #tpu.memory_space<vmem>>
        %dma_wait3A_97 = arith.constant 0 : i32
        %dma_wait3A_98 = arith.constant 0 : i32
        %dma_wait3A_99 = tpu.memref_slice %arg6[%dma_wait3A_97, %dma_wait3A_98] : memref<10000x128xf32, #tpu.memory_space<vmem_shared>> -> memref<10000x128xf32, #tpu.memory_space<vmem_shared>>
        tpu.wait_indirect_dma semaphore(%run_scoped3A_89 : memref<!tpu.dma_semaphore, #tpu.memory_space<semaphore_mem>>) src(%arg5 : memref<80x128xf32, #tpu.memory_space<vmem>>) dst(%dma_wait3A_99 : memref<10000x128xf32, #tpu.memory_space<vmem_shared>>)
        tpu.yield
      }) : () -> ()
      %run_scoped3A_86 = arith.constant 3 : i32
      "tpu.region"() ({
        %run_scoped3A_89 = tpu.sem_alloc : memref<!tpu.dma_semaphore, #tpu.memory_space<semaphore_mem>>
        %dma_start3A = arith.constant 0 : i32
        %dma_start3A_90 = tpu.memref_slice %arg4[%run_scoped3A_86, %dma_start3A] : memref<5x80xi32, #tpu.memory_space<vmem>> -> memref<1x80xi32, #tpu.memory_space<vmem>>
        %dma_start3A_91 = tpu.memref_squeeze %dma_start3A_90 : memref<1x80xi32, #tpu.memory_space<vmem>> -> memref<80xi32, #tpu.memory_space<vmem>>
        %dma_start3A_92 = arith.constant 0 : i32
        %dma_start3A_93 = arith.constant 0 : i32
        %dma_start3A_94 = tpu.memref_slice %arg6[%dma_start3A_92, %dma_start3A_93] : memref<10000x128xf32, #tpu.memory_space<vmem_shared>> -> memref<10000x128xf32, #tpu.memory_space<vmem_shared>>
        tpu.enqueue_indirect_dma source(%arg5 : memref<80x128xf32, #tpu.memory_space<vmem>>) target(%dma_start3A_94 : memref<10000x128xf32, #tpu.memory_space<vmem_shared>>) offsets(%dma_start3A_91 : memref<80xi32, #tpu.memory_space<vmem>>) semaphore(%run_scoped3A_89 : memref<!tpu.dma_semaphore, #tpu.memory_space<semaphore_mem>>) {add = true}
        %dma_wait3A = arith.constant 0 : i32
        %dma_wait3A_95 = tpu.memref_slice %arg4[%run_scoped3A_86, %dma_wait3A] : memref<5x80xi32, #tpu.memory_space<vmem>> -> memref<1x80xi32, #tpu.memory_space<vmem>>
        %dma_wait3A_96 = tpu.memref_squeeze %dma_wait3A_95 : memref<1x80xi32, #tpu.memory_space<vmem>> -> memref<80xi32, #tpu.memory_space<vmem>>
        %dma_wait3A_97 = arith.constant 0 : i32
        %dma_wait3A_98 = arith.constant 0 : i32
        %dma_wait3A_99 = tpu.memref_slice %arg6[%dma_wait3A_97, %dma_wait3A_98] : memref<10000x128xf32, #tpu.memory_space<vmem_shared>> -> memref<10000x128xf32, #tpu.memory_space<vmem_shared>>
        tpu.wait_indirect_dma semaphore(%run_scoped3A_89 : memref<!tpu.dma_semaphore, #tpu.memory_space<semaphore_mem>>) src(%arg5 : memref<80x128xf32, #tpu.memory_space<vmem>>) dst(%dma_wait3A_99 : memref<10000x128xf32, #tpu.memory_space<vmem_shared>>)
        tpu.yield
      }) : () -> ()
      %run_scoped3A_87 = arith.constant 4 : i32
      "tpu.region"() ({
        %run_scoped3A_89 = tpu.sem_alloc : memref<!tpu.dma_semaphore, #tpu.memory_space<semaphore_mem>>
        %dma_start3A = arith.constant 0 : i32
        %dma_start3A_90 = tpu.memref_slice %arg4[%run_scoped3A_87, %dma_start3A] : memref<5x80xi32, #tpu.memory_space<vmem>> -> memref<1x80xi32, #tpu.memory_space<vmem>>
        %dma_start3A_91 = tpu.memref_squeeze %dma_start3A_90 : memref<1x80xi32, #tpu.memory_space<vmem>> -> memref<80xi32, #tpu.memory_space<vmem>>
        %dma_start3A_92 = arith.constant 0 : i32
        %dma_start3A_93 = arith.constant 0 : i32
        %dma_start3A_94 = tpu.memref_slice %arg6[%dma_start3A_92, %dma_start3A_93] : memref<10000x128xf32, #tpu.memory_space<vmem_shared>> -> memref<10000x128xf32, #tpu.memory_space<vmem_shared>>
        tpu.enqueue_indirect_dma source(%arg5 : memref<80x128xf32, #tpu.memory_space<vmem>>) target(%dma_start3A_94 : memref<10000x128xf32, #tpu.memory_space<vmem_shared>>) offsets(%dma_start3A_91 : memref<80xi32, #tpu.memory_space<vmem>>) semaphore(%run_scoped3A_89 : memref<!tpu.dma_semaphore, #tpu.memory_space<semaphore_mem>>) {add = true}
        %dma_wait3A = arith.constant 0 : i32
        %dma_wait3A_95 = tpu.memref_slice %arg4[%run_scoped3A_87, %dma_wait3A] : memref<5x80xi32, #tpu.memory_space<vmem>> -> memref<1x80xi32, #tpu.memory_space<vmem>>
        %dma_wait3A_96 = tpu.memref_squeeze %dma_wait3A_95 : memref<1x80xi32, #tpu.memory_space<vmem>> -> memref<80xi32, #tpu.memory_space<vmem>>
        %dma_wait3A_97 = arith.constant 0 : i32
        %dma_wait3A_98 = arith.constant 0 : i32
        %dma_wait3A_99 = tpu.memref_slice %arg6[%dma_wait3A_97, %dma_wait3A_98] : memref<10000x128xf32, #tpu.memory_space<vmem_shared>> -> memref<10000x128xf32, #tpu.memory_space<vmem_shared>>
        tpu.wait_indirect_dma semaphore(%run_scoped3A_89 : memref<!tpu.dma_semaphore, #tpu.memory_space<semaphore_mem>>) src(%arg5 : memref<80x128xf32, #tpu.memory_space<vmem>>) dst(%dma_wait3A_99 : memref<10000x128xf32, #tpu.memory_space<vmem_shared>>)
        tpu.yield
      }) : () -> ()
      %scan3A_88 = arith.constant 0 : i32
      scf.yield %scan3A_88 : i32
    }
    %scan3A_43 = arith.constant 25 : i32
    %barrier3A_44 = arith.constant 0 : index
    tpu.barrier barrier_id(%barrier3A_44)
    %add3A_45 = arith.constant 0 : i32
    %add3A_46 = arith.addi %multiple_of3A, %add3A_45 : i32
    "tpu.region"() ({
      %run_scoped3A = tpu.sem_alloc : memref<!tpu.dma_semaphore, #tpu.memory_space<semaphore_mem>>
      %dma_start3A = arith.constant 0 : i32
      %dma_start3A_82 = tpu.memref_slice %arg6[%add3A_46, %dma_start3A] : memref<10000x128xf32, #tpu.memory_space<vmem_shared>> -> memref<80x128xf32, #tpu.memory_space<vmem_shared>>
      %dma_start3A_83 = arith.constant 0 : i32
      %dma_start3A_84 = tpu.memref_slice %arg6[%add3A_46, %dma_start3A_83] : memref<10000x128xf32, #tpu.memory_space<vmem_shared>> -> memref<80x128xf32, #tpu.memory_space<vmem_shared>>
      tpu.enqueue_dma source(%dma_start3A_84 : memref<80x128xf32, #tpu.memory_space<vmem_shared>>) target(%arg5 : memref<80x128xf32, #tpu.memory_space<vmem>>) target_semaphore(%run_scoped3A : memref<!tpu.dma_semaphore, #tpu.memory_space<semaphore_mem>>)
      %dma_wait3A = arith.constant 0 : i32
      %dma_wait3A_85 = tpu.memref_slice %arg6[%add3A_46, %dma_wait3A] : memref<10000x128xf32, #tpu.memory_space<vmem_shared>> -> memref<80x128xf32, #tpu.memory_space<vmem_shared>>
      %dma_wait3A_86 = arith.constant 0 : i32
      %dma_wait3A_87 = tpu.memref_slice %arg6[%add3A_46, %dma_wait3A_86] : memref<10000x128xf32, #tpu.memory_space<vmem_shared>> -> memref<80x128xf32, #tpu.memory_space<vmem_shared>>
      tpu.wait_dma2 semaphore(%run_scoped3A : memref<!tpu.dma_semaphore, #tpu.memory_space<semaphore_mem>>) src(%dma_wait3A_87 : memref<80x128xf32, #tpu.memory_space<vmem_shared>>) dst(%arg5 : memref<80x128xf32, #tpu.memory_space<vmem>>)
      tpu.yield
    }) : () -> ()
    %add3A_47 = arith.constant 0 : i32
    %add3A_48 = arith.addi %multiple_of3A, %add3A_47 : i32
    "tpu.region"() ({
      %run_scoped3A = tpu.sem_alloc : memref<!tpu.dma_semaphore, #tpu.memory_space<semaphore_mem>>
      %dma_start3A = arith.constant 0 : i32
      %dma_start3A_82 = arith.constant 0 : i32
      %dma_start3A_83 = tpu.memref_slice %arg3[%arg0, %dma_start3A, %dma_start3A_82] : memref<2x10000x128xf32, #tpu.memory_space<hbm>> -> memref<1x10000x128xf32, #tpu.memory_space<hbm>>
      %dma_start3A_84 = tpu.memref_squeeze %dma_start3A_83 : memref<1x10000x128xf32, #tpu.memory_space<hbm>> -> memref<10000x128xf32, #tpu.memory_space<hbm>>
      %dma_start3A_85 = arith.constant 0 : i32
      %dma_start3A_86 = tpu.memref_slice %dma_start3A_84[%add3A_48, %dma_start3A_85] : memref<10000x128xf32, #tpu.memory_space<hbm>> -> memref<80x128xf32, #tpu.memory_space<hbm>>
      %dma_start3A_87 = arith.constant 0 : i32
      %dma_start3A_88 = arith.constant 0 : i32
      %dma_start3A_89 = tpu.memref_slice %arg3[%arg0, %dma_start3A_87, %dma_start3A_88] : memref<2x10000x128xf32, #tpu.memory_space<hbm>> -> memref<1x10000x128xf32, #tpu.memory_space<hbm>>
      %dma_start3A_90 = tpu.memref_squeeze %dma_start3A_89 : memref<1x10000x128xf32, #tpu.memory_space<hbm>> -> memref<10000x128xf32, #tpu.memory_space<hbm>>
      %dma_start3A_91 = arith.constant 0 : i32
      %dma_start3A_92 = tpu.memref_slice %dma_start3A_90[%add3A_48, %dma_start3A_91] : memref<10000x128xf32, #tpu.memory_space<hbm>> -> memref<80x128xf32, #tpu.memory_space<hbm>>
      tpu.enqueue_dma source(%arg5 : memref<80x128xf32, #tpu.memory_space<vmem>>) target(%dma_start3A_92 : memref<80x128xf32, #tpu.memory_space<hbm>>) target_semaphore(%run_scoped3A : memref<!tpu.dma_semaphore, #tpu.memory_space<semaphore_mem>>)
      %dma_wait3A = arith.constant 0 : i32
      %dma_wait3A_93 = arith.constant 0 : i32
      %dma_wait3A_94 = tpu.memref_slice %arg3[%arg0, %dma_wait3A, %dma_wait3A_93] : memref<2x10000x128xf32, #tpu.memory_space<hbm>> -> memref<1x10000x128xf32, #tpu.memory_space<hbm>>
      %dma_wait3A_95 = tpu.memref_squeeze %dma_wait3A_94 : memref<1x10000x128xf32, #tpu.memory_space<hbm>> -> memref<10000x128xf32, #tpu.memory_space<hbm>>
      %dma_wait3A_96 = arith.constant 0 : i32
      %dma_wait3A_97 = tpu.memref_slice %dma_wait3A_95[%add3A_48, %dma_wait3A_96] : memref<10000x128xf32, #tpu.memory_space<hbm>> -> memref<80x128xf32, #tpu.memory_space<hbm>>
      %dma_wait3A_98 = arith.constant 0 : i32
      %dma_wait3A_99 = arith.constant 0 : i32
      %dma_wait3A_100 = tpu.memref_slice %arg3[%arg0, %dma_wait3A_98, %dma_wait3A_99] : memref<2x10000x128xf32, #tpu.memory_space<hbm>> -> memref<1x10000x128xf32, #tpu.memory_space<hbm>>
      %dma_wait3A_101 = tpu.memref_squeeze %dma_wait3A_100 : memref<1x10000x128xf32, #tpu.memory_space<hbm>> -> memref<10000x128xf32, #tpu.memory_space<hbm>>
      %dma_wait3A_102 = arith.constant 0 : i32
      %dma_wait3A_103 = tpu.memref_slice %dma_wait3A_101[%add3A_48, %dma_wait3A_102] : memref<10000x128xf32, #tpu.memory_space<hbm>> -> memref<80x128xf32, #tpu.memory_space<hbm>>
      tpu.wait_dma2 semaphore(%run_scoped3A : memref<!tpu.dma_semaphore, #tpu.memory_space<semaphore_mem>>) src(%arg5 : memref<80x128xf32, #tpu.memory_space<vmem>>) dst(%dma_wait3A_103 : memref<80x128xf32, #tpu.memory_space<hbm>>)
      tpu.yield
    }) : () -> ()
    %add3A_49 = arith.constant 80 : i32
    %add3A_50 = arith.addi %multiple_of3A, %add3A_49 : i32
    "tpu.region"() ({
      %run_scoped3A = tpu.sem_alloc : memref<!tpu.dma_semaphore, #tpu.memory_space<semaphore_mem>>
      %dma_start3A = arith.constant 0 : i32
      %dma_start3A_82 = tpu.memref_slice %arg6[%add3A_50, %dma_start3A] : memref<10000x128xf32, #tpu.memory_space<vmem_shared>> -> memref<80x128xf32, #tpu.memory_space<vmem_shared>>
      %dma_start3A_83 = arith.constant 0 : i32
      %dma_start3A_84 = tpu.memref_slice %arg6[%add3A_50, %dma_start3A_83] : memref<10000x128xf32, #tpu.memory_space<vmem_shared>> -> memref<80x128xf32, #tpu.memory_space<vmem_shared>>
      tpu.enqueue_dma source(%dma_start3A_84 : memref<80x128xf32, #tpu.memory_space<vmem_shared>>) target(%arg5 : memref<80x128xf32, #tpu.memory_space<vmem>>) target_semaphore(%run_scoped3A : memref<!tpu.dma_semaphore, #tpu.memory_space<semaphore_mem>>)
      %dma_wait3A = arith.constant 0 : i32
      %dma_wait3A_85 = tpu.memref_slice %arg6[%add3A_50, %dma_wait3A] : memref<10000x128xf32, #tpu.memory_space<vmem_shared>> -> memref<80x128xf32, #tpu.memory_space<vmem_shared>>
      %dma_wait3A_86 = arith.constant 0 : i32
      %dma_wait3A_87 = tpu.memref_slice %arg6[%add3A_50, %dma_wait3A_86] : memref<10000x128xf32, #tpu.memory_space<vmem_shared>> -> memref<80x128xf32, #tpu.memory_space<vmem_shared>>
      tpu.wait_dma2 semaphore(%run_scoped3A : memref<!tpu.dma_semaphore, #tpu.memory_space<semaphore_mem>>) src(%dma_wait3A_87 : memref<80x128xf32, #tpu.memory_space<vmem_shared>>) dst(%arg5 : memref<80x128xf32, #tpu.memory_space<vmem>>)
      tpu.yield
    }) : () -> ()
    %add3A_51 = arith.constant 80 : i32
    %add3A_52 = arith.addi %multiple_of3A, %add3A_51 : i32
    "tpu.region"() ({
      %run_scoped3A = tpu.sem_alloc : memref<!tpu.dma_semaphore, #tpu.memory_space<semaphore_mem>>
      %dma_start3A = arith.constant 0 : i32
      %dma_start3A_82 = arith.constant 0 : i32
      %dma_start3A_83 = tpu.memref_slice %arg3[%arg0, %dma_start3A, %dma_start3A_82] : memref<2x10000x128xf32, #tpu.memory_space<hbm>> -> memref<1x10000x128xf32, #tpu.memory_space<hbm>>
      %dma_start3A_84 = tpu.memref_squeeze %dma_start3A_83 : memref<1x10000x128xf32, #tpu.memory_space<hbm>> -> memref<10000x128xf32, #tpu.memory_space<hbm>>
      %dma_start3A_85 = arith.constant 0 : i32
      %dma_start3A_86 = tpu.memref_slice %dma_start3A_84[%add3A_52, %dma_start3A_85] : memref<10000x128xf32, #tpu.memory_space<hbm>> -> memref<80x128xf32, #tpu.memory_space<hbm>>
      %dma_start3A_87 = arith.constant 0 : i32
      %dma_start3A_88 = arith.constant 0 : i32
      %dma_start3A_89 = tpu.memref_slice %arg3[%arg0, %dma_start3A_87, %dma_start3A_88] : memref<2x10000x128xf32, #tpu.memory_space<hbm>> -> memref<1x10000x128xf32, #tpu.memory_space<hbm>>
      %dma_start3A_90 = tpu.memref_squeeze %dma_start3A_89 : memref<1x10000x128xf32, #tpu.memory_space<hbm>> -> memref<10000x128xf32, #tpu.memory_space<hbm>>
      %dma_start3A_91 = arith.constant 0 : i32
      %dma_start3A_92 = tpu.memref_slice %dma_start3A_90[%add3A_52, %dma_start3A_91] : memref<10000x128xf32, #tpu.memory_space<hbm>> -> memref<80x128xf32, #tpu.memory_space<hbm>>
      tpu.enqueue_dma source(%arg5 : memref<80x128xf32, #tpu.memory_space<vmem>>) target(%dma_start3A_92 : memref<80x128xf32, #tpu.memory_space<hbm>>) target_semaphore(%run_scoped3A : memref<!tpu.dma_semaphore, #tpu.memory_space<semaphore_mem>>)
      %dma_wait3A = arith.constant 0 : i32
      %dma_wait3A_93 = arith.constant 0 : i32
      %dma_wait3A_94 = tpu.memref_slice %arg3[%arg0, %dma_wait3A, %dma_wait3A_93] : memref<2x10000x128xf32, #tpu.memory_space<hbm>> -> memref<1x10000x128xf32, #tpu.memory_space<hbm>>
      %dma_wait3A_95 = tpu.memref_squeeze %dma_wait3A_94 : memref<1x10000x128xf32, #tpu.memory_space<hbm>> -> memref<10000x128xf32, #tpu.memory_space<hbm>>
      %dma_wait3A_96 = arith.constant 0 : i32
      %dma_wait3A_97 = tpu.memref_slice %dma_wait3A_95[%add3A_52, %dma_wait3A_96] : memref<10000x128xf32, #tpu.memory_space<hbm>> -> memref<80x128xf32, #tpu.memory_space<hbm>>
      %dma_wait3A_98 = arith.constant 0 : i32
      %dma_wait3A_99 = arith.constant 0 : i32
      %dma_wait3A_100 = tpu.memref_slice %arg3[%arg0, %dma_wait3A_98, %dma_wait3A_99] : memref<2x10000x128xf32, #tpu.memory_space<hbm>> -> memref<1x10000x128xf32, #tpu.memory_space<hbm>>
      %dma_wait3A_101 = tpu.memref_squeeze %dma_wait3A_100 : memref<1x10000x128xf32, #tpu.memory_space<hbm>> -> memref<10000x128xf32, #tpu.memory_space<hbm>>
      %dma_wait3A_102 = arith.constant 0 : i32
      %dma_wait3A_103 = tpu.memref_slice %dma_wait3A_101[%add3A_52, %dma_wait3A_102] : memref<10000x128xf32, #tpu.memory_space<hbm>> -> memref<80x128xf32, #tpu.memory_space<hbm>>
      tpu.wait_dma2 semaphore(%run_scoped3A : memref<!tpu.dma_semaphore, #tpu.memory_space<semaphore_mem>>) src(%arg5 : memref<80x128xf32, #tpu.memory_space<vmem>>) dst(%dma_wait3A_103 : memref<80x128xf32, #tpu.memory_space<hbm>>)
      tpu.yield
    }) : () -> ()
    %add3A_53 = arith.constant 160 : i32
    %add3A_54 = arith.addi %multiple_of3A, %add3A_53 : i32
    "tpu.region"() ({
      %run_scoped3A = tpu.sem_alloc : memref<!tpu.dma_semaphore, #tpu.memory_space<semaphore_mem>>
      %dma_start3A = arith.constant 0 : i32
      %dma_start3A_82 = tpu.memref_slice %arg6[%add3A_54, %dma_start3A] : memref<10000x128xf32, #tpu.memory_space<vmem_shared>> -> memref<80x128xf32, #tpu.memory_space<vmem_shared>>
      %dma_start3A_83 = arith.constant 0 : i32
      %dma_start3A_84 = tpu.memref_slice %arg6[%add3A_54, %dma_start3A_83] : memref<10000x128xf32, #tpu.memory_space<vmem_shared>> -> memref<80x128xf32, #tpu.memory_space<vmem_shared>>
      tpu.enqueue_dma source(%dma_start3A_84 : memref<80x128xf32, #tpu.memory_space<vmem_shared>>) target(%arg5 : memref<80x128xf32, #tpu.memory_space<vmem>>) target_semaphore(%run_scoped3A : memref<!tpu.dma_semaphore, #tpu.memory_space<semaphore_mem>>)
      %dma_wait3A = arith.constant 0 : i32
      %dma_wait3A_85 = tpu.memref_slice %arg6[%add3A_54, %dma_wait3A] : memref<10000x128xf32, #tpu.memory_space<vmem_shared>> -> memref<80x128xf32, #tpu.memory_space<vmem_shared>>
      %dma_wait3A_86 = arith.constant 0 : i32
      %dma_wait3A_87 = tpu.memref_slice %arg6[%add3A_54, %dma_wait3A_86] : memref<10000x128xf32, #tpu.memory_space<vmem_shared>> -> memref<80x128xf32, #tpu.memory_space<vmem_shared>>
      tpu.wait_dma2 semaphore(%run_scoped3A : memref<!tpu.dma_semaphore, #tpu.memory_space<semaphore_mem>>) src(%dma_wait3A_87 : memref<80x128xf32, #tpu.memory_space<vmem_shared>>) dst(%arg5 : memref<80x128xf32, #tpu.memory_space<vmem>>)
      tpu.yield
    }) : () -> ()
    %add3A_55 = arith.constant 160 : i32
    %add3A_56 = arith.addi %multiple_of3A, %add3A_55 : i32
    "tpu.region"() ({
      %run_scoped3A = tpu.sem_alloc : memref<!tpu.dma_semaphore, #tpu.memory_space<semaphore_mem>>
      %dma_start3A = arith.constant 0 : i32
      %dma_start3A_82 = arith.constant 0 : i32
      %dma_start3A_83 = tpu.memref_slice %arg3[%arg0, %dma_start3A, %dma_start3A_82] : memref<2x10000x128xf32, #tpu.memory_space<hbm>> -> memref<1x10000x128xf32, #tpu.memory_space<hbm>>
      %dma_start3A_84 = tpu.memref_squeeze %dma_start3A_83 : memref<1x10000x128xf32, #tpu.memory_space<hbm>> -> memref<10000x128xf32, #tpu.memory_space<hbm>>
      %dma_start3A_85 = arith.constant 0 : i32
      %dma_start3A_86 = tpu.memref_slice %dma_start3A_84[%add3A_56, %dma_start3A_85] : memref<10000x128xf32, #tpu.memory_space<hbm>> -> memref<80x128xf32, #tpu.memory_space<hbm>>
      %dma_start3A_87 = arith.constant 0 : i32
      %dma_start3A_88 = arith.constant 0 : i32
      %dma_start3A_89 = tpu.memref_slice %arg3[%arg0, %dma_start3A_87, %dma_start3A_88] : memref<2x10000x128xf32, #tpu.memory_space<hbm>> -> memref<1x10000x128xf32, #tpu.memory_space<hbm>>
      %dma_start3A_90 = tpu.memref_squeeze %dma_start3A_89 : memref<1x10000x128xf32, #tpu.memory_space<hbm>> -> memref<10000x128xf32, #tpu.memory_space<hbm>>
      %dma_start3A_91 = arith.constant 0 : i32
      %dma_start3A_92 = tpu.memref_slice %dma_start3A_90[%add3A_56, %dma_start3A_91] : memref<10000x128xf32, #tpu.memory_space<hbm>> -> memref<80x128xf32, #tpu.memory_space<hbm>>
      tpu.enqueue_dma source(%arg5 : memref<80x128xf32, #tpu.memory_space<vmem>>) target(%dma_start3A_92 : memref<80x128xf32, #tpu.memory_space<hbm>>) target_semaphore(%run_scoped3A : memref<!tpu.dma_semaphore, #tpu.memory_space<semaphore_mem>>)
      %dma_wait3A = arith.constant 0 : i32
      %dma_wait3A_93 = arith.constant 0 : i32
      %dma_wait3A_94 = tpu.memref_slice %arg3[%arg0, %dma_wait3A, %dma_wait3A_93] : memref<2x10000x128xf32, #tpu.memory_space<hbm>> -> memref<1x10000x128xf32, #tpu.memory_space<hbm>>
      %dma_wait3A_95 = tpu.memref_squeeze %dma_wait3A_94 : memref<1x10000x128xf32, #tpu.memory_space<hbm>> -> memref<10000x128xf32, #tpu.memory_space<hbm>>
      %dma_wait3A_96 = arith.constant 0 : i32
      %dma_wait3A_97 = tpu.memref_slice %dma_wait3A_95[%add3A_56, %dma_wait3A_96] : memref<10000x128xf32, #tpu.memory_space<hbm>> -> memref<80x128xf32, #tpu.memory_space<hbm>>
      %dma_wait3A_98 = arith.constant 0 : i32
      %dma_wait3A_99 = arith.constant 0 : i32
      %dma_wait3A_100 = tpu.memref_slice %arg3[%arg0, %dma_wait3A_98, %dma_wait3A_99] : memref<2x10000x128xf32, #tpu.memory_space<hbm>> -> memref<1x10000x128xf32, #tpu.memory_space<hbm>>
      %dma_wait3A_101 = tpu.memref_squeeze %dma_wait3A_100 : memref<1x10000x128xf32, #tpu.memory_space<hbm>> -> memref<10000x128xf32, #tpu.memory_space<hbm>>
      %dma_wait3A_102 = arith.constant 0 : i32
      %dma_wait3A_103 = tpu.memref_slice %dma_wait3A_101[%add3A_56, %dma_wait3A_102] : memref<10000x128xf32, #tpu.memory_space<hbm>> -> memref<80x128xf32, #tpu.memory_space<hbm>>
      tpu.wait_dma2 semaphore(%run_scoped3A : memref<!tpu.dma_semaphore, #tpu.memory_space<semaphore_mem>>) src(%arg5 : memref<80x128xf32, #tpu.memory_space<vmem>>) dst(%dma_wait3A_103 : memref<80x128xf32, #tpu.memory_space<hbm>>)
      tpu.yield
    }) : () -> ()
    %add3A_57 = arith.constant 240 : i32
    %add3A_58 = arith.addi %multiple_of3A, %add3A_57 : i32
    "tpu.region"() ({
      %run_scoped3A = tpu.sem_alloc : memref<!tpu.dma_semaphore, #tpu.memory_space<semaphore_mem>>
      %dma_start3A = arith.constant 0 : i32
      %dma_start3A_82 = tpu.memref_slice %arg6[%add3A_58, %dma_start3A] : memref<10000x128xf32, #tpu.memory_space<vmem_shared>> -> memref<80x128xf32, #tpu.memory_space<vmem_shared>>
      %dma_start3A_83 = arith.constant 0 : i32
      %dma_start3A_84 = tpu.memref_slice %arg6[%add3A_58, %dma_start3A_83] : memref<10000x128xf32, #tpu.memory_space<vmem_shared>> -> memref<80x128xf32, #tpu.memory_space<vmem_shared>>
      tpu.enqueue_dma source(%dma_start3A_84 : memref<80x128xf32, #tpu.memory_space<vmem_shared>>) target(%arg5 : memref<80x128xf32, #tpu.memory_space<vmem>>) target_semaphore(%run_scoped3A : memref<!tpu.dma_semaphore, #tpu.memory_space<semaphore_mem>>)
      %dma_wait3A = arith.constant 0 : i32
      %dma_wait3A_85 = tpu.memref_slice %arg6[%add3A_58, %dma_wait3A] : memref<10000x128xf32, #tpu.memory_space<vmem_shared>> -> memref<80x128xf32, #tpu.memory_space<vmem_shared>>
      %dma_wait3A_86 = arith.constant 0 : i32
      %dma_wait3A_87 = tpu.memref_slice %arg6[%add3A_58, %dma_wait3A_86] : memref<10000x128xf32, #tpu.memory_space<vmem_shared>> -> memref<80x128xf32, #tpu.memory_space<vmem_shared>>
      tpu.wait_dma2 semaphore(%run_scoped3A : memref<!tpu.dma_semaphore, #tpu.memory_space<semaphore_mem>>) src(%dma_wait3A_87 : memref<80x128xf32, #tpu.memory_space<vmem_shared>>) dst(%arg5 : memref<80x128xf32, #tpu.memory_space<vmem>>)
      tpu.yield
    }) : () -> ()
    %add3A_59 = arith.constant 240 : i32
    %add3A_60 = arith.addi %multiple_of3A, %add3A_59 : i32
    "tpu.region"() ({
      %run_scoped3A = tpu.sem_alloc : memref<!tpu.dma_semaphore, #tpu.memory_space<semaphore_mem>>
      %dma_start3A = arith.constant 0 : i32
      %dma_start3A_82 = arith.constant 0 : i32
      %dma_start3A_83 = tpu.memref_slice %arg3[%arg0, %dma_start3A, %dma_start3A_82] : memref<2x10000x128xf32, #tpu.memory_space<hbm>> -> memref<1x10000x128xf32, #tpu.memory_space<hbm>>
      %dma_start3A_84 = tpu.memref_squeeze %dma_start3A_83 : memref<1x10000x128xf32, #tpu.memory_space<hbm>> -> memref<10000x128xf32, #tpu.memory_space<hbm>>
      %dma_start3A_85 = arith.constant 0 : i32
      %dma_start3A_86 = tpu.memref_slice %dma_start3A_84[%add3A_60, %dma_start3A_85] : memref<10000x128xf32, #tpu.memory_space<hbm>> -> memref<80x128xf32, #tpu.memory_space<hbm>>
      %dma_start3A_87 = arith.constant 0 : i32
      %dma_start3A_88 = arith.constant 0 : i32
      %dma_start3A_89 = tpu.memref_slice %arg3[%arg0, %dma_start3A_87, %dma_start3A_88] : memref<2x10000x128xf32, #tpu.memory_space<hbm>> -> memref<1x10000x128xf32, #tpu.memory_space<hbm>>
      %dma_start3A_90 = tpu.memref_squeeze %dma_start3A_89 : memref<1x10000x128xf32, #tpu.memory_space<hbm>> -> memref<10000x128xf32, #tpu.memory_space<hbm>>
      %dma_start3A_91 = arith.constant 0 : i32
      %dma_start3A_92 = tpu.memref_slice %dma_start3A_90[%add3A_60, %dma_start3A_91] : memref<10000x128xf32, #tpu.memory_space<hbm>> -> memref<80x128xf32, #tpu.memory_space<hbm>>
      tpu.enqueue_dma source(%arg5 : memref<80x128xf32, #tpu.memory_space<vmem>>) target(%dma_start3A_92 : memref<80x128xf32, #tpu.memory_space<hbm>>) target_semaphore(%run_scoped3A : memref<!tpu.dma_semaphore, #tpu.memory_space<semaphore_mem>>)
      %dma_wait3A = arith.constant 0 : i32
      %dma_wait3A_93 = arith.constant 0 : i32
      %dma_wait3A_94 = tpu.memref_slice %arg3[%arg0, %dma_wait3A, %dma_wait3A_93] : memref<2x10000x128xf32, #tpu.memory_space<hbm>> -> memref<1x10000x128xf32, #tpu.memory_space<hbm>>
      %dma_wait3A_95 = tpu.memref_squeeze %dma_wait3A_94 : memref<1x10000x128xf32, #tpu.memory_space<hbm>> -> memref<10000x128xf32, #tpu.memory_space<hbm>>
      %dma_wait3A_96 = arith.constant 0 : i32
      %dma_wait3A_97 = tpu.memref_slice %dma_wait3A_95[%add3A_60, %dma_wait3A_96] : memref<10000x128xf32, #tpu.memory_space<hbm>> -> memref<80x128xf32, #tpu.memory_space<hbm>>
      %dma_wait3A_98 = arith.constant 0 : i32
      %dma_wait3A_99 = arith.constant 0 : i32
      %dma_wait3A_100 = tpu.memref_slice %arg3[%arg0, %dma_wait3A_98, %dma_wait3A_99] : memref<2x10000x128xf32, #tpu.memory_space<hbm>> -> memref<1x10000x128xf32, #tpu.memory_space<hbm>>
      %dma_wait3A_101 = tpu.memref_squeeze %dma_wait3A_100 : memref<1x10000x128xf32, #tpu.memory_space<hbm>> -> memref<10000x128xf32, #tpu.memory_space<hbm>>
      %dma_wait3A_102 = arith.constant 0 : i32
      %dma_wait3A_103 = tpu.memref_slice %dma_wait3A_101[%add3A_60, %dma_wait3A_102] : memref<10000x128xf32, #tpu.memory_space<hbm>> -> memref<80x128xf32, #tpu.memory_space<hbm>>
      tpu.wait_dma2 semaphore(%run_scoped3A : memref<!tpu.dma_semaphore, #tpu.memory_space<semaphore_mem>>) src(%arg5 : memref<80x128xf32, #tpu.memory_space<vmem>>) dst(%dma_wait3A_103 : memref<80x128xf32, #tpu.memory_space<hbm>>)
      tpu.yield
    }) : () -> ()
    %add3A_61 = arith.constant 320 : i32
    %add3A_62 = arith.addi %multiple_of3A, %add3A_61 : i32
    "tpu.region"() ({
      %run_scoped3A = tpu.sem_alloc : memref<!tpu.dma_semaphore, #tpu.memory_space<semaphore_mem>>
      %dma_start3A = arith.constant 0 : i32
      %dma_start3A_82 = tpu.memref_slice %arg6[%add3A_62, %dma_start3A] : memref<10000x128xf32, #tpu.memory_space<vmem_shared>> -> memref<80x128xf32, #tpu.memory_space<vmem_shared>>
      %dma_start3A_83 = arith.constant 0 : i32
      %dma_start3A_84 = tpu.memref_slice %arg6[%add3A_62, %dma_start3A_83] : memref<10000x128xf32, #tpu.memory_space<vmem_shared>> -> memref<80x128xf32, #tpu.memory_space<vmem_shared>>
      tpu.enqueue_dma source(%dma_start3A_84 : memref<80x128xf32, #tpu.memory_space<vmem_shared>>) target(%arg5 : memref<80x128xf32, #tpu.memory_space<vmem>>) target_semaphore(%run_scoped3A : memref<!tpu.dma_semaphore, #tpu.memory_space<semaphore_mem>>)
      %dma_wait3A = arith.constant 0 : i32
      %dma_wait3A_85 = tpu.memref_slice %arg6[%add3A_62, %dma_wait3A] : memref<10000x128xf32, #tpu.memory_space<vmem_shared>> -> memref<80x128xf32, #tpu.memory_space<vmem_shared>>
      %dma_wait3A_86 = arith.constant 0 : i32
      %dma_wait3A_87 = tpu.memref_slice %arg6[%add3A_62, %dma_wait3A_86] : memref<10000x128xf32, #tpu.memory_space<vmem_shared>> -> memref<80x128xf32, #tpu.memory_space<vmem_shared>>
      tpu.wait_dma2 semaphore(%run_scoped3A : memref<!tpu.dma_semaphore, #tpu.memory_space<semaphore_mem>>) src(%dma_wait3A_87 : memref<80x128xf32, #tpu.memory_space<vmem_shared>>) dst(%arg5 : memref<80x128xf32, #tpu.memory_space<vmem>>)
      tpu.yield
    }) : () -> ()
    %add3A_63 = arith.constant 320 : i32
    %add3A_64 = arith.addi %multiple_of3A, %add3A_63 : i32
    "tpu.region"() ({
      %run_scoped3A = tpu.sem_alloc : memref<!tpu.dma_semaphore, #tpu.memory_space<semaphore_mem>>
      %dma_start3A = arith.constant 0 : i32
      %dma_start3A_82 = arith.constant 0 : i32
      %dma_start3A_83 = tpu.memref_slice %arg3[%arg0, %dma_start3A, %dma_start3A_82] : memref<2x10000x128xf32, #tpu.memory_space<hbm>> -> memref<1x10000x128xf32, #tpu.memory_space<hbm>>
      %dma_start3A_84 = tpu.memref_squeeze %dma_start3A_83 : memref<1x10000x128xf32, #tpu.memory_space<hbm>> -> memref<10000x128xf32, #tpu.memory_space<hbm>>
      %dma_start3A_85 = arith.constant 0 : i32
      %dma_start3A_86 = tpu.memref_slice %dma_start3A_84[%add3A_64, %dma_start3A_85] : memref<10000x128xf32, #tpu.memory_space<hbm>> -> memref<80x128xf32, #tpu.memory_space<hbm>>
      %dma_start3A_87 = arith.constant 0 : i32
      %dma_start3A_88 = arith.constant 0 : i32
      %dma_start3A_89 = tpu.memref_slice %arg3[%arg0, %dma_start3A_87, %dma_start3A_88] : memref<2x10000x128xf32, #tpu.memory_space<hbm>> -> memref<1x10000x128xf32, #tpu.memory_space<hbm>>
      %dma_start3A_90 = tpu.memref_squeeze %dma_start3A_89 : memref<1x10000x128xf32, #tpu.memory_space<hbm>> -> memref<10000x128xf32, #tpu.memory_space<hbm>>
      %dma_start3A_91 = arith.constant 0 : i32
      %dma_start3A_92 = tpu.memref_slice %dma_start3A_90[%add3A_64, %dma_start3A_91] : memref<10000x128xf32, #tpu.memory_space<hbm>> -> memref<80x128xf32, #tpu.memory_space<hbm>>
      tpu.enqueue_dma source(%arg5 : memref<80x128xf32, #tpu.memory_space<vmem>>) target(%dma_start3A_92 : memref<80x128xf32, #tpu.memory_space<hbm>>) target_semaphore(%run_scoped3A : memref<!tpu.dma_semaphore, #tpu.memory_space<semaphore_mem>>)
      %dma_wait3A = arith.constant 0 : i32
      %dma_wait3A_93 = arith.constant 0 : i32
      %dma_wait3A_94 = tpu.memref_slice %arg3[%arg0, %dma_wait3A, %dma_wait3A_93] : memref<2x10000x128xf32, #tpu.memory_space<hbm>> -> memref<1x10000x128xf32, #tpu.memory_space<hbm>>
      %dma_wait3A_95 = tpu.memref_squeeze %dma_wait3A_94 : memref<1x10000x128xf32, #tpu.memory_space<hbm>> -> memref<10000x128xf32, #tpu.memory_space<hbm>>
      %dma_wait3A_96 = arith.constant 0 : i32
      %dma_wait3A_97 = tpu.memref_slice %dma_wait3A_95[%add3A_64, %dma_wait3A_96] : memref<10000x128xf32, #tpu.memory_space<hbm>> -> memref<80x128xf32, #tpu.memory_space<hbm>>
      %dma_wait3A_98 = arith.constant 0 : i32
      %dma_wait3A_99 = arith.constant 0 : i32
      %dma_wait3A_100 = tpu.memref_slice %arg3[%arg0, %dma_wait3A_98, %dma_wait3A_99] : memref<2x10000x128xf32, #tpu.memory_space<hbm>> -> memref<1x10000x128xf32, #tpu.memory_space<hbm>>
      %dma_wait3A_101 = tpu.memref_squeeze %dma_wait3A_100 : memref<1x10000x128xf32, #tpu.memory_space<hbm>> -> memref<10000x128xf32, #tpu.memory_space<hbm>>
      %dma_wait3A_102 = arith.constant 0 : i32
      %dma_wait3A_103 = tpu.memref_slice %dma_wait3A_101[%add3A_64, %dma_wait3A_102] : memref<10000x128xf32, #tpu.memory_space<hbm>> -> memref<80x128xf32, #tpu.memory_space<hbm>>
      tpu.wait_dma2 semaphore(%run_scoped3A : memref<!tpu.dma_semaphore, #tpu.memory_space<semaphore_mem>>) src(%arg5 : memref<80x128xf32, #tpu.memory_space<vmem>>) dst(%dma_wait3A_103 : memref<80x128xf32, #tpu.memory_space<hbm>>)
      tpu.yield
    }) : () -> ()
    %add3A_65 = arith.constant 400 : i32
    %add3A_66 = arith.addi %multiple_of3A, %add3A_65 : i32
    "tpu.region"() ({
      %run_scoped3A = tpu.sem_alloc : memref<!tpu.dma_semaphore, #tpu.memory_space<semaphore_mem>>
      %dma_start3A = arith.constant 0 : i32
      %dma_start3A_82 = tpu.memref_slice %arg6[%add3A_66, %dma_start3A] : memref<10000x128xf32, #tpu.memory_space<vmem_shared>> -> memref<80x128xf32, #tpu.memory_space<vmem_shared>>
      %dma_start3A_83 = arith.constant 0 : i32
      %dma_start3A_84 = tpu.memref_slice %arg6[%add3A_66, %dma_start3A_83] : memref<10000x128xf32, #tpu.memory_space<vmem_shared>> -> memref<80x128xf32, #tpu.memory_space<vmem_shared>>
      tpu.enqueue_dma source(%dma_start3A_84 : memref<80x128xf32, #tpu.memory_space<vmem_shared>>) target(%arg5 : memref<80x128xf32, #tpu.memory_space<vmem>>) target_semaphore(%run_scoped3A : memref<!tpu.dma_semaphore, #tpu.memory_space<semaphore_mem>>)
      %dma_wait3A = arith.constant 0 : i32
      %dma_wait3A_85 = tpu.memref_slice %arg6[%add3A_66, %dma_wait3A] : memref<10000x128xf32, #tpu.memory_space<vmem_shared>> -> memref<80x128xf32, #tpu.memory_space<vmem_shared>>
      %dma_wait3A_86 = arith.constant 0 : i32
      %dma_wait3A_87 = tpu.memref_slice %arg6[%add3A_66, %dma_wait3A_86] : memref<10000x128xf32, #tpu.memory_space<vmem_shared>> -> memref<80x128xf32, #tpu.memory_space<vmem_shared>>
      tpu.wait_dma2 semaphore(%run_scoped3A : memref<!tpu.dma_semaphore, #tpu.memory_space<semaphore_mem>>) src(%dma_wait3A_87 : memref<80x128xf32, #tpu.memory_space<vmem_shared>>) dst(%arg5 : memref<80x128xf32, #tpu.memory_space<vmem>>)
      tpu.yield
    }) : () -> ()
    %add3A_67 = arith.constant 400 : i32
    %add3A_68 = arith.addi %multiple_of3A, %add3A_67 : i32
    "tpu.region"() ({
      %run_scoped3A = tpu.sem_alloc : memref<!tpu.dma_semaphore, #tpu.memory_space<semaphore_mem>>
      %dma_start3A = arith.constant 0 : i32
      %dma_start3A_82 = arith.constant 0 : i32
      %dma_start3A_83 = tpu.memref_slice %arg3[%arg0, %dma_start3A, %dma_start3A_82] : memref<2x10000x128xf32, #tpu.memory_space<hbm>> -> memref<1x10000x128xf32, #tpu.memory_space<hbm>>
      %dma_start3A_84 = tpu.memref_squeeze %dma_start3A_83 : memref<1x10000x128xf32, #tpu.memory_space<hbm>> -> memref<10000x128xf32, #tpu.memory_space<hbm>>
      %dma_start3A_85 = arith.constant 0 : i32
      %dma_start3A_86 = tpu.memref_slice %dma_start3A_84[%add3A_68, %dma_start3A_85] : memref<10000x128xf32, #tpu.memory_space<hbm>> -> memref<80x128xf32, #tpu.memory_space<hbm>>
      %dma_start3A_87 = arith.constant 0 : i32
      %dma_start3A_88 = arith.constant 0 : i32
      %dma_start3A_89 = tpu.memref_slice %arg3[%arg0, %dma_start3A_87, %dma_start3A_88] : memref<2x10000x128xf32, #tpu.memory_space<hbm>> -> memref<1x10000x128xf32, #tpu.memory_space<hbm>>
      %dma_start3A_90 = tpu.memref_squeeze %dma_start3A_89 : memref<1x10000x128xf32, #tpu.memory_space<hbm>> -> memref<10000x128xf32, #tpu.memory_space<hbm>>
      %dma_start3A_91 = arith.constant 0 : i32
      %dma_start3A_92 = tpu.memref_slice %dma_start3A_90[%add3A_68, %dma_start3A_91] : memref<10000x128xf32, #tpu.memory_space<hbm>> -> memref<80x128xf32, #tpu.memory_space<hbm>>
      tpu.enqueue_dma source(%arg5 : memref<80x128xf32, #tpu.memory_space<vmem>>) target(%dma_start3A_92 : memref<80x128xf32, #tpu.memory_space<hbm>>) target_semaphore(%run_scoped3A : memref<!tpu.dma_semaphore, #tpu.memory_space<semaphore_mem>>)
      %dma_wait3A = arith.constant 0 : i32
      %dma_wait3A_93 = arith.constant 0 : i32
      %dma_wait3A_94 = tpu.memref_slice %arg3[%arg0, %dma_wait3A, %dma_wait3A_93] : memref<2x10000x128xf32, #tpu.memory_space<hbm>> -> memref<1x10000x128xf32, #tpu.memory_space<hbm>>
      %dma_wait3A_95 = tpu.memref_squeeze %dma_wait3A_94 : memref<1x10000x128xf32, #tpu.memory_space<hbm>> -> memref<10000x128xf32, #tpu.memory_space<hbm>>
      %dma_wait3A_96 = arith.constant 0 : i32
      %dma_wait3A_97 = tpu.memref_slice %dma_wait3A_95[%add3A_68, %dma_wait3A_96] : memref<10000x128xf32, #tpu.memory_space<hbm>> -> memref<80x128xf32, #tpu.memory_space<hbm>>
      %dma_wait3A_98 = arith.constant 0 : i32
      %dma_wait3A_99 = arith.constant 0 : i32
      %dma_wait3A_100 = tpu.memref_slice %arg3[%arg0, %dma_wait3A_98, %dma_wait3A_99] : memref<2x10000x128xf32, #tpu.memory_space<hbm>> -> memref<1x10000x128xf32, #tpu.memory_space<hbm>>
      %dma_wait3A_101 = tpu.memref_squeeze %dma_wait3A_100 : memref<1x10000x128xf32, #tpu.memory_space<hbm>> -> memref<10000x128xf32, #tpu.memory_space<hbm>>
      %dma_wait3A_102 = arith.constant 0 : i32
      %dma_wait3A_103 = tpu.memref_slice %dma_wait3A_101[%add3A_68, %dma_wait3A_102] : memref<10000x128xf32, #tpu.memory_space<hbm>> -> memref<80x128xf32, #tpu.memory_space<hbm>>
      tpu.wait_dma2 semaphore(%run_scoped3A : memref<!tpu.dma_semaphore, #tpu.memory_space<semaphore_mem>>) src(%arg5 : memref<80x128xf32, #tpu.memory_space<vmem>>) dst(%dma_wait3A_103 : memref<80x128xf32, #tpu.memory_space<hbm>>)
      tpu.yield
    }) : () -> ()
    %add3A_69 = arith.constant 480 : i32
    %add3A_70 = arith.addi %multiple_of3A, %add3A_69 : i32
    "tpu.region"() ({
      %run_scoped3A = tpu.sem_alloc : memref<!tpu.dma_semaphore, #tpu.memory_space<semaphore_mem>>
      %dma_start3A = arith.constant 0 : i32
      %dma_start3A_82 = tpu.memref_slice %arg6[%add3A_70, %dma_start3A] : memref<10000x128xf32, #tpu.memory_space<vmem_shared>> -> memref<80x128xf32, #tpu.memory_space<vmem_shared>>
      %dma_start3A_83 = arith.constant 0 : i32
      %dma_start3A_84 = tpu.memref_slice %arg6[%add3A_70, %dma_start3A_83] : memref<10000x128xf32, #tpu.memory_space<vmem_shared>> -> memref<80x128xf32, #tpu.memory_space<vmem_shared>>
      tpu.enqueue_dma source(%dma_start3A_84 : memref<80x128xf32, #tpu.memory_space<vmem_shared>>) target(%arg5 : memref<80x128xf32, #tpu.memory_space<vmem>>) target_semaphore(%run_scoped3A : memref<!tpu.dma_semaphore, #tpu.memory_space<semaphore_mem>>)
      %dma_wait3A = arith.constant 0 : i32
      %dma_wait3A_85 = tpu.memref_slice %arg6[%add3A_70, %dma_wait3A] : memref<10000x128xf32, #tpu.memory_space<vmem_shared>> -> memref<80x128xf32, #tpu.memory_space<vmem_shared>>
      %dma_wait3A_86 = arith.constant 0 : i32
      %dma_wait3A_87 = tpu.memref_slice %arg6[%add3A_70, %dma_wait3A_86] : memref<10000x128xf32, #tpu.memory_space<vmem_shared>> -> memref<80x128xf32, #tpu.memory_space<vmem_shared>>
      tpu.wait_dma2 semaphore(%run_scoped3A : memref<!tpu.dma_semaphore, #tpu.memory_space<semaphore_mem>>) src(%dma_wait3A_87 : memref<80x128xf32, #tpu.memory_space<vmem_shared>>) dst(%arg5 : memref<80x128xf32, #tpu.memory_space<vmem>>)
      tpu.yield
    }) : () -> ()
    %add3A_71 = arith.constant 480 : i32
    %add3A_72 = arith.addi %multiple_of3A, %add3A_71 : i32
    "tpu.region"() ({
      %run_scoped3A = tpu.sem_alloc : memref<!tpu.dma_semaphore, #tpu.memory_space<semaphore_mem>>
      %dma_start3A = arith.constant 0 : i32
      %dma_start3A_82 = arith.constant 0 : i32
      %dma_start3A_83 = tpu.memref_slice %arg3[%arg0, %dma_start3A, %dma_start3A_82] : memref<2x10000x128xf32, #tpu.memory_space<hbm>> -> memref<1x10000x128xf32, #tpu.memory_space<hbm>>
      %dma_start3A_84 = tpu.memref_squeeze %dma_start3A_83 : memref<1x10000x128xf32, #tpu.memory_space<hbm>> -> memref<10000x128xf32, #tpu.memory_space<hbm>>
      %dma_start3A_85 = arith.constant 0 : i32
      %dma_start3A_86 = tpu.memref_slice %dma_start3A_84[%add3A_72, %dma_start3A_85] : memref<10000x128xf32, #tpu.memory_space<hbm>> -> memref<80x128xf32, #tpu.memory_space<hbm>>
      %dma_start3A_87 = arith.constant 0 : i32
      %dma_start3A_88 = arith.constant 0 : i32
      %dma_start3A_89 = tpu.memref_slice %arg3[%arg0, %dma_start3A_87, %dma_start3A_88] : memref<2x10000x128xf32, #tpu.memory_space<hbm>> -> memref<1x10000x128xf32, #tpu.memory_space<hbm>>
      %dma_start3A_90 = tpu.memref_squeeze %dma_start3A_89 : memref<1x10000x128xf32, #tpu.memory_space<hbm>> -> memref<10000x128xf32, #tpu.memory_space<hbm>>
      %dma_start3A_91 = arith.constant 0 : i32
      %dma_start3A_92 = tpu.memref_slice %dma_start3A_90[%add3A_72, %dma_start3A_91] : memref<10000x128xf32, #tpu.memory_space<hbm>> -> memref<80x128xf32, #tpu.memory_space<hbm>>
      tpu.enqueue_dma source(%arg5 : memref<80x128xf32, #tpu.memory_space<vmem>>) target(%dma_start3A_92 : memref<80x128xf32, #tpu.memory_space<hbm>>) target_semaphore(%run_scoped3A : memref<!tpu.dma_semaphore, #tpu.memory_space<semaphore_mem>>)
      %dma_wait3A = arith.constant 0 : i32
      %dma_wait3A_93 = arith.constant 0 : i32
      %dma_wait3A_94 = tpu.memref_slice %arg3[%arg0, %dma_wait3A, %dma_wait3A_93] : memref<2x10000x128xf32, #tpu.memory_space<hbm>> -> memref<1x10000x128xf32, #tpu.memory_space<hbm>>
      %dma_wait3A_95 = tpu.memref_squeeze %dma_wait3A_94 : memref<1x10000x128xf32, #tpu.memory_space<hbm>> -> memref<10000x128xf32, #tpu.memory_space<hbm>>
      %dma_wait3A_96 = arith.constant 0 : i32
      %dma_wait3A_97 = tpu.memref_slice %dma_wait3A_95[%add3A_72, %dma_wait3A_96] : memref<10000x128xf32, #tpu.memory_space<hbm>> -> memref<80x128xf32, #tpu.memory_space<hbm>>
      %dma_wait3A_98 = arith.constant 0 : i32
      %dma_wait3A_99 = arith.constant 0 : i32
      %dma_wait3A_100 = tpu.memref_slice %arg3[%arg0, %dma_wait3A_98, %dma_wait3A_99] : memref<2x10000x128xf32, #tpu.memory_space<hbm>> -> memref<1x10000x128xf32, #tpu.memory_space<hbm>>
      %dma_wait3A_101 = tpu.memref_squeeze %dma_wait3A_100 : memref<1x10000x128xf32, #tpu.memory_space<hbm>> -> memref<10000x128xf32, #tpu.memory_space<hbm>>
      %dma_wait3A_102 = arith.constant 0 : i32
      %dma_wait3A_103 = tpu.memref_slice %dma_wait3A_101[%add3A_72, %dma_wait3A_102] : memref<10000x128xf32, #tpu.memory_space<hbm>> -> memref<80x128xf32, #tpu.memory_space<hbm>>
      tpu.wait_dma2 semaphore(%run_scoped3A : memref<!tpu.dma_semaphore, #tpu.memory_space<semaphore_mem>>) src(%arg5 : memref<80x128xf32, #tpu.memory_space<vmem>>) dst(%dma_wait3A_103 : memref<80x128xf32, #tpu.memory_space<hbm>>)
      tpu.yield
    }) : () -> ()
    %add3A_73 = arith.constant 560 : i32
    %add3A_74 = arith.addi %multiple_of3A, %add3A_73 : i32
    "tpu.region"() ({
      %run_scoped3A = tpu.sem_alloc : memref<!tpu.dma_semaphore, #tpu.memory_space<semaphore_mem>>
      %dma_start3A = arith.constant 0 : i32
      %dma_start3A_82 = arith.constant 0 : i32
      %dma_start3A_83 = tpu.memref_slice %arg5[%dma_start3A, %dma_start3A_82] : memref<80x128xf32, #tpu.memory_space<vmem>> -> memref<64x128xf32, #tpu.memory_space<vmem>>
      %dma_start3A_84 = arith.constant 0 : i32
      %dma_start3A_85 = tpu.memref_slice %arg6[%add3A_74, %dma_start3A_84] : memref<10000x128xf32, #tpu.memory_space<vmem_shared>> -> memref<64x128xf32, #tpu.memory_space<vmem_shared>>
      %dma_start3A_86 = arith.constant 0 : i32
      %dma_start3A_87 = arith.constant 0 : i32
      %dma_start3A_88 = tpu.memref_slice %arg5[%dma_start3A_86, %dma_start3A_87] : memref<80x128xf32, #tpu.memory_space<vmem>> -> memref<64x128xf32, #tpu.memory_space<vmem>>
      %dma_start3A_89 = arith.constant 0 : i32
      %dma_start3A_90 = tpu.memref_slice %arg6[%add3A_74, %dma_start3A_89] : memref<10000x128xf32, #tpu.memory_space<vmem_shared>> -> memref<64x128xf32, #tpu.memory_space<vmem_shared>>
      tpu.enqueue_dma source(%dma_start3A_90 : memref<64x128xf32, #tpu.memory_space<vmem_shared>>) target(%dma_start3A_88 : memref<64x128xf32, #tpu.memory_space<vmem>>) target_semaphore(%run_scoped3A : memref<!tpu.dma_semaphore, #tpu.memory_space<semaphore_mem>>)
      %dma_wait3A = arith.constant 0 : i32
      %dma_wait3A_91 = arith.constant 0 : i32
      %dma_wait3A_92 = tpu.memref_slice %arg5[%dma_wait3A, %dma_wait3A_91] : memref<80x128xf32, #tpu.memory_space<vmem>> -> memref<64x128xf32, #tpu.memory_space<vmem>>
      %dma_wait3A_93 = arith.constant 0 : i32
      %dma_wait3A_94 = tpu.memref_slice %arg6[%add3A_74, %dma_wait3A_93] : memref<10000x128xf32, #tpu.memory_space<vmem_shared>> -> memref<64x128xf32, #tpu.memory_space<vmem_shared>>
      %dma_wait3A_95 = arith.constant 0 : i32
      %dma_wait3A_96 = arith.constant 0 : i32
      %dma_wait3A_97 = tpu.memref_slice %arg5[%dma_wait3A_95, %dma_wait3A_96] : memref<80x128xf32, #tpu.memory_space<vmem>> -> memref<64x128xf32, #tpu.memory_space<vmem>>
      %dma_wait3A_98 = arith.constant 0 : i32
      %dma_wait3A_99 = tpu.memref_slice %arg6[%add3A_74, %dma_wait3A_98] : memref<10000x128xf32, #tpu.memory_space<vmem_shared>> -> memref<64x128xf32, #tpu.memory_space<vmem_shared>>
      tpu.wait_dma2 semaphore(%run_scoped3A : memref<!tpu.dma_semaphore, #tpu.memory_space<semaphore_mem>>) src(%dma_wait3A_99 : memref<64x128xf32, #tpu.memory_space<vmem_shared>>) dst(%dma_wait3A_97 : memref<64x128xf32, #tpu.memory_space<vmem>>)
      tpu.yield
    }) : () -> ()
    %add3A_75 = arith.constant 560 : i32
    %add3A_76 = arith.addi %multiple_of3A, %add3A_75 : i32
    "tpu.region"() ({
      %run_scoped3A = tpu.sem_alloc : memref<!tpu.dma_semaphore, #tpu.memory_space<semaphore_mem>>
      %dma_start3A = arith.constant 0 : i32
      %dma_start3A_82 = arith.constant 0 : i32
      %dma_start3A_83 = tpu.memref_slice %arg5[%dma_start3A, %dma_start3A_82] : memref<80x128xf32, #tpu.memory_space<vmem>> -> memref<64x128xf32, #tpu.memory_space<vmem>>
      %dma_start3A_84 = arith.constant 0 : i32
      %dma_start3A_85 = arith.constant 0 : i32
      %dma_start3A_86 = tpu.memref_slice %arg3[%arg0, %dma_start3A_84, %dma_start3A_85] : memref<2x10000x128xf32, #tpu.memory_space<hbm>> -> memref<1x10000x128xf32, #tpu.memory_space<hbm>>
      %dma_start3A_87 = tpu.memref_squeeze %dma_start3A_86 : memref<1x10000x128xf32, #tpu.memory_space<hbm>> -> memref<10000x128xf32, #tpu.memory_space<hbm>>
      %dma_start3A_88 = arith.constant 0 : i32
      %dma_start3A_89 = tpu.memref_slice %dma_start3A_87[%add3A_76, %dma_start3A_88] : memref<10000x128xf32, #tpu.memory_space<hbm>> -> memref<64x128xf32, #tpu.memory_space<hbm>>
      %dma_start3A_90 = arith.constant 0 : i32
      %dma_start3A_91 = arith.constant 0 : i32
      %dma_start3A_92 = tpu.memref_slice %arg3[%arg0, %dma_start3A_90, %dma_start3A_91] : memref<2x10000x128xf32, #tpu.memory_space<hbm>> -> memref<1x10000x128xf32, #tpu.memory_space<hbm>>
      %dma_start3A_93 = tpu.memref_squeeze %dma_start3A_92 : memref<1x10000x128xf32, #tpu.memory_space<hbm>> -> memref<10000x128xf32, #tpu.memory_space<hbm>>
      %dma_start3A_94 = arith.constant 0 : i32
      %dma_start3A_95 = tpu.memref_slice %dma_start3A_93[%add3A_76, %dma_start3A_94] : memref<10000x128xf32, #tpu.memory_space<hbm>> -> memref<64x128xf32, #tpu.memory_space<hbm>>
      %dma_start3A_96 = arith.constant 0 : i32
      %dma_start3A_97 = arith.constant 0 : i32
      %dma_start3A_98 = tpu.memref_slice %arg5[%dma_start3A_96, %dma_start3A_97] : memref<80x128xf32, #tpu.memory_space<vmem>> -> memref<64x128xf32, #tpu.memory_space<vmem>>
      tpu.enqueue_dma source(%dma_start3A_98 : memref<64x128xf32, #tpu.memory_space<vmem>>) target(%dma_start3A_95 : memref<64x128xf32, #tpu.memory_space<hbm>>) target_semaphore(%run_scoped3A : memref<!tpu.dma_semaphore, #tpu.memory_space<semaphore_mem>>)
      %dma_wait3A = arith.constant 0 : i32
      %dma_wait3A_99 = arith.constant 0 : i32
      %dma_wait3A_100 = tpu.memref_slice %arg5[%dma_wait3A, %dma_wait3A_99] : memref<80x128xf32, #tpu.memory_space<vmem>> -> memref<64x128xf32, #tpu.memory_space<vmem>>
      %dma_wait3A_101 = arith.constant 0 : i32
      %dma_wait3A_102 = arith.constant 0 : i32
      %dma_wait3A_103 = tpu.memref_slice %arg3[%arg0, %dma_wait3A_101, %dma_wait3A_102] : memref<2x10000x128xf32, #tpu.memory_space<hbm>> -> memref<1x10000x128xf32, #tpu.memory_space<hbm>>
      %dma_wait3A_104 = tpu.memref_squeeze %dma_wait3A_103 : memref<1x10000x128xf32, #tpu.memory_space<hbm>> -> memref<10000x128xf32, #tpu.memory_space<hbm>>
      %dma_wait3A_105 = arith.constant 0 : i32
      %dma_wait3A_106 = tpu.memref_slice %dma_wait3A_104[%add3A_76, %dma_wait3A_105] : memref<10000x128xf32, #tpu.memory_space<hbm>> -> memref<64x128xf32, #tpu.memory_space<hbm>>
      %dma_wait3A_107 = arith.constant 0 : i32
      %dma_wait3A_108 = arith.constant 0 : i32
      %dma_wait3A_109 = tpu.memref_slice %arg3[%arg0, %dma_wait3A_107, %dma_wait3A_108] : memref<2x10000x128xf32, #tpu.memory_space<hbm>> -> memref<1x10000x128xf32, #tpu.memory_space<hbm>>
      %dma_wait3A_110 = tpu.memref_squeeze %dma_wait3A_109 : memref<1x10000x128xf32, #tpu.memory_space<hbm>> -> memref<10000x128xf32, #tpu.memory_space<hbm>>
      %dma_wait3A_111 = arith.constant 0 : i32
      %dma_wait3A_112 = tpu.memref_slice %dma_wait3A_110[%add3A_76, %dma_wait3A_111] : memref<10000x128xf32, #tpu.memory_space<hbm>> -> memref<64x128xf32, #tpu.memory_space<hbm>>
      %dma_wait3A_113 = arith.constant 0 : i32
      %dma_wait3A_114 = arith.constant 0 : i32
      %dma_wait3A_115 = tpu.memref_slice %arg5[%dma_wait3A_113, %dma_wait3A_114] : memref<80x128xf32, #tpu.memory_space<vmem>> -> memref<64x128xf32, #tpu.memory_space<vmem>>
      tpu.wait_dma2 semaphore(%run_scoped3A : memref<!tpu.dma_semaphore, #tpu.memory_space<semaphore_mem>>) src(%dma_wait3A_115 : memref<64x128xf32, #tpu.memory_space<vmem>>) dst(%dma_wait3A_112 : memref<64x128xf32, #tpu.memory_space<hbm>>)
      tpu.yield
    }) : () -> ()
    %eq3A_77 = arith.constant 15 : i32
    %eq3A_78 = arith.cmpi eq, %arg1, %eq3A_77 : i32
    %convert_element_type3A_79 = arith.extui %eq3A_78 : i1 to i32
    %cond3A_80 = arith.constant 0 : i32
    %cond3A_81 = arith.cmpi ne, %convert_element_type3A_79, %cond3A_80 : i32
    scf.if %cond3A_81 {
      "tpu.region"() ({
        %run_scoped3A = tpu.sem_alloc : memref<!tpu.dma_semaphore, #tpu.memory_space<semaphore_mem>>
        %dma_start3A = arith.constant 0 : i32
        %dma_start3A_82 = arith.constant 0 : i32
        %dma_start3A_83 = tpu.memref_slice %arg5[%dma_start3A, %dma_start3A_82] : memref<80x128xf32, #tpu.memory_space<vmem>> -> memref<16x128xf32, #tpu.memory_space<vmem>>
        %dma_start3A_84 = arith.constant 9984 : i32
        %dma_start3A_85 = arith.constant 0 : i32
        %dma_start3A_86 = tpu.memref_slice %arg6[%dma_start3A_84, %dma_start3A_85] : memref<10000x128xf32, #tpu.memory_space<vmem_shared>> -> memref<16x128xf32, #tpu.memory_space<vmem_shared>>
        %dma_start3A_87 = arith.constant 0 : i32
        %dma_start3A_88 = arith.constant 0 : i32
        %dma_start3A_89 = tpu.memref_slice %arg5[%dma_start3A_87, %dma_start3A_88] : memref<80x128xf32, #tpu.memory_space<vmem>> -> memref<16x128xf32, #tpu.memory_space<vmem>>
        %dma_start3A_90 = arith.constant 9984 : i32
        %dma_start3A_91 = arith.constant 0 : i32
        %dma_start3A_92 = tpu.memref_slice %arg6[%dma_start3A_90, %dma_start3A_91] : memref<10000x128xf32, #tpu.memory_space<vmem_shared>> -> memref<16x128xf32, #tpu.memory_space<vmem_shared>>
        tpu.enqueue_dma source(%dma_start3A_92 : memref<16x128xf32, #tpu.memory_space<vmem_shared>>) target(%dma_start3A_89 : memref<16x128xf32, #tpu.memory_space<vmem>>) target_semaphore(%run_scoped3A : memref<!tpu.dma_semaphore, #tpu.memory_space<semaphore_mem>>)
        %dma_wait3A = arith.constant 0 : i32
        %dma_wait3A_93 = arith.constant 0 : i32
        %dma_wait3A_94 = tpu.memref_slice %arg5[%dma_wait3A, %dma_wait3A_93] : memref<80x128xf32, #tpu.memory_space<vmem>> -> memref<16x128xf32, #tpu.memory_space<vmem>>
        %dma_wait3A_95 = arith.constant 9984 : i32
        %dma_wait3A_96 = arith.constant 0 : i32
        %dma_wait3A_97 = tpu.memref_slice %arg6[%dma_wait3A_95, %dma_wait3A_96] : memref<10000x128xf32, #tpu.memory_space<vmem_shared>> -> memref<16x128xf32, #tpu.memory_space<vmem_shared>>
        %dma_wait3A_98 = arith.constant 0 : i32
        %dma_wait3A_99 = arith.constant 0 : i32
        %dma_wait3A_100 = tpu.memref_slice %arg5[%dma_wait3A_98, %dma_wait3A_99] : memref<80x128xf32, #tpu.memory_space<vmem>> -> memref<16x128xf32, #tpu.memory_space<vmem>>
        %dma_wait3A_101 = arith.constant 9984 : i32
        %dma_wait3A_102 = arith.constant 0 : i32
        %dma_wait3A_103 = tpu.memref_slice %arg6[%dma_wait3A_101, %dma_wait3A_102] : memref<10000x128xf32, #tpu.memory_space<vmem_shared>> -> memref<16x128xf32, #tpu.memory_space<vmem_shared>>
        tpu.wait_dma2 semaphore(%run_scoped3A : memref<!tpu.dma_semaphore, #tpu.memory_space<semaphore_mem>>) src(%dma_wait3A_103 : memref<16x128xf32, #tpu.memory_space<vmem_shared>>) dst(%dma_wait3A_100 : memref<16x128xf32, #tpu.memory_space<vmem>>)
        tpu.yield
      }) : () -> ()
      "tpu.region"() ({
        %run_scoped3A = tpu.sem_alloc : memref<!tpu.dma_semaphore, #tpu.memory_space<semaphore_mem>>
        %dma_start3A = arith.constant 0 : i32
        %dma_start3A_82 = arith.constant 0 : i32
        %dma_start3A_83 = tpu.memref_slice %arg5[%dma_start3A, %dma_start3A_82] : memref<80x128xf32, #tpu.memory_space<vmem>> -> memref<16x128xf32, #tpu.memory_space<vmem>>
        %dma_start3A_84 = arith.constant 0 : i32
        %dma_start3A_85 = arith.constant 0 : i32
        %dma_start3A_86 = tpu.memref_slice %arg3[%arg0, %dma_start3A_84, %dma_start3A_85] : memref<2x10000x128xf32, #tpu.memory_space<hbm>> -> memref<1x10000x128xf32, #tpu.memory_space<hbm>>
        %dma_start3A_87 = tpu.memref_squeeze %dma_start3A_86 : memref<1x10000x128xf32, #tpu.memory_space<hbm>> -> memref<10000x128xf32, #tpu.memory_space<hbm>>
        %dma_start3A_88 = arith.constant 9984 : i32
        %dma_start3A_89 = arith.constant 0 : i32
        %dma_start3A_90 = tpu.memref_slice %dma_start3A_87[%dma_start3A_88, %dma_start3A_89] : memref<10000x128xf32, #tpu.memory_space<hbm>> -> memref<16x128xf32, #tpu.memory_space<hbm>>
        %dma_start3A_91 = arith.constant 0 : i32
        %dma_start3A_92 = arith.constant 0 : i32
        %dma_start3A_93 = tpu.memref_slice %arg3[%arg0, %dma_start3A_91, %dma_start3A_92] : memref<2x10000x128xf32, #tpu.memory_space<hbm>> -> memref<1x10000x128xf32, #tpu.memory_space<hbm>>
        %dma_start3A_94 = tpu.memref_squeeze %dma_start3A_93 : memref<1x10000x128xf32, #tpu.memory_space<hbm>> -> memref<10000x128xf32, #tpu.memory_space<hbm>>
        %dma_start3A_95 = arith.constant 9984 : i32
        %dma_start3A_96 = arith.constant 0 : i32
        %dma_start3A_97 = tpu.memref_slice %dma_start3A_94[%dma_start3A_95, %dma_start3A_96] : memref<10000x128xf32, #tpu.memory_space<hbm>> -> memref<16x128xf32, #tpu.memory_space<hbm>>
        %dma_start3A_98 = arith.constant 0 : i32
        %dma_start3A_99 = arith.constant 0 : i32
        %dma_start3A_100 = tpu.memref_slice %arg5[%dma_start3A_98, %dma_start3A_99] : memref<80x128xf32, #tpu.memory_space<vmem>> -> memref<16x128xf32, #tpu.memory_space<vmem>>
        tpu.enqueue_dma source(%dma_start3A_100 : memref<16x128xf32, #tpu.memory_space<vmem>>) target(%dma_start3A_97 : memref<16x128xf32, #tpu.memory_space<hbm>>) target_semaphore(%run_scoped3A : memref<!tpu.dma_semaphore, #tpu.memory_space<semaphore_mem>>)
        %dma_wait3A = arith.constant 0 : i32
        %dma_wait3A_101 = arith.constant 0 : i32
        %dma_wait3A_102 = tpu.memref_slice %arg5[%dma_wait3A, %dma_wait3A_101] : memref<80x128xf32, #tpu.memory_space<vmem>> -> memref<16x128xf32, #tpu.memory_space<vmem>>
        %dma_wait3A_103 = arith.constant 0 : i32
        %dma_wait3A_104 = arith.constant 0 : i32
        %dma_wait3A_105 = tpu.memref_slice %arg3[%arg0, %dma_wait3A_103, %dma_wait3A_104] : memref<2x10000x128xf32, #tpu.memory_space<hbm>> -> memref<1x10000x128xf32, #tpu.memory_space<hbm>>
        %dma_wait3A_106 = tpu.memref_squeeze %dma_wait3A_105 : memref<1x10000x128xf32, #tpu.memory_space<hbm>> -> memref<10000x128xf32, #tpu.memory_space<hbm>>
        %dma_wait3A_107 = arith.constant 9984 : i32
        %dma_wait3A_108 = arith.constant 0 : i32
        %dma_wait3A_109 = tpu.memref_slice %dma_wait3A_106[%dma_wait3A_107, %dma_wait3A_108] : memref<10000x128xf32, #tpu.memory_space<hbm>> -> memref<16x128xf32, #tpu.memory_space<hbm>>
        %dma_wait3A_110 = arith.constant 0 : i32
        %dma_wait3A_111 = arith.constant 0 : i32
        %dma_wait3A_112 = tpu.memref_slice %arg3[%arg0, %dma_wait3A_110, %dma_wait3A_111] : memref<2x10000x128xf32, #tpu.memory_space<hbm>> -> memref<1x10000x128xf32, #tpu.memory_space<hbm>>
        %dma_wait3A_113 = tpu.memref_squeeze %dma_wait3A_112 : memref<1x10000x128xf32, #tpu.memory_space<hbm>> -> memref<10000x128xf32, #tpu.memory_space<hbm>>
        %dma_wait3A_114 = arith.constant 9984 : i32
        %dma_wait3A_115 = arith.constant 0 : i32
        %dma_wait3A_116 = tpu.memref_slice %dma_wait3A_113[%dma_wait3A_114, %dma_wait3A_115] : memref<10000x128xf32, #tpu.memory_space<hbm>> -> memref<16x128xf32, #tpu.memory_space<hbm>>
        %dma_wait3A_117 = arith.constant 0 : i32
        %dma_wait3A_118 = arith.constant 0 : i32
        %dma_wait3A_119 = tpu.memref_slice %arg5[%dma_wait3A_117, %dma_wait3A_118] : memref<80x128xf32, #tpu.memory_space<vmem>> -> memref<16x128xf32, #tpu.memory_space<vmem>>
        tpu.wait_dma2 semaphore(%run_scoped3A : memref<!tpu.dma_semaphore, #tpu.memory_space<semaphore_mem>>) src(%dma_wait3A_119 : memref<16x128xf32, #tpu.memory_space<vmem>>) dst(%dma_wait3A_116 : memref<16x128xf32, #tpu.memory_space<hbm>>)
        tpu.yield
      }) : () -> ()
    } else {
    }
    return
  }
}

#map = affine_map<(d0, d1) -> (0, 0)>
#map1 = affine_map<(d0, d1) -> (0, 0, 0, 0)>
#map2 = affine_map<(d0, d1) -> (0, 0, 0)>
module attributes {stable_mosaic.version = 14 : i64} {
  func.func @_agg_rows_body(%arg0: i32, %arg1: i32, %arg2: memref<10000x128xf32, #tpu.memory_space<hbm>>, %arg3: memref<32x25x5x80xi32, #tpu.memory_space<hbm>>, %arg4: memref<32x25x5x80xi32, #tpu.memory_space<hbm>>, %arg5: memref<2x10000x128xf32, #tpu.memory_space<hbm>>, %arg6: memref<5x80xi32, #tpu.memory_space<vmem>>, %arg7: memref<5x80xi32, #tpu.memory_space<vmem>>, %arg8: memref<80x128xf32, #tpu.memory_space<vmem>>, %arg9: memref<10000x128xf32, #tpu.memory_space<vmem_shared>>, %arg10: memref<!tpu.dma_semaphore, #tpu.memory_space<semaphore_mem>>) attributes {dimension_semantics = [#tpu.dimension_semantics<core_parallel>, #tpu.dimension_semantics<subcore_parallel>], iteration_bounds = array<i64: 2, 16>, scalar_prefetch = 0 : i64, scratch_operands = 5 : i64, tpu.core_type = #tpu.core_type<sc_vector_subcore>, window_params = [{transform_indices = #map}, {transform_indices = #map1}, {transform_indices = #map1}, {transform_indices = #map2}]} {
    %mul3A = arith.constant 16 : i32
    %mul3A_0 = arith.muli %arg0, %mul3A : i32
    %add3A = arith.addi %mul3A_0, %arg1 : i32
    %mul3A_1 = arith.constant 624 : i32
    %mul3A_2 = arith.muli %arg1, %mul3A_1 : i32
    %multiple_of3A = tpu.assume_multiple %mul3A_2, 8 : i32
    %broadcast_in_dim3A = arith.constant 0.000000e+00 : f32
    %broadcast_in_dim3A_3 = vector.broadcast %broadcast_in_dim3A : f32 to vector<16xf32>
    %scan3A = arith.constant 0 : i32
    %scan3A_4 = arith.constant 0 : i32
    %scan3A_5 = arith.constant 640 : i32
    %scan3A_6 = arith.addi %scan3A_4, %scan3A_5 : i32
    %scan3A_7 = arith.constant 1 : i32
    %scan3A_8 = scf.for %scan3A_73 = %scan3A_4 to %scan3A_6 step %scan3A_7 iter_args(%scan3A_74 = %scan3A) -> (i32)  : i32 {
      %jit3A = arith.constant 8 : i32
      %div3A = arith.divsi %scan3A_73, %jit3A : i32
      %sign3A = arith.constant 0 : i32
      %sign3A_75 = arith.cmpi sgt, %scan3A_73, %sign3A : i32
      %sign3A_76 = arith.extui %sign3A_75 : i1 to i32
      %sign3A_77 = arith.constant 0 : i32
      %sign3A_78 = arith.cmpi slt, %scan3A_73, %sign3A_77 : i32
      %sign3A_79 = arith.extui %sign3A_78 : i1 to i32
      %sign3A_80 = arith.subi %sign3A_76, %sign3A_79 : i32
      %sign3A_81 = arith.constant 0 : i32
      %sign3A_82 = arith.cmpi sgt, %jit3A, %sign3A_81 : i32
      %sign3A_83 = arith.extui %sign3A_82 : i1 to i32
      %sign3A_84 = arith.constant 0 : i32
      %sign3A_85 = arith.cmpi slt, %jit3A, %sign3A_84 : i32
      %sign3A_86 = arith.extui %sign3A_85 : i1 to i32
      %sign3A_87 = arith.subi %sign3A_83, %sign3A_86 : i32
      %ne3A = arith.cmpi ne, %sign3A_80, %sign3A_87 : i32
      %rem3A = arith.remsi %scan3A_73, %jit3A : i32
      %ne3A_88 = arith.constant 0 : i32
      %ne3A_89 = arith.cmpi ne, %rem3A, %ne3A_88 : i32
      %and3A = arith.andi %ne3A, %ne3A_89 : i1
      %sub3A = arith.constant 1 : i32
      %sub3A_90 = arith.subi %div3A, %sub3A : i32
      %select_n3A = arith.select %and3A, %sub3A_90, %div3A : i32
      %jit3A_91 = arith.constant 8 : i32
      %eq3A_92 = arith.constant 0 : i32
      %eq3A_93 = arith.cmpi eq, %jit3A_91, %eq3A_92 : i32
      %jit3A_94 = arith.constant 1 : i32
      %select_n3A_95 = arith.select %eq3A_93, %jit3A_94, %jit3A_91 : i32
      %rem3A_96 = arith.remsi %scan3A_73, %select_n3A_95 : i32
      %ne3A_97 = arith.constant 0 : i32
      %ne3A_98 = arith.cmpi ne, %rem3A_96, %ne3A_97 : i32
      %lt3A = arith.constant 0 : i32
      %lt3A_99 = arith.cmpi slt, %rem3A_96, %lt3A : i32
      %lt3A_100 = arith.constant 0 : i32
      %lt3A_101 = arith.cmpi slt, %select_n3A_95, %lt3A_100 : i32
      %ne3A_102 = arith.xori %lt3A_99, %lt3A_101 : i1
      %and3A_103 = arith.andi %ne3A_102, %ne3A_98 : i1
      %add3A_104 = arith.addi %rem3A_96, %select_n3A_95 : i32
      %select_n3A_105 = arith.select %and3A_103, %add3A_104, %rem3A_96 : i32
      %mul3A_106 = arith.constant 16 : i32
      %mul3A_107 = arith.muli %select_n3A_105, %mul3A_106 : i32
      %swap3A = arith.index_cast %select_n3A : i32 to index
      %swap3A_108 = arith.index_cast %mul3A_107 : i32 to index
      %swap3A_109 = tpu.vector_load %arg8[%swap3A, %swap3A_108] {strides = array<i32>} : memref<80x128xf32, #tpu.memory_space<vmem>>, vector<1x16xf32>,
      %swap3A_110 = vector.shape_cast %swap3A_109 : vector<1x16xf32> to vector<16xf32>
      %swap3A_111 = vector.shape_cast %broadcast_in_dim3A_3 : vector<16xf32> to vector<1x16xf32>
      tpu.vector_store %arg8[%swap3A, %swap3A_108], %swap3A_111 {strides = array<i32>} : memref<80x128xf32, #tpu.memory_space<vmem>>, vector<1x16xf32>,
      %scan3A_112 = arith.constant 0 : i32
      scf.yield %scan3A_112 : i32
    }
    %scan3A_9 = arith.constant 640 : i32
    %add3A_10 = arith.constant 0 : i32
    %add3A_11 = arith.addi %multiple_of3A, %add3A_10 : i32
    "tpu.region"() ({
      %run_scoped3A = tpu.sem_alloc : memref<!tpu.dma_semaphore, #tpu.memory_space<semaphore_mem>>
      %dma_start3A = arith.constant 0 : i32
      %dma_start3A_73 = tpu.memref_slice %arg9[%add3A_11, %dma_start3A] : memref<10000x128xf32, #tpu.memory_space<vmem_shared>> -> memref<80x128xf32, #tpu.memory_space<vmem_shared>>
      %dma_start3A_74 = arith.constant 0 : i32
      %dma_start3A_75 = tpu.memref_slice %arg9[%add3A_11, %dma_start3A_74] : memref<10000x128xf32, #tpu.memory_space<vmem_shared>> -> memref<80x128xf32, #tpu.memory_space<vmem_shared>>
      tpu.enqueue_dma source(%arg8 : memref<80x128xf32, #tpu.memory_space<vmem>>) target(%dma_start3A_75 : memref<80x128xf32, #tpu.memory_space<vmem_shared>>) target_semaphore(%run_scoped3A : memref<!tpu.dma_semaphore, #tpu.memory_space<semaphore_mem>>)
      %dma_wait3A = arith.constant 0 : i32
      %dma_wait3A_76 = tpu.memref_slice %arg9[%add3A_11, %dma_wait3A] : memref<10000x128xf32, #tpu.memory_space<vmem_shared>> -> memref<80x128xf32, #tpu.memory_space<vmem_shared>>
      %dma_wait3A_77 = arith.constant 0 : i32
      %dma_wait3A_78 = tpu.memref_slice %arg9[%add3A_11, %dma_wait3A_77] : memref<10000x128xf32, #tpu.memory_space<vmem_shared>> -> memref<80x128xf32, #tpu.memory_space<vmem_shared>>
      tpu.wait_dma2 semaphore(%run_scoped3A : memref<!tpu.dma_semaphore, #tpu.memory_space<semaphore_mem>>) src(%arg8 : memref<80x128xf32, #tpu.memory_space<vmem>>) dst(%dma_wait3A_78 : memref<80x128xf32, #tpu.memory_space<vmem_shared>>)
      tpu.yield
    }) : () -> ()
    %add3A_12 = arith.constant 80 : i32
    %add3A_13 = arith.addi %multiple_of3A, %add3A_12 : i32
    "tpu.region"() ({
      %run_scoped3A = tpu.sem_alloc : memref<!tpu.dma_semaphore, #tpu.memory_space<semaphore_mem>>
      %dma_start3A = arith.constant 0 : i32
      %dma_start3A_73 = tpu.memref_slice %arg9[%add3A_13, %dma_start3A] : memref<10000x128xf32, #tpu.memory_space<vmem_shared>> -> memref<80x128xf32, #tpu.memory_space<vmem_shared>>
      %dma_start3A_74 = arith.constant 0 : i32
      %dma_start3A_75 = tpu.memref_slice %arg9[%add3A_13, %dma_start3A_74] : memref<10000x128xf32, #tpu.memory_space<vmem_shared>> -> memref<80x128xf32, #tpu.memory_space<vmem_shared>>
      tpu.enqueue_dma source(%arg8 : memref<80x128xf32, #tpu.memory_space<vmem>>) target(%dma_start3A_75 : memref<80x128xf32, #tpu.memory_space<vmem_shared>>) target_semaphore(%run_scoped3A : memref<!tpu.dma_semaphore, #tpu.memory_space<semaphore_mem>>)
      %dma_wait3A = arith.constant 0 : i32
      %dma_wait3A_76 = tpu.memref_slice %arg9[%add3A_13, %dma_wait3A] : memref<10000x128xf32, #tpu.memory_space<vmem_shared>> -> memref<80x128xf32, #tpu.memory_space<vmem_shared>>
      %dma_wait3A_77 = arith.constant 0 : i32
      %dma_wait3A_78 = tpu.memref_slice %arg9[%add3A_13, %dma_wait3A_77] : memref<10000x128xf32, #tpu.memory_space<vmem_shared>> -> memref<80x128xf32, #tpu.memory_space<vmem_shared>>
      tpu.wait_dma2 semaphore(%run_scoped3A : memref<!tpu.dma_semaphore, #tpu.memory_space<semaphore_mem>>) src(%arg8 : memref<80x128xf32, #tpu.memory_space<vmem>>) dst(%dma_wait3A_78 : memref<80x128xf32, #tpu.memory_space<vmem_shared>>)
      tpu.yield
    }) : () -> ()
    %add3A_14 = arith.constant 160 : i32
    %add3A_15 = arith.addi %multiple_of3A, %add3A_14 : i32
    "tpu.region"() ({
      %run_scoped3A = tpu.sem_alloc : memref<!tpu.dma_semaphore, #tpu.memory_space<semaphore_mem>>
      %dma_start3A = arith.constant 0 : i32
      %dma_start3A_73 = tpu.memref_slice %arg9[%add3A_15, %dma_start3A] : memref<10000x128xf32, #tpu.memory_space<vmem_shared>> -> memref<80x128xf32, #tpu.memory_space<vmem_shared>>
      %dma_start3A_74 = arith.constant 0 : i32
      %dma_start3A_75 = tpu.memref_slice %arg9[%add3A_15, %dma_start3A_74] : memref<10000x128xf32, #tpu.memory_space<vmem_shared>> -> memref<80x128xf32, #tpu.memory_space<vmem_shared>>
      tpu.enqueue_dma source(%arg8 : memref<80x128xf32, #tpu.memory_space<vmem>>) target(%dma_start3A_75 : memref<80x128xf32, #tpu.memory_space<vmem_shared>>) target_semaphore(%run_scoped3A : memref<!tpu.dma_semaphore, #tpu.memory_space<semaphore_mem>>)
      %dma_wait3A = arith.constant 0 : i32
      %dma_wait3A_76 = tpu.memref_slice %arg9[%add3A_15, %dma_wait3A] : memref<10000x128xf32, #tpu.memory_space<vmem_shared>> -> memref<80x128xf32, #tpu.memory_space<vmem_shared>>
      %dma_wait3A_77 = arith.constant 0 : i32
      %dma_wait3A_78 = tpu.memref_slice %arg9[%add3A_15, %dma_wait3A_77] : memref<10000x128xf32, #tpu.memory_space<vmem_shared>> -> memref<80x128xf32, #tpu.memory_space<vmem_shared>>
      tpu.wait_dma2 semaphore(%run_scoped3A : memref<!tpu.dma_semaphore, #tpu.memory_space<semaphore_mem>>) src(%arg8 : memref<80x128xf32, #tpu.memory_space<vmem>>) dst(%dma_wait3A_78 : memref<80x128xf32, #tpu.memory_space<vmem_shared>>)
      tpu.yield
    }) : () -> ()
    %add3A_16 = arith.constant 240 : i32
    %add3A_17 = arith.addi %multiple_of3A, %add3A_16 : i32
    "tpu.region"() ({
      %run_scoped3A = tpu.sem_alloc : memref<!tpu.dma_semaphore, #tpu.memory_space<semaphore_mem>>
      %dma_start3A = arith.constant 0 : i32
      %dma_start3A_73 = tpu.memref_slice %arg9[%add3A_17, %dma_start3A] : memref<10000x128xf32, #tpu.memory_space<vmem_shared>> -> memref<80x128xf32, #tpu.memory_space<vmem_shared>>
      %dma_start3A_74 = arith.constant 0 : i32
      %dma_start3A_75 = tpu.memref_slice %arg9[%add3A_17, %dma_start3A_74] : memref<10000x128xf32, #tpu.memory_space<vmem_shared>> -> memref<80x128xf32, #tpu.memory_space<vmem_shared>>
      tpu.enqueue_dma source(%arg8 : memref<80x128xf32, #tpu.memory_space<vmem>>) target(%dma_start3A_75 : memref<80x128xf32, #tpu.memory_space<vmem_shared>>) target_semaphore(%run_scoped3A : memref<!tpu.dma_semaphore, #tpu.memory_space<semaphore_mem>>)
      %dma_wait3A = arith.constant 0 : i32
      %dma_wait3A_76 = tpu.memref_slice %arg9[%add3A_17, %dma_wait3A] : memref<10000x128xf32, #tpu.memory_space<vmem_shared>> -> memref<80x128xf32, #tpu.memory_space<vmem_shared>>
      %dma_wait3A_77 = arith.constant 0 : i32
      %dma_wait3A_78 = tpu.memref_slice %arg9[%add3A_17, %dma_wait3A_77] : memref<10000x128xf32, #tpu.memory_space<vmem_shared>> -> memref<80x128xf32, #tpu.memory_space<vmem_shared>>
      tpu.wait_dma2 semaphore(%run_scoped3A : memref<!tpu.dma_semaphore, #tpu.memory_space<semaphore_mem>>) src(%arg8 : memref<80x128xf32, #tpu.memory_space<vmem>>) dst(%dma_wait3A_78 : memref<80x128xf32, #tpu.memory_space<vmem_shared>>)
      tpu.yield
    }) : () -> ()
    %add3A_18 = arith.constant 320 : i32
    %add3A_19 = arith.addi %multiple_of3A, %add3A_18 : i32
    "tpu.region"() ({
      %run_scoped3A = tpu.sem_alloc : memref<!tpu.dma_semaphore, #tpu.memory_space<semaphore_mem>>
      %dma_start3A = arith.constant 0 : i32
      %dma_start3A_73 = tpu.memref_slice %arg9[%add3A_19, %dma_start3A] : memref<10000x128xf32, #tpu.memory_space<vmem_shared>> -> memref<80x128xf32, #tpu.memory_space<vmem_shared>>
      %dma_start3A_74 = arith.constant 0 : i32
      %dma_start3A_75 = tpu.memref_slice %arg9[%add3A_19, %dma_start3A_74] : memref<10000x128xf32, #tpu.memory_space<vmem_shared>> -> memref<80x128xf32, #tpu.memory_space<vmem_shared>>
      tpu.enqueue_dma source(%arg8 : memref<80x128xf32, #tpu.memory_space<vmem>>) target(%dma_start3A_75 : memref<80x128xf32, #tpu.memory_space<vmem_shared>>) target_semaphore(%run_scoped3A : memref<!tpu.dma_semaphore, #tpu.memory_space<semaphore_mem>>)
      %dma_wait3A = arith.constant 0 : i32
      %dma_wait3A_76 = tpu.memref_slice %arg9[%add3A_19, %dma_wait3A] : memref<10000x128xf32, #tpu.memory_space<vmem_shared>> -> memref<80x128xf32, #tpu.memory_space<vmem_shared>>
      %dma_wait3A_77 = arith.constant 0 : i32
      %dma_wait3A_78 = tpu.memref_slice %arg9[%add3A_19, %dma_wait3A_77] : memref<10000x128xf32, #tpu.memory_space<vmem_shared>> -> memref<80x128xf32, #tpu.memory_space<vmem_shared>>
      tpu.wait_dma2 semaphore(%run_scoped3A : memref<!tpu.dma_semaphore, #tpu.memory_space<semaphore_mem>>) src(%arg8 : memref<80x128xf32, #tpu.memory_space<vmem>>) dst(%dma_wait3A_78 : memref<80x128xf32, #tpu.memory_space<vmem_shared>>)
      tpu.yield
    }) : () -> ()
    %add3A_20 = arith.constant 400 : i32
    %add3A_21 = arith.addi %multiple_of3A, %add3A_20 : i32
    "tpu.region"() ({
      %run_scoped3A = tpu.sem_alloc : memref<!tpu.dma_semaphore, #tpu.memory_space<semaphore_mem>>
      %dma_start3A = arith.constant 0 : i32
      %dma_start3A_73 = tpu.memref_slice %arg9[%add3A_21, %dma_start3A] : memref<10000x128xf32, #tpu.memory_space<vmem_shared>> -> memref<80x128xf32, #tpu.memory_space<vmem_shared>>
      %dma_start3A_74 = arith.constant 0 : i32
      %dma_start3A_75 = tpu.memref_slice %arg9[%add3A_21, %dma_start3A_74] : memref<10000x128xf32, #tpu.memory_space<vmem_shared>> -> memref<80x128xf32, #tpu.memory_space<vmem_shared>>
      tpu.enqueue_dma source(%arg8 : memref<80x128xf32, #tpu.memory_space<vmem>>) target(%dma_start3A_75 : memref<80x128xf32, #tpu.memory_space<vmem_shared>>) target_semaphore(%run_scoped3A : memref<!tpu.dma_semaphore, #tpu.memory_space<semaphore_mem>>)
      %dma_wait3A = arith.constant 0 : i32
      %dma_wait3A_76 = tpu.memref_slice %arg9[%add3A_21, %dma_wait3A] : memref<10000x128xf32, #tpu.memory_space<vmem_shared>> -> memref<80x128xf32, #tpu.memory_space<vmem_shared>>
      %dma_wait3A_77 = arith.constant 0 : i32
      %dma_wait3A_78 = tpu.memref_slice %arg9[%add3A_21, %dma_wait3A_77] : memref<10000x128xf32, #tpu.memory_space<vmem_shared>> -> memref<80x128xf32, #tpu.memory_space<vmem_shared>>
      tpu.wait_dma2 semaphore(%run_scoped3A : memref<!tpu.dma_semaphore, #tpu.memory_space<semaphore_mem>>) src(%arg8 : memref<80x128xf32, #tpu.memory_space<vmem>>) dst(%dma_wait3A_78 : memref<80x128xf32, #tpu.memory_space<vmem_shared>>)
      tpu.yield
    }) : () -> ()
    %add3A_22 = arith.constant 480 : i32
    %add3A_23 = arith.addi %multiple_of3A, %add3A_22 : i32
    "tpu.region"() ({
      %run_scoped3A = tpu.sem_alloc : memref<!tpu.dma_semaphore, #tpu.memory_space<semaphore_mem>>
      %dma_start3A = arith.constant 0 : i32
      %dma_start3A_73 = tpu.memref_slice %arg9[%add3A_23, %dma_start3A] : memref<10000x128xf32, #tpu.memory_space<vmem_shared>> -> memref<80x128xf32, #tpu.memory_space<vmem_shared>>
      %dma_start3A_74 = arith.constant 0 : i32
      %dma_start3A_75 = tpu.memref_slice %arg9[%add3A_23, %dma_start3A_74] : memref<10000x128xf32, #tpu.memory_space<vmem_shared>> -> memref<80x128xf32, #tpu.memory_space<vmem_shared>>
      tpu.enqueue_dma source(%arg8 : memref<80x128xf32, #tpu.memory_space<vmem>>) target(%dma_start3A_75 : memref<80x128xf32, #tpu.memory_space<vmem_shared>>) target_semaphore(%run_scoped3A : memref<!tpu.dma_semaphore, #tpu.memory_space<semaphore_mem>>)
      %dma_wait3A = arith.constant 0 : i32
      %dma_wait3A_76 = tpu.memref_slice %arg9[%add3A_23, %dma_wait3A] : memref<10000x128xf32, #tpu.memory_space<vmem_shared>> -> memref<80x128xf32, #tpu.memory_space<vmem_shared>>
      %dma_wait3A_77 = arith.constant 0 : i32
      %dma_wait3A_78 = tpu.memref_slice %arg9[%add3A_23, %dma_wait3A_77] : memref<10000x128xf32, #tpu.memory_space<vmem_shared>> -> memref<80x128xf32, #tpu.memory_space<vmem_shared>>
      tpu.wait_dma2 semaphore(%run_scoped3A : memref<!tpu.dma_semaphore, #tpu.memory_space<semaphore_mem>>) src(%arg8 : memref<80x128xf32, #tpu.memory_space<vmem>>) dst(%dma_wait3A_78 : memref<80x128xf32, #tpu.memory_space<vmem_shared>>)
      tpu.yield
    }) : () -> ()
    %add3A_24 = arith.constant 560 : i32
    %add3A_25 = arith.addi %multiple_of3A, %add3A_24 : i32
    "tpu.region"() ({
      %run_scoped3A = tpu.sem_alloc : memref<!tpu.dma_semaphore, #tpu.memory_space<semaphore_mem>>
      %dma_start3A = arith.constant 0 : i32
      %dma_start3A_73 = arith.constant 0 : i32
      %dma_start3A_74 = tpu.memref_slice %arg8[%dma_start3A, %dma_start3A_73] : memref<80x128xf32, #tpu.memory_space<vmem>> -> memref<64x128xf32, #tpu.memory_space<vmem>>
      %dma_start3A_75 = arith.constant 0 : i32
      %dma_start3A_76 = tpu.memref_slice %arg9[%add3A_25, %dma_start3A_75] : memref<10000x128xf32, #tpu.memory_space<vmem_shared>> -> memref<64x128xf32, #tpu.memory_space<vmem_shared>>
      %dma_start3A_77 = arith.constant 0 : i32
      %dma_start3A_78 = tpu.memref_slice %arg9[%add3A_25, %dma_start3A_77] : memref<10000x128xf32, #tpu.memory_space<vmem_shared>> -> memref<64x128xf32, #tpu.memory_space<vmem_shared>>
      %dma_start3A_79 = arith.constant 0 : i32
      %dma_start3A_80 = arith.constant 0 : i32
      %dma_start3A_81 = tpu.memref_slice %arg8[%dma_start3A_79, %dma_start3A_80] : memref<80x128xf32, #tpu.memory_space<vmem>> -> memref<64x128xf32, #tpu.memory_space<vmem>>
      tpu.enqueue_dma source(%dma_start3A_81 : memref<64x128xf32, #tpu.memory_space<vmem>>) target(%dma_start3A_78 : memref<64x128xf32, #tpu.memory_space<vmem_shared>>) target_semaphore(%run_scoped3A : memref<!tpu.dma_semaphore, #tpu.memory_space<semaphore_mem>>)
      %dma_wait3A = arith.constant 0 : i32
      %dma_wait3A_82 = arith.constant 0 : i32
      %dma_wait3A_83 = tpu.memref_slice %arg8[%dma_wait3A, %dma_wait3A_82] : memref<80x128xf32, #tpu.memory_space<vmem>> -> memref<64x128xf32, #tpu.memory_space<vmem>>
      %dma_wait3A_84 = arith.constant 0 : i32
      %dma_wait3A_85 = tpu.memref_slice %arg9[%add3A_25, %dma_wait3A_84] : memref<10000x128xf32, #tpu.memory_space<vmem_shared>> -> memref<64x128xf32, #tpu.memory_space<vmem_shared>>
      %dma_wait3A_86 = arith.constant 0 : i32
      %dma_wait3A_87 = tpu.memref_slice %arg9[%add3A_25, %dma_wait3A_86] : memref<10000x128xf32, #tpu.memory_space<vmem_shared>> -> memref<64x128xf32, #tpu.memory_space<vmem_shared>>
      %dma_wait3A_88 = arith.constant 0 : i32
      %dma_wait3A_89 = arith.constant 0 : i32
      %dma_wait3A_90 = tpu.memref_slice %arg8[%dma_wait3A_88, %dma_wait3A_89] : memref<80x128xf32, #tpu.memory_space<vmem>> -> memref<64x128xf32, #tpu.memory_space<vmem>>
      tpu.wait_dma2 semaphore(%run_scoped3A : memref<!tpu.dma_semaphore, #tpu.memory_space<semaphore_mem>>) src(%dma_wait3A_90 : memref<64x128xf32, #tpu.memory_space<vmem>>) dst(%dma_wait3A_87 : memref<64x128xf32, #tpu.memory_space<vmem_shared>>)
      tpu.yield
    }) : () -> ()
    %eq3A = arith.constant 15 : i32
    %eq3A_26 = arith.cmpi eq, %arg1, %eq3A : i32
    %convert_element_type3A = arith.extui %eq3A_26 : i1 to i32
    %cond3A = arith.constant 0 : i32
    %cond3A_27 = arith.cmpi ne, %convert_element_type3A, %cond3A : i32
    scf.if %cond3A_27 {
      "tpu.region"() ({
        %run_scoped3A = tpu.sem_alloc : memref<!tpu.dma_semaphore, #tpu.memory_space<semaphore_mem>>
        %dma_start3A = arith.constant 0 : i32
        %dma_start3A_73 = arith.constant 0 : i32
        %dma_start3A_74 = tpu.memref_slice %arg8[%dma_start3A, %dma_start3A_73] : memref<80x128xf32, #tpu.memory_space<vmem>> -> memref<16x128xf32, #tpu.memory_space<vmem>>
        %dma_start3A_75 = arith.constant 9984 : i32
        %dma_start3A_76 = arith.constant 0 : i32
        %dma_start3A_77 = tpu.memref_slice %arg9[%dma_start3A_75, %dma_start3A_76] : memref<10000x128xf32, #tpu.memory_space<vmem_shared>> -> memref<16x128xf32, #tpu.memory_space<vmem_shared>>
        %dma_start3A_78 = arith.constant 9984 : i32
        %dma_start3A_79 = arith.constant 0 : i32
        %dma_start3A_80 = tpu.memref_slice %arg9[%dma_start3A_78, %dma_start3A_79] : memref<10000x128xf32, #tpu.memory_space<vmem_shared>> -> memref<16x128xf32, #tpu.memory_space<vmem_shared>>
        %dma_start3A_81 = arith.constant 0 : i32
        %dma_start3A_82 = arith.constant 0 : i32
        %dma_start3A_83 = tpu.memref_slice %arg8[%dma_start3A_81, %dma_start3A_82] : memref<80x128xf32, #tpu.memory_space<vmem>> -> memref<16x128xf32, #tpu.memory_space<vmem>>
        tpu.enqueue_dma source(%dma_start3A_83 : memref<16x128xf32, #tpu.memory_space<vmem>>) target(%dma_start3A_80 : memref<16x128xf32, #tpu.memory_space<vmem_shared>>) target_semaphore(%run_scoped3A : memref<!tpu.dma_semaphore, #tpu.memory_space<semaphore_mem>>)
        %dma_wait3A = arith.constant 0 : i32
        %dma_wait3A_84 = arith.constant 0 : i32
        %dma_wait3A_85 = tpu.memref_slice %arg8[%dma_wait3A, %dma_wait3A_84] : memref<80x128xf32, #tpu.memory_space<vmem>> -> memref<16x128xf32, #tpu.memory_space<vmem>>
        %dma_wait3A_86 = arith.constant 9984 : i32
        %dma_wait3A_87 = arith.constant 0 : i32
        %dma_wait3A_88 = tpu.memref_slice %arg9[%dma_wait3A_86, %dma_wait3A_87] : memref<10000x128xf32, #tpu.memory_space<vmem_shared>> -> memref<16x128xf32, #tpu.memory_space<vmem_shared>>
        %dma_wait3A_89 = arith.constant 9984 : i32
        %dma_wait3A_90 = arith.constant 0 : i32
        %dma_wait3A_91 = tpu.memref_slice %arg9[%dma_wait3A_89, %dma_wait3A_90] : memref<10000x128xf32, #tpu.memory_space<vmem_shared>> -> memref<16x128xf32, #tpu.memory_space<vmem_shared>>
        %dma_wait3A_92 = arith.constant 0 : i32
        %dma_wait3A_93 = arith.constant 0 : i32
        %dma_wait3A_94 = tpu.memref_slice %arg8[%dma_wait3A_92, %dma_wait3A_93] : memref<80x128xf32, #tpu.memory_space<vmem>> -> memref<16x128xf32, #tpu.memory_space<vmem>>
        tpu.wait_dma2 semaphore(%run_scoped3A : memref<!tpu.dma_semaphore, #tpu.memory_space<semaphore_mem>>) src(%dma_wait3A_94 : memref<16x128xf32, #tpu.memory_space<vmem>>) dst(%dma_wait3A_91 : memref<16x128xf32, #tpu.memory_space<vmem_shared>>)
        tpu.yield
      }) : () -> ()
    } else {
    }
    %barrier3A = arith.constant 0 : index
    tpu.barrier barrier_id(%barrier3A)
    %scan3A_28 = arith.constant 0 : i32
    %scan3A_29 = arith.constant 0 : i32
    %scan3A_30 = arith.constant 25 : i32
    %scan3A_31 = arith.addi %scan3A_29, %scan3A_30 : i32
    %scan3A_32 = arith.constant 1 : i32
    %scan3A_33 = scf.for %scan3A_73 = %scan3A_29 to %scan3A_31 step %scan3A_32 iter_args(%scan3A_74 = %scan3A_28) -> (i32)  : i32 {
      "tpu.region"() ({
        %run_scoped3A_148 = tpu.sem_alloc : memref<!tpu.dma_semaphore, #tpu.memory_space<semaphore_mem>>
        %dma_start3A_149 = arith.constant 0 : i32
        %dma_start3A_150 = arith.constant 0 : i32
        %dma_start3A_151 = tpu.memref_slice %arg3[%add3A, %scan3A_73, %dma_start3A_149, %dma_start3A_150] : memref<32x25x5x80xi32, #tpu.memory_space<hbm>> -> memref<1x1x5x80xi32, #tpu.memory_space<hbm>>
        %dma_start3A_152 = tpu.memref_squeeze %dma_start3A_151 : memref<1x1x5x80xi32, #tpu.memory_space<hbm>> -> memref<5x80xi32, #tpu.memory_space<hbm>>
        %dma_start3A_153 = arith.constant 0 : i32
        %dma_start3A_154 = arith.constant 0 : i32
        %dma_start3A_155 = tpu.memref_slice %arg3[%add3A, %scan3A_73, %dma_start3A_153, %dma_start3A_154] : memref<32x25x5x80xi32, #tpu.memory_space<hbm>> -> memref<1x1x5x80xi32, #tpu.memory_space<hbm>>
        %dma_start3A_156 = tpu.memref_squeeze %dma_start3A_155 : memref<1x1x5x80xi32, #tpu.memory_space<hbm>> -> memref<5x80xi32, #tpu.memory_space<hbm>>
        tpu.enqueue_dma source(%dma_start3A_156 : memref<5x80xi32, #tpu.memory_space<hbm>>) target(%arg6 : memref<5x80xi32, #tpu.memory_space<vmem>>) target_semaphore(%run_scoped3A_148 : memref<!tpu.dma_semaphore, #tpu.memory_space<semaphore_mem>>)
        %dma_wait3A_157 = arith.constant 0 : i32
        %dma_wait3A_158 = arith.constant 0 : i32
        %dma_wait3A_159 = tpu.memref_slice %arg3[%add3A, %scan3A_73, %dma_wait3A_157, %dma_wait3A_158] : memref<32x25x5x80xi32, #tpu.memory_space<hbm>> -> memref<1x1x5x80xi32, #tpu.memory_space<hbm>>
        %dma_wait3A_160 = tpu.memref_squeeze %dma_wait3A_159 : memref<1x1x5x80xi32, #tpu.memory_space<hbm>> -> memref<5x80xi32, #tpu.memory_space<hbm>>
        %dma_wait3A_161 = arith.constant 0 : i32
        %dma_wait3A_162 = arith.constant 0 : i32
        %dma_wait3A_163 = tpu.memref_slice %arg3[%add3A, %scan3A_73, %dma_wait3A_161, %dma_wait3A_162] : memref<32x25x5x80xi32, #tpu.memory_space<hbm>> -> memref<1x1x5x80xi32, #tpu.memory_space<hbm>>
        %dma_wait3A_164 = tpu.memref_squeeze %dma_wait3A_163 : memref<1x1x5x80xi32, #tpu.memory_space<hbm>> -> memref<5x80xi32, #tpu.memory_space<hbm>>
        tpu.wait_dma2 semaphore(%run_scoped3A_148 : memref<!tpu.dma_semaphore, #tpu.memory_space<semaphore_mem>>) src(%dma_wait3A_164 : memref<5x80xi32, #tpu.memory_space<hbm>>) dst(%arg6 : memref<5x80xi32, #tpu.memory_space<vmem>>)
        tpu.yield
      }) : () -> ()
      "tpu.region"() ({
        %run_scoped3A_148 = tpu.sem_alloc : memref<!tpu.dma_semaphore, #tpu.memory_space<semaphore_mem>>
        %dma_start3A_149 = arith.constant 0 : i32
        %dma_start3A_150 = arith.constant 0 : i32
        %dma_start3A_151 = tpu.memref_slice %arg4[%add3A, %scan3A_73, %dma_start3A_149, %dma_start3A_150] : memref<32x25x5x80xi32, #tpu.memory_space<hbm>> -> memref<1x1x5x80xi32, #tpu.memory_space<hbm>>
        %dma_start3A_152 = tpu.memref_squeeze %dma_start3A_151 : memref<1x1x5x80xi32, #tpu.memory_space<hbm>> -> memref<5x80xi32, #tpu.memory_space<hbm>>
        %dma_start3A_153 = arith.constant 0 : i32
        %dma_start3A_154 = arith.constant 0 : i32
        %dma_start3A_155 = tpu.memref_slice %arg4[%add3A, %scan3A_73, %dma_start3A_153, %dma_start3A_154] : memref<32x25x5x80xi32, #tpu.memory_space<hbm>> -> memref<1x1x5x80xi32, #tpu.memory_space<hbm>>
        %dma_start3A_156 = tpu.memref_squeeze %dma_start3A_155 : memref<1x1x5x80xi32, #tpu.memory_space<hbm>> -> memref<5x80xi32, #tpu.memory_space<hbm>>
        tpu.enqueue_dma source(%dma_start3A_156 : memref<5x80xi32, #tpu.memory_space<hbm>>) target(%arg7 : memref<5x80xi32, #tpu.memory_space<vmem>>) target_semaphore(%run_scoped3A_148 : memref<!tpu.dma_semaphore, #tpu.memory_space<semaphore_mem>>)
        %dma_wait3A_157 = arith.constant 0 : i32
        %dma_wait3A_158 = arith.constant 0 : i32
        %dma_wait3A_159 = tpu.memref_slice %arg4[%add3A, %scan3A_73, %dma_wait3A_157, %dma_wait3A_158] : memref<32x25x5x80xi32, #tpu.memory_space<hbm>> -> memref<1x1x5x80xi32, #tpu.memory_space<hbm>>
        %dma_wait3A_160 = tpu.memref_squeeze %dma_wait3A_159 : memref<1x1x5x80xi32, #tpu.memory_space<hbm>> -> memref<5x80xi32, #tpu.memory_space<hbm>>
        %dma_wait3A_161 = arith.constant 0 : i32
        %dma_wait3A_162 = arith.constant 0 : i32
        %dma_wait3A_163 = tpu.memref_slice %arg4[%add3A, %scan3A_73, %dma_wait3A_161, %dma_wait3A_162] : memref<32x25x5x80xi32, #tpu.memory_space<hbm>> -> memref<1x1x5x80xi32, #tpu.memory_space<hbm>>
        %dma_wait3A_164 = tpu.memref_squeeze %dma_wait3A_163 : memref<1x1x5x80xi32, #tpu.memory_space<hbm>> -> memref<5x80xi32, #tpu.memory_space<hbm>>
        tpu.wait_dma2 semaphore(%run_scoped3A_148 : memref<!tpu.dma_semaphore, #tpu.memory_space<semaphore_mem>>) src(%dma_wait3A_164 : memref<5x80xi32, #tpu.memory_space<hbm>>) dst(%arg7 : memref<5x80xi32, #tpu.memory_space<vmem>>)
        tpu.yield
      }) : () -> ()
      %dma_start3A = arith.constant 0 : i32
      %dma_start3A_75 = arith.constant 0 : i32
      %dma_start3A_76 = tpu.memref_slice %arg6[%dma_start3A, %dma_start3A_75] : memref<5x80xi32, #tpu.memory_space<vmem>> -> memref<1x80xi32, #tpu.memory_space<vmem>>
      %dma_start3A_77 = tpu.memref_squeeze %dma_start3A_76 : memref<1x80xi32, #tpu.memory_space<vmem>> -> memref<80xi32, #tpu.memory_space<vmem>>
      %dma_start3A_78 = arith.constant 0 : i32
      %dma_start3A_79 = arith.constant 0 : i32
      %dma_start3A_80 = tpu.memref_slice %arg2[%dma_start3A_78, %dma_start3A_79] : memref<10000x128xf32, #tpu.memory_space<hbm>> -> memref<10000x128xf32, #tpu.memory_space<hbm>>
      tpu.enqueue_indirect_dma source(%dma_start3A_80 : memref<10000x128xf32, #tpu.memory_space<hbm>>) target(%arg8 : memref<80x128xf32, #tpu.memory_space<vmem>>) offsets(%dma_start3A_77 : memref<80xi32, #tpu.memory_space<vmem>>) semaphore(%arg10 : memref<!tpu.dma_semaphore, #tpu.memory_space<semaphore_mem>>)
      %dma_wait3A = arith.constant 0 : i32
      %dma_wait3A_81 = arith.constant 0 : i32
      %dma_wait3A_82 = tpu.memref_slice %arg6[%dma_wait3A, %dma_wait3A_81] : memref<5x80xi32, #tpu.memory_space<vmem>> -> memref<1x80xi32, #tpu.memory_space<vmem>>
      %dma_wait3A_83 = tpu.memref_squeeze %dma_wait3A_82 : memref<1x80xi32, #tpu.memory_space<vmem>> -> memref<80xi32, #tpu.memory_space<vmem>>
      %dma_wait3A_84 = arith.constant 0 : i32
      %dma_wait3A_85 = arith.constant 0 : i32
      %dma_wait3A_86 = tpu.memref_slice %arg2[%dma_wait3A_84, %dma_wait3A_85] : memref<10000x128xf32, #tpu.memory_space<hbm>> -> memref<10000x128xf32, #tpu.memory_space<hbm>>
      tpu.wait_indirect_dma semaphore(%arg10 : memref<!tpu.dma_semaphore, #tpu.memory_space<semaphore_mem>>) src(%dma_wait3A_86 : memref<10000x128xf32, #tpu.memory_space<hbm>>) dst(%arg8 : memref<80x128xf32, #tpu.memory_space<vmem>>)
      %run_scoped3A = arith.constant 0 : i32
      "tpu.region"() ({
        %run_scoped3A_148 = tpu.sem_alloc : memref<!tpu.dma_semaphore, #tpu.memory_space<semaphore_mem>>
        %dma_start3A_149 = arith.constant 0 : i32
        %dma_start3A_150 = tpu.memref_slice %arg7[%run_scoped3A, %dma_start3A_149] : memref<5x80xi32, #tpu.memory_space<vmem>> -> memref<1x80xi32, #tpu.memory_space<vmem>>
        %dma_start3A_151 = tpu.memref_squeeze %dma_start3A_150 : memref<1x80xi32, #tpu.memory_space<vmem>> -> memref<80xi32, #tpu.memory_space<vmem>>
        %dma_start3A_152 = arith.constant 0 : i32
        %dma_start3A_153 = arith.constant 0 : i32
        %dma_start3A_154 = tpu.memref_slice %arg9[%dma_start3A_152, %dma_start3A_153] : memref<10000x128xf32, #tpu.memory_space<vmem_shared>> -> memref<10000x128xf32, #tpu.memory_space<vmem_shared>>
        tpu.enqueue_indirect_dma source(%arg8 : memref<80x128xf32, #tpu.memory_space<vmem>>) target(%dma_start3A_154 : memref<10000x128xf32, #tpu.memory_space<vmem_shared>>) offsets(%dma_start3A_151 : memref<80xi32, #tpu.memory_space<vmem>>) semaphore(%run_scoped3A_148 : memref<!tpu.dma_semaphore, #tpu.memory_space<semaphore_mem>>) {add = true}
        %dma_wait3A_155 = arith.constant 0 : i32
        %dma_wait3A_156 = tpu.memref_slice %arg7[%run_scoped3A, %dma_wait3A_155] : memref<5x80xi32, #tpu.memory_space<vmem>> -> memref<1x80xi32, #tpu.memory_space<vmem>>
        %dma_wait3A_157 = tpu.memref_squeeze %dma_wait3A_156 : memref<1x80xi32, #tpu.memory_space<vmem>> -> memref<80xi32, #tpu.memory_space<vmem>>
        %dma_wait3A_158 = arith.constant 0 : i32
        %dma_wait3A_159 = arith.constant 0 : i32
        %dma_wait3A_160 = tpu.memref_slice %arg9[%dma_wait3A_158, %dma_wait3A_159] : memref<10000x128xf32, #tpu.memory_space<vmem_shared>> -> memref<10000x128xf32, #tpu.memory_space<vmem_shared>>
        tpu.wait_indirect_dma semaphore(%run_scoped3A_148 : memref<!tpu.dma_semaphore, #tpu.memory_space<semaphore_mem>>) src(%arg8 : memref<80x128xf32, #tpu.memory_space<vmem>>) dst(%dma_wait3A_160 : memref<10000x128xf32, #tpu.memory_space<vmem_shared>>)
        tpu.yield
      }) : () -> ()
      %dma_start3A_87 = arith.constant 1 : i32
      %dma_start3A_88 = arith.constant 0 : i32
      %dma_start3A_89 = tpu.memref_slice %arg6[%dma_start3A_87, %dma_start3A_88] : memref<5x80xi32, #tpu.memory_space<vmem>> -> memref<1x80xi32, #tpu.memory_space<vmem>>
      %dma_start3A_90 = tpu.memref_squeeze %dma_start3A_89 : memref<1x80xi32, #tpu.memory_space<vmem>> -> memref<80xi32, #tpu.memory_space<vmem>>
      %dma_start3A_91 = arith.constant 0 : i32
      %dma_start3A_92 = arith.constant 0 : i32
      %dma_start3A_93 = tpu.memref_slice %arg2[%dma_start3A_91, %dma_start3A_92] : memref<10000x128xf32, #tpu.memory_space<hbm>> -> memref<10000x128xf32, #tpu.memory_space<hbm>>
      tpu.enqueue_indirect_dma source(%dma_start3A_93 : memref<10000x128xf32, #tpu.memory_space<hbm>>) target(%arg8 : memref<80x128xf32, #tpu.memory_space<vmem>>) offsets(%dma_start3A_90 : memref<80xi32, #tpu.memory_space<vmem>>) semaphore(%arg10 : memref<!tpu.dma_semaphore, #tpu.memory_space<semaphore_mem>>)
      %dma_wait3A_94 = arith.constant 1 : i32
      %dma_wait3A_95 = arith.constant 0 : i32
      %dma_wait3A_96 = tpu.memref_slice %arg6[%dma_wait3A_94, %dma_wait3A_95] : memref<5x80xi32, #tpu.memory_space<vmem>> -> memref<1x80xi32, #tpu.memory_space<vmem>>
      %dma_wait3A_97 = tpu.memref_squeeze %dma_wait3A_96 : memref<1x80xi32, #tpu.memory_space<vmem>> -> memref<80xi32, #tpu.memory_space<vmem>>
      %dma_wait3A_98 = arith.constant 0 : i32
      %dma_wait3A_99 = arith.constant 0 : i32
      %dma_wait3A_100 = tpu.memref_slice %arg2[%dma_wait3A_98, %dma_wait3A_99] : memref<10000x128xf32, #tpu.memory_space<hbm>> -> memref<10000x128xf32, #tpu.memory_space<hbm>>
      tpu.wait_indirect_dma semaphore(%arg10 : memref<!tpu.dma_semaphore, #tpu.memory_space<semaphore_mem>>) src(%dma_wait3A_100 : memref<10000x128xf32, #tpu.memory_space<hbm>>) dst(%arg8 : memref<80x128xf32, #tpu.memory_space<vmem>>)
      %run_scoped3A_101 = arith.constant 1 : i32
      "tpu.region"() ({
        %run_scoped3A_148 = tpu.sem_alloc : memref<!tpu.dma_semaphore, #tpu.memory_space<semaphore_mem>>
        %dma_start3A_149 = arith.constant 0 : i32
        %dma_start3A_150 = tpu.memref_slice %arg7[%run_scoped3A_101, %dma_start3A_149] : memref<5x80xi32, #tpu.memory_space<vmem>> -> memref<1x80xi32, #tpu.memory_space<vmem>>
        %dma_start3A_151 = tpu.memref_squeeze %dma_start3A_150 : memref<1x80xi32, #tpu.memory_space<vmem>> -> memref<80xi32, #tpu.memory_space<vmem>>
        %dma_start3A_152 = arith.constant 0 : i32
        %dma_start3A_153 = arith.constant 0 : i32
        %dma_start3A_154 = tpu.memref_slice %arg9[%dma_start3A_152, %dma_start3A_153] : memref<10000x128xf32, #tpu.memory_space<vmem_shared>> -> memref<10000x128xf32, #tpu.memory_space<vmem_shared>>
        tpu.enqueue_indirect_dma source(%arg8 : memref<80x128xf32, #tpu.memory_space<vmem>>) target(%dma_start3A_154 : memref<10000x128xf32, #tpu.memory_space<vmem_shared>>) offsets(%dma_start3A_151 : memref<80xi32, #tpu.memory_space<vmem>>) semaphore(%run_scoped3A_148 : memref<!tpu.dma_semaphore, #tpu.memory_space<semaphore_mem>>) {add = true}
        %dma_wait3A_155 = arith.constant 0 : i32
        %dma_wait3A_156 = tpu.memref_slice %arg7[%run_scoped3A_101, %dma_wait3A_155] : memref<5x80xi32, #tpu.memory_space<vmem>> -> memref<1x80xi32, #tpu.memory_space<vmem>>
        %dma_wait3A_157 = tpu.memref_squeeze %dma_wait3A_156 : memref<1x80xi32, #tpu.memory_space<vmem>> -> memref<80xi32, #tpu.memory_space<vmem>>
        %dma_wait3A_158 = arith.constant 0 : i32
        %dma_wait3A_159 = arith.constant 0 : i32
        %dma_wait3A_160 = tpu.memref_slice %arg9[%dma_wait3A_158, %dma_wait3A_159] : memref<10000x128xf32, #tpu.memory_space<vmem_shared>> -> memref<10000x128xf32, #tpu.memory_space<vmem_shared>>
        tpu.wait_indirect_dma semaphore(%run_scoped3A_148 : memref<!tpu.dma_semaphore, #tpu.memory_space<semaphore_mem>>) src(%arg8 : memref<80x128xf32, #tpu.memory_space<vmem>>) dst(%dma_wait3A_160 : memref<10000x128xf32, #tpu.memory_space<vmem_shared>>)
        tpu.yield
      }) : () -> ()
      %dma_start3A_102 = arith.constant 2 : i32
      %dma_start3A_103 = arith.constant 0 : i32
      %dma_start3A_104 = tpu.memref_slice %arg6[%dma_start3A_102, %dma_start3A_103] : memref<5x80xi32, #tpu.memory_space<vmem>> -> memref<1x80xi32, #tpu.memory_space<vmem>>
      %dma_start3A_105 = tpu.memref_squeeze %dma_start3A_104 : memref<1x80xi32, #tpu.memory_space<vmem>> -> memref<80xi32, #tpu.memory_space<vmem>>
      %dma_start3A_106 = arith.constant 0 : i32
      %dma_start3A_107 = arith.constant 0 : i32
      %dma_start3A_108 = tpu.memref_slice %arg2[%dma_start3A_106, %dma_start3A_107] : memref<10000x128xf32, #tpu.memory_space<hbm>> -> memref<10000x128xf32, #tpu.memory_space<hbm>>
      tpu.enqueue_indirect_dma source(%dma_start3A_108 : memref<10000x128xf32, #tpu.memory_space<hbm>>) target(%arg8 : memref<80x128xf32, #tpu.memory_space<vmem>>) offsets(%dma_start3A_105 : memref<80xi32, #tpu.memory_space<vmem>>) semaphore(%arg10 : memref<!tpu.dma_semaphore, #tpu.memory_space<semaphore_mem>>)
      %dma_wait3A_109 = arith.constant 2 : i32
      %dma_wait3A_110 = arith.constant 0 : i32
      %dma_wait3A_111 = tpu.memref_slice %arg6[%dma_wait3A_109, %dma_wait3A_110] : memref<5x80xi32, #tpu.memory_space<vmem>> -> memref<1x80xi32, #tpu.memory_space<vmem>>
      %dma_wait3A_112 = tpu.memref_squeeze %dma_wait3A_111 : memref<1x80xi32, #tpu.memory_space<vmem>> -> memref<80xi32, #tpu.memory_space<vmem>>
      %dma_wait3A_113 = arith.constant 0 : i32
      %dma_wait3A_114 = arith.constant 0 : i32
      %dma_wait3A_115 = tpu.memref_slice %arg2[%dma_wait3A_113, %dma_wait3A_114] : memref<10000x128xf32, #tpu.memory_space<hbm>> -> memref<10000x128xf32, #tpu.memory_space<hbm>>
      tpu.wait_indirect_dma semaphore(%arg10 : memref<!tpu.dma_semaphore, #tpu.memory_space<semaphore_mem>>) src(%dma_wait3A_115 : memref<10000x128xf32, #tpu.memory_space<hbm>>) dst(%arg8 : memref<80x128xf32, #tpu.memory_space<vmem>>)
      %run_scoped3A_116 = arith.constant 2 : i32
      "tpu.region"() ({
        %run_scoped3A_148 = tpu.sem_alloc : memref<!tpu.dma_semaphore, #tpu.memory_space<semaphore_mem>>
        %dma_start3A_149 = arith.constant 0 : i32
        %dma_start3A_150 = tpu.memref_slice %arg7[%run_scoped3A_116, %dma_start3A_149] : memref<5x80xi32, #tpu.memory_space<vmem>> -> memref<1x80xi32, #tpu.memory_space<vmem>>
        %dma_start3A_151 = tpu.memref_squeeze %dma_start3A_150 : memref<1x80xi32, #tpu.memory_space<vmem>> -> memref<80xi32, #tpu.memory_space<vmem>>
        %dma_start3A_152 = arith.constant 0 : i32
        %dma_start3A_153 = arith.constant 0 : i32
        %dma_start3A_154 = tpu.memref_slice %arg9[%dma_start3A_152, %dma_start3A_153] : memref<10000x128xf32, #tpu.memory_space<vmem_shared>> -> memref<10000x128xf32, #tpu.memory_space<vmem_shared>>
        tpu.enqueue_indirect_dma source(%arg8 : memref<80x128xf32, #tpu.memory_space<vmem>>) target(%dma_start3A_154 : memref<10000x128xf32, #tpu.memory_space<vmem_shared>>) offsets(%dma_start3A_151 : memref<80xi32, #tpu.memory_space<vmem>>) semaphore(%run_scoped3A_148 : memref<!tpu.dma_semaphore, #tpu.memory_space<semaphore_mem>>) {add = true}
        %dma_wait3A_155 = arith.constant 0 : i32
        %dma_wait3A_156 = tpu.memref_slice %arg7[%run_scoped3A_116, %dma_wait3A_155] : memref<5x80xi32, #tpu.memory_space<vmem>> -> memref<1x80xi32, #tpu.memory_space<vmem>>
        %dma_wait3A_157 = tpu.memref_squeeze %dma_wait3A_156 : memref<1x80xi32, #tpu.memory_space<vmem>> -> memref<80xi32, #tpu.memory_space<vmem>>
        %dma_wait3A_158 = arith.constant 0 : i32
        %dma_wait3A_159 = arith.constant 0 : i32
        %dma_wait3A_160 = tpu.memref_slice %arg9[%dma_wait3A_158, %dma_wait3A_159] : memref<10000x128xf32, #tpu.memory_space<vmem_shared>> -> memref<10000x128xf32, #tpu.memory_space<vmem_shared>>
        tpu.wait_indirect_dma semaphore(%run_scoped3A_148 : memref<!tpu.dma_semaphore, #tpu.memory_space<semaphore_mem>>) src(%arg8 : memref<80x128xf32, #tpu.memory_space<vmem>>) dst(%dma_wait3A_160 : memref<10000x128xf32, #tpu.memory_space<vmem_shared>>)
        tpu.yield
      }) : () -> ()
      %dma_start3A_117 = arith.constant 3 : i32
      %dma_start3A_118 = arith.constant 0 : i32
      %dma_start3A_119 = tpu.memref_slice %arg6[%dma_start3A_117, %dma_start3A_118] : memref<5x80xi32, #tpu.memory_space<vmem>> -> memref<1x80xi32, #tpu.memory_space<vmem>>
      %dma_start3A_120 = tpu.memref_squeeze %dma_start3A_119 : memref<1x80xi32, #tpu.memory_space<vmem>> -> memref<80xi32, #tpu.memory_space<vmem>>
      %dma_start3A_121 = arith.constant 0 : i32
      %dma_start3A_122 = arith.constant 0 : i32
      %dma_start3A_123 = tpu.memref_slice %arg2[%dma_start3A_121, %dma_start3A_122] : memref<10000x128xf32, #tpu.memory_space<hbm>> -> memref<10000x128xf32, #tpu.memory_space<hbm>>
      tpu.enqueue_indirect_dma source(%dma_start3A_123 : memref<10000x128xf32, #tpu.memory_space<hbm>>) target(%arg8 : memref<80x128xf32, #tpu.memory_space<vmem>>) offsets(%dma_start3A_120 : memref<80xi32, #tpu.memory_space<vmem>>) semaphore(%arg10 : memref<!tpu.dma_semaphore, #tpu.memory_space<semaphore_mem>>)
      %dma_wait3A_124 = arith.constant 3 : i32
      %dma_wait3A_125 = arith.constant 0 : i32
      %dma_wait3A_126 = tpu.memref_slice %arg6[%dma_wait3A_124, %dma_wait3A_125] : memref<5x80xi32, #tpu.memory_space<vmem>> -> memref<1x80xi32, #tpu.memory_space<vmem>>
      %dma_wait3A_127 = tpu.memref_squeeze %dma_wait3A_126 : memref<1x80xi32, #tpu.memory_space<vmem>> -> memref<80xi32, #tpu.memory_space<vmem>>
      %dma_wait3A_128 = arith.constant 0 : i32
      %dma_wait3A_129 = arith.constant 0 : i32
      %dma_wait3A_130 = tpu.memref_slice %arg2[%dma_wait3A_128, %dma_wait3A_129] : memref<10000x128xf32, #tpu.memory_space<hbm>> -> memref<10000x128xf32, #tpu.memory_space<hbm>>
      tpu.wait_indirect_dma semaphore(%arg10 : memref<!tpu.dma_semaphore, #tpu.memory_space<semaphore_mem>>) src(%dma_wait3A_130 : memref<10000x128xf32, #tpu.memory_space<hbm>>) dst(%arg8 : memref<80x128xf32, #tpu.memory_space<vmem>>)
      %run_scoped3A_131 = arith.constant 3 : i32
      "tpu.region"() ({
        %run_scoped3A_148 = tpu.sem_alloc : memref<!tpu.dma_semaphore, #tpu.memory_space<semaphore_mem>>
        %dma_start3A_149 = arith.constant 0 : i32
        %dma_start3A_150 = tpu.memref_slice %arg7[%run_scoped3A_131, %dma_start3A_149] : memref<5x80xi32, #tpu.memory_space<vmem>> -> memref<1x80xi32, #tpu.memory_space<vmem>>
        %dma_start3A_151 = tpu.memref_squeeze %dma_start3A_150 : memref<1x80xi32, #tpu.memory_space<vmem>> -> memref<80xi32, #tpu.memory_space<vmem>>
        %dma_start3A_152 = arith.constant 0 : i32
        %dma_start3A_153 = arith.constant 0 : i32
        %dma_start3A_154 = tpu.memref_slice %arg9[%dma_start3A_152, %dma_start3A_153] : memref<10000x128xf32, #tpu.memory_space<vmem_shared>> -> memref<10000x128xf32, #tpu.memory_space<vmem_shared>>
        tpu.enqueue_indirect_dma source(%arg8 : memref<80x128xf32, #tpu.memory_space<vmem>>) target(%dma_start3A_154 : memref<10000x128xf32, #tpu.memory_space<vmem_shared>>) offsets(%dma_start3A_151 : memref<80xi32, #tpu.memory_space<vmem>>) semaphore(%run_scoped3A_148 : memref<!tpu.dma_semaphore, #tpu.memory_space<semaphore_mem>>) {add = true}
        %dma_wait3A_155 = arith.constant 0 : i32
        %dma_wait3A_156 = tpu.memref_slice %arg7[%run_scoped3A_131, %dma_wait3A_155] : memref<5x80xi32, #tpu.memory_space<vmem>> -> memref<1x80xi32, #tpu.memory_space<vmem>>
        %dma_wait3A_157 = tpu.memref_squeeze %dma_wait3A_156 : memref<1x80xi32, #tpu.memory_space<vmem>> -> memref<80xi32, #tpu.memory_space<vmem>>
        %dma_wait3A_158 = arith.constant 0 : i32
        %dma_wait3A_159 = arith.constant 0 : i32
        %dma_wait3A_160 = tpu.memref_slice %arg9[%dma_wait3A_158, %dma_wait3A_159] : memref<10000x128xf32, #tpu.memory_space<vmem_shared>> -> memref<10000x128xf32, #tpu.memory_space<vmem_shared>>
        tpu.wait_indirect_dma semaphore(%run_scoped3A_148 : memref<!tpu.dma_semaphore, #tpu.memory_space<semaphore_mem>>) src(%arg8 : memref<80x128xf32, #tpu.memory_space<vmem>>) dst(%dma_wait3A_160 : memref<10000x128xf32, #tpu.memory_space<vmem_shared>>)
        tpu.yield
      }) : () -> ()
      %dma_start3A_132 = arith.constant 4 : i32
      %dma_start3A_133 = arith.constant 0 : i32
      %dma_start3A_134 = tpu.memref_slice %arg6[%dma_start3A_132, %dma_start3A_133] : memref<5x80xi32, #tpu.memory_space<vmem>> -> memref<1x80xi32, #tpu.memory_space<vmem>>
      %dma_start3A_135 = tpu.memref_squeeze %dma_start3A_134 : memref<1x80xi32, #tpu.memory_space<vmem>> -> memref<80xi32, #tpu.memory_space<vmem>>
      %dma_start3A_136 = arith.constant 0 : i32
      %dma_start3A_137 = arith.constant 0 : i32
      %dma_start3A_138 = tpu.memref_slice %arg2[%dma_start3A_136, %dma_start3A_137] : memref<10000x128xf32, #tpu.memory_space<hbm>> -> memref<10000x128xf32, #tpu.memory_space<hbm>>
      tpu.enqueue_indirect_dma source(%dma_start3A_138 : memref<10000x128xf32, #tpu.memory_space<hbm>>) target(%arg8 : memref<80x128xf32, #tpu.memory_space<vmem>>) offsets(%dma_start3A_135 : memref<80xi32, #tpu.memory_space<vmem>>) semaphore(%arg10 : memref<!tpu.dma_semaphore, #tpu.memory_space<semaphore_mem>>)
      %dma_wait3A_139 = arith.constant 4 : i32
      %dma_wait3A_140 = arith.constant 0 : i32
      %dma_wait3A_141 = tpu.memref_slice %arg6[%dma_wait3A_139, %dma_wait3A_140] : memref<5x80xi32, #tpu.memory_space<vmem>> -> memref<1x80xi32, #tpu.memory_space<vmem>>
      %dma_wait3A_142 = tpu.memref_squeeze %dma_wait3A_141 : memref<1x80xi32, #tpu.memory_space<vmem>> -> memref<80xi32, #tpu.memory_space<vmem>>
      %dma_wait3A_143 = arith.constant 0 : i32
      %dma_wait3A_144 = arith.constant 0 : i32
      %dma_wait3A_145 = tpu.memref_slice %arg2[%dma_wait3A_143, %dma_wait3A_144] : memref<10000x128xf32, #tpu.memory_space<hbm>> -> memref<10000x128xf32, #tpu.memory_space<hbm>>
      tpu.wait_indirect_dma semaphore(%arg10 : memref<!tpu.dma_semaphore, #tpu.memory_space<semaphore_mem>>) src(%dma_wait3A_145 : memref<10000x128xf32, #tpu.memory_space<hbm>>) dst(%arg8 : memref<80x128xf32, #tpu.memory_space<vmem>>)
      %run_scoped3A_146 = arith.constant 4 : i32
      "tpu.region"() ({
        %run_scoped3A_148 = tpu.sem_alloc : memref<!tpu.dma_semaphore, #tpu.memory_space<semaphore_mem>>
        %dma_start3A_149 = arith.constant 0 : i32
        %dma_start3A_150 = tpu.memref_slice %arg7[%run_scoped3A_146, %dma_start3A_149] : memref<5x80xi32, #tpu.memory_space<vmem>> -> memref<1x80xi32, #tpu.memory_space<vmem>>
        %dma_start3A_151 = tpu.memref_squeeze %dma_start3A_150 : memref<1x80xi32, #tpu.memory_space<vmem>> -> memref<80xi32, #tpu.memory_space<vmem>>
        %dma_start3A_152 = arith.constant 0 : i32
        %dma_start3A_153 = arith.constant 0 : i32
        %dma_start3A_154 = tpu.memref_slice %arg9[%dma_start3A_152, %dma_start3A_153] : memref<10000x128xf32, #tpu.memory_space<vmem_shared>> -> memref<10000x128xf32, #tpu.memory_space<vmem_shared>>
        tpu.enqueue_indirect_dma source(%arg8 : memref<80x128xf32, #tpu.memory_space<vmem>>) target(%dma_start3A_154 : memref<10000x128xf32, #tpu.memory_space<vmem_shared>>) offsets(%dma_start3A_151 : memref<80xi32, #tpu.memory_space<vmem>>) semaphore(%run_scoped3A_148 : memref<!tpu.dma_semaphore, #tpu.memory_space<semaphore_mem>>) {add = true}
        %dma_wait3A_155 = arith.constant 0 : i32
        %dma_wait3A_156 = tpu.memref_slice %arg7[%run_scoped3A_146, %dma_wait3A_155] : memref<5x80xi32, #tpu.memory_space<vmem>> -> memref<1x80xi32, #tpu.memory_space<vmem>>
        %dma_wait3A_157 = tpu.memref_squeeze %dma_wait3A_156 : memref<1x80xi32, #tpu.memory_space<vmem>> -> memref<80xi32, #tpu.memory_space<vmem>>
        %dma_wait3A_158 = arith.constant 0 : i32
        %dma_wait3A_159 = arith.constant 0 : i32
        %dma_wait3A_160 = tpu.memref_slice %arg9[%dma_wait3A_158, %dma_wait3A_159] : memref<10000x128xf32, #tpu.memory_space<vmem_shared>> -> memref<10000x128xf32, #tpu.memory_space<vmem_shared>>
        tpu.wait_indirect_dma semaphore(%run_scoped3A_148 : memref<!tpu.dma_semaphore, #tpu.memory_space<semaphore_mem>>) src(%arg8 : memref<80x128xf32, #tpu.memory_space<vmem>>) dst(%dma_wait3A_160 : memref<10000x128xf32, #tpu.memory_space<vmem_shared>>)
        tpu.yield
      }) : () -> ()
      %scan3A_147 = arith.constant 0 : i32
      scf.yield %scan3A_147 : i32
    }
    %scan3A_34 = arith.constant 25 : i32
    %barrier3A_35 = arith.constant 0 : index
    tpu.barrier barrier_id(%barrier3A_35)
    %add3A_36 = arith.constant 0 : i32
    %add3A_37 = arith.addi %multiple_of3A, %add3A_36 : i32
    "tpu.region"() ({
      %run_scoped3A = tpu.sem_alloc : memref<!tpu.dma_semaphore, #tpu.memory_space<semaphore_mem>>
      %dma_start3A = arith.constant 0 : i32
      %dma_start3A_73 = tpu.memref_slice %arg9[%add3A_37, %dma_start3A] : memref<10000x128xf32, #tpu.memory_space<vmem_shared>> -> memref<80x128xf32, #tpu.memory_space<vmem_shared>>
      %dma_start3A_74 = arith.constant 0 : i32
      %dma_start3A_75 = tpu.memref_slice %arg9[%add3A_37, %dma_start3A_74] : memref<10000x128xf32, #tpu.memory_space<vmem_shared>> -> memref<80x128xf32, #tpu.memory_space<vmem_shared>>
      tpu.enqueue_dma source(%dma_start3A_75 : memref<80x128xf32, #tpu.memory_space<vmem_shared>>) target(%arg8 : memref<80x128xf32, #tpu.memory_space<vmem>>) target_semaphore(%run_scoped3A : memref<!tpu.dma_semaphore, #tpu.memory_space<semaphore_mem>>)
      %dma_wait3A = arith.constant 0 : i32
      %dma_wait3A_76 = tpu.memref_slice %arg9[%add3A_37, %dma_wait3A] : memref<10000x128xf32, #tpu.memory_space<vmem_shared>> -> memref<80x128xf32, #tpu.memory_space<vmem_shared>>
      %dma_wait3A_77 = arith.constant 0 : i32
      %dma_wait3A_78 = tpu.memref_slice %arg9[%add3A_37, %dma_wait3A_77] : memref<10000x128xf32, #tpu.memory_space<vmem_shared>> -> memref<80x128xf32, #tpu.memory_space<vmem_shared>>
      tpu.wait_dma2 semaphore(%run_scoped3A : memref<!tpu.dma_semaphore, #tpu.memory_space<semaphore_mem>>) src(%dma_wait3A_78 : memref<80x128xf32, #tpu.memory_space<vmem_shared>>) dst(%arg8 : memref<80x128xf32, #tpu.memory_space<vmem>>)
      tpu.yield
    }) : () -> ()
    %add3A_38 = arith.constant 0 : i32
    %add3A_39 = arith.addi %multiple_of3A, %add3A_38 : i32
    "tpu.region"() ({
      %run_scoped3A = tpu.sem_alloc : memref<!tpu.dma_semaphore, #tpu.memory_space<semaphore_mem>>
      %dma_start3A = arith.constant 0 : i32
      %dma_start3A_73 = arith.constant 0 : i32
      %dma_start3A_74 = tpu.memref_slice %arg5[%arg0, %dma_start3A, %dma_start3A_73] : memref<2x10000x128xf32, #tpu.memory_space<hbm>> -> memref<1x10000x128xf32, #tpu.memory_space<hbm>>
      %dma_start3A_75 = tpu.memref_squeeze %dma_start3A_74 : memref<1x10000x128xf32, #tpu.memory_space<hbm>> -> memref<10000x128xf32, #tpu.memory_space<hbm>>
      %dma_start3A_76 = arith.constant 0 : i32
      %dma_start3A_77 = tpu.memref_slice %dma_start3A_75[%add3A_39, %dma_start3A_76] : memref<10000x128xf32, #tpu.memory_space<hbm>> -> memref<80x128xf32, #tpu.memory_space<hbm>>
      %dma_start3A_78 = arith.constant 0 : i32
      %dma_start3A_79 = arith.constant 0 : i32
      %dma_start3A_80 = tpu.memref_slice %arg5[%arg0, %dma_start3A_78, %dma_start3A_79] : memref<2x10000x128xf32, #tpu.memory_space<hbm>> -> memref<1x10000x128xf32, #tpu.memory_space<hbm>>
      %dma_start3A_81 = tpu.memref_squeeze %dma_start3A_80 : memref<1x10000x128xf32, #tpu.memory_space<hbm>> -> memref<10000x128xf32, #tpu.memory_space<hbm>>
      %dma_start3A_82 = arith.constant 0 : i32
      %dma_start3A_83 = tpu.memref_slice %dma_start3A_81[%add3A_39, %dma_start3A_82] : memref<10000x128xf32, #tpu.memory_space<hbm>> -> memref<80x128xf32, #tpu.memory_space<hbm>>
      tpu.enqueue_dma source(%arg8 : memref<80x128xf32, #tpu.memory_space<vmem>>) target(%dma_start3A_83 : memref<80x128xf32, #tpu.memory_space<hbm>>) target_semaphore(%run_scoped3A : memref<!tpu.dma_semaphore, #tpu.memory_space<semaphore_mem>>)
      %dma_wait3A = arith.constant 0 : i32
      %dma_wait3A_84 = arith.constant 0 : i32
      %dma_wait3A_85 = tpu.memref_slice %arg5[%arg0, %dma_wait3A, %dma_wait3A_84] : memref<2x10000x128xf32, #tpu.memory_space<hbm>> -> memref<1x10000x128xf32, #tpu.memory_space<hbm>>
      %dma_wait3A_86 = tpu.memref_squeeze %dma_wait3A_85 : memref<1x10000x128xf32, #tpu.memory_space<hbm>> -> memref<10000x128xf32, #tpu.memory_space<hbm>>
      %dma_wait3A_87 = arith.constant 0 : i32
      %dma_wait3A_88 = tpu.memref_slice %dma_wait3A_86[%add3A_39, %dma_wait3A_87] : memref<10000x128xf32, #tpu.memory_space<hbm>> -> memref<80x128xf32, #tpu.memory_space<hbm>>
      %dma_wait3A_89 = arith.constant 0 : i32
      %dma_wait3A_90 = arith.constant 0 : i32
      %dma_wait3A_91 = tpu.memref_slice %arg5[%arg0, %dma_wait3A_89, %dma_wait3A_90] : memref<2x10000x128xf32, #tpu.memory_space<hbm>> -> memref<1x10000x128xf32, #tpu.memory_space<hbm>>
      %dma_wait3A_92 = tpu.memref_squeeze %dma_wait3A_91 : memref<1x10000x128xf32, #tpu.memory_space<hbm>> -> memref<10000x128xf32, #tpu.memory_space<hbm>>
      %dma_wait3A_93 = arith.constant 0 : i32
      %dma_wait3A_94 = tpu.memref_slice %dma_wait3A_92[%add3A_39, %dma_wait3A_93] : memref<10000x128xf32, #tpu.memory_space<hbm>> -> memref<80x128xf32, #tpu.memory_space<hbm>>
      tpu.wait_dma2 semaphore(%run_scoped3A : memref<!tpu.dma_semaphore, #tpu.memory_space<semaphore_mem>>) src(%arg8 : memref<80x128xf32, #tpu.memory_space<vmem>>) dst(%dma_wait3A_94 : memref<80x128xf32, #tpu.memory_space<hbm>>)
      tpu.yield
    }) : () -> ()
    %add3A_40 = arith.constant 80 : i32
    %add3A_41 = arith.addi %multiple_of3A, %add3A_40 : i32
    "tpu.region"() ({
      %run_scoped3A = tpu.sem_alloc : memref<!tpu.dma_semaphore, #tpu.memory_space<semaphore_mem>>
      %dma_start3A = arith.constant 0 : i32
      %dma_start3A_73 = tpu.memref_slice %arg9[%add3A_41, %dma_start3A] : memref<10000x128xf32, #tpu.memory_space<vmem_shared>> -> memref<80x128xf32, #tpu.memory_space<vmem_shared>>
      %dma_start3A_74 = arith.constant 0 : i32
      %dma_start3A_75 = tpu.memref_slice %arg9[%add3A_41, %dma_start3A_74] : memref<10000x128xf32, #tpu.memory_space<vmem_shared>> -> memref<80x128xf32, #tpu.memory_space<vmem_shared>>
      tpu.enqueue_dma source(%dma_start3A_75 : memref<80x128xf32, #tpu.memory_space<vmem_shared>>) target(%arg8 : memref<80x128xf32, #tpu.memory_space<vmem>>) target_semaphore(%run_scoped3A : memref<!tpu.dma_semaphore, #tpu.memory_space<semaphore_mem>>)
      %dma_wait3A = arith.constant 0 : i32
      %dma_wait3A_76 = tpu.memref_slice %arg9[%add3A_41, %dma_wait3A] : memref<10000x128xf32, #tpu.memory_space<vmem_shared>> -> memref<80x128xf32, #tpu.memory_space<vmem_shared>>
      %dma_wait3A_77 = arith.constant 0 : i32
      %dma_wait3A_78 = tpu.memref_slice %arg9[%add3A_41, %dma_wait3A_77] : memref<10000x128xf32, #tpu.memory_space<vmem_shared>> -> memref<80x128xf32, #tpu.memory_space<vmem_shared>>
      tpu.wait_dma2 semaphore(%run_scoped3A : memref<!tpu.dma_semaphore, #tpu.memory_space<semaphore_mem>>) src(%dma_wait3A_78 : memref<80x128xf32, #tpu.memory_space<vmem_shared>>) dst(%arg8 : memref<80x128xf32, #tpu.memory_space<vmem>>)
      tpu.yield
    }) : () -> ()
    %add3A_42 = arith.constant 80 : i32
    %add3A_43 = arith.addi %multiple_of3A, %add3A_42 : i32
    "tpu.region"() ({
      %run_scoped3A = tpu.sem_alloc : memref<!tpu.dma_semaphore, #tpu.memory_space<semaphore_mem>>
      %dma_start3A = arith.constant 0 : i32
      %dma_start3A_73 = arith.constant 0 : i32
      %dma_start3A_74 = tpu.memref_slice %arg5[%arg0, %dma_start3A, %dma_start3A_73] : memref<2x10000x128xf32, #tpu.memory_space<hbm>> -> memref<1x10000x128xf32, #tpu.memory_space<hbm>>
      %dma_start3A_75 = tpu.memref_squeeze %dma_start3A_74 : memref<1x10000x128xf32, #tpu.memory_space<hbm>> -> memref<10000x128xf32, #tpu.memory_space<hbm>>
      %dma_start3A_76 = arith.constant 0 : i32
      %dma_start3A_77 = tpu.memref_slice %dma_start3A_75[%add3A_43, %dma_start3A_76] : memref<10000x128xf32, #tpu.memory_space<hbm>> -> memref<80x128xf32, #tpu.memory_space<hbm>>
      %dma_start3A_78 = arith.constant 0 : i32
      %dma_start3A_79 = arith.constant 0 : i32
      %dma_start3A_80 = tpu.memref_slice %arg5[%arg0, %dma_start3A_78, %dma_start3A_79] : memref<2x10000x128xf32, #tpu.memory_space<hbm>> -> memref<1x10000x128xf32, #tpu.memory_space<hbm>>
      %dma_start3A_81 = tpu.memref_squeeze %dma_start3A_80 : memref<1x10000x128xf32, #tpu.memory_space<hbm>> -> memref<10000x128xf32, #tpu.memory_space<hbm>>
      %dma_start3A_82 = arith.constant 0 : i32
      %dma_start3A_83 = tpu.memref_slice %dma_start3A_81[%add3A_43, %dma_start3A_82] : memref<10000x128xf32, #tpu.memory_space<hbm>> -> memref<80x128xf32, #tpu.memory_space<hbm>>
      tpu.enqueue_dma source(%arg8 : memref<80x128xf32, #tpu.memory_space<vmem>>) target(%dma_start3A_83 : memref<80x128xf32, #tpu.memory_space<hbm>>) target_semaphore(%run_scoped3A : memref<!tpu.dma_semaphore, #tpu.memory_space<semaphore_mem>>)
      %dma_wait3A = arith.constant 0 : i32
      %dma_wait3A_84 = arith.constant 0 : i32
      %dma_wait3A_85 = tpu.memref_slice %arg5[%arg0, %dma_wait3A, %dma_wait3A_84] : memref<2x10000x128xf32, #tpu.memory_space<hbm>> -> memref<1x10000x128xf32, #tpu.memory_space<hbm>>
      %dma_wait3A_86 = tpu.memref_squeeze %dma_wait3A_85 : memref<1x10000x128xf32, #tpu.memory_space<hbm>> -> memref<10000x128xf32, #tpu.memory_space<hbm>>
      %dma_wait3A_87 = arith.constant 0 : i32
      %dma_wait3A_88 = tpu.memref_slice %dma_wait3A_86[%add3A_43, %dma_wait3A_87] : memref<10000x128xf32, #tpu.memory_space<hbm>> -> memref<80x128xf32, #tpu.memory_space<hbm>>
      %dma_wait3A_89 = arith.constant 0 : i32
      %dma_wait3A_90 = arith.constant 0 : i32
      %dma_wait3A_91 = tpu.memref_slice %arg5[%arg0, %dma_wait3A_89, %dma_wait3A_90] : memref<2x10000x128xf32, #tpu.memory_space<hbm>> -> memref<1x10000x128xf32, #tpu.memory_space<hbm>>
      %dma_wait3A_92 = tpu.memref_squeeze %dma_wait3A_91 : memref<1x10000x128xf32, #tpu.memory_space<hbm>> -> memref<10000x128xf32, #tpu.memory_space<hbm>>
      %dma_wait3A_93 = arith.constant 0 : i32
      %dma_wait3A_94 = tpu.memref_slice %dma_wait3A_92[%add3A_43, %dma_wait3A_93] : memref<10000x128xf32, #tpu.memory_space<hbm>> -> memref<80x128xf32, #tpu.memory_space<hbm>>
      tpu.wait_dma2 semaphore(%run_scoped3A : memref<!tpu.dma_semaphore, #tpu.memory_space<semaphore_mem>>) src(%arg8 : memref<80x128xf32, #tpu.memory_space<vmem>>) dst(%dma_wait3A_94 : memref<80x128xf32, #tpu.memory_space<hbm>>)
      tpu.yield
    }) : () -> ()
    %add3A_44 = arith.constant 160 : i32
    %add3A_45 = arith.addi %multiple_of3A, %add3A_44 : i32
    "tpu.region"() ({
      %run_scoped3A = tpu.sem_alloc : memref<!tpu.dma_semaphore, #tpu.memory_space<semaphore_mem>>
      %dma_start3A = arith.constant 0 : i32
      %dma_start3A_73 = tpu.memref_slice %arg9[%add3A_45, %dma_start3A] : memref<10000x128xf32, #tpu.memory_space<vmem_shared>> -> memref<80x128xf32, #tpu.memory_space<vmem_shared>>
      %dma_start3A_74 = arith.constant 0 : i32
      %dma_start3A_75 = tpu.memref_slice %arg9[%add3A_45, %dma_start3A_74] : memref<10000x128xf32, #tpu.memory_space<vmem_shared>> -> memref<80x128xf32, #tpu.memory_space<vmem_shared>>
      tpu.enqueue_dma source(%dma_start3A_75 : memref<80x128xf32, #tpu.memory_space<vmem_shared>>) target(%arg8 : memref<80x128xf32, #tpu.memory_space<vmem>>) target_semaphore(%run_scoped3A : memref<!tpu.dma_semaphore, #tpu.memory_space<semaphore_mem>>)
      %dma_wait3A = arith.constant 0 : i32
      %dma_wait3A_76 = tpu.memref_slice %arg9[%add3A_45, %dma_wait3A] : memref<10000x128xf32, #tpu.memory_space<vmem_shared>> -> memref<80x128xf32, #tpu.memory_space<vmem_shared>>
      %dma_wait3A_77 = arith.constant 0 : i32
      %dma_wait3A_78 = tpu.memref_slice %arg9[%add3A_45, %dma_wait3A_77] : memref<10000x128xf32, #tpu.memory_space<vmem_shared>> -> memref<80x128xf32, #tpu.memory_space<vmem_shared>>
      tpu.wait_dma2 semaphore(%run_scoped3A : memref<!tpu.dma_semaphore, #tpu.memory_space<semaphore_mem>>) src(%dma_wait3A_78 : memref<80x128xf32, #tpu.memory_space<vmem_shared>>) dst(%arg8 : memref<80x128xf32, #tpu.memory_space<vmem>>)
      tpu.yield
    }) : () -> ()
    %add3A_46 = arith.constant 160 : i32
    %add3A_47 = arith.addi %multiple_of3A, %add3A_46 : i32
    "tpu.region"() ({
      %run_scoped3A = tpu.sem_alloc : memref<!tpu.dma_semaphore, #tpu.memory_space<semaphore_mem>>
      %dma_start3A = arith.constant 0 : i32
      %dma_start3A_73 = arith.constant 0 : i32
      %dma_start3A_74 = tpu.memref_slice %arg5[%arg0, %dma_start3A, %dma_start3A_73] : memref<2x10000x128xf32, #tpu.memory_space<hbm>> -> memref<1x10000x128xf32, #tpu.memory_space<hbm>>
      %dma_start3A_75 = tpu.memref_squeeze %dma_start3A_74 : memref<1x10000x128xf32, #tpu.memory_space<hbm>> -> memref<10000x128xf32, #tpu.memory_space<hbm>>
      %dma_start3A_76 = arith.constant 0 : i32
      %dma_start3A_77 = tpu.memref_slice %dma_start3A_75[%add3A_47, %dma_start3A_76] : memref<10000x128xf32, #tpu.memory_space<hbm>> -> memref<80x128xf32, #tpu.memory_space<hbm>>
      %dma_start3A_78 = arith.constant 0 : i32
      %dma_start3A_79 = arith.constant 0 : i32
      %dma_start3A_80 = tpu.memref_slice %arg5[%arg0, %dma_start3A_78, %dma_start3A_79] : memref<2x10000x128xf32, #tpu.memory_space<hbm>> -> memref<1x10000x128xf32, #tpu.memory_space<hbm>>
      %dma_start3A_81 = tpu.memref_squeeze %dma_start3A_80 : memref<1x10000x128xf32, #tpu.memory_space<hbm>> -> memref<10000x128xf32, #tpu.memory_space<hbm>>
      %dma_start3A_82 = arith.constant 0 : i32
      %dma_start3A_83 = tpu.memref_slice %dma_start3A_81[%add3A_47, %dma_start3A_82] : memref<10000x128xf32, #tpu.memory_space<hbm>> -> memref<80x128xf32, #tpu.memory_space<hbm>>
      tpu.enqueue_dma source(%arg8 : memref<80x128xf32, #tpu.memory_space<vmem>>) target(%dma_start3A_83 : memref<80x128xf32, #tpu.memory_space<hbm>>) target_semaphore(%run_scoped3A : memref<!tpu.dma_semaphore, #tpu.memory_space<semaphore_mem>>)
      %dma_wait3A = arith.constant 0 : i32
      %dma_wait3A_84 = arith.constant 0 : i32
      %dma_wait3A_85 = tpu.memref_slice %arg5[%arg0, %dma_wait3A, %dma_wait3A_84] : memref<2x10000x128xf32, #tpu.memory_space<hbm>> -> memref<1x10000x128xf32, #tpu.memory_space<hbm>>
      %dma_wait3A_86 = tpu.memref_squeeze %dma_wait3A_85 : memref<1x10000x128xf32, #tpu.memory_space<hbm>> -> memref<10000x128xf32, #tpu.memory_space<hbm>>
      %dma_wait3A_87 = arith.constant 0 : i32
      %dma_wait3A_88 = tpu.memref_slice %dma_wait3A_86[%add3A_47, %dma_wait3A_87] : memref<10000x128xf32, #tpu.memory_space<hbm>> -> memref<80x128xf32, #tpu.memory_space<hbm>>
      %dma_wait3A_89 = arith.constant 0 : i32
      %dma_wait3A_90 = arith.constant 0 : i32
      %dma_wait3A_91 = tpu.memref_slice %arg5[%arg0, %dma_wait3A_89, %dma_wait3A_90] : memref<2x10000x128xf32, #tpu.memory_space<hbm>> -> memref<1x10000x128xf32, #tpu.memory_space<hbm>>
      %dma_wait3A_92 = tpu.memref_squeeze %dma_wait3A_91 : memref<1x10000x128xf32, #tpu.memory_space<hbm>> -> memref<10000x128xf32, #tpu.memory_space<hbm>>
      %dma_wait3A_93 = arith.constant 0 : i32
      %dma_wait3A_94 = tpu.memref_slice %dma_wait3A_92[%add3A_47, %dma_wait3A_93] : memref<10000x128xf32, #tpu.memory_space<hbm>> -> memref<80x128xf32, #tpu.memory_space<hbm>>
      tpu.wait_dma2 semaphore(%run_scoped3A : memref<!tpu.dma_semaphore, #tpu.memory_space<semaphore_mem>>) src(%arg8 : memref<80x128xf32, #tpu.memory_space<vmem>>) dst(%dma_wait3A_94 : memref<80x128xf32, #tpu.memory_space<hbm>>)
      tpu.yield
    }) : () -> ()
    %add3A_48 = arith.constant 240 : i32
    %add3A_49 = arith.addi %multiple_of3A, %add3A_48 : i32
    "tpu.region"() ({
      %run_scoped3A = tpu.sem_alloc : memref<!tpu.dma_semaphore, #tpu.memory_space<semaphore_mem>>
      %dma_start3A = arith.constant 0 : i32
      %dma_start3A_73 = tpu.memref_slice %arg9[%add3A_49, %dma_start3A] : memref<10000x128xf32, #tpu.memory_space<vmem_shared>> -> memref<80x128xf32, #tpu.memory_space<vmem_shared>>
      %dma_start3A_74 = arith.constant 0 : i32
      %dma_start3A_75 = tpu.memref_slice %arg9[%add3A_49, %dma_start3A_74] : memref<10000x128xf32, #tpu.memory_space<vmem_shared>> -> memref<80x128xf32, #tpu.memory_space<vmem_shared>>
      tpu.enqueue_dma source(%dma_start3A_75 : memref<80x128xf32, #tpu.memory_space<vmem_shared>>) target(%arg8 : memref<80x128xf32, #tpu.memory_space<vmem>>) target_semaphore(%run_scoped3A : memref<!tpu.dma_semaphore, #tpu.memory_space<semaphore_mem>>)
      %dma_wait3A = arith.constant 0 : i32
      %dma_wait3A_76 = tpu.memref_slice %arg9[%add3A_49, %dma_wait3A] : memref<10000x128xf32, #tpu.memory_space<vmem_shared>> -> memref<80x128xf32, #tpu.memory_space<vmem_shared>>
      %dma_wait3A_77 = arith.constant 0 : i32
      %dma_wait3A_78 = tpu.memref_slice %arg9[%add3A_49, %dma_wait3A_77] : memref<10000x128xf32, #tpu.memory_space<vmem_shared>> -> memref<80x128xf32, #tpu.memory_space<vmem_shared>>
      tpu.wait_dma2 semaphore(%run_scoped3A : memref<!tpu.dma_semaphore, #tpu.memory_space<semaphore_mem>>) src(%dma_wait3A_78 : memref<80x128xf32, #tpu.memory_space<vmem_shared>>) dst(%arg8 : memref<80x128xf32, #tpu.memory_space<vmem>>)
      tpu.yield
    }) : () -> ()
    %add3A_50 = arith.constant 240 : i32
    %add3A_51 = arith.addi %multiple_of3A, %add3A_50 : i32
    "tpu.region"() ({
      %run_scoped3A = tpu.sem_alloc : memref<!tpu.dma_semaphore, #tpu.memory_space<semaphore_mem>>
      %dma_start3A = arith.constant 0 : i32
      %dma_start3A_73 = arith.constant 0 : i32
      %dma_start3A_74 = tpu.memref_slice %arg5[%arg0, %dma_start3A, %dma_start3A_73] : memref<2x10000x128xf32, #tpu.memory_space<hbm>> -> memref<1x10000x128xf32, #tpu.memory_space<hbm>>
      %dma_start3A_75 = tpu.memref_squeeze %dma_start3A_74 : memref<1x10000x128xf32, #tpu.memory_space<hbm>> -> memref<10000x128xf32, #tpu.memory_space<hbm>>
      %dma_start3A_76 = arith.constant 0 : i32
      %dma_start3A_77 = tpu.memref_slice %dma_start3A_75[%add3A_51, %dma_start3A_76] : memref<10000x128xf32, #tpu.memory_space<hbm>> -> memref<80x128xf32, #tpu.memory_space<hbm>>
      %dma_start3A_78 = arith.constant 0 : i32
      %dma_start3A_79 = arith.constant 0 : i32
      %dma_start3A_80 = tpu.memref_slice %arg5[%arg0, %dma_start3A_78, %dma_start3A_79] : memref<2x10000x128xf32, #tpu.memory_space<hbm>> -> memref<1x10000x128xf32, #tpu.memory_space<hbm>>
      %dma_start3A_81 = tpu.memref_squeeze %dma_start3A_80 : memref<1x10000x128xf32, #tpu.memory_space<hbm>> -> memref<10000x128xf32, #tpu.memory_space<hbm>>
      %dma_start3A_82 = arith.constant 0 : i32
      %dma_start3A_83 = tpu.memref_slice %dma_start3A_81[%add3A_51, %dma_start3A_82] : memref<10000x128xf32, #tpu.memory_space<hbm>> -> memref<80x128xf32, #tpu.memory_space<hbm>>
      tpu.enqueue_dma source(%arg8 : memref<80x128xf32, #tpu.memory_space<vmem>>) target(%dma_start3A_83 : memref<80x128xf32, #tpu.memory_space<hbm>>) target_semaphore(%run_scoped3A : memref<!tpu.dma_semaphore, #tpu.memory_space<semaphore_mem>>)
      %dma_wait3A = arith.constant 0 : i32
      %dma_wait3A_84 = arith.constant 0 : i32
      %dma_wait3A_85 = tpu.memref_slice %arg5[%arg0, %dma_wait3A, %dma_wait3A_84] : memref<2x10000x128xf32, #tpu.memory_space<hbm>> -> memref<1x10000x128xf32, #tpu.memory_space<hbm>>
      %dma_wait3A_86 = tpu.memref_squeeze %dma_wait3A_85 : memref<1x10000x128xf32, #tpu.memory_space<hbm>> -> memref<10000x128xf32, #tpu.memory_space<hbm>>
      %dma_wait3A_87 = arith.constant 0 : i32
      %dma_wait3A_88 = tpu.memref_slice %dma_wait3A_86[%add3A_51, %dma_wait3A_87] : memref<10000x128xf32, #tpu.memory_space<hbm>> -> memref<80x128xf32, #tpu.memory_space<hbm>>
      %dma_wait3A_89 = arith.constant 0 : i32
      %dma_wait3A_90 = arith.constant 0 : i32
      %dma_wait3A_91 = tpu.memref_slice %arg5[%arg0, %dma_wait3A_89, %dma_wait3A_90] : memref<2x10000x128xf32, #tpu.memory_space<hbm>> -> memref<1x10000x128xf32, #tpu.memory_space<hbm>>
      %dma_wait3A_92 = tpu.memref_squeeze %dma_wait3A_91 : memref<1x10000x128xf32, #tpu.memory_space<hbm>> -> memref<10000x128xf32, #tpu.memory_space<hbm>>
      %dma_wait3A_93 = arith.constant 0 : i32
      %dma_wait3A_94 = tpu.memref_slice %dma_wait3A_92[%add3A_51, %dma_wait3A_93] : memref<10000x128xf32, #tpu.memory_space<hbm>> -> memref<80x128xf32, #tpu.memory_space<hbm>>
      tpu.wait_dma2 semaphore(%run_scoped3A : memref<!tpu.dma_semaphore, #tpu.memory_space<semaphore_mem>>) src(%arg8 : memref<80x128xf32, #tpu.memory_space<vmem>>) dst(%dma_wait3A_94 : memref<80x128xf32, #tpu.memory_space<hbm>>)
      tpu.yield
    }) : () -> ()
    %add3A_52 = arith.constant 320 : i32
    %add3A_53 = arith.addi %multiple_of3A, %add3A_52 : i32
    "tpu.region"() ({
      %run_scoped3A = tpu.sem_alloc : memref<!tpu.dma_semaphore, #tpu.memory_space<semaphore_mem>>
      %dma_start3A = arith.constant 0 : i32
      %dma_start3A_73 = tpu.memref_slice %arg9[%add3A_53, %dma_start3A] : memref<10000x128xf32, #tpu.memory_space<vmem_shared>> -> memref<80x128xf32, #tpu.memory_space<vmem_shared>>
      %dma_start3A_74 = arith.constant 0 : i32
      %dma_start3A_75 = tpu.memref_slice %arg9[%add3A_53, %dma_start3A_74] : memref<10000x128xf32, #tpu.memory_space<vmem_shared>> -> memref<80x128xf32, #tpu.memory_space<vmem_shared>>
      tpu.enqueue_dma source(%dma_start3A_75 : memref<80x128xf32, #tpu.memory_space<vmem_shared>>) target(%arg8 : memref<80x128xf32, #tpu.memory_space<vmem>>) target_semaphore(%run_scoped3A : memref<!tpu.dma_semaphore, #tpu.memory_space<semaphore_mem>>)
      %dma_wait3A = arith.constant 0 : i32
      %dma_wait3A_76 = tpu.memref_slice %arg9[%add3A_53, %dma_wait3A] : memref<10000x128xf32, #tpu.memory_space<vmem_shared>> -> memref<80x128xf32, #tpu.memory_space<vmem_shared>>
      %dma_wait3A_77 = arith.constant 0 : i32
      %dma_wait3A_78 = tpu.memref_slice %arg9[%add3A_53, %dma_wait3A_77] : memref<10000x128xf32, #tpu.memory_space<vmem_shared>> -> memref<80x128xf32, #tpu.memory_space<vmem_shared>>
      tpu.wait_dma2 semaphore(%run_scoped3A : memref<!tpu.dma_semaphore, #tpu.memory_space<semaphore_mem>>) src(%dma_wait3A_78 : memref<80x128xf32, #tpu.memory_space<vmem_shared>>) dst(%arg8 : memref<80x128xf32, #tpu.memory_space<vmem>>)
      tpu.yield
    }) : () -> ()
    %add3A_54 = arith.constant 320 : i32
    %add3A_55 = arith.addi %multiple_of3A, %add3A_54 : i32
    "tpu.region"() ({
      %run_scoped3A = tpu.sem_alloc : memref<!tpu.dma_semaphore, #tpu.memory_space<semaphore_mem>>
      %dma_start3A = arith.constant 0 : i32
      %dma_start3A_73 = arith.constant 0 : i32
      %dma_start3A_74 = tpu.memref_slice %arg5[%arg0, %dma_start3A, %dma_start3A_73] : memref<2x10000x128xf32, #tpu.memory_space<hbm>> -> memref<1x10000x128xf32, #tpu.memory_space<hbm>>
      %dma_start3A_75 = tpu.memref_squeeze %dma_start3A_74 : memref<1x10000x128xf32, #tpu.memory_space<hbm>> -> memref<10000x128xf32, #tpu.memory_space<hbm>>
      %dma_start3A_76 = arith.constant 0 : i32
      %dma_start3A_77 = tpu.memref_slice %dma_start3A_75[%add3A_55, %dma_start3A_76] : memref<10000x128xf32, #tpu.memory_space<hbm>> -> memref<80x128xf32, #tpu.memory_space<hbm>>
      %dma_start3A_78 = arith.constant 0 : i32
      %dma_start3A_79 = arith.constant 0 : i32
      %dma_start3A_80 = tpu.memref_slice %arg5[%arg0, %dma_start3A_78, %dma_start3A_79] : memref<2x10000x128xf32, #tpu.memory_space<hbm>> -> memref<1x10000x128xf32, #tpu.memory_space<hbm>>
      %dma_start3A_81 = tpu.memref_squeeze %dma_start3A_80 : memref<1x10000x128xf32, #tpu.memory_space<hbm>> -> memref<10000x128xf32, #tpu.memory_space<hbm>>
      %dma_start3A_82 = arith.constant 0 : i32
      %dma_start3A_83 = tpu.memref_slice %dma_start3A_81[%add3A_55, %dma_start3A_82] : memref<10000x128xf32, #tpu.memory_space<hbm>> -> memref<80x128xf32, #tpu.memory_space<hbm>>
      tpu.enqueue_dma source(%arg8 : memref<80x128xf32, #tpu.memory_space<vmem>>) target(%dma_start3A_83 : memref<80x128xf32, #tpu.memory_space<hbm>>) target_semaphore(%run_scoped3A : memref<!tpu.dma_semaphore, #tpu.memory_space<semaphore_mem>>)
      %dma_wait3A = arith.constant 0 : i32
      %dma_wait3A_84 = arith.constant 0 : i32
      %dma_wait3A_85 = tpu.memref_slice %arg5[%arg0, %dma_wait3A, %dma_wait3A_84] : memref<2x10000x128xf32, #tpu.memory_space<hbm>> -> memref<1x10000x128xf32, #tpu.memory_space<hbm>>
      %dma_wait3A_86 = tpu.memref_squeeze %dma_wait3A_85 : memref<1x10000x128xf32, #tpu.memory_space<hbm>> -> memref<10000x128xf32, #tpu.memory_space<hbm>>
      %dma_wait3A_87 = arith.constant 0 : i32
      %dma_wait3A_88 = tpu.memref_slice %dma_wait3A_86[%add3A_55, %dma_wait3A_87] : memref<10000x128xf32, #tpu.memory_space<hbm>> -> memref<80x128xf32, #tpu.memory_space<hbm>>
      %dma_wait3A_89 = arith.constant 0 : i32
      %dma_wait3A_90 = arith.constant 0 : i32
      %dma_wait3A_91 = tpu.memref_slice %arg5[%arg0, %dma_wait3A_89, %dma_wait3A_90] : memref<2x10000x128xf32, #tpu.memory_space<hbm>> -> memref<1x10000x128xf32, #tpu.memory_space<hbm>>
      %dma_wait3A_92 = tpu.memref_squeeze %dma_wait3A_91 : memref<1x10000x128xf32, #tpu.memory_space<hbm>> -> memref<10000x128xf32, #tpu.memory_space<hbm>>
      %dma_wait3A_93 = arith.constant 0 : i32
      %dma_wait3A_94 = tpu.memref_slice %dma_wait3A_92[%add3A_55, %dma_wait3A_93] : memref<10000x128xf32, #tpu.memory_space<hbm>> -> memref<80x128xf32, #tpu.memory_space<hbm>>
      tpu.wait_dma2 semaphore(%run_scoped3A : memref<!tpu.dma_semaphore, #tpu.memory_space<semaphore_mem>>) src(%arg8 : memref<80x128xf32, #tpu.memory_space<vmem>>) dst(%dma_wait3A_94 : memref<80x128xf32, #tpu.memory_space<hbm>>)
      tpu.yield
    }) : () -> ()
    %add3A_56 = arith.constant 400 : i32
    %add3A_57 = arith.addi %multiple_of3A, %add3A_56 : i32
    "tpu.region"() ({
      %run_scoped3A = tpu.sem_alloc : memref<!tpu.dma_semaphore, #tpu.memory_space<semaphore_mem>>
      %dma_start3A = arith.constant 0 : i32
      %dma_start3A_73 = tpu.memref_slice %arg9[%add3A_57, %dma_start3A] : memref<10000x128xf32, #tpu.memory_space<vmem_shared>> -> memref<80x128xf32, #tpu.memory_space<vmem_shared>>
      %dma_start3A_74 = arith.constant 0 : i32
      %dma_start3A_75 = tpu.memref_slice %arg9[%add3A_57, %dma_start3A_74] : memref<10000x128xf32, #tpu.memory_space<vmem_shared>> -> memref<80x128xf32, #tpu.memory_space<vmem_shared>>
      tpu.enqueue_dma source(%dma_start3A_75 : memref<80x128xf32, #tpu.memory_space<vmem_shared>>) target(%arg8 : memref<80x128xf32, #tpu.memory_space<vmem>>) target_semaphore(%run_scoped3A : memref<!tpu.dma_semaphore, #tpu.memory_space<semaphore_mem>>)
      %dma_wait3A = arith.constant 0 : i32
      %dma_wait3A_76 = tpu.memref_slice %arg9[%add3A_57, %dma_wait3A] : memref<10000x128xf32, #tpu.memory_space<vmem_shared>> -> memref<80x128xf32, #tpu.memory_space<vmem_shared>>
      %dma_wait3A_77 = arith.constant 0 : i32
      %dma_wait3A_78 = tpu.memref_slice %arg9[%add3A_57, %dma_wait3A_77] : memref<10000x128xf32, #tpu.memory_space<vmem_shared>> -> memref<80x128xf32, #tpu.memory_space<vmem_shared>>
      tpu.wait_dma2 semaphore(%run_scoped3A : memref<!tpu.dma_semaphore, #tpu.memory_space<semaphore_mem>>) src(%dma_wait3A_78 : memref<80x128xf32, #tpu.memory_space<vmem_shared>>) dst(%arg8 : memref<80x128xf32, #tpu.memory_space<vmem>>)
      tpu.yield
    }) : () -> ()
    %add3A_58 = arith.constant 400 : i32
    %add3A_59 = arith.addi %multiple_of3A, %add3A_58 : i32
    "tpu.region"() ({
      %run_scoped3A = tpu.sem_alloc : memref<!tpu.dma_semaphore, #tpu.memory_space<semaphore_mem>>
      %dma_start3A = arith.constant 0 : i32
      %dma_start3A_73 = arith.constant 0 : i32
      %dma_start3A_74 = tpu.memref_slice %arg5[%arg0, %dma_start3A, %dma_start3A_73] : memref<2x10000x128xf32, #tpu.memory_space<hbm>> -> memref<1x10000x128xf32, #tpu.memory_space<hbm>>
      %dma_start3A_75 = tpu.memref_squeeze %dma_start3A_74 : memref<1x10000x128xf32, #tpu.memory_space<hbm>> -> memref<10000x128xf32, #tpu.memory_space<hbm>>
      %dma_start3A_76 = arith.constant 0 : i32
      %dma_start3A_77 = tpu.memref_slice %dma_start3A_75[%add3A_59, %dma_start3A_76] : memref<10000x128xf32, #tpu.memory_space<hbm>> -> memref<80x128xf32, #tpu.memory_space<hbm>>
      %dma_start3A_78 = arith.constant 0 : i32
      %dma_start3A_79 = arith.constant 0 : i32
      %dma_start3A_80 = tpu.memref_slice %arg5[%arg0, %dma_start3A_78, %dma_start3A_79] : memref<2x10000x128xf32, #tpu.memory_space<hbm>> -> memref<1x10000x128xf32, #tpu.memory_space<hbm>>
      %dma_start3A_81 = tpu.memref_squeeze %dma_start3A_80 : memref<1x10000x128xf32, #tpu.memory_space<hbm>> -> memref<10000x128xf32, #tpu.memory_space<hbm>>
      %dma_start3A_82 = arith.constant 0 : i32
      %dma_start3A_83 = tpu.memref_slice %dma_start3A_81[%add3A_59, %dma_start3A_82] : memref<10000x128xf32, #tpu.memory_space<hbm>> -> memref<80x128xf32, #tpu.memory_space<hbm>>
      tpu.enqueue_dma source(%arg8 : memref<80x128xf32, #tpu.memory_space<vmem>>) target(%dma_start3A_83 : memref<80x128xf32, #tpu.memory_space<hbm>>) target_semaphore(%run_scoped3A : memref<!tpu.dma_semaphore, #tpu.memory_space<semaphore_mem>>)
      %dma_wait3A = arith.constant 0 : i32
      %dma_wait3A_84 = arith.constant 0 : i32
      %dma_wait3A_85 = tpu.memref_slice %arg5[%arg0, %dma_wait3A, %dma_wait3A_84] : memref<2x10000x128xf32, #tpu.memory_space<hbm>> -> memref<1x10000x128xf32, #tpu.memory_space<hbm>>
      %dma_wait3A_86 = tpu.memref_squeeze %dma_wait3A_85 : memref<1x10000x128xf32, #tpu.memory_space<hbm>> -> memref<10000x128xf32, #tpu.memory_space<hbm>>
      %dma_wait3A_87 = arith.constant 0 : i32
      %dma_wait3A_88 = tpu.memref_slice %dma_wait3A_86[%add3A_59, %dma_wait3A_87] : memref<10000x128xf32, #tpu.memory_space<hbm>> -> memref<80x128xf32, #tpu.memory_space<hbm>>
      %dma_wait3A_89 = arith.constant 0 : i32
      %dma_wait3A_90 = arith.constant 0 : i32
      %dma_wait3A_91 = tpu.memref_slice %arg5[%arg0, %dma_wait3A_89, %dma_wait3A_90] : memref<2x10000x128xf32, #tpu.memory_space<hbm>> -> memref<1x10000x128xf32, #tpu.memory_space<hbm>>
      %dma_wait3A_92 = tpu.memref_squeeze %dma_wait3A_91 : memref<1x10000x128xf32, #tpu.memory_space<hbm>> -> memref<10000x128xf32, #tpu.memory_space<hbm>>
      %dma_wait3A_93 = arith.constant 0 : i32
      %dma_wait3A_94 = tpu.memref_slice %dma_wait3A_92[%add3A_59, %dma_wait3A_93] : memref<10000x128xf32, #tpu.memory_space<hbm>> -> memref<80x128xf32, #tpu.memory_space<hbm>>
      tpu.wait_dma2 semaphore(%run_scoped3A : memref<!tpu.dma_semaphore, #tpu.memory_space<semaphore_mem>>) src(%arg8 : memref<80x128xf32, #tpu.memory_space<vmem>>) dst(%dma_wait3A_94 : memref<80x128xf32, #tpu.memory_space<hbm>>)
      tpu.yield
    }) : () -> ()
    %add3A_60 = arith.constant 480 : i32
    %add3A_61 = arith.addi %multiple_of3A, %add3A_60 : i32
    "tpu.region"() ({
      %run_scoped3A = tpu.sem_alloc : memref<!tpu.dma_semaphore, #tpu.memory_space<semaphore_mem>>
      %dma_start3A = arith.constant 0 : i32
      %dma_start3A_73 = tpu.memref_slice %arg9[%add3A_61, %dma_start3A] : memref<10000x128xf32, #tpu.memory_space<vmem_shared>> -> memref<80x128xf32, #tpu.memory_space<vmem_shared>>
      %dma_start3A_74 = arith.constant 0 : i32
      %dma_start3A_75 = tpu.memref_slice %arg9[%add3A_61, %dma_start3A_74] : memref<10000x128xf32, #tpu.memory_space<vmem_shared>> -> memref<80x128xf32, #tpu.memory_space<vmem_shared>>
      tpu.enqueue_dma source(%dma_start3A_75 : memref<80x128xf32, #tpu.memory_space<vmem_shared>>) target(%arg8 : memref<80x128xf32, #tpu.memory_space<vmem>>) target_semaphore(%run_scoped3A : memref<!tpu.dma_semaphore, #tpu.memory_space<semaphore_mem>>)
      %dma_wait3A = arith.constant 0 : i32
      %dma_wait3A_76 = tpu.memref_slice %arg9[%add3A_61, %dma_wait3A] : memref<10000x128xf32, #tpu.memory_space<vmem_shared>> -> memref<80x128xf32, #tpu.memory_space<vmem_shared>>
      %dma_wait3A_77 = arith.constant 0 : i32
      %dma_wait3A_78 = tpu.memref_slice %arg9[%add3A_61, %dma_wait3A_77] : memref<10000x128xf32, #tpu.memory_space<vmem_shared>> -> memref<80x128xf32, #tpu.memory_space<vmem_shared>>
      tpu.wait_dma2 semaphore(%run_scoped3A : memref<!tpu.dma_semaphore, #tpu.memory_space<semaphore_mem>>) src(%dma_wait3A_78 : memref<80x128xf32, #tpu.memory_space<vmem_shared>>) dst(%arg8 : memref<80x128xf32, #tpu.memory_space<vmem>>)
      tpu.yield
    }) : () -> ()
    %add3A_62 = arith.constant 480 : i32
    %add3A_63 = arith.addi %multiple_of3A, %add3A_62 : i32
    "tpu.region"() ({
      %run_scoped3A = tpu.sem_alloc : memref<!tpu.dma_semaphore, #tpu.memory_space<semaphore_mem>>
      %dma_start3A = arith.constant 0 : i32
      %dma_start3A_73 = arith.constant 0 : i32
      %dma_start3A_74 = tpu.memref_slice %arg5[%arg0, %dma_start3A, %dma_start3A_73] : memref<2x10000x128xf32, #tpu.memory_space<hbm>> -> memref<1x10000x128xf32, #tpu.memory_space<hbm>>
      %dma_start3A_75 = tpu.memref_squeeze %dma_start3A_74 : memref<1x10000x128xf32, #tpu.memory_space<hbm>> -> memref<10000x128xf32, #tpu.memory_space<hbm>>
      %dma_start3A_76 = arith.constant 0 : i32
      %dma_start3A_77 = tpu.memref_slice %dma_start3A_75[%add3A_63, %dma_start3A_76] : memref<10000x128xf32, #tpu.memory_space<hbm>> -> memref<80x128xf32, #tpu.memory_space<hbm>>
      %dma_start3A_78 = arith.constant 0 : i32
      %dma_start3A_79 = arith.constant 0 : i32
      %dma_start3A_80 = tpu.memref_slice %arg5[%arg0, %dma_start3A_78, %dma_start3A_79] : memref<2x10000x128xf32, #tpu.memory_space<hbm>> -> memref<1x10000x128xf32, #tpu.memory_space<hbm>>
      %dma_start3A_81 = tpu.memref_squeeze %dma_start3A_80 : memref<1x10000x128xf32, #tpu.memory_space<hbm>> -> memref<10000x128xf32, #tpu.memory_space<hbm>>
      %dma_start3A_82 = arith.constant 0 : i32
      %dma_start3A_83 = tpu.memref_slice %dma_start3A_81[%add3A_63, %dma_start3A_82] : memref<10000x128xf32, #tpu.memory_space<hbm>> -> memref<80x128xf32, #tpu.memory_space<hbm>>
      tpu.enqueue_dma source(%arg8 : memref<80x128xf32, #tpu.memory_space<vmem>>) target(%dma_start3A_83 : memref<80x128xf32, #tpu.memory_space<hbm>>) target_semaphore(%run_scoped3A : memref<!tpu.dma_semaphore, #tpu.memory_space<semaphore_mem>>)
      %dma_wait3A = arith.constant 0 : i32
      %dma_wait3A_84 = arith.constant 0 : i32
      %dma_wait3A_85 = tpu.memref_slice %arg5[%arg0, %dma_wait3A, %dma_wait3A_84] : memref<2x10000x128xf32, #tpu.memory_space<hbm>> -> memref<1x10000x128xf32, #tpu.memory_space<hbm>>
      %dma_wait3A_86 = tpu.memref_squeeze %dma_wait3A_85 : memref<1x10000x128xf32, #tpu.memory_space<hbm>> -> memref<10000x128xf32, #tpu.memory_space<hbm>>
      %dma_wait3A_87 = arith.constant 0 : i32
      %dma_wait3A_88 = tpu.memref_slice %dma_wait3A_86[%add3A_63, %dma_wait3A_87] : memref<10000x128xf32, #tpu.memory_space<hbm>> -> memref<80x128xf32, #tpu.memory_space<hbm>>
      %dma_wait3A_89 = arith.constant 0 : i32
      %dma_wait3A_90 = arith.constant 0 : i32
      %dma_wait3A_91 = tpu.memref_slice %arg5[%arg0, %dma_wait3A_89, %dma_wait3A_90] : memref<2x10000x128xf32, #tpu.memory_space<hbm>> -> memref<1x10000x128xf32, #tpu.memory_space<hbm>>
      %dma_wait3A_92 = tpu.memref_squeeze %dma_wait3A_91 : memref<1x10000x128xf32, #tpu.memory_space<hbm>> -> memref<10000x128xf32, #tpu.memory_space<hbm>>
      %dma_wait3A_93 = arith.constant 0 : i32
      %dma_wait3A_94 = tpu.memref_slice %dma_wait3A_92[%add3A_63, %dma_wait3A_93] : memref<10000x128xf32, #tpu.memory_space<hbm>> -> memref<80x128xf32, #tpu.memory_space<hbm>>
      tpu.wait_dma2 semaphore(%run_scoped3A : memref<!tpu.dma_semaphore, #tpu.memory_space<semaphore_mem>>) src(%arg8 : memref<80x128xf32, #tpu.memory_space<vmem>>) dst(%dma_wait3A_94 : memref<80x128xf32, #tpu.memory_space<hbm>>)
      tpu.yield
    }) : () -> ()
    %add3A_64 = arith.constant 560 : i32
    %add3A_65 = arith.addi %multiple_of3A, %add3A_64 : i32
    "tpu.region"() ({
      %run_scoped3A = tpu.sem_alloc : memref<!tpu.dma_semaphore, #tpu.memory_space<semaphore_mem>>
      %dma_start3A = arith.constant 0 : i32
      %dma_start3A_73 = arith.constant 0 : i32
      %dma_start3A_74 = tpu.memref_slice %arg8[%dma_start3A, %dma_start3A_73] : memref<80x128xf32, #tpu.memory_space<vmem>> -> memref<64x128xf32, #tpu.memory_space<vmem>>
      %dma_start3A_75 = arith.constant 0 : i32
      %dma_start3A_76 = tpu.memref_slice %arg9[%add3A_65, %dma_start3A_75] : memref<10000x128xf32, #tpu.memory_space<vmem_shared>> -> memref<64x128xf32, #tpu.memory_space<vmem_shared>>
      %dma_start3A_77 = arith.constant 0 : i32
      %dma_start3A_78 = arith.constant 0 : i32
      %dma_start3A_79 = tpu.memref_slice %arg8[%dma_start3A_77, %dma_start3A_78] : memref<80x128xf32, #tpu.memory_space<vmem>> -> memref<64x128xf32, #tpu.memory_space<vmem>>
      %dma_start3A_80 = arith.constant 0 : i32
      %dma_start3A_81 = tpu.memref_slice %arg9[%add3A_65, %dma_start3A_80] : memref<10000x128xf32, #tpu.memory_space<vmem_shared>> -> memref<64x128xf32, #tpu.memory_space<vmem_shared>>
      tpu.enqueue_dma source(%dma_start3A_81 : memref<64x128xf32, #tpu.memory_space<vmem_shared>>) target(%dma_start3A_79 : memref<64x128xf32, #tpu.memory_space<vmem>>) target_semaphore(%run_scoped3A : memref<!tpu.dma_semaphore, #tpu.memory_space<semaphore_mem>>)
      %dma_wait3A = arith.constant 0 : i32
      %dma_wait3A_82 = arith.constant 0 : i32
      %dma_wait3A_83 = tpu.memref_slice %arg8[%dma_wait3A, %dma_wait3A_82] : memref<80x128xf32, #tpu.memory_space<vmem>> -> memref<64x128xf32, #tpu.memory_space<vmem>>
      %dma_wait3A_84 = arith.constant 0 : i32
      %dma_wait3A_85 = tpu.memref_slice %arg9[%add3A_65, %dma_wait3A_84] : memref<10000x128xf32, #tpu.memory_space<vmem_shared>> -> memref<64x128xf32, #tpu.memory_space<vmem_shared>>
      %dma_wait3A_86 = arith.constant 0 : i32
      %dma_wait3A_87 = arith.constant 0 : i32
      %dma_wait3A_88 = tpu.memref_slice %arg8[%dma_wait3A_86, %dma_wait3A_87] : memref<80x128xf32, #tpu.memory_space<vmem>> -> memref<64x128xf32, #tpu.memory_space<vmem>>
      %dma_wait3A_89 = arith.constant 0 : i32
      %dma_wait3A_90 = tpu.memref_slice %arg9[%add3A_65, %dma_wait3A_89] : memref<10000x128xf32, #tpu.memory_space<vmem_shared>> -> memref<64x128xf32, #tpu.memory_space<vmem_shared>>
      tpu.wait_dma2 semaphore(%run_scoped3A : memref<!tpu.dma_semaphore, #tpu.memory_space<semaphore_mem>>) src(%dma_wait3A_90 : memref<64x128xf32, #tpu.memory_space<vmem_shared>>) dst(%dma_wait3A_88 : memref<64x128xf32, #tpu.memory_space<vmem>>)
      tpu.yield
    }) : () -> ()
    %add3A_66 = arith.constant 560 : i32
    %add3A_67 = arith.addi %multiple_of3A, %add3A_66 : i32
    "tpu.region"() ({
      %run_scoped3A = tpu.sem_alloc : memref<!tpu.dma_semaphore, #tpu.memory_space<semaphore_mem>>
      %dma_start3A = arith.constant 0 : i32
      %dma_start3A_73 = arith.constant 0 : i32
      %dma_start3A_74 = tpu.memref_slice %arg8[%dma_start3A, %dma_start3A_73] : memref<80x128xf32, #tpu.memory_space<vmem>> -> memref<64x128xf32, #tpu.memory_space<vmem>>
      %dma_start3A_75 = arith.constant 0 : i32
      %dma_start3A_76 = arith.constant 0 : i32
      %dma_start3A_77 = tpu.memref_slice %arg5[%arg0, %dma_start3A_75, %dma_start3A_76] : memref<2x10000x128xf32, #tpu.memory_space<hbm>> -> memref<1x10000x128xf32, #tpu.memory_space<hbm>>
      %dma_start3A_78 = tpu.memref_squeeze %dma_start3A_77 : memref<1x10000x128xf32, #tpu.memory_space<hbm>> -> memref<10000x128xf32, #tpu.memory_space<hbm>>
      %dma_start3A_79 = arith.constant 0 : i32
      %dma_start3A_80 = tpu.memref_slice %dma_start3A_78[%add3A_67, %dma_start3A_79] : memref<10000x128xf32, #tpu.memory_space<hbm>> -> memref<64x128xf32, #tpu.memory_space<hbm>>
      %dma_start3A_81 = arith.constant 0 : i32
      %dma_start3A_82 = arith.constant 0 : i32
      %dma_start3A_83 = tpu.memref_slice %arg5[%arg0, %dma_start3A_81, %dma_start3A_82] : memref<2x10000x128xf32, #tpu.memory_space<hbm>> -> memref<1x10000x128xf32, #tpu.memory_space<hbm>>
      %dma_start3A_84 = tpu.memref_squeeze %dma_start3A_83 : memref<1x10000x128xf32, #tpu.memory_space<hbm>> -> memref<10000x128xf32, #tpu.memory_space<hbm>>
      %dma_start3A_85 = arith.constant 0 : i32
      %dma_start3A_86 = tpu.memref_slice %dma_start3A_84[%add3A_67, %dma_start3A_85] : memref<10000x128xf32, #tpu.memory_space<hbm>> -> memref<64x128xf32, #tpu.memory_space<hbm>>
      %dma_start3A_87 = arith.constant 0 : i32
      %dma_start3A_88 = arith.constant 0 : i32
      %dma_start3A_89 = tpu.memref_slice %arg8[%dma_start3A_87, %dma_start3A_88] : memref<80x128xf32, #tpu.memory_space<vmem>> -> memref<64x128xf32, #tpu.memory_space<vmem>>
      tpu.enqueue_dma source(%dma_start3A_89 : memref<64x128xf32, #tpu.memory_space<vmem>>) target(%dma_start3A_86 : memref<64x128xf32, #tpu.memory_space<hbm>>) target_semaphore(%run_scoped3A : memref<!tpu.dma_semaphore, #tpu.memory_space<semaphore_mem>>)
      %dma_wait3A = arith.constant 0 : i32
      %dma_wait3A_90 = arith.constant 0 : i32
      %dma_wait3A_91 = tpu.memref_slice %arg8[%dma_wait3A, %dma_wait3A_90] : memref<80x128xf32, #tpu.memory_space<vmem>> -> memref<64x128xf32, #tpu.memory_space<vmem>>
      %dma_wait3A_92 = arith.constant 0 : i32
      %dma_wait3A_93 = arith.constant 0 : i32
      %dma_wait3A_94 = tpu.memref_slice %arg5[%arg0, %dma_wait3A_92, %dma_wait3A_93] : memref<2x10000x128xf32, #tpu.memory_space<hbm>> -> memref<1x10000x128xf32, #tpu.memory_space<hbm>>
      %dma_wait3A_95 = tpu.memref_squeeze %dma_wait3A_94 : memref<1x10000x128xf32, #tpu.memory_space<hbm>> -> memref<10000x128xf32, #tpu.memory_space<hbm>>
      %dma_wait3A_96 = arith.constant 0 : i32
      %dma_wait3A_97 = tpu.memref_slice %dma_wait3A_95[%add3A_67, %dma_wait3A_96] : memref<10000x128xf32, #tpu.memory_space<hbm>> -> memref<64x128xf32, #tpu.memory_space<hbm>>
      %dma_wait3A_98 = arith.constant 0 : i32
      %dma_wait3A_99 = arith.constant 0 : i32
      %dma_wait3A_100 = tpu.memref_slice %arg5[%arg0, %dma_wait3A_98, %dma_wait3A_99] : memref<2x10000x128xf32, #tpu.memory_space<hbm>> -> memref<1x10000x128xf32, #tpu.memory_space<hbm>>
      %dma_wait3A_101 = tpu.memref_squeeze %dma_wait3A_100 : memref<1x10000x128xf32, #tpu.memory_space<hbm>> -> memref<10000x128xf32, #tpu.memory_space<hbm>>
      %dma_wait3A_102 = arith.constant 0 : i32
      %dma_wait3A_103 = tpu.memref_slice %dma_wait3A_101[%add3A_67, %dma_wait3A_102] : memref<10000x128xf32, #tpu.memory_space<hbm>> -> memref<64x128xf32, #tpu.memory_space<hbm>>
      %dma_wait3A_104 = arith.constant 0 : i32
      %dma_wait3A_105 = arith.constant 0 : i32
      %dma_wait3A_106 = tpu.memref_slice %arg8[%dma_wait3A_104, %dma_wait3A_105] : memref<80x128xf32, #tpu.memory_space<vmem>> -> memref<64x128xf32, #tpu.memory_space<vmem>>
      tpu.wait_dma2 semaphore(%run_scoped3A : memref<!tpu.dma_semaphore, #tpu.memory_space<semaphore_mem>>) src(%dma_wait3A_106 : memref<64x128xf32, #tpu.memory_space<vmem>>) dst(%dma_wait3A_103 : memref<64x128xf32, #tpu.memory_space<hbm>>)
      tpu.yield
    }) : () -> ()
    %eq3A_68 = arith.constant 15 : i32
    %eq3A_69 = arith.cmpi eq, %arg1, %eq3A_68 : i32
    %convert_element_type3A_70 = arith.extui %eq3A_69 : i1 to i32
    %cond3A_71 = arith.constant 0 : i32
    %cond3A_72 = arith.cmpi ne, %convert_element_type3A_70, %cond3A_71 : i32
    scf.if %cond3A_72 {
      "tpu.region"() ({
        %run_scoped3A = tpu.sem_alloc : memref<!tpu.dma_semaphore, #tpu.memory_space<semaphore_mem>>
        %dma_start3A = arith.constant 0 : i32
        %dma_start3A_73 = arith.constant 0 : i32
        %dma_start3A_74 = tpu.memref_slice %arg8[%dma_start3A, %dma_start3A_73] : memref<80x128xf32, #tpu.memory_space<vmem>> -> memref<16x128xf32, #tpu.memory_space<vmem>>
        %dma_start3A_75 = arith.constant 9984 : i32
        %dma_start3A_76 = arith.constant 0 : i32
        %dma_start3A_77 = tpu.memref_slice %arg9[%dma_start3A_75, %dma_start3A_76] : memref<10000x128xf32, #tpu.memory_space<vmem_shared>> -> memref<16x128xf32, #tpu.memory_space<vmem_shared>>
        %dma_start3A_78 = arith.constant 0 : i32
        %dma_start3A_79 = arith.constant 0 : i32
        %dma_start3A_80 = tpu.memref_slice %arg8[%dma_start3A_78, %dma_start3A_79] : memref<80x128xf32, #tpu.memory_space<vmem>> -> memref<16x128xf32, #tpu.memory_space<vmem>>
        %dma_start3A_81 = arith.constant 9984 : i32
        %dma_start3A_82 = arith.constant 0 : i32
        %dma_start3A_83 = tpu.memref_slice %arg9[%dma_start3A_81, %dma_start3A_82] : memref<10000x128xf32, #tpu.memory_space<vmem_shared>> -> memref<16x128xf32, #tpu.memory_space<vmem_shared>>
        tpu.enqueue_dma source(%dma_start3A_83 : memref<16x128xf32, #tpu.memory_space<vmem_shared>>) target(%dma_start3A_80 : memref<16x128xf32, #tpu.memory_space<vmem>>) target_semaphore(%run_scoped3A : memref<!tpu.dma_semaphore, #tpu.memory_space<semaphore_mem>>)
        %dma_wait3A = arith.constant 0 : i32
        %dma_wait3A_84 = arith.constant 0 : i32
        %dma_wait3A_85 = tpu.memref_slice %arg8[%dma_wait3A, %dma_wait3A_84] : memref<80x128xf32, #tpu.memory_space<vmem>> -> memref<16x128xf32, #tpu.memory_space<vmem>>
        %dma_wait3A_86 = arith.constant 9984 : i32
        %dma_wait3A_87 = arith.constant 0 : i32
        %dma_wait3A_88 = tpu.memref_slice %arg9[%dma_wait3A_86, %dma_wait3A_87] : memref<10000x128xf32, #tpu.memory_space<vmem_shared>> -> memref<16x128xf32, #tpu.memory_space<vmem_shared>>
        %dma_wait3A_89 = arith.constant 0 : i32
        %dma_wait3A_90 = arith.constant 0 : i32
        %dma_wait3A_91 = tpu.memref_slice %arg8[%dma_wait3A_89, %dma_wait3A_90] : memref<80x128xf32, #tpu.memory_space<vmem>> -> memref<16x128xf32, #tpu.memory_space<vmem>>
        %dma_wait3A_92 = arith.constant 9984 : i32
        %dma_wait3A_93 = arith.constant 0 : i32
        %dma_wait3A_94 = tpu.memref_slice %arg9[%dma_wait3A_92, %dma_wait3A_93] : memref<10000x128xf32, #tpu.memory_space<vmem_shared>> -> memref<16x128xf32, #tpu.memory_space<vmem_shared>>
        tpu.wait_dma2 semaphore(%run_scoped3A : memref<!tpu.dma_semaphore, #tpu.memory_space<semaphore_mem>>) src(%dma_wait3A_94 : memref<16x128xf32, #tpu.memory_space<vmem_shared>>) dst(%dma_wait3A_91 : memref<16x128xf32, #tpu.memory_space<vmem>>)
        tpu.yield
      }) : () -> ()
      "tpu.region"() ({
        %run_scoped3A = tpu.sem_alloc : memref<!tpu.dma_semaphore, #tpu.memory_space<semaphore_mem>>
        %dma_start3A = arith.constant 0 : i32
        %dma_start3A_73 = arith.constant 0 : i32
        %dma_start3A_74 = tpu.memref_slice %arg8[%dma_start3A, %dma_start3A_73] : memref<80x128xf32, #tpu.memory_space<vmem>> -> memref<16x128xf32, #tpu.memory_space<vmem>>
        %dma_start3A_75 = arith.constant 0 : i32
        %dma_start3A_76 = arith.constant 0 : i32
        %dma_start3A_77 = tpu.memref_slice %arg5[%arg0, %dma_start3A_75, %dma_start3A_76] : memref<2x10000x128xf32, #tpu.memory_space<hbm>> -> memref<1x10000x128xf32, #tpu.memory_space<hbm>>
        %dma_start3A_78 = tpu.memref_squeeze %dma_start3A_77 : memref<1x10000x128xf32, #tpu.memory_space<hbm>> -> memref<10000x128xf32, #tpu.memory_space<hbm>>
        %dma_start3A_79 = arith.constant 9984 : i32
        %dma_start3A_80 = arith.constant 0 : i32
        %dma_start3A_81 = tpu.memref_slice %dma_start3A_78[%dma_start3A_79, %dma_start3A_80] : memref<10000x128xf32, #tpu.memory_space<hbm>> -> memref<16x128xf32, #tpu.memory_space<hbm>>
        %dma_start3A_82 = arith.constant 0 : i32
        %dma_start3A_83 = arith.constant 0 : i32
        %dma_start3A_84 = tpu.memref_slice %arg5[%arg0, %dma_start3A_82, %dma_start3A_83] : memref<2x10000x128xf32, #tpu.memory_space<hbm>> -> memref<1x10000x128xf32, #tpu.memory_space<hbm>>
        %dma_start3A_85 = tpu.memref_squeeze %dma_start3A_84 : memref<1x10000x128xf32, #tpu.memory_space<hbm>> -> memref<10000x128xf32, #tpu.memory_space<hbm>>
        %dma_start3A_86 = arith.constant 9984 : i32
        %dma_start3A_87 = arith.constant 0 : i32
        %dma_start3A_88 = tpu.memref_slice %dma_start3A_85[%dma_start3A_86, %dma_start3A_87] : memref<10000x128xf32, #tpu.memory_space<hbm>> -> memref<16x128xf32, #tpu.memory_space<hbm>>
        %dma_start3A_89 = arith.constant 0 : i32
        %dma_start3A_90 = arith.constant 0 : i32
        %dma_start3A_91 = tpu.memref_slice %arg8[%dma_start3A_89, %dma_start3A_90] : memref<80x128xf32, #tpu.memory_space<vmem>> -> memref<16x128xf32, #tpu.memory_space<vmem>>
        tpu.enqueue_dma source(%dma_start3A_91 : memref<16x128xf32, #tpu.memory_space<vmem>>) target(%dma_start3A_88 : memref<16x128xf32, #tpu.memory_space<hbm>>) target_semaphore(%run_scoped3A : memref<!tpu.dma_semaphore, #tpu.memory_space<semaphore_mem>>)
        %dma_wait3A = arith.constant 0 : i32
        %dma_wait3A_92 = arith.constant 0 : i32
        %dma_wait3A_93 = tpu.memref_slice %arg8[%dma_wait3A, %dma_wait3A_92] : memref<80x128xf32, #tpu.memory_space<vmem>> -> memref<16x128xf32, #tpu.memory_space<vmem>>
        %dma_wait3A_94 = arith.constant 0 : i32
        %dma_wait3A_95 = arith.constant 0 : i32
        %dma_wait3A_96 = tpu.memref_slice %arg5[%arg0, %dma_wait3A_94, %dma_wait3A_95] : memref<2x10000x128xf32, #tpu.memory_space<hbm>> -> memref<1x10000x128xf32, #tpu.memory_space<hbm>>
        %dma_wait3A_97 = tpu.memref_squeeze %dma_wait3A_96 : memref<1x10000x128xf32, #tpu.memory_space<hbm>> -> memref<10000x128xf32, #tpu.memory_space<hbm>>
        %dma_wait3A_98 = arith.constant 9984 : i32
        %dma_wait3A_99 = arith.constant 0 : i32
        %dma_wait3A_100 = tpu.memref_slice %dma_wait3A_97[%dma_wait3A_98, %dma_wait3A_99] : memref<10000x128xf32, #tpu.memory_space<hbm>> -> memref<16x128xf32, #tpu.memory_space<hbm>>
        %dma_wait3A_101 = arith.constant 0 : i32
        %dma_wait3A_102 = arith.constant 0 : i32
        %dma_wait3A_103 = tpu.memref_slice %arg5[%arg0, %dma_wait3A_101, %dma_wait3A_102] : memref<2x10000x128xf32, #tpu.memory_space<hbm>> -> memref<1x10000x128xf32, #tpu.memory_space<hbm>>
        %dma_wait3A_104 = tpu.memref_squeeze %dma_wait3A_103 : memref<1x10000x128xf32, #tpu.memory_space<hbm>> -> memref<10000x128xf32, #tpu.memory_space<hbm>>
        %dma_wait3A_105 = arith.constant 9984 : i32
        %dma_wait3A_106 = arith.constant 0 : i32
        %dma_wait3A_107 = tpu.memref_slice %dma_wait3A_104[%dma_wait3A_105, %dma_wait3A_106] : memref<10000x128xf32, #tpu.memory_space<hbm>> -> memref<16x128xf32, #tpu.memory_space<hbm>>
        %dma_wait3A_108 = arith.constant 0 : i32
        %dma_wait3A_109 = arith.constant 0 : i32
        %dma_wait3A_110 = tpu.memref_slice %arg8[%dma_wait3A_108, %dma_wait3A_109] : memref<80x128xf32, #tpu.memory_space<vmem>> -> memref<16x128xf32, #tpu.memory_space<vmem>>
        tpu.wait_dma2 semaphore(%run_scoped3A : memref<!tpu.dma_semaphore, #tpu.memory_space<semaphore_mem>>) src(%dma_wait3A_110 : memref<16x128xf32, #tpu.memory_space<vmem>>) dst(%dma_wait3A_107 : memref<16x128xf32, #tpu.memory_space<hbm>>)
        tpu.yield
      }) : () -> ()
    } else {
    }
    return
  }
}

#map = affine_map<(d0, d1) -> (0, 0)>
#map1 = affine_map<(d0, d1) -> (0, 0, 0, 0)>
#map2 = affine_map<(d0, d1) -> (0, 0, 0)>
module attributes {stable_mosaic.version = 14 : i64} {
  func.func @_agg_rows_body(%arg0: i32, %arg1: i32, %arg2: memref<10000x128xf32, #tpu.memory_space<hbm>>, %arg3: memref<32x25x5x80xi32, #tpu.memory_space<hbm>>, %arg4: memref<32x25x5x80xi32, #tpu.memory_space<hbm>>, %arg5: memref<2x10000x128xf32, #tpu.memory_space<hbm>>, %arg6: memref<5x80xi32, #tpu.memory_space<vmem>>, %arg7: memref<5x80xi32, #tpu.memory_space<vmem>>, %arg8: memref<80x128xf32, #tpu.memory_space<vmem>>, %arg9: memref<10000x128xf32, #tpu.memory_space<vmem_shared>>, %arg10: memref<!tpu.dma_semaphore, #tpu.memory_space<semaphore_mem>>) attributes {dimension_semantics = [#tpu.dimension_semantics<core_parallel>, #tpu.dimension_semantics<subcore_parallel>], iteration_bounds = array<i64: 2, 16>, scalar_prefetch = 0 : i64, scratch_operands = 5 : i64, tpu.core_type = #tpu.core_type<sc_vector_subcore>, window_params = [{transform_indices = #map}, {transform_indices = #map1}, {transform_indices = #map1}, {transform_indices = #map2}]} {
    %mul3A = arith.constant 16 : i32
    %mul3A_0 = arith.muli %arg0, %mul3A : i32
    %add3A = arith.addi %mul3A_0, %arg1 : i32
    %mul3A_1 = arith.constant 624 : i32
    %mul3A_2 = arith.muli %arg1, %mul3A_1 : i32
    %multiple_of3A = tpu.assume_multiple %mul3A_2, 8 : i32
    %broadcast_in_dim3A = arith.constant 0.000000e+00 : f32
    %broadcast_in_dim3A_3 = vector.broadcast %broadcast_in_dim3A : f32 to vector<16xf32>
    %scan3A = arith.constant 0 : i32
    %scan3A_4 = arith.constant 0 : i32
    %scan3A_5 = arith.constant 640 : i32
    %scan3A_6 = arith.addi %scan3A_4, %scan3A_5 : i32
    %scan3A_7 = arith.constant 1 : i32
    %scan3A_8 = scf.for %scan3A_73 = %scan3A_4 to %scan3A_6 step %scan3A_7 iter_args(%scan3A_74 = %scan3A) -> (i32)  : i32 {
      %jit3A = arith.constant 8 : i32
      %div3A = arith.divsi %scan3A_73, %jit3A : i32
      %sign3A = arith.constant 0 : i32
      %sign3A_75 = arith.cmpi sgt, %scan3A_73, %sign3A : i32
      %sign3A_76 = arith.extui %sign3A_75 : i1 to i32
      %sign3A_77 = arith.constant 0 : i32
      %sign3A_78 = arith.cmpi slt, %scan3A_73, %sign3A_77 : i32
      %sign3A_79 = arith.extui %sign3A_78 : i1 to i32
      %sign3A_80 = arith.subi %sign3A_76, %sign3A_79 : i32
      %sign3A_81 = arith.constant 0 : i32
      %sign3A_82 = arith.cmpi sgt, %jit3A, %sign3A_81 : i32
      %sign3A_83 = arith.extui %sign3A_82 : i1 to i32
      %sign3A_84 = arith.constant 0 : i32
      %sign3A_85 = arith.cmpi slt, %jit3A, %sign3A_84 : i32
      %sign3A_86 = arith.extui %sign3A_85 : i1 to i32
      %sign3A_87 = arith.subi %sign3A_83, %sign3A_86 : i32
      %ne3A = arith.cmpi ne, %sign3A_80, %sign3A_87 : i32
      %rem3A = arith.remsi %scan3A_73, %jit3A : i32
      %ne3A_88 = arith.constant 0 : i32
      %ne3A_89 = arith.cmpi ne, %rem3A, %ne3A_88 : i32
      %and3A = arith.andi %ne3A, %ne3A_89 : i1
      %sub3A = arith.constant 1 : i32
      %sub3A_90 = arith.subi %div3A, %sub3A : i32
      %select_n3A = arith.select %and3A, %sub3A_90, %div3A : i32
      %jit3A_91 = arith.constant 8 : i32
      %eq3A_92 = arith.constant 0 : i32
      %eq3A_93 = arith.cmpi eq, %jit3A_91, %eq3A_92 : i32
      %jit3A_94 = arith.constant 1 : i32
      %select_n3A_95 = arith.select %eq3A_93, %jit3A_94, %jit3A_91 : i32
      %rem3A_96 = arith.remsi %scan3A_73, %select_n3A_95 : i32
      %ne3A_97 = arith.constant 0 : i32
      %ne3A_98 = arith.cmpi ne, %rem3A_96, %ne3A_97 : i32
      %lt3A = arith.constant 0 : i32
      %lt3A_99 = arith.cmpi slt, %rem3A_96, %lt3A : i32
      %lt3A_100 = arith.constant 0 : i32
      %lt3A_101 = arith.cmpi slt, %select_n3A_95, %lt3A_100 : i32
      %ne3A_102 = arith.xori %lt3A_99, %lt3A_101 : i1
      %and3A_103 = arith.andi %ne3A_102, %ne3A_98 : i1
      %add3A_104 = arith.addi %rem3A_96, %select_n3A_95 : i32
      %select_n3A_105 = arith.select %and3A_103, %add3A_104, %rem3A_96 : i32
      %mul3A_106 = arith.constant 16 : i32
      %mul3A_107 = arith.muli %select_n3A_105, %mul3A_106 : i32
      %swap3A = arith.index_cast %select_n3A : i32 to index
      %swap3A_108 = arith.index_cast %mul3A_107 : i32 to index
      %swap3A_109 = tpu.vector_load %arg8[%swap3A, %swap3A_108] {strides = array<i32>} : memref<80x128xf32, #tpu.memory_space<vmem>>, vector<1x16xf32>,
      %swap3A_110 = vector.shape_cast %swap3A_109 : vector<1x16xf32> to vector<16xf32>
      %swap3A_111 = vector.shape_cast %broadcast_in_dim3A_3 : vector<16xf32> to vector<1x16xf32>
      tpu.vector_store %arg8[%swap3A, %swap3A_108], %swap3A_111 {strides = array<i32>} : memref<80x128xf32, #tpu.memory_space<vmem>>, vector<1x16xf32>,
      %scan3A_112 = arith.constant 0 : i32
      scf.yield %scan3A_112 : i32
    }
    %scan3A_9 = arith.constant 640 : i32
    %add3A_10 = arith.constant 0 : i32
    %add3A_11 = arith.addi %multiple_of3A, %add3A_10 : i32
    "tpu.region"() ({
      %run_scoped3A = tpu.sem_alloc : memref<!tpu.dma_semaphore, #tpu.memory_space<semaphore_mem>>
      %dma_start3A = arith.constant 0 : i32
      %dma_start3A_73 = tpu.memref_slice %arg9[%add3A_11, %dma_start3A] : memref<10000x128xf32, #tpu.memory_space<vmem_shared>> -> memref<80x128xf32, #tpu.memory_space<vmem_shared>>
      %dma_start3A_74 = arith.constant 0 : i32
      %dma_start3A_75 = tpu.memref_slice %arg9[%add3A_11, %dma_start3A_74] : memref<10000x128xf32, #tpu.memory_space<vmem_shared>> -> memref<80x128xf32, #tpu.memory_space<vmem_shared>>
      tpu.enqueue_dma source(%arg8 : memref<80x128xf32, #tpu.memory_space<vmem>>) target(%dma_start3A_75 : memref<80x128xf32, #tpu.memory_space<vmem_shared>>) target_semaphore(%run_scoped3A : memref<!tpu.dma_semaphore, #tpu.memory_space<semaphore_mem>>)
      %dma_wait3A = arith.constant 0 : i32
      %dma_wait3A_76 = tpu.memref_slice %arg9[%add3A_11, %dma_wait3A] : memref<10000x128xf32, #tpu.memory_space<vmem_shared>> -> memref<80x128xf32, #tpu.memory_space<vmem_shared>>
      %dma_wait3A_77 = arith.constant 0 : i32
      %dma_wait3A_78 = tpu.memref_slice %arg9[%add3A_11, %dma_wait3A_77] : memref<10000x128xf32, #tpu.memory_space<vmem_shared>> -> memref<80x128xf32, #tpu.memory_space<vmem_shared>>
      tpu.wait_dma2 semaphore(%run_scoped3A : memref<!tpu.dma_semaphore, #tpu.memory_space<semaphore_mem>>) src(%arg8 : memref<80x128xf32, #tpu.memory_space<vmem>>) dst(%dma_wait3A_78 : memref<80x128xf32, #tpu.memory_space<vmem_shared>>)
      tpu.yield
    }) : () -> ()
    %add3A_12 = arith.constant 80 : i32
    %add3A_13 = arith.addi %multiple_of3A, %add3A_12 : i32
    "tpu.region"() ({
      %run_scoped3A = tpu.sem_alloc : memref<!tpu.dma_semaphore, #tpu.memory_space<semaphore_mem>>
      %dma_start3A = arith.constant 0 : i32
      %dma_start3A_73 = tpu.memref_slice %arg9[%add3A_13, %dma_start3A] : memref<10000x128xf32, #tpu.memory_space<vmem_shared>> -> memref<80x128xf32, #tpu.memory_space<vmem_shared>>
      %dma_start3A_74 = arith.constant 0 : i32
      %dma_start3A_75 = tpu.memref_slice %arg9[%add3A_13, %dma_start3A_74] : memref<10000x128xf32, #tpu.memory_space<vmem_shared>> -> memref<80x128xf32, #tpu.memory_space<vmem_shared>>
      tpu.enqueue_dma source(%arg8 : memref<80x128xf32, #tpu.memory_space<vmem>>) target(%dma_start3A_75 : memref<80x128xf32, #tpu.memory_space<vmem_shared>>) target_semaphore(%run_scoped3A : memref<!tpu.dma_semaphore, #tpu.memory_space<semaphore_mem>>)
      %dma_wait3A = arith.constant 0 : i32
      %dma_wait3A_76 = tpu.memref_slice %arg9[%add3A_13, %dma_wait3A] : memref<10000x128xf32, #tpu.memory_space<vmem_shared>> -> memref<80x128xf32, #tpu.memory_space<vmem_shared>>
      %dma_wait3A_77 = arith.constant 0 : i32
      %dma_wait3A_78 = tpu.memref_slice %arg9[%add3A_13, %dma_wait3A_77] : memref<10000x128xf32, #tpu.memory_space<vmem_shared>> -> memref<80x128xf32, #tpu.memory_space<vmem_shared>>
      tpu.wait_dma2 semaphore(%run_scoped3A : memref<!tpu.dma_semaphore, #tpu.memory_space<semaphore_mem>>) src(%arg8 : memref<80x128xf32, #tpu.memory_space<vmem>>) dst(%dma_wait3A_78 : memref<80x128xf32, #tpu.memory_space<vmem_shared>>)
      tpu.yield
    }) : () -> ()
    %add3A_14 = arith.constant 160 : i32
    %add3A_15 = arith.addi %multiple_of3A, %add3A_14 : i32
    "tpu.region"() ({
      %run_scoped3A = tpu.sem_alloc : memref<!tpu.dma_semaphore, #tpu.memory_space<semaphore_mem>>
      %dma_start3A = arith.constant 0 : i32
      %dma_start3A_73 = tpu.memref_slice %arg9[%add3A_15, %dma_start3A] : memref<10000x128xf32, #tpu.memory_space<vmem_shared>> -> memref<80x128xf32, #tpu.memory_space<vmem_shared>>
      %dma_start3A_74 = arith.constant 0 : i32
      %dma_start3A_75 = tpu.memref_slice %arg9[%add3A_15, %dma_start3A_74] : memref<10000x128xf32, #tpu.memory_space<vmem_shared>> -> memref<80x128xf32, #tpu.memory_space<vmem_shared>>
      tpu.enqueue_dma source(%arg8 : memref<80x128xf32, #tpu.memory_space<vmem>>) target(%dma_start3A_75 : memref<80x128xf32, #tpu.memory_space<vmem_shared>>) target_semaphore(%run_scoped3A : memref<!tpu.dma_semaphore, #tpu.memory_space<semaphore_mem>>)
      %dma_wait3A = arith.constant 0 : i32
      %dma_wait3A_76 = tpu.memref_slice %arg9[%add3A_15, %dma_wait3A] : memref<10000x128xf32, #tpu.memory_space<vmem_shared>> -> memref<80x128xf32, #tpu.memory_space<vmem_shared>>
      %dma_wait3A_77 = arith.constant 0 : i32
      %dma_wait3A_78 = tpu.memref_slice %arg9[%add3A_15, %dma_wait3A_77] : memref<10000x128xf32, #tpu.memory_space<vmem_shared>> -> memref<80x128xf32, #tpu.memory_space<vmem_shared>>
      tpu.wait_dma2 semaphore(%run_scoped3A : memref<!tpu.dma_semaphore, #tpu.memory_space<semaphore_mem>>) src(%arg8 : memref<80x128xf32, #tpu.memory_space<vmem>>) dst(%dma_wait3A_78 : memref<80x128xf32, #tpu.memory_space<vmem_shared>>)
      tpu.yield
    }) : () -> ()
    %add3A_16 = arith.constant 240 : i32
    %add3A_17 = arith.addi %multiple_of3A, %add3A_16 : i32
    "tpu.region"() ({
      %run_scoped3A = tpu.sem_alloc : memref<!tpu.dma_semaphore, #tpu.memory_space<semaphore_mem>>
      %dma_start3A = arith.constant 0 : i32
      %dma_start3A_73 = tpu.memref_slice %arg9[%add3A_17, %dma_start3A] : memref<10000x128xf32, #tpu.memory_space<vmem_shared>> -> memref<80x128xf32, #tpu.memory_space<vmem_shared>>
      %dma_start3A_74 = arith.constant 0 : i32
      %dma_start3A_75 = tpu.memref_slice %arg9[%add3A_17, %dma_start3A_74] : memref<10000x128xf32, #tpu.memory_space<vmem_shared>> -> memref<80x128xf32, #tpu.memory_space<vmem_shared>>
      tpu.enqueue_dma source(%arg8 : memref<80x128xf32, #tpu.memory_space<vmem>>) target(%dma_start3A_75 : memref<80x128xf32, #tpu.memory_space<vmem_shared>>) target_semaphore(%run_scoped3A : memref<!tpu.dma_semaphore, #tpu.memory_space<semaphore_mem>>)
      %dma_wait3A = arith.constant 0 : i32
      %dma_wait3A_76 = tpu.memref_slice %arg9[%add3A_17, %dma_wait3A] : memref<10000x128xf32, #tpu.memory_space<vmem_shared>> -> memref<80x128xf32, #tpu.memory_space<vmem_shared>>
      %dma_wait3A_77 = arith.constant 0 : i32
      %dma_wait3A_78 = tpu.memref_slice %arg9[%add3A_17, %dma_wait3A_77] : memref<10000x128xf32, #tpu.memory_space<vmem_shared>> -> memref<80x128xf32, #tpu.memory_space<vmem_shared>>
      tpu.wait_dma2 semaphore(%run_scoped3A : memref<!tpu.dma_semaphore, #tpu.memory_space<semaphore_mem>>) src(%arg8 : memref<80x128xf32, #tpu.memory_space<vmem>>) dst(%dma_wait3A_78 : memref<80x128xf32, #tpu.memory_space<vmem_shared>>)
      tpu.yield
    }) : () -> ()
    %add3A_18 = arith.constant 320 : i32
    %add3A_19 = arith.addi %multiple_of3A, %add3A_18 : i32
    "tpu.region"() ({
      %run_scoped3A = tpu.sem_alloc : memref<!tpu.dma_semaphore, #tpu.memory_space<semaphore_mem>>
      %dma_start3A = arith.constant 0 : i32
      %dma_start3A_73 = tpu.memref_slice %arg9[%add3A_19, %dma_start3A] : memref<10000x128xf32, #tpu.memory_space<vmem_shared>> -> memref<80x128xf32, #tpu.memory_space<vmem_shared>>
      %dma_start3A_74 = arith.constant 0 : i32
      %dma_start3A_75 = tpu.memref_slice %arg9[%add3A_19, %dma_start3A_74] : memref<10000x128xf32, #tpu.memory_space<vmem_shared>> -> memref<80x128xf32, #tpu.memory_space<vmem_shared>>
      tpu.enqueue_dma source(%arg8 : memref<80x128xf32, #tpu.memory_space<vmem>>) target(%dma_start3A_75 : memref<80x128xf32, #tpu.memory_space<vmem_shared>>) target_semaphore(%run_scoped3A : memref<!tpu.dma_semaphore, #tpu.memory_space<semaphore_mem>>)
      %dma_wait3A = arith.constant 0 : i32
      %dma_wait3A_76 = tpu.memref_slice %arg9[%add3A_19, %dma_wait3A] : memref<10000x128xf32, #tpu.memory_space<vmem_shared>> -> memref<80x128xf32, #tpu.memory_space<vmem_shared>>
      %dma_wait3A_77 = arith.constant 0 : i32
      %dma_wait3A_78 = tpu.memref_slice %arg9[%add3A_19, %dma_wait3A_77] : memref<10000x128xf32, #tpu.memory_space<vmem_shared>> -> memref<80x128xf32, #tpu.memory_space<vmem_shared>>
      tpu.wait_dma2 semaphore(%run_scoped3A : memref<!tpu.dma_semaphore, #tpu.memory_space<semaphore_mem>>) src(%arg8 : memref<80x128xf32, #tpu.memory_space<vmem>>) dst(%dma_wait3A_78 : memref<80x128xf32, #tpu.memory_space<vmem_shared>>)
      tpu.yield
    }) : () -> ()
    %add3A_20 = arith.constant 400 : i32
    %add3A_21 = arith.addi %multiple_of3A, %add3A_20 : i32
    "tpu.region"() ({
      %run_scoped3A = tpu.sem_alloc : memref<!tpu.dma_semaphore, #tpu.memory_space<semaphore_mem>>
      %dma_start3A = arith.constant 0 : i32
      %dma_start3A_73 = tpu.memref_slice %arg9[%add3A_21, %dma_start3A] : memref<10000x128xf32, #tpu.memory_space<vmem_shared>> -> memref<80x128xf32, #tpu.memory_space<vmem_shared>>
      %dma_start3A_74 = arith.constant 0 : i32
      %dma_start3A_75 = tpu.memref_slice %arg9[%add3A_21, %dma_start3A_74] : memref<10000x128xf32, #tpu.memory_space<vmem_shared>> -> memref<80x128xf32, #tpu.memory_space<vmem_shared>>
      tpu.enqueue_dma source(%arg8 : memref<80x128xf32, #tpu.memory_space<vmem>>) target(%dma_start3A_75 : memref<80x128xf32, #tpu.memory_space<vmem_shared>>) target_semaphore(%run_scoped3A : memref<!tpu.dma_semaphore, #tpu.memory_space<semaphore_mem>>)
      %dma_wait3A = arith.constant 0 : i32
      %dma_wait3A_76 = tpu.memref_slice %arg9[%add3A_21, %dma_wait3A] : memref<10000x128xf32, #tpu.memory_space<vmem_shared>> -> memref<80x128xf32, #tpu.memory_space<vmem_shared>>
      %dma_wait3A_77 = arith.constant 0 : i32
      %dma_wait3A_78 = tpu.memref_slice %arg9[%add3A_21, %dma_wait3A_77] : memref<10000x128xf32, #tpu.memory_space<vmem_shared>> -> memref<80x128xf32, #tpu.memory_space<vmem_shared>>
      tpu.wait_dma2 semaphore(%run_scoped3A : memref<!tpu.dma_semaphore, #tpu.memory_space<semaphore_mem>>) src(%arg8 : memref<80x128xf32, #tpu.memory_space<vmem>>) dst(%dma_wait3A_78 : memref<80x128xf32, #tpu.memory_space<vmem_shared>>)
      tpu.yield
    }) : () -> ()
    %add3A_22 = arith.constant 480 : i32
    %add3A_23 = arith.addi %multiple_of3A, %add3A_22 : i32
    "tpu.region"() ({
      %run_scoped3A = tpu.sem_alloc : memref<!tpu.dma_semaphore, #tpu.memory_space<semaphore_mem>>
      %dma_start3A = arith.constant 0 : i32
      %dma_start3A_73 = tpu.memref_slice %arg9[%add3A_23, %dma_start3A] : memref<10000x128xf32, #tpu.memory_space<vmem_shared>> -> memref<80x128xf32, #tpu.memory_space<vmem_shared>>
      %dma_start3A_74 = arith.constant 0 : i32
      %dma_start3A_75 = tpu.memref_slice %arg9[%add3A_23, %dma_start3A_74] : memref<10000x128xf32, #tpu.memory_space<vmem_shared>> -> memref<80x128xf32, #tpu.memory_space<vmem_shared>>
      tpu.enqueue_dma source(%arg8 : memref<80x128xf32, #tpu.memory_space<vmem>>) target(%dma_start3A_75 : memref<80x128xf32, #tpu.memory_space<vmem_shared>>) target_semaphore(%run_scoped3A : memref<!tpu.dma_semaphore, #tpu.memory_space<semaphore_mem>>)
      %dma_wait3A = arith.constant 0 : i32
      %dma_wait3A_76 = tpu.memref_slice %arg9[%add3A_23, %dma_wait3A] : memref<10000x128xf32, #tpu.memory_space<vmem_shared>> -> memref<80x128xf32, #tpu.memory_space<vmem_shared>>
      %dma_wait3A_77 = arith.constant 0 : i32
      %dma_wait3A_78 = tpu.memref_slice %arg9[%add3A_23, %dma_wait3A_77] : memref<10000x128xf32, #tpu.memory_space<vmem_shared>> -> memref<80x128xf32, #tpu.memory_space<vmem_shared>>
      tpu.wait_dma2 semaphore(%run_scoped3A : memref<!tpu.dma_semaphore, #tpu.memory_space<semaphore_mem>>) src(%arg8 : memref<80x128xf32, #tpu.memory_space<vmem>>) dst(%dma_wait3A_78 : memref<80x128xf32, #tpu.memory_space<vmem_shared>>)
      tpu.yield
    }) : () -> ()
    %add3A_24 = arith.constant 560 : i32
    %add3A_25 = arith.addi %multiple_of3A, %add3A_24 : i32
    "tpu.region"() ({
      %run_scoped3A = tpu.sem_alloc : memref<!tpu.dma_semaphore, #tpu.memory_space<semaphore_mem>>
      %dma_start3A = arith.constant 0 : i32
      %dma_start3A_73 = arith.constant 0 : i32
      %dma_start3A_74 = tpu.memref_slice %arg8[%dma_start3A, %dma_start3A_73] : memref<80x128xf32, #tpu.memory_space<vmem>> -> memref<64x128xf32, #tpu.memory_space<vmem>>
      %dma_start3A_75 = arith.constant 0 : i32
      %dma_start3A_76 = tpu.memref_slice %arg9[%add3A_25, %dma_start3A_75] : memref<10000x128xf32, #tpu.memory_space<vmem_shared>> -> memref<64x128xf32, #tpu.memory_space<vmem_shared>>
      %dma_start3A_77 = arith.constant 0 : i32
      %dma_start3A_78 = tpu.memref_slice %arg9[%add3A_25, %dma_start3A_77] : memref<10000x128xf32, #tpu.memory_space<vmem_shared>> -> memref<64x128xf32, #tpu.memory_space<vmem_shared>>
      %dma_start3A_79 = arith.constant 0 : i32
      %dma_start3A_80 = arith.constant 0 : i32
      %dma_start3A_81 = tpu.memref_slice %arg8[%dma_start3A_79, %dma_start3A_80] : memref<80x128xf32, #tpu.memory_space<vmem>> -> memref<64x128xf32, #tpu.memory_space<vmem>>
      tpu.enqueue_dma source(%dma_start3A_81 : memref<64x128xf32, #tpu.memory_space<vmem>>) target(%dma_start3A_78 : memref<64x128xf32, #tpu.memory_space<vmem_shared>>) target_semaphore(%run_scoped3A : memref<!tpu.dma_semaphore, #tpu.memory_space<semaphore_mem>>)
      %dma_wait3A = arith.constant 0 : i32
      %dma_wait3A_82 = arith.constant 0 : i32
      %dma_wait3A_83 = tpu.memref_slice %arg8[%dma_wait3A, %dma_wait3A_82] : memref<80x128xf32, #tpu.memory_space<vmem>> -> memref<64x128xf32, #tpu.memory_space<vmem>>
      %dma_wait3A_84 = arith.constant 0 : i32
      %dma_wait3A_85 = tpu.memref_slice %arg9[%add3A_25, %dma_wait3A_84] : memref<10000x128xf32, #tpu.memory_space<vmem_shared>> -> memref<64x128xf32, #tpu.memory_space<vmem_shared>>
      %dma_wait3A_86 = arith.constant 0 : i32
      %dma_wait3A_87 = tpu.memref_slice %arg9[%add3A_25, %dma_wait3A_86] : memref<10000x128xf32, #tpu.memory_space<vmem_shared>> -> memref<64x128xf32, #tpu.memory_space<vmem_shared>>
      %dma_wait3A_88 = arith.constant 0 : i32
      %dma_wait3A_89 = arith.constant 0 : i32
      %dma_wait3A_90 = tpu.memref_slice %arg8[%dma_wait3A_88, %dma_wait3A_89] : memref<80x128xf32, #tpu.memory_space<vmem>> -> memref<64x128xf32, #tpu.memory_space<vmem>>
      tpu.wait_dma2 semaphore(%run_scoped3A : memref<!tpu.dma_semaphore, #tpu.memory_space<semaphore_mem>>) src(%dma_wait3A_90 : memref<64x128xf32, #tpu.memory_space<vmem>>) dst(%dma_wait3A_87 : memref<64x128xf32, #tpu.memory_space<vmem_shared>>)
      tpu.yield
    }) : () -> ()
    %eq3A = arith.constant 15 : i32
    %eq3A_26 = arith.cmpi eq, %arg1, %eq3A : i32
    %convert_element_type3A = arith.extui %eq3A_26 : i1 to i32
    %cond3A = arith.constant 0 : i32
    %cond3A_27 = arith.cmpi ne, %convert_element_type3A, %cond3A : i32
    scf.if %cond3A_27 {
      "tpu.region"() ({
        %run_scoped3A = tpu.sem_alloc : memref<!tpu.dma_semaphore, #tpu.memory_space<semaphore_mem>>
        %dma_start3A = arith.constant 0 : i32
        %dma_start3A_73 = arith.constant 0 : i32
        %dma_start3A_74 = tpu.memref_slice %arg8[%dma_start3A, %dma_start3A_73] : memref<80x128xf32, #tpu.memory_space<vmem>> -> memref<16x128xf32, #tpu.memory_space<vmem>>
        %dma_start3A_75 = arith.constant 9984 : i32
        %dma_start3A_76 = arith.constant 0 : i32
        %dma_start3A_77 = tpu.memref_slice %arg9[%dma_start3A_75, %dma_start3A_76] : memref<10000x128xf32, #tpu.memory_space<vmem_shared>> -> memref<16x128xf32, #tpu.memory_space<vmem_shared>>
        %dma_start3A_78 = arith.constant 9984 : i32
        %dma_start3A_79 = arith.constant 0 : i32
        %dma_start3A_80 = tpu.memref_slice %arg9[%dma_start3A_78, %dma_start3A_79] : memref<10000x128xf32, #tpu.memory_space<vmem_shared>> -> memref<16x128xf32, #tpu.memory_space<vmem_shared>>
        %dma_start3A_81 = arith.constant 0 : i32
        %dma_start3A_82 = arith.constant 0 : i32
        %dma_start3A_83 = tpu.memref_slice %arg8[%dma_start3A_81, %dma_start3A_82] : memref<80x128xf32, #tpu.memory_space<vmem>> -> memref<16x128xf32, #tpu.memory_space<vmem>>
        tpu.enqueue_dma source(%dma_start3A_83 : memref<16x128xf32, #tpu.memory_space<vmem>>) target(%dma_start3A_80 : memref<16x128xf32, #tpu.memory_space<vmem_shared>>) target_semaphore(%run_scoped3A : memref<!tpu.dma_semaphore, #tpu.memory_space<semaphore_mem>>)
        %dma_wait3A = arith.constant 0 : i32
        %dma_wait3A_84 = arith.constant 0 : i32
        %dma_wait3A_85 = tpu.memref_slice %arg8[%dma_wait3A, %dma_wait3A_84] : memref<80x128xf32, #tpu.memory_space<vmem>> -> memref<16x128xf32, #tpu.memory_space<vmem>>
        %dma_wait3A_86 = arith.constant 9984 : i32
        %dma_wait3A_87 = arith.constant 0 : i32
        %dma_wait3A_88 = tpu.memref_slice %arg9[%dma_wait3A_86, %dma_wait3A_87] : memref<10000x128xf32, #tpu.memory_space<vmem_shared>> -> memref<16x128xf32, #tpu.memory_space<vmem_shared>>
        %dma_wait3A_89 = arith.constant 9984 : i32
        %dma_wait3A_90 = arith.constant 0 : i32
        %dma_wait3A_91 = tpu.memref_slice %arg9[%dma_wait3A_89, %dma_wait3A_90] : memref<10000x128xf32, #tpu.memory_space<vmem_shared>> -> memref<16x128xf32, #tpu.memory_space<vmem_shared>>
        %dma_wait3A_92 = arith.constant 0 : i32
        %dma_wait3A_93 = arith.constant 0 : i32
        %dma_wait3A_94 = tpu.memref_slice %arg8[%dma_wait3A_92, %dma_wait3A_93] : memref<80x128xf32, #tpu.memory_space<vmem>> -> memref<16x128xf32, #tpu.memory_space<vmem>>
        tpu.wait_dma2 semaphore(%run_scoped3A : memref<!tpu.dma_semaphore, #tpu.memory_space<semaphore_mem>>) src(%dma_wait3A_94 : memref<16x128xf32, #tpu.memory_space<vmem>>) dst(%dma_wait3A_91 : memref<16x128xf32, #tpu.memory_space<vmem_shared>>)
        tpu.yield
      }) : () -> ()
    } else {
    }
    %barrier3A = arith.constant 0 : index
    tpu.barrier barrier_id(%barrier3A)
    %scan3A_28 = arith.constant 0 : i32
    %scan3A_29 = arith.constant 0 : i32
    %scan3A_30 = arith.constant 25 : i32
    %scan3A_31 = arith.addi %scan3A_29, %scan3A_30 : i32
    %scan3A_32 = arith.constant 1 : i32
    %scan3A_33 = scf.for %scan3A_73 = %scan3A_29 to %scan3A_31 step %scan3A_32 iter_args(%scan3A_74 = %scan3A_28) -> (i32)  : i32 {
      "tpu.region"() ({
        %run_scoped3A_148 = tpu.sem_alloc : memref<!tpu.dma_semaphore, #tpu.memory_space<semaphore_mem>>
        %dma_start3A_149 = arith.constant 0 : i32
        %dma_start3A_150 = arith.constant 0 : i32
        %dma_start3A_151 = tpu.memref_slice %arg3[%add3A, %scan3A_73, %dma_start3A_149, %dma_start3A_150] : memref<32x25x5x80xi32, #tpu.memory_space<hbm>> -> memref<1x1x5x80xi32, #tpu.memory_space<hbm>>
        %dma_start3A_152 = tpu.memref_squeeze %dma_start3A_151 : memref<1x1x5x80xi32, #tpu.memory_space<hbm>> -> memref<5x80xi32, #tpu.memory_space<hbm>>
        %dma_start3A_153 = arith.constant 0 : i32
        %dma_start3A_154 = arith.constant 0 : i32
        %dma_start3A_155 = tpu.memref_slice %arg3[%add3A, %scan3A_73, %dma_start3A_153, %dma_start3A_154] : memref<32x25x5x80xi32, #tpu.memory_space<hbm>> -> memref<1x1x5x80xi32, #tpu.memory_space<hbm>>
        %dma_start3A_156 = tpu.memref_squeeze %dma_start3A_155 : memref<1x1x5x80xi32, #tpu.memory_space<hbm>> -> memref<5x80xi32, #tpu.memory_space<hbm>>
        tpu.enqueue_dma source(%dma_start3A_156 : memref<5x80xi32, #tpu.memory_space<hbm>>) target(%arg6 : memref<5x80xi32, #tpu.memory_space<vmem>>) target_semaphore(%run_scoped3A_148 : memref<!tpu.dma_semaphore, #tpu.memory_space<semaphore_mem>>)
        %dma_wait3A_157 = arith.constant 0 : i32
        %dma_wait3A_158 = arith.constant 0 : i32
        %dma_wait3A_159 = tpu.memref_slice %arg3[%add3A, %scan3A_73, %dma_wait3A_157, %dma_wait3A_158] : memref<32x25x5x80xi32, #tpu.memory_space<hbm>> -> memref<1x1x5x80xi32, #tpu.memory_space<hbm>>
        %dma_wait3A_160 = tpu.memref_squeeze %dma_wait3A_159 : memref<1x1x5x80xi32, #tpu.memory_space<hbm>> -> memref<5x80xi32, #tpu.memory_space<hbm>>
        %dma_wait3A_161 = arith.constant 0 : i32
        %dma_wait3A_162 = arith.constant 0 : i32
        %dma_wait3A_163 = tpu.memref_slice %arg3[%add3A, %scan3A_73, %dma_wait3A_161, %dma_wait3A_162] : memref<32x25x5x80xi32, #tpu.memory_space<hbm>> -> memref<1x1x5x80xi32, #tpu.memory_space<hbm>>
        %dma_wait3A_164 = tpu.memref_squeeze %dma_wait3A_163 : memref<1x1x5x80xi32, #tpu.memory_space<hbm>> -> memref<5x80xi32, #tpu.memory_space<hbm>>
        tpu.wait_dma2 semaphore(%run_scoped3A_148 : memref<!tpu.dma_semaphore, #tpu.memory_space<semaphore_mem>>) src(%dma_wait3A_164 : memref<5x80xi32, #tpu.memory_space<hbm>>) dst(%arg6 : memref<5x80xi32, #tpu.memory_space<vmem>>)
        tpu.yield
      }) : () -> ()
      "tpu.region"() ({
        %run_scoped3A_148 = tpu.sem_alloc : memref<!tpu.dma_semaphore, #tpu.memory_space<semaphore_mem>>
        %dma_start3A_149 = arith.constant 0 : i32
        %dma_start3A_150 = arith.constant 0 : i32
        %dma_start3A_151 = tpu.memref_slice %arg4[%add3A, %scan3A_73, %dma_start3A_149, %dma_start3A_150] : memref<32x25x5x80xi32, #tpu.memory_space<hbm>> -> memref<1x1x5x80xi32, #tpu.memory_space<hbm>>
        %dma_start3A_152 = tpu.memref_squeeze %dma_start3A_151 : memref<1x1x5x80xi32, #tpu.memory_space<hbm>> -> memref<5x80xi32, #tpu.memory_space<hbm>>
        %dma_start3A_153 = arith.constant 0 : i32
        %dma_start3A_154 = arith.constant 0 : i32
        %dma_start3A_155 = tpu.memref_slice %arg4[%add3A, %scan3A_73, %dma_start3A_153, %dma_start3A_154] : memref<32x25x5x80xi32, #tpu.memory_space<hbm>> -> memref<1x1x5x80xi32, #tpu.memory_space<hbm>>
        %dma_start3A_156 = tpu.memref_squeeze %dma_start3A_155 : memref<1x1x5x80xi32, #tpu.memory_space<hbm>> -> memref<5x80xi32, #tpu.memory_space<hbm>>
        tpu.enqueue_dma source(%dma_start3A_156 : memref<5x80xi32, #tpu.memory_space<hbm>>) target(%arg7 : memref<5x80xi32, #tpu.memory_space<vmem>>) target_semaphore(%run_scoped3A_148 : memref<!tpu.dma_semaphore, #tpu.memory_space<semaphore_mem>>)
        %dma_wait3A_157 = arith.constant 0 : i32
        %dma_wait3A_158 = arith.constant 0 : i32
        %dma_wait3A_159 = tpu.memref_slice %arg4[%add3A, %scan3A_73, %dma_wait3A_157, %dma_wait3A_158] : memref<32x25x5x80xi32, #tpu.memory_space<hbm>> -> memref<1x1x5x80xi32, #tpu.memory_space<hbm>>
        %dma_wait3A_160 = tpu.memref_squeeze %dma_wait3A_159 : memref<1x1x5x80xi32, #tpu.memory_space<hbm>> -> memref<5x80xi32, #tpu.memory_space<hbm>>
        %dma_wait3A_161 = arith.constant 0 : i32
        %dma_wait3A_162 = arith.constant 0 : i32
        %dma_wait3A_163 = tpu.memref_slice %arg4[%add3A, %scan3A_73, %dma_wait3A_161, %dma_wait3A_162] : memref<32x25x5x80xi32, #tpu.memory_space<hbm>> -> memref<1x1x5x80xi32, #tpu.memory_space<hbm>>
        %dma_wait3A_164 = tpu.memref_squeeze %dma_wait3A_163 : memref<1x1x5x80xi32, #tpu.memory_space<hbm>> -> memref<5x80xi32, #tpu.memory_space<hbm>>
        tpu.wait_dma2 semaphore(%run_scoped3A_148 : memref<!tpu.dma_semaphore, #tpu.memory_space<semaphore_mem>>) src(%dma_wait3A_164 : memref<5x80xi32, #tpu.memory_space<hbm>>) dst(%arg7 : memref<5x80xi32, #tpu.memory_space<vmem>>)
        tpu.yield
      }) : () -> ()
      %dma_start3A = arith.constant 0 : i32
      %dma_start3A_75 = arith.constant 0 : i32
      %dma_start3A_76 = tpu.memref_slice %arg6[%dma_start3A, %dma_start3A_75] : memref<5x80xi32, #tpu.memory_space<vmem>> -> memref<1x80xi32, #tpu.memory_space<vmem>>
      %dma_start3A_77 = tpu.memref_squeeze %dma_start3A_76 : memref<1x80xi32, #tpu.memory_space<vmem>> -> memref<80xi32, #tpu.memory_space<vmem>>
      %dma_start3A_78 = arith.constant 0 : i32
      %dma_start3A_79 = arith.constant 0 : i32
      %dma_start3A_80 = tpu.memref_slice %arg2[%dma_start3A_78, %dma_start3A_79] : memref<10000x128xf32, #tpu.memory_space<hbm>> -> memref<10000x128xf32, #tpu.memory_space<hbm>>
      tpu.enqueue_indirect_dma source(%dma_start3A_80 : memref<10000x128xf32, #tpu.memory_space<hbm>>) target(%arg8 : memref<80x128xf32, #tpu.memory_space<vmem>>) offsets(%dma_start3A_77 : memref<80xi32, #tpu.memory_space<vmem>>) semaphore(%arg10 : memref<!tpu.dma_semaphore, #tpu.memory_space<semaphore_mem>>)
      %dma_wait3A = arith.constant 0 : i32
      %dma_wait3A_81 = arith.constant 0 : i32
      %dma_wait3A_82 = tpu.memref_slice %arg6[%dma_wait3A, %dma_wait3A_81] : memref<5x80xi32, #tpu.memory_space<vmem>> -> memref<1x80xi32, #tpu.memory_space<vmem>>
      %dma_wait3A_83 = tpu.memref_squeeze %dma_wait3A_82 : memref<1x80xi32, #tpu.memory_space<vmem>> -> memref<80xi32, #tpu.memory_space<vmem>>
      %dma_wait3A_84 = arith.constant 0 : i32
      %dma_wait3A_85 = arith.constant 0 : i32
      %dma_wait3A_86 = tpu.memref_slice %arg2[%dma_wait3A_84, %dma_wait3A_85] : memref<10000x128xf32, #tpu.memory_space<hbm>> -> memref<10000x128xf32, #tpu.memory_space<hbm>>
      tpu.wait_indirect_dma semaphore(%arg10 : memref<!tpu.dma_semaphore, #tpu.memory_space<semaphore_mem>>) src(%dma_wait3A_86 : memref<10000x128xf32, #tpu.memory_space<hbm>>) dst(%arg8 : memref<80x128xf32, #tpu.memory_space<vmem>>)
      %run_scoped3A = arith.constant 0 : i32
      "tpu.region"() ({
        %run_scoped3A_148 = tpu.sem_alloc : memref<!tpu.dma_semaphore, #tpu.memory_space<semaphore_mem>>
        %dma_start3A_149 = arith.constant 0 : i32
        %dma_start3A_150 = tpu.memref_slice %arg7[%run_scoped3A, %dma_start3A_149] : memref<5x80xi32, #tpu.memory_space<vmem>> -> memref<1x80xi32, #tpu.memory_space<vmem>>
        %dma_start3A_151 = tpu.memref_squeeze %dma_start3A_150 : memref<1x80xi32, #tpu.memory_space<vmem>> -> memref<80xi32, #tpu.memory_space<vmem>>
        %dma_start3A_152 = arith.constant 0 : i32
        %dma_start3A_153 = arith.constant 0 : i32
        %dma_start3A_154 = tpu.memref_slice %arg9[%dma_start3A_152, %dma_start3A_153] : memref<10000x128xf32, #tpu.memory_space<vmem_shared>> -> memref<10000x128xf32, #tpu.memory_space<vmem_shared>>
        tpu.enqueue_indirect_dma source(%arg8 : memref<80x128xf32, #tpu.memory_space<vmem>>) target(%dma_start3A_154 : memref<10000x128xf32, #tpu.memory_space<vmem_shared>>) offsets(%dma_start3A_151 : memref<80xi32, #tpu.memory_space<vmem>>) semaphore(%run_scoped3A_148 : memref<!tpu.dma_semaphore, #tpu.memory_space<semaphore_mem>>) {add = true}
        %dma_wait3A_155 = arith.constant 0 : i32
        %dma_wait3A_156 = tpu.memref_slice %arg7[%run_scoped3A, %dma_wait3A_155] : memref<5x80xi32, #tpu.memory_space<vmem>> -> memref<1x80xi32, #tpu.memory_space<vmem>>
        %dma_wait3A_157 = tpu.memref_squeeze %dma_wait3A_156 : memref<1x80xi32, #tpu.memory_space<vmem>> -> memref<80xi32, #tpu.memory_space<vmem>>
        %dma_wait3A_158 = arith.constant 0 : i32
        %dma_wait3A_159 = arith.constant 0 : i32
        %dma_wait3A_160 = tpu.memref_slice %arg9[%dma_wait3A_158, %dma_wait3A_159] : memref<10000x128xf32, #tpu.memory_space<vmem_shared>> -> memref<10000x128xf32, #tpu.memory_space<vmem_shared>>
        tpu.wait_indirect_dma semaphore(%run_scoped3A_148 : memref<!tpu.dma_semaphore, #tpu.memory_space<semaphore_mem>>) src(%arg8 : memref<80x128xf32, #tpu.memory_space<vmem>>) dst(%dma_wait3A_160 : memref<10000x128xf32, #tpu.memory_space<vmem_shared>>)
        tpu.yield
      }) : () -> ()
      %dma_start3A_87 = arith.constant 1 : i32
      %dma_start3A_88 = arith.constant 0 : i32
      %dma_start3A_89 = tpu.memref_slice %arg6[%dma_start3A_87, %dma_start3A_88] : memref<5x80xi32, #tpu.memory_space<vmem>> -> memref<1x80xi32, #tpu.memory_space<vmem>>
      %dma_start3A_90 = tpu.memref_squeeze %dma_start3A_89 : memref<1x80xi32, #tpu.memory_space<vmem>> -> memref<80xi32, #tpu.memory_space<vmem>>
      %dma_start3A_91 = arith.constant 0 : i32
      %dma_start3A_92 = arith.constant 0 : i32
      %dma_start3A_93 = tpu.memref_slice %arg2[%dma_start3A_91, %dma_start3A_92] : memref<10000x128xf32, #tpu.memory_space<hbm>> -> memref<10000x128xf32, #tpu.memory_space<hbm>>
      tpu.enqueue_indirect_dma source(%dma_start3A_93 : memref<10000x128xf32, #tpu.memory_space<hbm>>) target(%arg8 : memref<80x128xf32, #tpu.memory_space<vmem>>) offsets(%dma_start3A_90 : memref<80xi32, #tpu.memory_space<vmem>>) semaphore(%arg10 : memref<!tpu.dma_semaphore, #tpu.memory_space<semaphore_mem>>)
      %dma_wait3A_94 = arith.constant 1 : i32
      %dma_wait3A_95 = arith.constant 0 : i32
      %dma_wait3A_96 = tpu.memref_slice %arg6[%dma_wait3A_94, %dma_wait3A_95] : memref<5x80xi32, #tpu.memory_space<vmem>> -> memref<1x80xi32, #tpu.memory_space<vmem>>
      %dma_wait3A_97 = tpu.memref_squeeze %dma_wait3A_96 : memref<1x80xi32, #tpu.memory_space<vmem>> -> memref<80xi32, #tpu.memory_space<vmem>>
      %dma_wait3A_98 = arith.constant 0 : i32
      %dma_wait3A_99 = arith.constant 0 : i32
      %dma_wait3A_100 = tpu.memref_slice %arg2[%dma_wait3A_98, %dma_wait3A_99] : memref<10000x128xf32, #tpu.memory_space<hbm>> -> memref<10000x128xf32, #tpu.memory_space<hbm>>
      tpu.wait_indirect_dma semaphore(%arg10 : memref<!tpu.dma_semaphore, #tpu.memory_space<semaphore_mem>>) src(%dma_wait3A_100 : memref<10000x128xf32, #tpu.memory_space<hbm>>) dst(%arg8 : memref<80x128xf32, #tpu.memory_space<vmem>>)
      %run_scoped3A_101 = arith.constant 1 : i32
      "tpu.region"() ({
        %run_scoped3A_148 = tpu.sem_alloc : memref<!tpu.dma_semaphore, #tpu.memory_space<semaphore_mem>>
        %dma_start3A_149 = arith.constant 0 : i32
        %dma_start3A_150 = tpu.memref_slice %arg7[%run_scoped3A_101, %dma_start3A_149] : memref<5x80xi32, #tpu.memory_space<vmem>> -> memref<1x80xi32, #tpu.memory_space<vmem>>
        %dma_start3A_151 = tpu.memref_squeeze %dma_start3A_150 : memref<1x80xi32, #tpu.memory_space<vmem>> -> memref<80xi32, #tpu.memory_space<vmem>>
        %dma_start3A_152 = arith.constant 0 : i32
        %dma_start3A_153 = arith.constant 0 : i32
        %dma_start3A_154 = tpu.memref_slice %arg9[%dma_start3A_152, %dma_start3A_153] : memref<10000x128xf32, #tpu.memory_space<vmem_shared>> -> memref<10000x128xf32, #tpu.memory_space<vmem_shared>>
        tpu.enqueue_indirect_dma source(%arg8 : memref<80x128xf32, #tpu.memory_space<vmem>>) target(%dma_start3A_154 : memref<10000x128xf32, #tpu.memory_space<vmem_shared>>) offsets(%dma_start3A_151 : memref<80xi32, #tpu.memory_space<vmem>>) semaphore(%run_scoped3A_148 : memref<!tpu.dma_semaphore, #tpu.memory_space<semaphore_mem>>) {add = true}
        %dma_wait3A_155 = arith.constant 0 : i32
        %dma_wait3A_156 = tpu.memref_slice %arg7[%run_scoped3A_101, %dma_wait3A_155] : memref<5x80xi32, #tpu.memory_space<vmem>> -> memref<1x80xi32, #tpu.memory_space<vmem>>
        %dma_wait3A_157 = tpu.memref_squeeze %dma_wait3A_156 : memref<1x80xi32, #tpu.memory_space<vmem>> -> memref<80xi32, #tpu.memory_space<vmem>>
        %dma_wait3A_158 = arith.constant 0 : i32
        %dma_wait3A_159 = arith.constant 0 : i32
        %dma_wait3A_160 = tpu.memref_slice %arg9[%dma_wait3A_158, %dma_wait3A_159] : memref<10000x128xf32, #tpu.memory_space<vmem_shared>> -> memref<10000x128xf32, #tpu.memory_space<vmem_shared>>
        tpu.wait_indirect_dma semaphore(%run_scoped3A_148 : memref<!tpu.dma_semaphore, #tpu.memory_space<semaphore_mem>>) src(%arg8 : memref<80x128xf32, #tpu.memory_space<vmem>>) dst(%dma_wait3A_160 : memref<10000x128xf32, #tpu.memory_space<vmem_shared>>)
        tpu.yield
      }) : () -> ()
      %dma_start3A_102 = arith.constant 2 : i32
      %dma_start3A_103 = arith.constant 0 : i32
      %dma_start3A_104 = tpu.memref_slice %arg6[%dma_start3A_102, %dma_start3A_103] : memref<5x80xi32, #tpu.memory_space<vmem>> -> memref<1x80xi32, #tpu.memory_space<vmem>>
      %dma_start3A_105 = tpu.memref_squeeze %dma_start3A_104 : memref<1x80xi32, #tpu.memory_space<vmem>> -> memref<80xi32, #tpu.memory_space<vmem>>
      %dma_start3A_106 = arith.constant 0 : i32
      %dma_start3A_107 = arith.constant 0 : i32
      %dma_start3A_108 = tpu.memref_slice %arg2[%dma_start3A_106, %dma_start3A_107] : memref<10000x128xf32, #tpu.memory_space<hbm>> -> memref<10000x128xf32, #tpu.memory_space<hbm>>
      tpu.enqueue_indirect_dma source(%dma_start3A_108 : memref<10000x128xf32, #tpu.memory_space<hbm>>) target(%arg8 : memref<80x128xf32, #tpu.memory_space<vmem>>) offsets(%dma_start3A_105 : memref<80xi32, #tpu.memory_space<vmem>>) semaphore(%arg10 : memref<!tpu.dma_semaphore, #tpu.memory_space<semaphore_mem>>)
      %dma_wait3A_109 = arith.constant 2 : i32
      %dma_wait3A_110 = arith.constant 0 : i32
      %dma_wait3A_111 = tpu.memref_slice %arg6[%dma_wait3A_109, %dma_wait3A_110] : memref<5x80xi32, #tpu.memory_space<vmem>> -> memref<1x80xi32, #tpu.memory_space<vmem>>
      %dma_wait3A_112 = tpu.memref_squeeze %dma_wait3A_111 : memref<1x80xi32, #tpu.memory_space<vmem>> -> memref<80xi32, #tpu.memory_space<vmem>>
      %dma_wait3A_113 = arith.constant 0 : i32
      %dma_wait3A_114 = arith.constant 0 : i32
      %dma_wait3A_115 = tpu.memref_slice %arg2[%dma_wait3A_113, %dma_wait3A_114] : memref<10000x128xf32, #tpu.memory_space<hbm>> -> memref<10000x128xf32, #tpu.memory_space<hbm>>
      tpu.wait_indirect_dma semaphore(%arg10 : memref<!tpu.dma_semaphore, #tpu.memory_space<semaphore_mem>>) src(%dma_wait3A_115 : memref<10000x128xf32, #tpu.memory_space<hbm>>) dst(%arg8 : memref<80x128xf32, #tpu.memory_space<vmem>>)
      %run_scoped3A_116 = arith.constant 2 : i32
      "tpu.region"() ({
        %run_scoped3A_148 = tpu.sem_alloc : memref<!tpu.dma_semaphore, #tpu.memory_space<semaphore_mem>>
        %dma_start3A_149 = arith.constant 0 : i32
        %dma_start3A_150 = tpu.memref_slice %arg7[%run_scoped3A_116, %dma_start3A_149] : memref<5x80xi32, #tpu.memory_space<vmem>> -> memref<1x80xi32, #tpu.memory_space<vmem>>
        %dma_start3A_151 = tpu.memref_squeeze %dma_start3A_150 : memref<1x80xi32, #tpu.memory_space<vmem>> -> memref<80xi32, #tpu.memory_space<vmem>>
        %dma_start3A_152 = arith.constant 0 : i32
        %dma_start3A_153 = arith.constant 0 : i32
        %dma_start3A_154 = tpu.memref_slice %arg9[%dma_start3A_152, %dma_start3A_153] : memref<10000x128xf32, #tpu.memory_space<vmem_shared>> -> memref<10000x128xf32, #tpu.memory_space<vmem_shared>>
        tpu.enqueue_indirect_dma source(%arg8 : memref<80x128xf32, #tpu.memory_space<vmem>>) target(%dma_start3A_154 : memref<10000x128xf32, #tpu.memory_space<vmem_shared>>) offsets(%dma_start3A_151 : memref<80xi32, #tpu.memory_space<vmem>>) semaphore(%run_scoped3A_148 : memref<!tpu.dma_semaphore, #tpu.memory_space<semaphore_mem>>) {add = true}
        %dma_wait3A_155 = arith.constant 0 : i32
        %dma_wait3A_156 = tpu.memref_slice %arg7[%run_scoped3A_116, %dma_wait3A_155] : memref<5x80xi32, #tpu.memory_space<vmem>> -> memref<1x80xi32, #tpu.memory_space<vmem>>
        %dma_wait3A_157 = tpu.memref_squeeze %dma_wait3A_156 : memref<1x80xi32, #tpu.memory_space<vmem>> -> memref<80xi32, #tpu.memory_space<vmem>>
        %dma_wait3A_158 = arith.constant 0 : i32
        %dma_wait3A_159 = arith.constant 0 : i32
        %dma_wait3A_160 = tpu.memref_slice %arg9[%dma_wait3A_158, %dma_wait3A_159] : memref<10000x128xf32, #tpu.memory_space<vmem_shared>> -> memref<10000x128xf32, #tpu.memory_space<vmem_shared>>
        tpu.wait_indirect_dma semaphore(%run_scoped3A_148 : memref<!tpu.dma_semaphore, #tpu.memory_space<semaphore_mem>>) src(%arg8 : memref<80x128xf32, #tpu.memory_space<vmem>>) dst(%dma_wait3A_160 : memref<10000x128xf32, #tpu.memory_space<vmem_shared>>)
        tpu.yield
      }) : () -> ()
      %dma_start3A_117 = arith.constant 3 : i32
      %dma_start3A_118 = arith.constant 0 : i32
      %dma_start3A_119 = tpu.memref_slice %arg6[%dma_start3A_117, %dma_start3A_118] : memref<5x80xi32, #tpu.memory_space<vmem>> -> memref<1x80xi32, #tpu.memory_space<vmem>>
      %dma_start3A_120 = tpu.memref_squeeze %dma_start3A_119 : memref<1x80xi32, #tpu.memory_space<vmem>> -> memref<80xi32, #tpu.memory_space<vmem>>
      %dma_start3A_121 = arith.constant 0 : i32
      %dma_start3A_122 = arith.constant 0 : i32
      %dma_start3A_123 = tpu.memref_slice %arg2[%dma_start3A_121, %dma_start3A_122] : memref<10000x128xf32, #tpu.memory_space<hbm>> -> memref<10000x128xf32, #tpu.memory_space<hbm>>
      tpu.enqueue_indirect_dma source(%dma_start3A_123 : memref<10000x128xf32, #tpu.memory_space<hbm>>) target(%arg8 : memref<80x128xf32, #tpu.memory_space<vmem>>) offsets(%dma_start3A_120 : memref<80xi32, #tpu.memory_space<vmem>>) semaphore(%arg10 : memref<!tpu.dma_semaphore, #tpu.memory_space<semaphore_mem>>)
      %dma_wait3A_124 = arith.constant 3 : i32
      %dma_wait3A_125 = arith.constant 0 : i32
      %dma_wait3A_126 = tpu.memref_slice %arg6[%dma_wait3A_124, %dma_wait3A_125] : memref<5x80xi32, #tpu.memory_space<vmem>> -> memref<1x80xi32, #tpu.memory_space<vmem>>
      %dma_wait3A_127 = tpu.memref_squeeze %dma_wait3A_126 : memref<1x80xi32, #tpu.memory_space<vmem>> -> memref<80xi32, #tpu.memory_space<vmem>>
      %dma_wait3A_128 = arith.constant 0 : i32
      %dma_wait3A_129 = arith.constant 0 : i32
      %dma_wait3A_130 = tpu.memref_slice %arg2[%dma_wait3A_128, %dma_wait3A_129] : memref<10000x128xf32, #tpu.memory_space<hbm>> -> memref<10000x128xf32, #tpu.memory_space<hbm>>
      tpu.wait_indirect_dma semaphore(%arg10 : memref<!tpu.dma_semaphore, #tpu.memory_space<semaphore_mem>>) src(%dma_wait3A_130 : memref<10000x128xf32, #tpu.memory_space<hbm>>) dst(%arg8 : memref<80x128xf32, #tpu.memory_space<vmem>>)
      %run_scoped3A_131 = arith.constant 3 : i32
      "tpu.region"() ({
        %run_scoped3A_148 = tpu.sem_alloc : memref<!tpu.dma_semaphore, #tpu.memory_space<semaphore_mem>>
        %dma_start3A_149 = arith.constant 0 : i32
        %dma_start3A_150 = tpu.memref_slice %arg7[%run_scoped3A_131, %dma_start3A_149] : memref<5x80xi32, #tpu.memory_space<vmem>> -> memref<1x80xi32, #tpu.memory_space<vmem>>
        %dma_start3A_151 = tpu.memref_squeeze %dma_start3A_150 : memref<1x80xi32, #tpu.memory_space<vmem>> -> memref<80xi32, #tpu.memory_space<vmem>>
        %dma_start3A_152 = arith.constant 0 : i32
        %dma_start3A_153 = arith.constant 0 : i32
        %dma_start3A_154 = tpu.memref_slice %arg9[%dma_start3A_152, %dma_start3A_153] : memref<10000x128xf32, #tpu.memory_space<vmem_shared>> -> memref<10000x128xf32, #tpu.memory_space<vmem_shared>>
        tpu.enqueue_indirect_dma source(%arg8 : memref<80x128xf32, #tpu.memory_space<vmem>>) target(%dma_start3A_154 : memref<10000x128xf32, #tpu.memory_space<vmem_shared>>) offsets(%dma_start3A_151 : memref<80xi32, #tpu.memory_space<vmem>>) semaphore(%run_scoped3A_148 : memref<!tpu.dma_semaphore, #tpu.memory_space<semaphore_mem>>) {add = true}
        %dma_wait3A_155 = arith.constant 0 : i32
        %dma_wait3A_156 = tpu.memref_slice %arg7[%run_scoped3A_131, %dma_wait3A_155] : memref<5x80xi32, #tpu.memory_space<vmem>> -> memref<1x80xi32, #tpu.memory_space<vmem>>
        %dma_wait3A_157 = tpu.memref_squeeze %dma_wait3A_156 : memref<1x80xi32, #tpu.memory_space<vmem>> -> memref<80xi32, #tpu.memory_space<vmem>>
        %dma_wait3A_158 = arith.constant 0 : i32
        %dma_wait3A_159 = arith.constant 0 : i32
        %dma_wait3A_160 = tpu.memref_slice %arg9[%dma_wait3A_158, %dma_wait3A_159] : memref<10000x128xf32, #tpu.memory_space<vmem_shared>> -> memref<10000x128xf32, #tpu.memory_space<vmem_shared>>
        tpu.wait_indirect_dma semaphore(%run_scoped3A_148 : memref<!tpu.dma_semaphore, #tpu.memory_space<semaphore_mem>>) src(%arg8 : memref<80x128xf32, #tpu.memory_space<vmem>>) dst(%dma_wait3A_160 : memref<10000x128xf32, #tpu.memory_space<vmem_shared>>)
        tpu.yield
      }) : () -> ()
      %dma_start3A_132 = arith.constant 4 : i32
      %dma_start3A_133 = arith.constant 0 : i32
      %dma_start3A_134 = tpu.memref_slice %arg6[%dma_start3A_132, %dma_start3A_133] : memref<5x80xi32, #tpu.memory_space<vmem>> -> memref<1x80xi32, #tpu.memory_space<vmem>>
      %dma_start3A_135 = tpu.memref_squeeze %dma_start3A_134 : memref<1x80xi32, #tpu.memory_space<vmem>> -> memref<80xi32, #tpu.memory_space<vmem>>
      %dma_start3A_136 = arith.constant 0 : i32
      %dma_start3A_137 = arith.constant 0 : i32
      %dma_start3A_138 = tpu.memref_slice %arg2[%dma_start3A_136, %dma_start3A_137] : memref<10000x128xf32, #tpu.memory_space<hbm>> -> memref<10000x128xf32, #tpu.memory_space<hbm>>
      tpu.enqueue_indirect_dma source(%dma_start3A_138 : memref<10000x128xf32, #tpu.memory_space<hbm>>) target(%arg8 : memref<80x128xf32, #tpu.memory_space<vmem>>) offsets(%dma_start3A_135 : memref<80xi32, #tpu.memory_space<vmem>>) semaphore(%arg10 : memref<!tpu.dma_semaphore, #tpu.memory_space<semaphore_mem>>)
      %dma_wait3A_139 = arith.constant 4 : i32
      %dma_wait3A_140 = arith.constant 0 : i32
      %dma_wait3A_141 = tpu.memref_slice %arg6[%dma_wait3A_139, %dma_wait3A_140] : memref<5x80xi32, #tpu.memory_space<vmem>> -> memref<1x80xi32, #tpu.memory_space<vmem>>
      %dma_wait3A_142 = tpu.memref_squeeze %dma_wait3A_141 : memref<1x80xi32, #tpu.memory_space<vmem>> -> memref<80xi32, #tpu.memory_space<vmem>>
      %dma_wait3A_143 = arith.constant 0 : i32
      %dma_wait3A_144 = arith.constant 0 : i32
      %dma_wait3A_145 = tpu.memref_slice %arg2[%dma_wait3A_143, %dma_wait3A_144] : memref<10000x128xf32, #tpu.memory_space<hbm>> -> memref<10000x128xf32, #tpu.memory_space<hbm>>
      tpu.wait_indirect_dma semaphore(%arg10 : memref<!tpu.dma_semaphore, #tpu.memory_space<semaphore_mem>>) src(%dma_wait3A_145 : memref<10000x128xf32, #tpu.memory_space<hbm>>) dst(%arg8 : memref<80x128xf32, #tpu.memory_space<vmem>>)
      %run_scoped3A_146 = arith.constant 4 : i32
      "tpu.region"() ({
        %run_scoped3A_148 = tpu.sem_alloc : memref<!tpu.dma_semaphore, #tpu.memory_space<semaphore_mem>>
        %dma_start3A_149 = arith.constant 0 : i32
        %dma_start3A_150 = tpu.memref_slice %arg7[%run_scoped3A_146, %dma_start3A_149] : memref<5x80xi32, #tpu.memory_space<vmem>> -> memref<1x80xi32, #tpu.memory_space<vmem>>
        %dma_start3A_151 = tpu.memref_squeeze %dma_start3A_150 : memref<1x80xi32, #tpu.memory_space<vmem>> -> memref<80xi32, #tpu.memory_space<vmem>>
        %dma_start3A_152 = arith.constant 0 : i32
        %dma_start3A_153 = arith.constant 0 : i32
        %dma_start3A_154 = tpu.memref_slice %arg9[%dma_start3A_152, %dma_start3A_153] : memref<10000x128xf32, #tpu.memory_space<vmem_shared>> -> memref<10000x128xf32, #tpu.memory_space<vmem_shared>>
        tpu.enqueue_indirect_dma source(%arg8 : memref<80x128xf32, #tpu.memory_space<vmem>>) target(%dma_start3A_154 : memref<10000x128xf32, #tpu.memory_space<vmem_shared>>) offsets(%dma_start3A_151 : memref<80xi32, #tpu.memory_space<vmem>>) semaphore(%run_scoped3A_148 : memref<!tpu.dma_semaphore, #tpu.memory_space<semaphore_mem>>) {add = true}
        %dma_wait3A_155 = arith.constant 0 : i32
        %dma_wait3A_156 = tpu.memref_slice %arg7[%run_scoped3A_146, %dma_wait3A_155] : memref<5x80xi32, #tpu.memory_space<vmem>> -> memref<1x80xi32, #tpu.memory_space<vmem>>
        %dma_wait3A_157 = tpu.memref_squeeze %dma_wait3A_156 : memref<1x80xi32, #tpu.memory_space<vmem>> -> memref<80xi32, #tpu.memory_space<vmem>>
        %dma_wait3A_158 = arith.constant 0 : i32
        %dma_wait3A_159 = arith.constant 0 : i32
        %dma_wait3A_160 = tpu.memref_slice %arg9[%dma_wait3A_158, %dma_wait3A_159] : memref<10000x128xf32, #tpu.memory_space<vmem_shared>> -> memref<10000x128xf32, #tpu.memory_space<vmem_shared>>
        tpu.wait_indirect_dma semaphore(%run_scoped3A_148 : memref<!tpu.dma_semaphore, #tpu.memory_space<semaphore_mem>>) src(%arg8 : memref<80x128xf32, #tpu.memory_space<vmem>>) dst(%dma_wait3A_160 : memref<10000x128xf32, #tpu.memory_space<vmem_shared>>)
        tpu.yield
      }) : () -> ()
      %scan3A_147 = arith.constant 0 : i32
      scf.yield %scan3A_147 : i32
    }
    %scan3A_34 = arith.constant 25 : i32
    %barrier3A_35 = arith.constant 0 : index
    tpu.barrier barrier_id(%barrier3A_35)
    %add3A_36 = arith.constant 0 : i32
    %add3A_37 = arith.addi %multiple_of3A, %add3A_36 : i32
    "tpu.region"() ({
      %run_scoped3A = tpu.sem_alloc : memref<!tpu.dma_semaphore, #tpu.memory_space<semaphore_mem>>
      %dma_start3A = arith.constant 0 : i32
      %dma_start3A_73 = tpu.memref_slice %arg9[%add3A_37, %dma_start3A] : memref<10000x128xf32, #tpu.memory_space<vmem_shared>> -> memref<80x128xf32, #tpu.memory_space<vmem_shared>>
      %dma_start3A_74 = arith.constant 0 : i32
      %dma_start3A_75 = tpu.memref_slice %arg9[%add3A_37, %dma_start3A_74] : memref<10000x128xf32, #tpu.memory_space<vmem_shared>> -> memref<80x128xf32, #tpu.memory_space<vmem_shared>>
      tpu.enqueue_dma source(%dma_start3A_75 : memref<80x128xf32, #tpu.memory_space<vmem_shared>>) target(%arg8 : memref<80x128xf32, #tpu.memory_space<vmem>>) target_semaphore(%run_scoped3A : memref<!tpu.dma_semaphore, #tpu.memory_space<semaphore_mem>>)
      %dma_wait3A = arith.constant 0 : i32
      %dma_wait3A_76 = tpu.memref_slice %arg9[%add3A_37, %dma_wait3A] : memref<10000x128xf32, #tpu.memory_space<vmem_shared>> -> memref<80x128xf32, #tpu.memory_space<vmem_shared>>
      %dma_wait3A_77 = arith.constant 0 : i32
      %dma_wait3A_78 = tpu.memref_slice %arg9[%add3A_37, %dma_wait3A_77] : memref<10000x128xf32, #tpu.memory_space<vmem_shared>> -> memref<80x128xf32, #tpu.memory_space<vmem_shared>>
      tpu.wait_dma2 semaphore(%run_scoped3A : memref<!tpu.dma_semaphore, #tpu.memory_space<semaphore_mem>>) src(%dma_wait3A_78 : memref<80x128xf32, #tpu.memory_space<vmem_shared>>) dst(%arg8 : memref<80x128xf32, #tpu.memory_space<vmem>>)
      tpu.yield
    }) : () -> ()
    %add3A_38 = arith.constant 0 : i32
    %add3A_39 = arith.addi %multiple_of3A, %add3A_38 : i32
    "tpu.region"() ({
      %run_scoped3A = tpu.sem_alloc : memref<!tpu.dma_semaphore, #tpu.memory_space<semaphore_mem>>
      %dma_start3A = arith.constant 0 : i32
      %dma_start3A_73 = arith.constant 0 : i32
      %dma_start3A_74 = tpu.memref_slice %arg5[%arg0, %dma_start3A, %dma_start3A_73] : memref<2x10000x128xf32, #tpu.memory_space<hbm>> -> memref<1x10000x128xf32, #tpu.memory_space<hbm>>
      %dma_start3A_75 = tpu.memref_squeeze %dma_start3A_74 : memref<1x10000x128xf32, #tpu.memory_space<hbm>> -> memref<10000x128xf32, #tpu.memory_space<hbm>>
      %dma_start3A_76 = arith.constant 0 : i32
      %dma_start3A_77 = tpu.memref_slice %dma_start3A_75[%add3A_39, %dma_start3A_76] : memref<10000x128xf32, #tpu.memory_space<hbm>> -> memref<80x128xf32, #tpu.memory_space<hbm>>
      %dma_start3A_78 = arith.constant 0 : i32
      %dma_start3A_79 = arith.constant 0 : i32
      %dma_start3A_80 = tpu.memref_slice %arg5[%arg0, %dma_start3A_78, %dma_start3A_79] : memref<2x10000x128xf32, #tpu.memory_space<hbm>> -> memref<1x10000x128xf32, #tpu.memory_space<hbm>>
      %dma_start3A_81 = tpu.memref_squeeze %dma_start3A_80 : memref<1x10000x128xf32, #tpu.memory_space<hbm>> -> memref<10000x128xf32, #tpu.memory_space<hbm>>
      %dma_start3A_82 = arith.constant 0 : i32
      %dma_start3A_83 = tpu.memref_slice %dma_start3A_81[%add3A_39, %dma_start3A_82] : memref<10000x128xf32, #tpu.memory_space<hbm>> -> memref<80x128xf32, #tpu.memory_space<hbm>>
      tpu.enqueue_dma source(%arg8 : memref<80x128xf32, #tpu.memory_space<vmem>>) target(%dma_start3A_83 : memref<80x128xf32, #tpu.memory_space<hbm>>) target_semaphore(%run_scoped3A : memref<!tpu.dma_semaphore, #tpu.memory_space<semaphore_mem>>)
      %dma_wait3A = arith.constant 0 : i32
      %dma_wait3A_84 = arith.constant 0 : i32
      %dma_wait3A_85 = tpu.memref_slice %arg5[%arg0, %dma_wait3A, %dma_wait3A_84] : memref<2x10000x128xf32, #tpu.memory_space<hbm>> -> memref<1x10000x128xf32, #tpu.memory_space<hbm>>
      %dma_wait3A_86 = tpu.memref_squeeze %dma_wait3A_85 : memref<1x10000x128xf32, #tpu.memory_space<hbm>> -> memref<10000x128xf32, #tpu.memory_space<hbm>>
      %dma_wait3A_87 = arith.constant 0 : i32
      %dma_wait3A_88 = tpu.memref_slice %dma_wait3A_86[%add3A_39, %dma_wait3A_87] : memref<10000x128xf32, #tpu.memory_space<hbm>> -> memref<80x128xf32, #tpu.memory_space<hbm>>
      %dma_wait3A_89 = arith.constant 0 : i32
      %dma_wait3A_90 = arith.constant 0 : i32
      %dma_wait3A_91 = tpu.memref_slice %arg5[%arg0, %dma_wait3A_89, %dma_wait3A_90] : memref<2x10000x128xf32, #tpu.memory_space<hbm>> -> memref<1x10000x128xf32, #tpu.memory_space<hbm>>
      %dma_wait3A_92 = tpu.memref_squeeze %dma_wait3A_91 : memref<1x10000x128xf32, #tpu.memory_space<hbm>> -> memref<10000x128xf32, #tpu.memory_space<hbm>>
      %dma_wait3A_93 = arith.constant 0 : i32
      %dma_wait3A_94 = tpu.memref_slice %dma_wait3A_92[%add3A_39, %dma_wait3A_93] : memref<10000x128xf32, #tpu.memory_space<hbm>> -> memref<80x128xf32, #tpu.memory_space<hbm>>
      tpu.wait_dma2 semaphore(%run_scoped3A : memref<!tpu.dma_semaphore, #tpu.memory_space<semaphore_mem>>) src(%arg8 : memref<80x128xf32, #tpu.memory_space<vmem>>) dst(%dma_wait3A_94 : memref<80x128xf32, #tpu.memory_space<hbm>>)
      tpu.yield
    }) : () -> ()
    %add3A_40 = arith.constant 80 : i32
    %add3A_41 = arith.addi %multiple_of3A, %add3A_40 : i32
    "tpu.region"() ({
      %run_scoped3A = tpu.sem_alloc : memref<!tpu.dma_semaphore, #tpu.memory_space<semaphore_mem>>
      %dma_start3A = arith.constant 0 : i32
      %dma_start3A_73 = tpu.memref_slice %arg9[%add3A_41, %dma_start3A] : memref<10000x128xf32, #tpu.memory_space<vmem_shared>> -> memref<80x128xf32, #tpu.memory_space<vmem_shared>>
      %dma_start3A_74 = arith.constant 0 : i32
      %dma_start3A_75 = tpu.memref_slice %arg9[%add3A_41, %dma_start3A_74] : memref<10000x128xf32, #tpu.memory_space<vmem_shared>> -> memref<80x128xf32, #tpu.memory_space<vmem_shared>>
      tpu.enqueue_dma source(%dma_start3A_75 : memref<80x128xf32, #tpu.memory_space<vmem_shared>>) target(%arg8 : memref<80x128xf32, #tpu.memory_space<vmem>>) target_semaphore(%run_scoped3A : memref<!tpu.dma_semaphore, #tpu.memory_space<semaphore_mem>>)
      %dma_wait3A = arith.constant 0 : i32
      %dma_wait3A_76 = tpu.memref_slice %arg9[%add3A_41, %dma_wait3A] : memref<10000x128xf32, #tpu.memory_space<vmem_shared>> -> memref<80x128xf32, #tpu.memory_space<vmem_shared>>
      %dma_wait3A_77 = arith.constant 0 : i32
      %dma_wait3A_78 = tpu.memref_slice %arg9[%add3A_41, %dma_wait3A_77] : memref<10000x128xf32, #tpu.memory_space<vmem_shared>> -> memref<80x128xf32, #tpu.memory_space<vmem_shared>>
      tpu.wait_dma2 semaphore(%run_scoped3A : memref<!tpu.dma_semaphore, #tpu.memory_space<semaphore_mem>>) src(%dma_wait3A_78 : memref<80x128xf32, #tpu.memory_space<vmem_shared>>) dst(%arg8 : memref<80x128xf32, #tpu.memory_space<vmem>>)
      tpu.yield
    }) : () -> ()
    %add3A_42 = arith.constant 80 : i32
    %add3A_43 = arith.addi %multiple_of3A, %add3A_42 : i32
    "tpu.region"() ({
      %run_scoped3A = tpu.sem_alloc : memref<!tpu.dma_semaphore, #tpu.memory_space<semaphore_mem>>
      %dma_start3A = arith.constant 0 : i32
      %dma_start3A_73 = arith.constant 0 : i32
      %dma_start3A_74 = tpu.memref_slice %arg5[%arg0, %dma_start3A, %dma_start3A_73] : memref<2x10000x128xf32, #tpu.memory_space<hbm>> -> memref<1x10000x128xf32, #tpu.memory_space<hbm>>
      %dma_start3A_75 = tpu.memref_squeeze %dma_start3A_74 : memref<1x10000x128xf32, #tpu.memory_space<hbm>> -> memref<10000x128xf32, #tpu.memory_space<hbm>>
      %dma_start3A_76 = arith.constant 0 : i32
      %dma_start3A_77 = tpu.memref_slice %dma_start3A_75[%add3A_43, %dma_start3A_76] : memref<10000x128xf32, #tpu.memory_space<hbm>> -> memref<80x128xf32, #tpu.memory_space<hbm>>
      %dma_start3A_78 = arith.constant 0 : i32
      %dma_start3A_79 = arith.constant 0 : i32
      %dma_start3A_80 = tpu.memref_slice %arg5[%arg0, %dma_start3A_78, %dma_start3A_79] : memref<2x10000x128xf32, #tpu.memory_space<hbm>> -> memref<1x10000x128xf32, #tpu.memory_space<hbm>>
      %dma_start3A_81 = tpu.memref_squeeze %dma_start3A_80 : memref<1x10000x128xf32, #tpu.memory_space<hbm>> -> memref<10000x128xf32, #tpu.memory_space<hbm>>
      %dma_start3A_82 = arith.constant 0 : i32
      %dma_start3A_83 = tpu.memref_slice %dma_start3A_81[%add3A_43, %dma_start3A_82] : memref<10000x128xf32, #tpu.memory_space<hbm>> -> memref<80x128xf32, #tpu.memory_space<hbm>>
      tpu.enqueue_dma source(%arg8 : memref<80x128xf32, #tpu.memory_space<vmem>>) target(%dma_start3A_83 : memref<80x128xf32, #tpu.memory_space<hbm>>) target_semaphore(%run_scoped3A : memref<!tpu.dma_semaphore, #tpu.memory_space<semaphore_mem>>)
      %dma_wait3A = arith.constant 0 : i32
      %dma_wait3A_84 = arith.constant 0 : i32
      %dma_wait3A_85 = tpu.memref_slice %arg5[%arg0, %dma_wait3A, %dma_wait3A_84] : memref<2x10000x128xf32, #tpu.memory_space<hbm>> -> memref<1x10000x128xf32, #tpu.memory_space<hbm>>
      %dma_wait3A_86 = tpu.memref_squeeze %dma_wait3A_85 : memref<1x10000x128xf32, #tpu.memory_space<hbm>> -> memref<10000x128xf32, #tpu.memory_space<hbm>>
      %dma_wait3A_87 = arith.constant 0 : i32
      %dma_wait3A_88 = tpu.memref_slice %dma_wait3A_86[%add3A_43, %dma_wait3A_87] : memref<10000x128xf32, #tpu.memory_space<hbm>> -> memref<80x128xf32, #tpu.memory_space<hbm>>
      %dma_wait3A_89 = arith.constant 0 : i32
      %dma_wait3A_90 = arith.constant 0 : i32
      %dma_wait3A_91 = tpu.memref_slice %arg5[%arg0, %dma_wait3A_89, %dma_wait3A_90] : memref<2x10000x128xf32, #tpu.memory_space<hbm>> -> memref<1x10000x128xf32, #tpu.memory_space<hbm>>
      %dma_wait3A_92 = tpu.memref_squeeze %dma_wait3A_91 : memref<1x10000x128xf32, #tpu.memory_space<hbm>> -> memref<10000x128xf32, #tpu.memory_space<hbm>>
      %dma_wait3A_93 = arith.constant 0 : i32
      %dma_wait3A_94 = tpu.memref_slice %dma_wait3A_92[%add3A_43, %dma_wait3A_93] : memref<10000x128xf32, #tpu.memory_space<hbm>> -> memref<80x128xf32, #tpu.memory_space<hbm>>
      tpu.wait_dma2 semaphore(%run_scoped3A : memref<!tpu.dma_semaphore, #tpu.memory_space<semaphore_mem>>) src(%arg8 : memref<80x128xf32, #tpu.memory_space<vmem>>) dst(%dma_wait3A_94 : memref<80x128xf32, #tpu.memory_space<hbm>>)
      tpu.yield
    }) : () -> ()
    %add3A_44 = arith.constant 160 : i32
    %add3A_45 = arith.addi %multiple_of3A, %add3A_44 : i32
    "tpu.region"() ({
      %run_scoped3A = tpu.sem_alloc : memref<!tpu.dma_semaphore, #tpu.memory_space<semaphore_mem>>
      %dma_start3A = arith.constant 0 : i32
      %dma_start3A_73 = tpu.memref_slice %arg9[%add3A_45, %dma_start3A] : memref<10000x128xf32, #tpu.memory_space<vmem_shared>> -> memref<80x128xf32, #tpu.memory_space<vmem_shared>>
      %dma_start3A_74 = arith.constant 0 : i32
      %dma_start3A_75 = tpu.memref_slice %arg9[%add3A_45, %dma_start3A_74] : memref<10000x128xf32, #tpu.memory_space<vmem_shared>> -> memref<80x128xf32, #tpu.memory_space<vmem_shared>>
      tpu.enqueue_dma source(%dma_start3A_75 : memref<80x128xf32, #tpu.memory_space<vmem_shared>>) target(%arg8 : memref<80x128xf32, #tpu.memory_space<vmem>>) target_semaphore(%run_scoped3A : memref<!tpu.dma_semaphore, #tpu.memory_space<semaphore_mem>>)
      %dma_wait3A = arith.constant 0 : i32
      %dma_wait3A_76 = tpu.memref_slice %arg9[%add3A_45, %dma_wait3A] : memref<10000x128xf32, #tpu.memory_space<vmem_shared>> -> memref<80x128xf32, #tpu.memory_space<vmem_shared>>
      %dma_wait3A_77 = arith.constant 0 : i32
      %dma_wait3A_78 = tpu.memref_slice %arg9[%add3A_45, %dma_wait3A_77] : memref<10000x128xf32, #tpu.memory_space<vmem_shared>> -> memref<80x128xf32, #tpu.memory_space<vmem_shared>>
      tpu.wait_dma2 semaphore(%run_scoped3A : memref<!tpu.dma_semaphore, #tpu.memory_space<semaphore_mem>>) src(%dma_wait3A_78 : memref<80x128xf32, #tpu.memory_space<vmem_shared>>) dst(%arg8 : memref<80x128xf32, #tpu.memory_space<vmem>>)
      tpu.yield
    }) : () -> ()
    %add3A_46 = arith.constant 160 : i32
    %add3A_47 = arith.addi %multiple_of3A, %add3A_46 : i32
    "tpu.region"() ({
      %run_scoped3A = tpu.sem_alloc : memref<!tpu.dma_semaphore, #tpu.memory_space<semaphore_mem>>
      %dma_start3A = arith.constant 0 : i32
      %dma_start3A_73 = arith.constant 0 : i32
      %dma_start3A_74 = tpu.memref_slice %arg5[%arg0, %dma_start3A, %dma_start3A_73] : memref<2x10000x128xf32, #tpu.memory_space<hbm>> -> memref<1x10000x128xf32, #tpu.memory_space<hbm>>
      %dma_start3A_75 = tpu.memref_squeeze %dma_start3A_74 : memref<1x10000x128xf32, #tpu.memory_space<hbm>> -> memref<10000x128xf32, #tpu.memory_space<hbm>>
      %dma_start3A_76 = arith.constant 0 : i32
      %dma_start3A_77 = tpu.memref_slice %dma_start3A_75[%add3A_47, %dma_start3A_76] : memref<10000x128xf32, #tpu.memory_space<hbm>> -> memref<80x128xf32, #tpu.memory_space<hbm>>
      %dma_start3A_78 = arith.constant 0 : i32
      %dma_start3A_79 = arith.constant 0 : i32
      %dma_start3A_80 = tpu.memref_slice %arg5[%arg0, %dma_start3A_78, %dma_start3A_79] : memref<2x10000x128xf32, #tpu.memory_space<hbm>> -> memref<1x10000x128xf32, #tpu.memory_space<hbm>>
      %dma_start3A_81 = tpu.memref_squeeze %dma_start3A_80 : memref<1x10000x128xf32, #tpu.memory_space<hbm>> -> memref<10000x128xf32, #tpu.memory_space<hbm>>
      %dma_start3A_82 = arith.constant 0 : i32
      %dma_start3A_83 = tpu.memref_slice %dma_start3A_81[%add3A_47, %dma_start3A_82] : memref<10000x128xf32, #tpu.memory_space<hbm>> -> memref<80x128xf32, #tpu.memory_space<hbm>>
      tpu.enqueue_dma source(%arg8 : memref<80x128xf32, #tpu.memory_space<vmem>>) target(%dma_start3A_83 : memref<80x128xf32, #tpu.memory_space<hbm>>) target_semaphore(%run_scoped3A : memref<!tpu.dma_semaphore, #tpu.memory_space<semaphore_mem>>)
      %dma_wait3A = arith.constant 0 : i32
      %dma_wait3A_84 = arith.constant 0 : i32
      %dma_wait3A_85 = tpu.memref_slice %arg5[%arg0, %dma_wait3A, %dma_wait3A_84] : memref<2x10000x128xf32, #tpu.memory_space<hbm>> -> memref<1x10000x128xf32, #tpu.memory_space<hbm>>
      %dma_wait3A_86 = tpu.memref_squeeze %dma_wait3A_85 : memref<1x10000x128xf32, #tpu.memory_space<hbm>> -> memref<10000x128xf32, #tpu.memory_space<hbm>>
      %dma_wait3A_87 = arith.constant 0 : i32
      %dma_wait3A_88 = tpu.memref_slice %dma_wait3A_86[%add3A_47, %dma_wait3A_87] : memref<10000x128xf32, #tpu.memory_space<hbm>> -> memref<80x128xf32, #tpu.memory_space<hbm>>
      %dma_wait3A_89 = arith.constant 0 : i32
      %dma_wait3A_90 = arith.constant 0 : i32
      %dma_wait3A_91 = tpu.memref_slice %arg5[%arg0, %dma_wait3A_89, %dma_wait3A_90] : memref<2x10000x128xf32, #tpu.memory_space<hbm>> -> memref<1x10000x128xf32, #tpu.memory_space<hbm>>
      %dma_wait3A_92 = tpu.memref_squeeze %dma_wait3A_91 : memref<1x10000x128xf32, #tpu.memory_space<hbm>> -> memref<10000x128xf32, #tpu.memory_space<hbm>>
      %dma_wait3A_93 = arith.constant 0 : i32
      %dma_wait3A_94 = tpu.memref_slice %dma_wait3A_92[%add3A_47, %dma_wait3A_93] : memref<10000x128xf32, #tpu.memory_space<hbm>> -> memref<80x128xf32, #tpu.memory_space<hbm>>
      tpu.wait_dma2 semaphore(%run_scoped3A : memref<!tpu.dma_semaphore, #tpu.memory_space<semaphore_mem>>) src(%arg8 : memref<80x128xf32, #tpu.memory_space<vmem>>) dst(%dma_wait3A_94 : memref<80x128xf32, #tpu.memory_space<hbm>>)
      tpu.yield
    }) : () -> ()
    %add3A_48 = arith.constant 240 : i32
    %add3A_49 = arith.addi %multiple_of3A, %add3A_48 : i32
    "tpu.region"() ({
      %run_scoped3A = tpu.sem_alloc : memref<!tpu.dma_semaphore, #tpu.memory_space<semaphore_mem>>
      %dma_start3A = arith.constant 0 : i32
      %dma_start3A_73 = tpu.memref_slice %arg9[%add3A_49, %dma_start3A] : memref<10000x128xf32, #tpu.memory_space<vmem_shared>> -> memref<80x128xf32, #tpu.memory_space<vmem_shared>>
      %dma_start3A_74 = arith.constant 0 : i32
      %dma_start3A_75 = tpu.memref_slice %arg9[%add3A_49, %dma_start3A_74] : memref<10000x128xf32, #tpu.memory_space<vmem_shared>> -> memref<80x128xf32, #tpu.memory_space<vmem_shared>>
      tpu.enqueue_dma source(%dma_start3A_75 : memref<80x128xf32, #tpu.memory_space<vmem_shared>>) target(%arg8 : memref<80x128xf32, #tpu.memory_space<vmem>>) target_semaphore(%run_scoped3A : memref<!tpu.dma_semaphore, #tpu.memory_space<semaphore_mem>>)
      %dma_wait3A = arith.constant 0 : i32
      %dma_wait3A_76 = tpu.memref_slice %arg9[%add3A_49, %dma_wait3A] : memref<10000x128xf32, #tpu.memory_space<vmem_shared>> -> memref<80x128xf32, #tpu.memory_space<vmem_shared>>
      %dma_wait3A_77 = arith.constant 0 : i32
      %dma_wait3A_78 = tpu.memref_slice %arg9[%add3A_49, %dma_wait3A_77] : memref<10000x128xf32, #tpu.memory_space<vmem_shared>> -> memref<80x128xf32, #tpu.memory_space<vmem_shared>>
      tpu.wait_dma2 semaphore(%run_scoped3A : memref<!tpu.dma_semaphore, #tpu.memory_space<semaphore_mem>>) src(%dma_wait3A_78 : memref<80x128xf32, #tpu.memory_space<vmem_shared>>) dst(%arg8 : memref<80x128xf32, #tpu.memory_space<vmem>>)
      tpu.yield
    }) : () -> ()
    %add3A_50 = arith.constant 240 : i32
    %add3A_51 = arith.addi %multiple_of3A, %add3A_50 : i32
    "tpu.region"() ({
      %run_scoped3A = tpu.sem_alloc : memref<!tpu.dma_semaphore, #tpu.memory_space<semaphore_mem>>
      %dma_start3A = arith.constant 0 : i32
      %dma_start3A_73 = arith.constant 0 : i32
      %dma_start3A_74 = tpu.memref_slice %arg5[%arg0, %dma_start3A, %dma_start3A_73] : memref<2x10000x128xf32, #tpu.memory_space<hbm>> -> memref<1x10000x128xf32, #tpu.memory_space<hbm>>
      %dma_start3A_75 = tpu.memref_squeeze %dma_start3A_74 : memref<1x10000x128xf32, #tpu.memory_space<hbm>> -> memref<10000x128xf32, #tpu.memory_space<hbm>>
      %dma_start3A_76 = arith.constant 0 : i32
      %dma_start3A_77 = tpu.memref_slice %dma_start3A_75[%add3A_51, %dma_start3A_76] : memref<10000x128xf32, #tpu.memory_space<hbm>> -> memref<80x128xf32, #tpu.memory_space<hbm>>
      %dma_start3A_78 = arith.constant 0 : i32
      %dma_start3A_79 = arith.constant 0 : i32
      %dma_start3A_80 = tpu.memref_slice %arg5[%arg0, %dma_start3A_78, %dma_start3A_79] : memref<2x10000x128xf32, #tpu.memory_space<hbm>> -> memref<1x10000x128xf32, #tpu.memory_space<hbm>>
      %dma_start3A_81 = tpu.memref_squeeze %dma_start3A_80 : memref<1x10000x128xf32, #tpu.memory_space<hbm>> -> memref<10000x128xf32, #tpu.memory_space<hbm>>
      %dma_start3A_82 = arith.constant 0 : i32
      %dma_start3A_83 = tpu.memref_slice %dma_start3A_81[%add3A_51, %dma_start3A_82] : memref<10000x128xf32, #tpu.memory_space<hbm>> -> memref<80x128xf32, #tpu.memory_space<hbm>>
      tpu.enqueue_dma source(%arg8 : memref<80x128xf32, #tpu.memory_space<vmem>>) target(%dma_start3A_83 : memref<80x128xf32, #tpu.memory_space<hbm>>) target_semaphore(%run_scoped3A : memref<!tpu.dma_semaphore, #tpu.memory_space<semaphore_mem>>)
      %dma_wait3A = arith.constant 0 : i32
      %dma_wait3A_84 = arith.constant 0 : i32
      %dma_wait3A_85 = tpu.memref_slice %arg5[%arg0, %dma_wait3A, %dma_wait3A_84] : memref<2x10000x128xf32, #tpu.memory_space<hbm>> -> memref<1x10000x128xf32, #tpu.memory_space<hbm>>
      %dma_wait3A_86 = tpu.memref_squeeze %dma_wait3A_85 : memref<1x10000x128xf32, #tpu.memory_space<hbm>> -> memref<10000x128xf32, #tpu.memory_space<hbm>>
      %dma_wait3A_87 = arith.constant 0 : i32
      %dma_wait3A_88 = tpu.memref_slice %dma_wait3A_86[%add3A_51, %dma_wait3A_87] : memref<10000x128xf32, #tpu.memory_space<hbm>> -> memref<80x128xf32, #tpu.memory_space<hbm>>
      %dma_wait3A_89 = arith.constant 0 : i32
      %dma_wait3A_90 = arith.constant 0 : i32
      %dma_wait3A_91 = tpu.memref_slice %arg5[%arg0, %dma_wait3A_89, %dma_wait3A_90] : memref<2x10000x128xf32, #tpu.memory_space<hbm>> -> memref<1x10000x128xf32, #tpu.memory_space<hbm>>
      %dma_wait3A_92 = tpu.memref_squeeze %dma_wait3A_91 : memref<1x10000x128xf32, #tpu.memory_space<hbm>> -> memref<10000x128xf32, #tpu.memory_space<hbm>>
      %dma_wait3A_93 = arith.constant 0 : i32
      %dma_wait3A_94 = tpu.memref_slice %dma_wait3A_92[%add3A_51, %dma_wait3A_93] : memref<10000x128xf32, #tpu.memory_space<hbm>> -> memref<80x128xf32, #tpu.memory_space<hbm>>
      tpu.wait_dma2 semaphore(%run_scoped3A : memref<!tpu.dma_semaphore, #tpu.memory_space<semaphore_mem>>) src(%arg8 : memref<80x128xf32, #tpu.memory_space<vmem>>) dst(%dma_wait3A_94 : memref<80x128xf32, #tpu.memory_space<hbm>>)
      tpu.yield
    }) : () -> ()
    %add3A_52 = arith.constant 320 : i32
    %add3A_53 = arith.addi %multiple_of3A, %add3A_52 : i32
    "tpu.region"() ({
      %run_scoped3A = tpu.sem_alloc : memref<!tpu.dma_semaphore, #tpu.memory_space<semaphore_mem>>
      %dma_start3A = arith.constant 0 : i32
      %dma_start3A_73 = tpu.memref_slice %arg9[%add3A_53, %dma_start3A] : memref<10000x128xf32, #tpu.memory_space<vmem_shared>> -> memref<80x128xf32, #tpu.memory_space<vmem_shared>>
      %dma_start3A_74 = arith.constant 0 : i32
      %dma_start3A_75 = tpu.memref_slice %arg9[%add3A_53, %dma_start3A_74] : memref<10000x128xf32, #tpu.memory_space<vmem_shared>> -> memref<80x128xf32, #tpu.memory_space<vmem_shared>>
      tpu.enqueue_dma source(%dma_start3A_75 : memref<80x128xf32, #tpu.memory_space<vmem_shared>>) target(%arg8 : memref<80x128xf32, #tpu.memory_space<vmem>>) target_semaphore(%run_scoped3A : memref<!tpu.dma_semaphore, #tpu.memory_space<semaphore_mem>>)
      %dma_wait3A = arith.constant 0 : i32
      %dma_wait3A_76 = tpu.memref_slice %arg9[%add3A_53, %dma_wait3A] : memref<10000x128xf32, #tpu.memory_space<vmem_shared>> -> memref<80x128xf32, #tpu.memory_space<vmem_shared>>
      %dma_wait3A_77 = arith.constant 0 : i32
      %dma_wait3A_78 = tpu.memref_slice %arg9[%add3A_53, %dma_wait3A_77] : memref<10000x128xf32, #tpu.memory_space<vmem_shared>> -> memref<80x128xf32, #tpu.memory_space<vmem_shared>>
      tpu.wait_dma2 semaphore(%run_scoped3A : memref<!tpu.dma_semaphore, #tpu.memory_space<semaphore_mem>>) src(%dma_wait3A_78 : memref<80x128xf32, #tpu.memory_space<vmem_shared>>) dst(%arg8 : memref<80x128xf32, #tpu.memory_space<vmem>>)
      tpu.yield
    }) : () -> ()
    %add3A_54 = arith.constant 320 : i32
    %add3A_55 = arith.addi %multiple_of3A, %add3A_54 : i32
    "tpu.region"() ({
      %run_scoped3A = tpu.sem_alloc : memref<!tpu.dma_semaphore, #tpu.memory_space<semaphore_mem>>
      %dma_start3A = arith.constant 0 : i32
      %dma_start3A_73 = arith.constant 0 : i32
      %dma_start3A_74 = tpu.memref_slice %arg5[%arg0, %dma_start3A, %dma_start3A_73] : memref<2x10000x128xf32, #tpu.memory_space<hbm>> -> memref<1x10000x128xf32, #tpu.memory_space<hbm>>
      %dma_start3A_75 = tpu.memref_squeeze %dma_start3A_74 : memref<1x10000x128xf32, #tpu.memory_space<hbm>> -> memref<10000x128xf32, #tpu.memory_space<hbm>>
      %dma_start3A_76 = arith.constant 0 : i32
      %dma_start3A_77 = tpu.memref_slice %dma_start3A_75[%add3A_55, %dma_start3A_76] : memref<10000x128xf32, #tpu.memory_space<hbm>> -> memref<80x128xf32, #tpu.memory_space<hbm>>
      %dma_start3A_78 = arith.constant 0 : i32
      %dma_start3A_79 = arith.constant 0 : i32
      %dma_start3A_80 = tpu.memref_slice %arg5[%arg0, %dma_start3A_78, %dma_start3A_79] : memref<2x10000x128xf32, #tpu.memory_space<hbm>> -> memref<1x10000x128xf32, #tpu.memory_space<hbm>>
      %dma_start3A_81 = tpu.memref_squeeze %dma_start3A_80 : memref<1x10000x128xf32, #tpu.memory_space<hbm>> -> memref<10000x128xf32, #tpu.memory_space<hbm>>
      %dma_start3A_82 = arith.constant 0 : i32
      %dma_start3A_83 = tpu.memref_slice %dma_start3A_81[%add3A_55, %dma_start3A_82] : memref<10000x128xf32, #tpu.memory_space<hbm>> -> memref<80x128xf32, #tpu.memory_space<hbm>>
      tpu.enqueue_dma source(%arg8 : memref<80x128xf32, #tpu.memory_space<vmem>>) target(%dma_start3A_83 : memref<80x128xf32, #tpu.memory_space<hbm>>) target_semaphore(%run_scoped3A : memref<!tpu.dma_semaphore, #tpu.memory_space<semaphore_mem>>)
      %dma_wait3A = arith.constant 0 : i32
      %dma_wait3A_84 = arith.constant 0 : i32
      %dma_wait3A_85 = tpu.memref_slice %arg5[%arg0, %dma_wait3A, %dma_wait3A_84] : memref<2x10000x128xf32, #tpu.memory_space<hbm>> -> memref<1x10000x128xf32, #tpu.memory_space<hbm>>
      %dma_wait3A_86 = tpu.memref_squeeze %dma_wait3A_85 : memref<1x10000x128xf32, #tpu.memory_space<hbm>> -> memref<10000x128xf32, #tpu.memory_space<hbm>>
      %dma_wait3A_87 = arith.constant 0 : i32
      %dma_wait3A_88 = tpu.memref_slice %dma_wait3A_86[%add3A_55, %dma_wait3A_87] : memref<10000x128xf32, #tpu.memory_space<hbm>> -> memref<80x128xf32, #tpu.memory_space<hbm>>
      %dma_wait3A_89 = arith.constant 0 : i32
      %dma_wait3A_90 = arith.constant 0 : i32
      %dma_wait3A_91 = tpu.memref_slice %arg5[%arg0, %dma_wait3A_89, %dma_wait3A_90] : memref<2x10000x128xf32, #tpu.memory_space<hbm>> -> memref<1x10000x128xf32, #tpu.memory_space<hbm>>
      %dma_wait3A_92 = tpu.memref_squeeze %dma_wait3A_91 : memref<1x10000x128xf32, #tpu.memory_space<hbm>> -> memref<10000x128xf32, #tpu.memory_space<hbm>>
      %dma_wait3A_93 = arith.constant 0 : i32
      %dma_wait3A_94 = tpu.memref_slice %dma_wait3A_92[%add3A_55, %dma_wait3A_93] : memref<10000x128xf32, #tpu.memory_space<hbm>> -> memref<80x128xf32, #tpu.memory_space<hbm>>
      tpu.wait_dma2 semaphore(%run_scoped3A : memref<!tpu.dma_semaphore, #tpu.memory_space<semaphore_mem>>) src(%arg8 : memref<80x128xf32, #tpu.memory_space<vmem>>) dst(%dma_wait3A_94 : memref<80x128xf32, #tpu.memory_space<hbm>>)
      tpu.yield
    }) : () -> ()
    %add3A_56 = arith.constant 400 : i32
    %add3A_57 = arith.addi %multiple_of3A, %add3A_56 : i32
    "tpu.region"() ({
      %run_scoped3A = tpu.sem_alloc : memref<!tpu.dma_semaphore, #tpu.memory_space<semaphore_mem>>
      %dma_start3A = arith.constant 0 : i32
      %dma_start3A_73 = tpu.memref_slice %arg9[%add3A_57, %dma_start3A] : memref<10000x128xf32, #tpu.memory_space<vmem_shared>> -> memref<80x128xf32, #tpu.memory_space<vmem_shared>>
      %dma_start3A_74 = arith.constant 0 : i32
      %dma_start3A_75 = tpu.memref_slice %arg9[%add3A_57, %dma_start3A_74] : memref<10000x128xf32, #tpu.memory_space<vmem_shared>> -> memref<80x128xf32, #tpu.memory_space<vmem_shared>>
      tpu.enqueue_dma source(%dma_start3A_75 : memref<80x128xf32, #tpu.memory_space<vmem_shared>>) target(%arg8 : memref<80x128xf32, #tpu.memory_space<vmem>>) target_semaphore(%run_scoped3A : memref<!tpu.dma_semaphore, #tpu.memory_space<semaphore_mem>>)
      %dma_wait3A = arith.constant 0 : i32
      %dma_wait3A_76 = tpu.memref_slice %arg9[%add3A_57, %dma_wait3A] : memref<10000x128xf32, #tpu.memory_space<vmem_shared>> -> memref<80x128xf32, #tpu.memory_space<vmem_shared>>
      %dma_wait3A_77 = arith.constant 0 : i32
      %dma_wait3A_78 = tpu.memref_slice %arg9[%add3A_57, %dma_wait3A_77] : memref<10000x128xf32, #tpu.memory_space<vmem_shared>> -> memref<80x128xf32, #tpu.memory_space<vmem_shared>>
      tpu.wait_dma2 semaphore(%run_scoped3A : memref<!tpu.dma_semaphore, #tpu.memory_space<semaphore_mem>>) src(%dma_wait3A_78 : memref<80x128xf32, #tpu.memory_space<vmem_shared>>) dst(%arg8 : memref<80x128xf32, #tpu.memory_space<vmem>>)
      tpu.yield
    }) : () -> ()
    %add3A_58 = arith.constant 400 : i32
    %add3A_59 = arith.addi %multiple_of3A, %add3A_58 : i32
    "tpu.region"() ({
      %run_scoped3A = tpu.sem_alloc : memref<!tpu.dma_semaphore, #tpu.memory_space<semaphore_mem>>
      %dma_start3A = arith.constant 0 : i32
      %dma_start3A_73 = arith.constant 0 : i32
      %dma_start3A_74 = tpu.memref_slice %arg5[%arg0, %dma_start3A, %dma_start3A_73] : memref<2x10000x128xf32, #tpu.memory_space<hbm>> -> memref<1x10000x128xf32, #tpu.memory_space<hbm>>
      %dma_start3A_75 = tpu.memref_squeeze %dma_start3A_74 : memref<1x10000x128xf32, #tpu.memory_space<hbm>> -> memref<10000x128xf32, #tpu.memory_space<hbm>>
      %dma_start3A_76 = arith.constant 0 : i32
      %dma_start3A_77 = tpu.memref_slice %dma_start3A_75[%add3A_59, %dma_start3A_76] : memref<10000x128xf32, #tpu.memory_space<hbm>> -> memref<80x128xf32, #tpu.memory_space<hbm>>
      %dma_start3A_78 = arith.constant 0 : i32
      %dma_start3A_79 = arith.constant 0 : i32
      %dma_start3A_80 = tpu.memref_slice %arg5[%arg0, %dma_start3A_78, %dma_start3A_79] : memref<2x10000x128xf32, #tpu.memory_space<hbm>> -> memref<1x10000x128xf32, #tpu.memory_space<hbm>>
      %dma_start3A_81 = tpu.memref_squeeze %dma_start3A_80 : memref<1x10000x128xf32, #tpu.memory_space<hbm>> -> memref<10000x128xf32, #tpu.memory_space<hbm>>
      %dma_start3A_82 = arith.constant 0 : i32
      %dma_start3A_83 = tpu.memref_slice %dma_start3A_81[%add3A_59, %dma_start3A_82] : memref<10000x128xf32, #tpu.memory_space<hbm>> -> memref<80x128xf32, #tpu.memory_space<hbm>>
      tpu.enqueue_dma source(%arg8 : memref<80x128xf32, #tpu.memory_space<vmem>>) target(%dma_start3A_83 : memref<80x128xf32, #tpu.memory_space<hbm>>) target_semaphore(%run_scoped3A : memref<!tpu.dma_semaphore, #tpu.memory_space<semaphore_mem>>)
      %dma_wait3A = arith.constant 0 : i32
      %dma_wait3A_84 = arith.constant 0 : i32
      %dma_wait3A_85 = tpu.memref_slice %arg5[%arg0, %dma_wait3A, %dma_wait3A_84] : memref<2x10000x128xf32, #tpu.memory_space<hbm>> -> memref<1x10000x128xf32, #tpu.memory_space<hbm>>
      %dma_wait3A_86 = tpu.memref_squeeze %dma_wait3A_85 : memref<1x10000x128xf32, #tpu.memory_space<hbm>> -> memref<10000x128xf32, #tpu.memory_space<hbm>>
      %dma_wait3A_87 = arith.constant 0 : i32
      %dma_wait3A_88 = tpu.memref_slice %dma_wait3A_86[%add3A_59, %dma_wait3A_87] : memref<10000x128xf32, #tpu.memory_space<hbm>> -> memref<80x128xf32, #tpu.memory_space<hbm>>
      %dma_wait3A_89 = arith.constant 0 : i32
      %dma_wait3A_90 = arith.constant 0 : i32
      %dma_wait3A_91 = tpu.memref_slice %arg5[%arg0, %dma_wait3A_89, %dma_wait3A_90] : memref<2x10000x128xf32, #tpu.memory_space<hbm>> -> memref<1x10000x128xf32, #tpu.memory_space<hbm>>
      %dma_wait3A_92 = tpu.memref_squeeze %dma_wait3A_91 : memref<1x10000x128xf32, #tpu.memory_space<hbm>> -> memref<10000x128xf32, #tpu.memory_space<hbm>>
      %dma_wait3A_93 = arith.constant 0 : i32
      %dma_wait3A_94 = tpu.memref_slice %dma_wait3A_92[%add3A_59, %dma_wait3A_93] : memref<10000x128xf32, #tpu.memory_space<hbm>> -> memref<80x128xf32, #tpu.memory_space<hbm>>
      tpu.wait_dma2 semaphore(%run_scoped3A : memref<!tpu.dma_semaphore, #tpu.memory_space<semaphore_mem>>) src(%arg8 : memref<80x128xf32, #tpu.memory_space<vmem>>) dst(%dma_wait3A_94 : memref<80x128xf32, #tpu.memory_space<hbm>>)
      tpu.yield
    }) : () -> ()
    %add3A_60 = arith.constant 480 : i32
    %add3A_61 = arith.addi %multiple_of3A, %add3A_60 : i32
    "tpu.region"() ({
      %run_scoped3A = tpu.sem_alloc : memref<!tpu.dma_semaphore, #tpu.memory_space<semaphore_mem>>
      %dma_start3A = arith.constant 0 : i32
      %dma_start3A_73 = tpu.memref_slice %arg9[%add3A_61, %dma_start3A] : memref<10000x128xf32, #tpu.memory_space<vmem_shared>> -> memref<80x128xf32, #tpu.memory_space<vmem_shared>>
      %dma_start3A_74 = arith.constant 0 : i32
      %dma_start3A_75 = tpu.memref_slice %arg9[%add3A_61, %dma_start3A_74] : memref<10000x128xf32, #tpu.memory_space<vmem_shared>> -> memref<80x128xf32, #tpu.memory_space<vmem_shared>>
      tpu.enqueue_dma source(%dma_start3A_75 : memref<80x128xf32, #tpu.memory_space<vmem_shared>>) target(%arg8 : memref<80x128xf32, #tpu.memory_space<vmem>>) target_semaphore(%run_scoped3A : memref<!tpu.dma_semaphore, #tpu.memory_space<semaphore_mem>>)
      %dma_wait3A = arith.constant 0 : i32
      %dma_wait3A_76 = tpu.memref_slice %arg9[%add3A_61, %dma_wait3A] : memref<10000x128xf32, #tpu.memory_space<vmem_shared>> -> memref<80x128xf32, #tpu.memory_space<vmem_shared>>
      %dma_wait3A_77 = arith.constant 0 : i32
      %dma_wait3A_78 = tpu.memref_slice %arg9[%add3A_61, %dma_wait3A_77] : memref<10000x128xf32, #tpu.memory_space<vmem_shared>> -> memref<80x128xf32, #tpu.memory_space<vmem_shared>>
      tpu.wait_dma2 semaphore(%run_scoped3A : memref<!tpu.dma_semaphore, #tpu.memory_space<semaphore_mem>>) src(%dma_wait3A_78 : memref<80x128xf32, #tpu.memory_space<vmem_shared>>) dst(%arg8 : memref<80x128xf32, #tpu.memory_space<vmem>>)
      tpu.yield
    }) : () -> ()
    %add3A_62 = arith.constant 480 : i32
    %add3A_63 = arith.addi %multiple_of3A, %add3A_62 : i32
    "tpu.region"() ({
      %run_scoped3A = tpu.sem_alloc : memref<!tpu.dma_semaphore, #tpu.memory_space<semaphore_mem>>
      %dma_start3A = arith.constant 0 : i32
      %dma_start3A_73 = arith.constant 0 : i32
      %dma_start3A_74 = tpu.memref_slice %arg5[%arg0, %dma_start3A, %dma_start3A_73] : memref<2x10000x128xf32, #tpu.memory_space<hbm>> -> memref<1x10000x128xf32, #tpu.memory_space<hbm>>
      %dma_start3A_75 = tpu.memref_squeeze %dma_start3A_74 : memref<1x10000x128xf32, #tpu.memory_space<hbm>> -> memref<10000x128xf32, #tpu.memory_space<hbm>>
      %dma_start3A_76 = arith.constant 0 : i32
      %dma_start3A_77 = tpu.memref_slice %dma_start3A_75[%add3A_63, %dma_start3A_76] : memref<10000x128xf32, #tpu.memory_space<hbm>> -> memref<80x128xf32, #tpu.memory_space<hbm>>
      %dma_start3A_78 = arith.constant 0 : i32
      %dma_start3A_79 = arith.constant 0 : i32
      %dma_start3A_80 = tpu.memref_slice %arg5[%arg0, %dma_start3A_78, %dma_start3A_79] : memref<2x10000x128xf32, #tpu.memory_space<hbm>> -> memref<1x10000x128xf32, #tpu.memory_space<hbm>>
      %dma_start3A_81 = tpu.memref_squeeze %dma_start3A_80 : memref<1x10000x128xf32, #tpu.memory_space<hbm>> -> memref<10000x128xf32, #tpu.memory_space<hbm>>
      %dma_start3A_82 = arith.constant 0 : i32
      %dma_start3A_83 = tpu.memref_slice %dma_start3A_81[%add3A_63, %dma_start3A_82] : memref<10000x128xf32, #tpu.memory_space<hbm>> -> memref<80x128xf32, #tpu.memory_space<hbm>>
      tpu.enqueue_dma source(%arg8 : memref<80x128xf32, #tpu.memory_space<vmem>>) target(%dma_start3A_83 : memref<80x128xf32, #tpu.memory_space<hbm>>) target_semaphore(%run_scoped3A : memref<!tpu.dma_semaphore, #tpu.memory_space<semaphore_mem>>)
      %dma_wait3A = arith.constant 0 : i32
      %dma_wait3A_84 = arith.constant 0 : i32
      %dma_wait3A_85 = tpu.memref_slice %arg5[%arg0, %dma_wait3A, %dma_wait3A_84] : memref<2x10000x128xf32, #tpu.memory_space<hbm>> -> memref<1x10000x128xf32, #tpu.memory_space<hbm>>
      %dma_wait3A_86 = tpu.memref_squeeze %dma_wait3A_85 : memref<1x10000x128xf32, #tpu.memory_space<hbm>> -> memref<10000x128xf32, #tpu.memory_space<hbm>>
      %dma_wait3A_87 = arith.constant 0 : i32
      %dma_wait3A_88 = tpu.memref_slice %dma_wait3A_86[%add3A_63, %dma_wait3A_87] : memref<10000x128xf32, #tpu.memory_space<hbm>> -> memref<80x128xf32, #tpu.memory_space<hbm>>
      %dma_wait3A_89 = arith.constant 0 : i32
      %dma_wait3A_90 = arith.constant 0 : i32
      %dma_wait3A_91 = tpu.memref_slice %arg5[%arg0, %dma_wait3A_89, %dma_wait3A_90] : memref<2x10000x128xf32, #tpu.memory_space<hbm>> -> memref<1x10000x128xf32, #tpu.memory_space<hbm>>
      %dma_wait3A_92 = tpu.memref_squeeze %dma_wait3A_91 : memref<1x10000x128xf32, #tpu.memory_space<hbm>> -> memref<10000x128xf32, #tpu.memory_space<hbm>>
      %dma_wait3A_93 = arith.constant 0 : i32
      %dma_wait3A_94 = tpu.memref_slice %dma_wait3A_92[%add3A_63, %dma_wait3A_93] : memref<10000x128xf32, #tpu.memory_space<hbm>> -> memref<80x128xf32, #tpu.memory_space<hbm>>
      tpu.wait_dma2 semaphore(%run_scoped3A : memref<!tpu.dma_semaphore, #tpu.memory_space<semaphore_mem>>) src(%arg8 : memref<80x128xf32, #tpu.memory_space<vmem>>) dst(%dma_wait3A_94 : memref<80x128xf32, #tpu.memory_space<hbm>>)
      tpu.yield
    }) : () -> ()
    %add3A_64 = arith.constant 560 : i32
    %add3A_65 = arith.addi %multiple_of3A, %add3A_64 : i32
    "tpu.region"() ({
      %run_scoped3A = tpu.sem_alloc : memref<!tpu.dma_semaphore, #tpu.memory_space<semaphore_mem>>
      %dma_start3A = arith.constant 0 : i32
      %dma_start3A_73 = arith.constant 0 : i32
      %dma_start3A_74 = tpu.memref_slice %arg8[%dma_start3A, %dma_start3A_73] : memref<80x128xf32, #tpu.memory_space<vmem>> -> memref<64x128xf32, #tpu.memory_space<vmem>>
      %dma_start3A_75 = arith.constant 0 : i32
      %dma_start3A_76 = tpu.memref_slice %arg9[%add3A_65, %dma_start3A_75] : memref<10000x128xf32, #tpu.memory_space<vmem_shared>> -> memref<64x128xf32, #tpu.memory_space<vmem_shared>>
      %dma_start3A_77 = arith.constant 0 : i32
      %dma_start3A_78 = arith.constant 0 : i32
      %dma_start3A_79 = tpu.memref_slice %arg8[%dma_start3A_77, %dma_start3A_78] : memref<80x128xf32, #tpu.memory_space<vmem>> -> memref<64x128xf32, #tpu.memory_space<vmem>>
      %dma_start3A_80 = arith.constant 0 : i32
      %dma_start3A_81 = tpu.memref_slice %arg9[%add3A_65, %dma_start3A_80] : memref<10000x128xf32, #tpu.memory_space<vmem_shared>> -> memref<64x128xf32, #tpu.memory_space<vmem_shared>>
      tpu.enqueue_dma source(%dma_start3A_81 : memref<64x128xf32, #tpu.memory_space<vmem_shared>>) target(%dma_start3A_79 : memref<64x128xf32, #tpu.memory_space<vmem>>) target_semaphore(%run_scoped3A : memref<!tpu.dma_semaphore, #tpu.memory_space<semaphore_mem>>)
      %dma_wait3A = arith.constant 0 : i32
      %dma_wait3A_82 = arith.constant 0 : i32
      %dma_wait3A_83 = tpu.memref_slice %arg8[%dma_wait3A, %dma_wait3A_82] : memref<80x128xf32, #tpu.memory_space<vmem>> -> memref<64x128xf32, #tpu.memory_space<vmem>>
      %dma_wait3A_84 = arith.constant 0 : i32
      %dma_wait3A_85 = tpu.memref_slice %arg9[%add3A_65, %dma_wait3A_84] : memref<10000x128xf32, #tpu.memory_space<vmem_shared>> -> memref<64x128xf32, #tpu.memory_space<vmem_shared>>
      %dma_wait3A_86 = arith.constant 0 : i32
      %dma_wait3A_87 = arith.constant 0 : i32
      %dma_wait3A_88 = tpu.memref_slice %arg8[%dma_wait3A_86, %dma_wait3A_87] : memref<80x128xf32, #tpu.memory_space<vmem>> -> memref<64x128xf32, #tpu.memory_space<vmem>>
      %dma_wait3A_89 = arith.constant 0 : i32
      %dma_wait3A_90 = tpu.memref_slice %arg9[%add3A_65, %dma_wait3A_89] : memref<10000x128xf32, #tpu.memory_space<vmem_shared>> -> memref<64x128xf32, #tpu.memory_space<vmem_shared>>
      tpu.wait_dma2 semaphore(%run_scoped3A : memref<!tpu.dma_semaphore, #tpu.memory_space<semaphore_mem>>) src(%dma_wait3A_90 : memref<64x128xf32, #tpu.memory_space<vmem_shared>>) dst(%dma_wait3A_88 : memref<64x128xf32, #tpu.memory_space<vmem>>)
      tpu.yield
    }) : () -> ()
    %add3A_66 = arith.constant 560 : i32
    %add3A_67 = arith.addi %multiple_of3A, %add3A_66 : i32
    "tpu.region"() ({
      %run_scoped3A = tpu.sem_alloc : memref<!tpu.dma_semaphore, #tpu.memory_space<semaphore_mem>>
      %dma_start3A = arith.constant 0 : i32
      %dma_start3A_73 = arith.constant 0 : i32
      %dma_start3A_74 = tpu.memref_slice %arg8[%dma_start3A, %dma_start3A_73] : memref<80x128xf32, #tpu.memory_space<vmem>> -> memref<64x128xf32, #tpu.memory_space<vmem>>
      %dma_start3A_75 = arith.constant 0 : i32
      %dma_start3A_76 = arith.constant 0 : i32
      %dma_start3A_77 = tpu.memref_slice %arg5[%arg0, %dma_start3A_75, %dma_start3A_76] : memref<2x10000x128xf32, #tpu.memory_space<hbm>> -> memref<1x10000x128xf32, #tpu.memory_space<hbm>>
      %dma_start3A_78 = tpu.memref_squeeze %dma_start3A_77 : memref<1x10000x128xf32, #tpu.memory_space<hbm>> -> memref<10000x128xf32, #tpu.memory_space<hbm>>
      %dma_start3A_79 = arith.constant 0 : i32
      %dma_start3A_80 = tpu.memref_slice %dma_start3A_78[%add3A_67, %dma_start3A_79] : memref<10000x128xf32, #tpu.memory_space<hbm>> -> memref<64x128xf32, #tpu.memory_space<hbm>>
      %dma_start3A_81 = arith.constant 0 : i32
      %dma_start3A_82 = arith.constant 0 : i32
      %dma_start3A_83 = tpu.memref_slice %arg5[%arg0, %dma_start3A_81, %dma_start3A_82] : memref<2x10000x128xf32, #tpu.memory_space<hbm>> -> memref<1x10000x128xf32, #tpu.memory_space<hbm>>
      %dma_start3A_84 = tpu.memref_squeeze %dma_start3A_83 : memref<1x10000x128xf32, #tpu.memory_space<hbm>> -> memref<10000x128xf32, #tpu.memory_space<hbm>>
      %dma_start3A_85 = arith.constant 0 : i32
      %dma_start3A_86 = tpu.memref_slice %dma_start3A_84[%add3A_67, %dma_start3A_85] : memref<10000x128xf32, #tpu.memory_space<hbm>> -> memref<64x128xf32, #tpu.memory_space<hbm>>
      %dma_start3A_87 = arith.constant 0 : i32
      %dma_start3A_88 = arith.constant 0 : i32
      %dma_start3A_89 = tpu.memref_slice %arg8[%dma_start3A_87, %dma_start3A_88] : memref<80x128xf32, #tpu.memory_space<vmem>> -> memref<64x128xf32, #tpu.memory_space<vmem>>
      tpu.enqueue_dma source(%dma_start3A_89 : memref<64x128xf32, #tpu.memory_space<vmem>>) target(%dma_start3A_86 : memref<64x128xf32, #tpu.memory_space<hbm>>) target_semaphore(%run_scoped3A : memref<!tpu.dma_semaphore, #tpu.memory_space<semaphore_mem>>)
      %dma_wait3A = arith.constant 0 : i32
      %dma_wait3A_90 = arith.constant 0 : i32
      %dma_wait3A_91 = tpu.memref_slice %arg8[%dma_wait3A, %dma_wait3A_90] : memref<80x128xf32, #tpu.memory_space<vmem>> -> memref<64x128xf32, #tpu.memory_space<vmem>>
      %dma_wait3A_92 = arith.constant 0 : i32
      %dma_wait3A_93 = arith.constant 0 : i32
      %dma_wait3A_94 = tpu.memref_slice %arg5[%arg0, %dma_wait3A_92, %dma_wait3A_93] : memref<2x10000x128xf32, #tpu.memory_space<hbm>> -> memref<1x10000x128xf32, #tpu.memory_space<hbm>>
      %dma_wait3A_95 = tpu.memref_squeeze %dma_wait3A_94 : memref<1x10000x128xf32, #tpu.memory_space<hbm>> -> memref<10000x128xf32, #tpu.memory_space<hbm>>
      %dma_wait3A_96 = arith.constant 0 : i32
      %dma_wait3A_97 = tpu.memref_slice %dma_wait3A_95[%add3A_67, %dma_wait3A_96] : memref<10000x128xf32, #tpu.memory_space<hbm>> -> memref<64x128xf32, #tpu.memory_space<hbm>>
      %dma_wait3A_98 = arith.constant 0 : i32
      %dma_wait3A_99 = arith.constant 0 : i32
      %dma_wait3A_100 = tpu.memref_slice %arg5[%arg0, %dma_wait3A_98, %dma_wait3A_99] : memref<2x10000x128xf32, #tpu.memory_space<hbm>> -> memref<1x10000x128xf32, #tpu.memory_space<hbm>>
      %dma_wait3A_101 = tpu.memref_squeeze %dma_wait3A_100 : memref<1x10000x128xf32, #tpu.memory_space<hbm>> -> memref<10000x128xf32, #tpu.memory_space<hbm>>
      %dma_wait3A_102 = arith.constant 0 : i32
      %dma_wait3A_103 = tpu.memref_slice %dma_wait3A_101[%add3A_67, %dma_wait3A_102] : memref<10000x128xf32, #tpu.memory_space<hbm>> -> memref<64x128xf32, #tpu.memory_space<hbm>>
      %dma_wait3A_104 = arith.constant 0 : i32
      %dma_wait3A_105 = arith.constant 0 : i32
      %dma_wait3A_106 = tpu.memref_slice %arg8[%dma_wait3A_104, %dma_wait3A_105] : memref<80x128xf32, #tpu.memory_space<vmem>> -> memref<64x128xf32, #tpu.memory_space<vmem>>
      tpu.wait_dma2 semaphore(%run_scoped3A : memref<!tpu.dma_semaphore, #tpu.memory_space<semaphore_mem>>) src(%dma_wait3A_106 : memref<64x128xf32, #tpu.memory_space<vmem>>) dst(%dma_wait3A_103 : memref<64x128xf32, #tpu.memory_space<hbm>>)
      tpu.yield
    }) : () -> ()
    %eq3A_68 = arith.constant 15 : i32
    %eq3A_69 = arith.cmpi eq, %arg1, %eq3A_68 : i32
    %convert_element_type3A_70 = arith.extui %eq3A_69 : i1 to i32
    %cond3A_71 = arith.constant 0 : i32
    %cond3A_72 = arith.cmpi ne, %convert_element_type3A_70, %cond3A_71 : i32
    scf.if %cond3A_72 {
      "tpu.region"() ({
        %run_scoped3A = tpu.sem_alloc : memref<!tpu.dma_semaphore, #tpu.memory_space<semaphore_mem>>
        %dma_start3A = arith.constant 0 : i32
        %dma_start3A_73 = arith.constant 0 : i32
        %dma_start3A_74 = tpu.memref_slice %arg8[%dma_start3A, %dma_start3A_73] : memref<80x128xf32, #tpu.memory_space<vmem>> -> memref<16x128xf32, #tpu.memory_space<vmem>>
        %dma_start3A_75 = arith.constant 9984 : i32
        %dma_start3A_76 = arith.constant 0 : i32
        %dma_start3A_77 = tpu.memref_slice %arg9[%dma_start3A_75, %dma_start3A_76] : memref<10000x128xf32, #tpu.memory_space<vmem_shared>> -> memref<16x128xf32, #tpu.memory_space<vmem_shared>>
        %dma_start3A_78 = arith.constant 0 : i32
        %dma_start3A_79 = arith.constant 0 : i32
        %dma_start3A_80 = tpu.memref_slice %arg8[%dma_start3A_78, %dma_start3A_79] : memref<80x128xf32, #tpu.memory_space<vmem>> -> memref<16x128xf32, #tpu.memory_space<vmem>>
        %dma_start3A_81 = arith.constant 9984 : i32
        %dma_start3A_82 = arith.constant 0 : i32
        %dma_start3A_83 = tpu.memref_slice %arg9[%dma_start3A_81, %dma_start3A_82] : memref<10000x128xf32, #tpu.memory_space<vmem_shared>> -> memref<16x128xf32, #tpu.memory_space<vmem_shared>>
        tpu.enqueue_dma source(%dma_start3A_83 : memref<16x128xf32, #tpu.memory_space<vmem_shared>>) target(%dma_start3A_80 : memref<16x128xf32, #tpu.memory_space<vmem>>) target_semaphore(%run_scoped3A : memref<!tpu.dma_semaphore, #tpu.memory_space<semaphore_mem>>)
        %dma_wait3A = arith.constant 0 : i32
        %dma_wait3A_84 = arith.constant 0 : i32
        %dma_wait3A_85 = tpu.memref_slice %arg8[%dma_wait3A, %dma_wait3A_84] : memref<80x128xf32, #tpu.memory_space<vmem>> -> memref<16x128xf32, #tpu.memory_space<vmem>>
        %dma_wait3A_86 = arith.constant 9984 : i32
        %dma_wait3A_87 = arith.constant 0 : i32
        %dma_wait3A_88 = tpu.memref_slice %arg9[%dma_wait3A_86, %dma_wait3A_87] : memref<10000x128xf32, #tpu.memory_space<vmem_shared>> -> memref<16x128xf32, #tpu.memory_space<vmem_shared>>
        %dma_wait3A_89 = arith.constant 0 : i32
        %dma_wait3A_90 = arith.constant 0 : i32
        %dma_wait3A_91 = tpu.memref_slice %arg8[%dma_wait3A_89, %dma_wait3A_90] : memref<80x128xf32, #tpu.memory_space<vmem>> -> memref<16x128xf32, #tpu.memory_space<vmem>>
        %dma_wait3A_92 = arith.constant 9984 : i32
        %dma_wait3A_93 = arith.constant 0 : i32
        %dma_wait3A_94 = tpu.memref_slice %arg9[%dma_wait3A_92, %dma_wait3A_93] : memref<10000x128xf32, #tpu.memory_space<vmem_shared>> -> memref<16x128xf32, #tpu.memory_space<vmem_shared>>
        tpu.wait_dma2 semaphore(%run_scoped3A : memref<!tpu.dma_semaphore, #tpu.memory_space<semaphore_mem>>) src(%dma_wait3A_94 : memref<16x128xf32, #tpu.memory_space<vmem_shared>>) dst(%dma_wait3A_91 : memref<16x128xf32, #tpu.memory_space<vmem>>)
        tpu.yield
      }) : () -> ()
      "tpu.region"() ({
        %run_scoped3A = tpu.sem_alloc : memref<!tpu.dma_semaphore, #tpu.memory_space<semaphore_mem>>
        %dma_start3A = arith.constant 0 : i32
        %dma_start3A_73 = arith.constant 0 : i32
        %dma_start3A_74 = tpu.memref_slice %arg8[%dma_start3A, %dma_start3A_73] : memref<80x128xf32, #tpu.memory_space<vmem>> -> memref<16x128xf32, #tpu.memory_space<vmem>>
        %dma_start3A_75 = arith.constant 0 : i32
        %dma_start3A_76 = arith.constant 0 : i32
        %dma_start3A_77 = tpu.memref_slice %arg5[%arg0, %dma_start3A_75, %dma_start3A_76] : memref<2x10000x128xf32, #tpu.memory_space<hbm>> -> memref<1x10000x128xf32, #tpu.memory_space<hbm>>
        %dma_start3A_78 = tpu.memref_squeeze %dma_start3A_77 : memref<1x10000x128xf32, #tpu.memory_space<hbm>> -> memref<10000x128xf32, #tpu.memory_space<hbm>>
        %dma_start3A_79 = arith.constant 9984 : i32
        %dma_start3A_80 = arith.constant 0 : i32
        %dma_start3A_81 = tpu.memref_slice %dma_start3A_78[%dma_start3A_79, %dma_start3A_80] : memref<10000x128xf32, #tpu.memory_space<hbm>> -> memref<16x128xf32, #tpu.memory_space<hbm>>
        %dma_start3A_82 = arith.constant 0 : i32
        %dma_start3A_83 = arith.constant 0 : i32
        %dma_start3A_84 = tpu.memref_slice %arg5[%arg0, %dma_start3A_82, %dma_start3A_83] : memref<2x10000x128xf32, #tpu.memory_space<hbm>> -> memref<1x10000x128xf32, #tpu.memory_space<hbm>>
        %dma_start3A_85 = tpu.memref_squeeze %dma_start3A_84 : memref<1x10000x128xf32, #tpu.memory_space<hbm>> -> memref<10000x128xf32, #tpu.memory_space<hbm>>
        %dma_start3A_86 = arith.constant 9984 : i32
        %dma_start3A_87 = arith.constant 0 : i32
        %dma_start3A_88 = tpu.memref_slice %dma_start3A_85[%dma_start3A_86, %dma_start3A_87] : memref<10000x128xf32, #tpu.memory_space<hbm>> -> memref<16x128xf32, #tpu.memory_space<hbm>>
        %dma_start3A_89 = arith.constant 0 : i32
        %dma_start3A_90 = arith.constant 0 : i32
        %dma_start3A_91 = tpu.memref_slice %arg8[%dma_start3A_89, %dma_start3A_90] : memref<80x128xf32, #tpu.memory_space<vmem>> -> memref<16x128xf32, #tpu.memory_space<vmem>>
        tpu.enqueue_dma source(%dma_start3A_91 : memref<16x128xf32, #tpu.memory_space<vmem>>) target(%dma_start3A_88 : memref<16x128xf32, #tpu.memory_space<hbm>>) target_semaphore(%run_scoped3A : memref<!tpu.dma_semaphore, #tpu.memory_space<semaphore_mem>>)
        %dma_wait3A = arith.constant 0 : i32
        %dma_wait3A_92 = arith.constant 0 : i32
        %dma_wait3A_93 = tpu.memref_slice %arg8[%dma_wait3A, %dma_wait3A_92] : memref<80x128xf32, #tpu.memory_space<vmem>> -> memref<16x128xf32, #tpu.memory_space<vmem>>
        %dma_wait3A_94 = arith.constant 0 : i32
        %dma_wait3A_95 = arith.constant 0 : i32
        %dma_wait3A_96 = tpu.memref_slice %arg5[%arg0, %dma_wait3A_94, %dma_wait3A_95] : memref<2x10000x128xf32, #tpu.memory_space<hbm>> -> memref<1x10000x128xf32, #tpu.memory_space<hbm>>
        %dma_wait3A_97 = tpu.memref_squeeze %dma_wait3A_96 : memref<1x10000x128xf32, #tpu.memory_space<hbm>> -> memref<10000x128xf32, #tpu.memory_space<hbm>>
        %dma_wait3A_98 = arith.constant 9984 : i32
        %dma_wait3A_99 = arith.constant 0 : i32
        %dma_wait3A_100 = tpu.memref_slice %dma_wait3A_97[%dma_wait3A_98, %dma_wait3A_99] : memref<10000x128xf32, #tpu.memory_space<hbm>> -> memref<16x128xf32, #tpu.memory_space<hbm>>
        %dma_wait3A_101 = arith.constant 0 : i32
        %dma_wait3A_102 = arith.constant 0 : i32
        %dma_wait3A_103 = tpu.memref_slice %arg5[%arg0, %dma_wait3A_101, %dma_wait3A_102] : memref<2x10000x128xf32, #tpu.memory_space<hbm>> -> memref<1x10000x128xf32, #tpu.memory_space<hbm>>
        %dma_wait3A_104 = tpu.memref_squeeze %dma_wait3A_103 : memref<1x10000x128xf32, #tpu.memory_space<hbm>> -> memref<10000x128xf32, #tpu.memory_space<hbm>>
        %dma_wait3A_105 = arith.constant 9984 : i32
        %dma_wait3A_106 = arith.constant 0 : i32
        %dma_wait3A_107 = tpu.memref_slice %dma_wait3A_104[%dma_wait3A_105, %dma_wait3A_106] : memref<10000x128xf32, #tpu.memory_space<hbm>> -> memref<16x128xf32, #tpu.memory_space<hbm>>
        %dma_wait3A_108 = arith.constant 0 : i32
        %dma_wait3A_109 = arith.constant 0 : i32
        %dma_wait3A_110 = tpu.memref_slice %arg8[%dma_wait3A_108, %dma_wait3A_109] : memref<80x128xf32, #tpu.memory_space<vmem>> -> memref<16x128xf32, #tpu.memory_space<vmem>>
        tpu.wait_dma2 semaphore(%run_scoped3A : memref<!tpu.dma_semaphore, #tpu.memory_space<semaphore_mem>>) src(%dma_wait3A_110 : memref<16x128xf32, #tpu.memory_space<vmem>>) dst(%dma_wait3A_107 : memref<16x128xf32, #tpu.memory_space<hbm>>)
        tpu.yield
      }) : () -> ()
    } else {
    }
    return
  }
}

module attributes {stable_mosaic.version = 14 : i64} {
  func.func @_mid_body(%arg0: i32, %arg1: memref<2000x128xf32, #tpu.memory_space<vmem>>, %arg2: memref<2x2000x128xf32, #tpu.memory_space<vmem>>, %arg3: memref<2x2000x128xf32, #tpu.memory_space<vmem>>, %arg4: memref<128x128xf32, #tpu.memory_space<vmem>>, %arg5: memref<128x128xf32, #tpu.memory_space<vmem>>, %arg6: memref<1x128xf32, #tpu.memory_space<vmem>>, %arg7: memref<128x1xf32, #tpu.memory_space<vmem>>, %arg8: memref<128x1xf32, #tpu.memory_space<vmem>>, %arg9: memref<1x1xf32, #tpu.memory_space<vmem>>, %arg10: memref<2000x128xf32, #tpu.memory_space<vmem>>, %arg11: memref<2000x1xf32, #tpu.memory_space<vmem>>, %arg12: memref<2000x1xf32, #tpu.memory_space<vmem>>) attributes {dimension_semantics = [#tpu.dimension_semantics<arbitrary>], iteration_bounds = array<i64: 5>, scalar_prefetch = 0 : i64, scratch_operands = 0 : i64, tpu.core_type = #tpu.core_type<tc>, window_params = [{transform_indices = @transform_0, window_bounds = array<i64: 2000, 128>}, {transform_indices = @transform_1, window_bounds = array<i64: 2, 2000, 128>}, {transform_indices = @transform_2, window_bounds = array<i64: 2, 2000, 128>}, {pipeline_mode = #tpu.pipeline_mode<synchronous>, transform_indices = @transform_3, window_bounds = array<i64: 128, 128>}, {pipeline_mode = #tpu.pipeline_mode<synchronous>, transform_indices = @transform_4, window_bounds = array<i64: 128, 128>}, {pipeline_mode = #tpu.pipeline_mode<synchronous>, transform_indices = @transform_5, window_bounds = array<i64: 1, 128>}, {pipeline_mode = #tpu.pipeline_mode<synchronous>, transform_indices = @transform_6, window_bounds = array<i64: 128, 1>}, {pipeline_mode = #tpu.pipeline_mode<synchronous>, transform_indices = @transform_7, window_bounds = array<i64: 128, 1>}, {pipeline_mode = #tpu.pipeline_mode<synchronous>, transform_indices = @transform_8, window_bounds = array<i64: 1, 1>}, {transform_indices = @transform_9, window_bounds = array<i64: 2000, 128>}, {transform_indices = @transform_10, window_bounds = array<i64: 2000, 1>}, {transform_indices = @transform_11, window_bounds = array<i64: 2000, 1>}]} {
    %get3A = arith.constant 0 : index
    %get3A_0 = arith.constant 0 : index
    %get3A_1 = vector.load %arg1[%get3A, %get3A_0] : memref<2000x128xf32, #tpu.memory_space<vmem>>, vector<2000x128xf32>
    %get3A_2 = arith.constant 0 : index
    %get3A_3 = arith.constant 0 : index
    %get3A_4 = arith.constant 0 : index
    %get3A_5 = vector.load %arg2[%get3A_2, %get3A_3, %get3A_4] : memref<2x2000x128xf32, #tpu.memory_space<vmem>>, vector<1x2000x128xf32>
    %get3A_6 = vector.shape_cast %get3A_5 : vector<1x2000x128xf32> to vector<2000x128xf32>
    %get3A_7 = arith.constant 1 : index
    %get3A_8 = arith.constant 0 : index
    %get3A_9 = arith.constant 0 : index
    %get3A_10 = vector.load %arg2[%get3A_7, %get3A_8, %get3A_9] : memref<2x2000x128xf32, #tpu.memory_space<vmem>>, vector<1x2000x128xf32>
    %get3A_11 = vector.shape_cast %get3A_10 : vector<1x2000x128xf32> to vector<2000x128xf32>
    %add3A = arith.addf %get3A_6, %get3A_11 : vector<2000x128xf32>
    %get3A_12 = arith.constant 0 : index
    %get3A_13 = arith.constant 0 : index
    %get3A_14 = arith.constant 0 : index
    %get3A_15 = vector.load %arg3[%get3A_12, %get3A_13, %get3A_14] : memref<2x2000x128xf32, #tpu.memory_space<vmem>>, vector<1x2000x1xf32>
    %get3A_16 = vector.shape_cast %get3A_15 : vector<1x2000x1xf32> to vector<2000xf32>
    %get3A_17 = arith.constant 1 : index
    %get3A_18 = arith.constant 0 : index
    %get3A_19 = arith.constant 0 : index
    %get3A_20 = vector.load %arg3[%get3A_17, %get3A_18, %get3A_19] : memref<2x2000x128xf32, #tpu.memory_space<vmem>>, vector<1x2000x1xf32>
    %get3A_21 = vector.shape_cast %get3A_20 : vector<1x2000x1xf32> to vector<2000xf32>
    %add3A_22 = arith.addf %get3A_16, %get3A_21 : vector<2000xf32>
    %max3A = arith.constant 1.000000e+00 : f32
    %max3A_23 = vector.broadcast %max3A : f32 to vector<2000xf32>
    %max3A_24 = arith.maximumf %add3A_22, %max3A_23 : vector<2000xf32>
    %broadcast_in_dim3A = vector.shape_cast %max3A_24 : vector<2000xf32> to vector<2000x1xf32>
    %div3A = vector.broadcast %broadcast_in_dim3A : vector<2000x1xf32> to vector<2000x128xf32>
    %div3A_25 = arith.divf %add3A, %div3A : vector<2000x128xf32>
    %get3A_26 = arith.constant 0 : index
    %get3A_27 = arith.constant 0 : index
    %get3A_28 = vector.load %arg4[%get3A_26, %get3A_27] : memref<128x128xf32, #tpu.memory_space<vmem>>, vector<128x128xf32>
    %dot_general3A = arith.constant dense<0.000000e+00> : vector<2000x128xf32>
    %dot_general3A_29 = tpu.matmul %get3A_1, %get3A_28, %dot_general3A {dimension_numbers = #tpu.dot_dimension_numbers<[1], [0], [0], [1], [0, 0, 1, 1], [], []>, transpose_lhs_hint = false} : vector<2000x128xf32>, vector<128x128xf32>, vector<2000x128xf32> -> vector<2000x128xf32>
    %get3A_30 = arith.constant 0 : index
    %get3A_31 = arith.constant 0 : index
    %get3A_32 = vector.load %arg5[%get3A_30, %get3A_31] : memref<128x128xf32, #tpu.memory_space<vmem>>, vector<128x128xf32>
    %dot_general3A_33 = arith.constant dense<0.000000e+00> : vector<2000x128xf32>
    %dot_general3A_34 = tpu.matmul %div3A_25, %get3A_32, %dot_general3A_33 {dimension_numbers = #tpu.dot_dimension_numbers<[1], [0], [0], [1], [0, 0, 1, 1], [], []>, transpose_lhs_hint = false} : vector<2000x128xf32>, vector<128x128xf32>, vector<2000x128xf32> -> vector<2000x128xf32>
    %add3A_35 = arith.addf %dot_general3A_29, %dot_general3A_34 : vector<2000x128xf32>
    %get3A_36 = arith.constant 0 : index
    %get3A_37 = arith.constant 0 : index
    %get3A_38 = vector.load %arg6[%get3A_36, %get3A_37] : memref<1x128xf32, #tpu.memory_space<vmem>>, vector<1x128xf32>
    %add3A_39 = vector.broadcast %get3A_38 : vector<1x128xf32> to vector<2000x128xf32>
    %add3A_40 = arith.addf %add3A_35, %add3A_39 : vector<2000x128xf32>
    %max3A_41 = arith.constant 0.000000e+00 : f32
    %max3A_42 = vector.broadcast %max3A_41 : f32 to vector<2000x128xf32>
    %max3A_43 = arith.maximumf %add3A_40, %max3A_42 : vector<2000x128xf32>
    %get3A_44 = arith.constant 0 : index
    %get3A_45 = arith.constant 0 : index
    %get3A_46 = vector.load %arg8[%get3A_44, %get3A_45] : memref<128x1xf32, #tpu.memory_space<vmem>>, vector<128x1xf32>
    %dot_general3A_47 = arith.constant dense<0.000000e+00> : vector<2000x1xf32>
    %dot_general3A_48 = tpu.matmul %max3A_43, %get3A_46, %dot_general3A_47 {dimension_numbers = #tpu.dot_dimension_numbers<[1], [0], [0], [1], [0, 0, 1, 1], [], []>, transpose_lhs_hint = false} : vector<2000x128xf32>, vector<128x1xf32>, vector<2000x1xf32> -> vector<2000x1xf32>
    %get3A_49 = arith.constant 0 : index
    %get3A_50 = arith.constant 0 : index
    %get3A_51 = vector.load %arg7[%get3A_49, %get3A_50] : memref<128x1xf32, #tpu.memory_space<vmem>>, vector<128x1xf32>
    %dot_general3A_52 = arith.constant dense<0.000000e+00> : vector<2000x1xf32>
    %dot_general3A_53 = tpu.matmul %max3A_43, %get3A_51, %dot_general3A_52 {dimension_numbers = #tpu.dot_dimension_numbers<[1], [0], [0], [1], [0, 0, 1, 1], [], []>, transpose_lhs_hint = false} : vector<2000x128xf32>, vector<128x1xf32>, vector<2000x1xf32> -> vector<2000x1xf32>
    %get3A_54 = arith.constant 0 : index
    %get3A_55 = arith.constant 0 : index
    %get3A_56 = vector.load %arg9[%get3A_54, %get3A_55] : memref<1x1xf32, #tpu.memory_space<vmem>>, vector<1x1xf32>
    %add3A_57 = vector.broadcast %get3A_56 : vector<1x1xf32> to vector<2000x1xf32>
    %add3A_58 = arith.addf %dot_general3A_53, %add3A_57 : vector<2000x1xf32>
    %broadcast_in_dim3A_59 = vector.shape_cast %dot_general3A_48 : vector<2000x1xf32> to vector<2000x1xf32>
    %broadcast_in_dim3A_60 = vector.broadcast %broadcast_in_dim3A_59 : vector<2000x1xf32> to vector<2000x128xf32>
    %swap3A = arith.constant 0 : index
    %swap3A_61 = arith.constant 0 : index
    %swap3A_62 = vector.load %arg10[%swap3A, %swap3A_61] : memref<2000x128xf32, #tpu.memory_space<vmem>>, vector<2000x128xf32>
    tpu.vector_store %arg10[%swap3A, %swap3A_61], %broadcast_in_dim3A_60 {strides = array<i32>} : memref<2000x128xf32, #tpu.memory_space<vmem>>, vector<2000x128xf32>,
    %swap3A_63 = arith.constant 0 : index
    %swap3A_64 = arith.constant 0 : index
    %swap3A_65 = vector.load %arg11[%swap3A_63, %swap3A_64] : memref<2000x1xf32, #tpu.memory_space<vmem>>, vector<2000x1xf32>
    tpu.vector_store %arg11[%swap3A_63, %swap3A_64], %add3A_58 {strides = array<i32>} : memref<2000x1xf32, #tpu.memory_space<vmem>>, vector<2000x1xf32>,
    %broadcast_in_dim3A_66 = vector.shape_cast %max3A_24 : vector<2000xf32> to vector<2000x1xf32>
    %swap3A_67 = arith.constant 0 : index
    %swap3A_68 = arith.constant 0 : index
    %swap3A_69 = vector.load %arg12[%swap3A_67, %swap3A_68] : memref<2000x1xf32, #tpu.memory_space<vmem>>, vector<2000x1xf32>
    tpu.vector_store %arg12[%swap3A_67, %swap3A_68], %broadcast_in_dim3A_66 {strides = array<i32>} : memref<2000x1xf32, #tpu.memory_space<vmem>>, vector<2000x1xf32>,
    return
  }
  func.func @transform_0(%arg0: i32) -> (i32, i32) {
    %c0_i32 = arith.constant 0 : i32
    %c0_i32_0 = arith.constant 0 : i32
    return %arg0, %c0_i32 : i32, i32
  }
  func.func @transform_1(%arg0: i32) -> (i32, i32, i32) {
    %c0_i32 = arith.constant 0 : i32
    %c0_i32_0 = arith.constant 0 : i32
    %c0_i32_1 = arith.constant 0 : i32
    return %c0_i32, %arg0, %c0_i32_0 : i32, i32, i32
  }
  func.func @transform_2(%arg0: i32) -> (i32, i32, i32) {
    %c0_i32 = arith.constant 0 : i32
    %c0_i32_0 = arith.constant 0 : i32
    %c0_i32_1 = arith.constant 0 : i32
    return %c0_i32, %arg0, %c0_i32_0 : i32, i32, i32
  }
  func.func @transform_3(%arg0: i32) -> (i32, i32) {
    %c0_i32 = arith.constant 0 : i32
    %c0_i32_0 = arith.constant 0 : i32
    %c0_i32_1 = arith.constant 0 : i32
    return %c0_i32, %c0_i32_0 : i32, i32
  }
  func.func @transform_4(%arg0: i32) -> (i32, i32) {
    %c0_i32 = arith.constant 0 : i32
    %c0_i32_0 = arith.constant 0 : i32
    %c0_i32_1 = arith.constant 0 : i32
    return %c0_i32, %c0_i32_0 : i32, i32
  }
  func.func @transform_5(%arg0: i32) -> (i32, i32) {
    %c0_i32 = arith.constant 0 : i32
    %c0_i32_0 = arith.constant 0 : i32
    %c0_i32_1 = arith.constant 0 : i32
    return %c0_i32, %c0_i32_0 : i32, i32
  }
  func.func @transform_6(%arg0: i32) -> (i32, i32) {
    %c0_i32 = arith.constant 0 : i32
    %c0_i32_0 = arith.constant 0 : i32
    %c0_i32_1 = arith.constant 0 : i32
    return %c0_i32, %c0_i32_0 : i32, i32
  }
  func.func @transform_7(%arg0: i32) -> (i32, i32) {
    %c0_i32 = arith.constant 0 : i32
    %c0_i32_0 = arith.constant 0 : i32
    %c0_i32_1 = arith.constant 0 : i32
    return %c0_i32, %c0_i32_0 : i32, i32
  }
  func.func @transform_8(%arg0: i32) -> (i32, i32) {
    %c0_i32 = arith.constant 0 : i32
    %c0_i32_0 = arith.constant 0 : i32
    %c0_i32_1 = arith.constant 0 : i32
    return %c0_i32, %c0_i32_0 : i32, i32
  }
  func.func @transform_9(%arg0: i32) -> (i32, i32) {
    %c0_i32 = arith.constant 0 : i32
    %c0_i32_0 = arith.constant 0 : i32
    return %arg0, %c0_i32 : i32, i32
  }
  func.func @transform_10(%arg0: i32) -> (i32, i32) {
    %c0_i32 = arith.constant 0 : i32
    %c0_i32_0 = arith.constant 0 : i32
    return %arg0, %c0_i32 : i32, i32
  }
  func.func @transform_11(%arg0: i32) -> (i32, i32) {
    %c0_i32 = arith.constant 0 : i32
    %c0_i32_0 = arith.constant 0 : i32
    return %arg0, %c0_i32 : i32, i32
  }
}

module attributes {stable_mosaic.version = 14 : i64} {
  func.func @_final_body(%arg0: i32, %arg1: memref<2000x1xf32, #tpu.memory_space<vmem>>, %arg2: memref<2x2000x128xf32, #tpu.memory_space<vmem>>, %arg3: memref<2000x1xf32, #tpu.memory_space<vmem>>, %arg4: memref<2000x1xf32, #tpu.memory_space<vmem>>) attributes {dimension_semantics = [#tpu.dimension_semantics<arbitrary>], iteration_bounds = array<i64: 5>, scalar_prefetch = 0 : i64, scratch_operands = 0 : i64, tpu.core_type = #tpu.core_type<tc>, window_params = [{transform_indices = @transform_0, window_bounds = array<i64: 2000, 1>}, {transform_indices = @transform_1, window_bounds = array<i64: 2, 2000, 128>}, {transform_indices = @transform_2, window_bounds = array<i64: 2000, 1>}, {transform_indices = @transform_3, window_bounds = array<i64: 2000, 1>}]} {
    %get3A = arith.constant 0 : index
    %get3A_0 = arith.constant 0 : index
    %get3A_1 = arith.constant 0 : index
    %get3A_2 = vector.load %arg2[%get3A, %get3A_0, %get3A_1] : memref<2x2000x128xf32, #tpu.memory_space<vmem>>, vector<1x2000x1xf32>
    %get3A_3 = vector.shape_cast %get3A_2 : vector<1x2000x1xf32> to vector<2000x1xf32>
    %get3A_4 = arith.constant 1 : index
    %get3A_5 = arith.constant 0 : index
    %get3A_6 = arith.constant 0 : index
    %get3A_7 = vector.load %arg2[%get3A_4, %get3A_5, %get3A_6] : memref<2x2000x128xf32, #tpu.memory_space<vmem>>, vector<1x2000x1xf32>
    %get3A_8 = vector.shape_cast %get3A_7 : vector<1x2000x1xf32> to vector<2000x1xf32>
    %add3A = arith.addf %get3A_3, %get3A_8 : vector<2000x1xf32>
    %get3A_9 = arith.constant 0 : index
    %get3A_10 = arith.constant 0 : index
    %get3A_11 = vector.load %arg1[%get3A_9, %get3A_10] : memref<2000x1xf32, #tpu.memory_space<vmem>>, vector<2000x1xf32>
    %get3A_12 = arith.constant 0 : index
    %get3A_13 = arith.constant 0 : index
    %get3A_14 = vector.load %arg3[%get3A_12, %get3A_13] : memref<2000x1xf32, #tpu.memory_space<vmem>>, vector<2000x1xf32>
    %div3A = arith.divf %add3A, %get3A_14 : vector<2000x1xf32>
    %add3A_15 = arith.addf %get3A_11, %div3A : vector<2000x1xf32>
    %swap3A = arith.constant 0 : index
    %swap3A_16 = arith.constant 0 : index
    %swap3A_17 = vector.load %arg4[%swap3A, %swap3A_16] : memref<2000x1xf32, #tpu.memory_space<vmem>>, vector<2000x1xf32>
    tpu.vector_store %arg4[%swap3A, %swap3A_16], %add3A_15 {strides = array<i32>} : memref<2000x1xf32, #tpu.memory_space<vmem>>, vector<2000x1xf32>,
    return
  }
  func.func @transform_0(%arg0: i32) -> (i32, i32) {
    %c0_i32 = arith.constant 0 : i32
    %c0_i32_0 = arith.constant 0 : i32
    return %arg0, %c0_i32 : i32, i32
  }
  func.func @transform_1(%arg0: i32) -> (i32, i32, i32) {
    %c0_i32 = arith.constant 0 : i32
    %c0_i32_0 = arith.constant 0 : i32
    %c0_i32_1 = arith.constant 0 : i32
    return %c0_i32, %arg0, %c0_i32_0 : i32, i32, i32
  }
  func.func @transform_2(%arg0: i32) -> (i32, i32) {
    %c0_i32 = arith.constant 0 : i32
    %c0_i32_0 = arith.constant 0 : i32
    return %arg0, %c0_i32 : i32, i32
  }
  func.func @transform_3(%arg0: i32) -> (i32, i32) {
    %c0_i32 = arith.constant 0 : i32
    %c0_i32_0 = arith.constant 0 : i32
    return %arg0, %c0_i32 : i32, i32
  }
}

</mosaic_0001>

<sc_bundles>
// kernel: kernel.10.cloned.1.call-start
scs
__scs_entry_jumppad:
0x0: {  	(pc) =	sbr.rel $0x88, $3  }
0x1: {  	(tag) =	ssettag $0x0;
	lr =	simm.s32 $0x1  }
0x2: {  	[smem:$0x3F99] =	sst lr;
	_ =	strace $0xD0000000  }
0x3: {  	_ = 	snop  }
0x4: {  	_ = 	snop  }
0x5: {  	_ = 	snop  }
0x6: {  	_ = 	snop  }
0x7: {  	_ = 	snop  }
__scs_overlays_trampoline_lowered:
0x8: {  	[smem:$0x3FA8] =	sst s0  }
0x9: {  	[smem:$0x3FA9] =	sst s1  }
0xa: {  	[smem:$0x3FAA] =	sst s2  }
0xb: {  	[smem:$0x3FAB] =	sst s3  }
0xc: {  	[smem:$0x3FAC] =	sst s4  }
0xd: {  	[smem:$0x3FAD] =	sst s5  }
0xe: {  	[smem:$0x3FAE] =	sst s6  }
0xf: {  	[smem:$0x3FAF] =	sst s7  }
0x10: {  	[smem:$0x3FB0] =	sst s8  }
0x11: {  	[smem:$0x3FB1] =	sst s9;
	s0 =	simm.s32 @!p0 $0x0  }
0x12: {  	s1 =	sld [smem:$0x3F97];
	s0 =	simm.s32 @p0 $0x1  }
0x13: {  	[smem:$0x3FB2] =	sst s0;
	s0 =	simm.s32 @!p1 $0x0  }
0x14: {  	s2 =	sld [smem:$0x3F96];
	s0 =	simm.s32 @p1 $0x1  }
0x15: {  	[smem:$0x3FB3] =	sst s0;
	s0 =	simm.s32 @!p2 $0x0  }
0x16: {  	s3 =	sld [smem:$0x3FDB];
	s0 =	simm.s32 @p2 $0x1  }
0x17: {  	s4 =	simm.s32 $0x1BF5;
	[smem:$0x3FB5] =	sst s0  }
0x18: {  	s0 =	sld [smem:$0x3F98];
	_ =	swait.ge [sflag:s4], $0x0  }
0x19: {  	s7 =	sld [smem:$0x3F99]  }
0x1a: {  	s8 =	sadd.s32 $0xFFFFE003, lr  }
0x1b: {  	s9 =	sadd.s32 $0xFFFFFEF7, lr;
	s5 =	simm.s32 $0xFFFFFFFF;
	p2 =	slt.u32 s8, $0xFFFFF086  }
0x1c: {  	p1 =	slt.u32 s9, $0xF7A;
	s5 =	simm.s32 @!p2 $0x0  }
0x1d: {  	s5 =	simm.s32 @p1 $0x1;
	p0 =	seq.s32 s7, s2  }
0x1e: {  	s7 =	smul.u32 @!p0 $0xF7A, s2;
	p2 =	seq.s32 @!p0 s5, $0x0  }
0x1f: {  	s9 =	smul.u32 $0xF7A, s1;
	s8 =	simm.s32 @!p0 $0x1BF5;
	p2 =	por !p2, p0  }
0x20: {  	[sflag:s8] =	ssyncset.s32 @!p0 $0xFFFFF086;
	s6 =	sadd.s32 @!p0 s3, s7;
	s7 =	simm.s32 @!p0 $0x108  }
0x21: {  	s3 =	sadd.s32 s3, s9;
	s6 =	sadd.s32 @!p0 $0x88, s6;
	s7 =	simm.s32 @p2 $0x1082  }
0x22: {  	[simem:s7], [sflag:s8] =	dma.local @!p0 [hbm:s6], $0xF7A  }
0x23: {  	s9 =	sor.u32 $0xD0000000, s2;
	s6 =	simm.s32 $0x108;
	_ =	swait.ge @!p0 [sflag:s8], $0x0  }
0x24: {  	s3 =	sadd.s32 $0x88, s3;
	s6 =	simm.s32 @!p1 $0x1082;
	[sflag:s4] =	ssyncset.s32 $0xFFFFF086  }
0x25: {  	[simem:s6], [sflag:s4] =	dma.local [hbm:s3], $0xF7A  }
0x26: {  	[smem:$0x3F99] =	sst s1;
	(tag) =	ssettag s2;
	_ =	strace s9  }
0x27: {  	s1 =	sld [smem:$0x3FA9]  }
0x28: {  	s2 =	sld [smem:$0x3FAA]  }
0x29: {  	s4 =	sld [smem:$0x3FAC]  }
0x2a: {  	p0 =	seq.s32 s5, $0x0;
	s5 =	sld [smem:$0x3FAD]  }
0x2b: {  	s6 =	sld [smem:$0x3FAE]  }
0x2c: {  	s7 =	sld [smem:$0x3FAF]  }
0x2d: {  	s3 =	simm.s32 $0x108;
	s8 =	sld [smem:$0x3FB0]  }
0x2e: {  	s3 =	simm.s32 @!p0 $0x1082;
	s9 =	sld [smem:$0x3FB1]  }
0x2f: {  	lr =	sadd.s32 s0, s3;
	s0 =	sld [smem:$0x3FA8]  }
0x30: {  	s3 =	sld [smem:$0x3FAB]  }
0x31: {  	[smem:$0x3FB4] =	sst s10  }
0x32: {  	s10 =	sld [smem:$0x3FB2];
	_ =	sdelay $0x3  }
0x33: {  	p0 =	seq.s32 s10, $0x1;
	s10 =	sld [smem:$0x3FB4];
	_ =	sdelay $0x3  }
0x34: {  	[smem:$0x3FB4] =	sst s10  }
0x35: {  	s10 =	sld [smem:$0x3FB3];
	_ =	sdelay $0x3  }
0x36: {  	p1 =	seq.s32 s10, $0x1;
	s10 =	sld [smem:$0x3FB4];
	_ =	sdelay $0x3  }
0x37: {  	[smem:$0x3FB4] =	sst s10  }
0x38: {  	s10 =	sld [smem:$0x3FB5]  }
0x39: {  	_ = 	snop;
	(pc) =	sbr.ind lr, $3  }
0x3a: {  	_ = 	snop  }
0x3b: {  	_ = 	snop  }
0x3c: {  	p2 =	seq.s32 s10, $0x1;
	s10 =	sld [smem:$0x3FB4]  }
0x3d: {  	_ =	shalt  }
0x3e: {  	_ =	shalt  }
0x3f: {  	_ =	shalt  }
0x40: {  	_ =	shalt  }
0x41: {  	_ =	shalt  }
0x42: {  	_ =	shalt  }
0x43: {  	_ =	shalt  }
0x44: {  	_ =	shalt  }
0x45: {  	_ =	shalt  }
0x46: {  	_ =	shalt  }
0x47: {  	_ =	shalt  }
0x48: {  	_ =	shalt  }
0x49: {  	_ =	shalt  }
0x4a: {  	_ =	shalt  }
0x4b: {  	_ =	shalt  }
0x4c: {  	_ =	shalt  }
0x4d: {  	_ =	shalt  }
0x4e: {  	_ =	shalt  }
0x4f: {  	_ =	shalt  }
0x50: {  	_ =	shalt  }
0x51: {  	_ =	shalt  }
0x52: {  	_ =	shalt  }
0x53: {  	_ =	shalt  }
0x54: {  	_ =	shalt  }
0x55: {  	_ =	shalt  }
0x56: {  	_ =	shalt  }
0x57: {  	_ =	shalt  }
0x58: {  	_ =	shalt  }
0x59: {  	_ =	shalt  }
0x5a: {  	_ =	shalt  }
0x5b: {  	_ =	shalt  }
0x5c: {  	_ =	shalt  }
0x5d: {  	_ =	shalt  }
0x5e: {  	_ =	shalt  }
0x5f: {  	_ =	shalt  }
0x60: {  	_ =	shalt  }
0x61: {  	_ =	shalt  }
0x62: {  	_ =	shalt  }
0x63: {  	_ =	shalt  }
0x64: {  	_ =	shalt  }
0x65: {  	_ =	shalt  }
0x66: {  	_ =	shalt  }
0x67: {  	_ =	shalt  }
0x68: {  	_ =	shalt  }
0x69: {  	_ =	shalt  }
0x6a: {  	_ =	shalt  }
0x6b: {  	_ =	shalt  }
0x6c: {  	_ =	shalt  }
0x6d: {  	_ =	shalt  }
0x6e: {  	_ =	shalt  }
0x6f: {  	_ =	shalt  }
0x70: {  	_ =	shalt  }
0x71: {  	_ =	shalt  }
0x72: {  	_ =	shalt  }
0x73: {  	_ =	shalt  }
0x74: {  	_ =	shalt  }
0x75: {  	_ =	shalt  }
0x76: {  	_ =	shalt  }
0x77: {  	_ =	shalt  }
0x78: {  	_ =	shalt  }
0x79: {  	_ =	shalt  }
0x7a: {  	_ =	shalt  }
0x7b: {  	_ =	shalt  }
0x7c: {  	_ =	shalt  }
0x7d: {  	_ =	shalt  }
0x7e: {  	_ =	shalt  }
0x7f: {  	_ =	shalt  }
0x80: {  	_ =	shalt  }
0x81: {  	_ =	shalt  }
0x82: {  	_ =	shalt  }
0x83: {  	_ =	shalt  }
0x84: {  	_ =	shalt  }
0x85: {  	_ =	shalt  }
0x86: {  	_ =	shalt  }
0x87: {  	_ =	shalt  }
.Lfunc_end0:
.L_simem_size_0:
called_computation.1_lowered:
.L_overlay_start_0:
0x88: {  	s2 =	sld [smem:$0x3FD9]  }
0x89: {  	s3 =	sld [smem:$0x3FFE];
	_ =	sdelay $0x1  }
0x8a: {  	s1 =	srdreg.scid  }
0x8b: {  	s0 =	sand.u32 $0x1, s1  }
0x8c: {  	s17 =	sshll.u32 s0, $0xA;
	s2 =	sadd.s32 s3, s2  }
0x8d: {  	s2 =	sadd.s32 s2, s17  }
0x8e: {  	[smem:$0x3FC0] =	sst s2  }
0x8f: {  	_ = 	snop  }
0x90: {  	(tm) =	ssettm $0x1  }
0x91: {  	s18 =	sld [smem:$0x3FFB];
	_ =	sdelay $0x3  }
0x92: {  	_ =	strace s18  }
0x93: {  	s2 =	sld [smem:$0x3FFC];
	_ =	sdelay $0x3  }
0x94: {  	_ =	strace s2  }
0x95: {  	s2 =	sld [smem:$0x3FFD];
	_ =	sdelay $0x3  }
0x96: {  	_ =	strace s2  }
0x97: {  	_ =	strace $0x8FFFFFFF  }
0x98: {  	s19 =	sld [smem:$0x3FDB];
	_ =	sdelay $0x1  }
0x99: {  	s20 =	simm.s32 $_scs_section_size  }
0x9a: {  	s4 =	simm.s32 $_size__tile_overlayer_lowered;
	s5 =	simm.s32 $_tile_overlayer_lowered  }
0x9b: {  	s6 =	simm.s32 $0x1BFF;
	s21 =	sshll.u32 s5, $0x1;
	s3 =	sadd.s32 s20, s19  }
0x9c: {  	s22 =	simm.s32 $0x0;
	s4 =	sshll.u32 s4, $0x1;
	s5 =	sadd.s32 s21, s3  }
0x9d: {  	[timem:s22], [sflag:s6] =	dma.local [hbm:s5], s4  }
0x9e: {  	_ =	swait.ge [sflag:s6], s4  }
0x9f: {  	s4 =	ssub.s32 $0x0, s4;
	[sflag:s6] =	ssyncset.done $0x0  }
0xa0: {  	[sflag:s6] =	ssyncadd.s32 s4;
	_ =	sdelay $0x1  }
0xa1: {  	s23 =	simm.s32 $0x1B8B  }
0xa2: {  	_ =	swait.ge [sflag:s23], $0x1  }
0xa3: {  	[sflag:s23] =	ssyncset.done $0x0  }
0xa4: {  	[sflag:s23] =	ssyncadd.s32 $0xFFFFFFFF  }
0xa5: {  	s4 =	sld [smem:$0x0]  }
0xa6: {  	s5 =	sand.u32 $0xFFFFFFFE, s1  }
0xa7: {  	p0 =	sne.s32 s1, s5  }
0xa8: {  	s5 =	sshll.u32 @p0 s5, $0xE  }
0xa9: {  	s5 =	sadd.s32 @p0 $0x11B8D, s5;
	s6 =	sshll.u32 @p0 s4, $0x11  }
0xaa: {  	s5 =	sor.u32 @p0 s6, s5  }
0xab: {  	[sflag:s5] =	ssyncadd.remote.s32 @p0 $0x1;
	_ =	sdelay $0x1  }
0xac: {  	s5 =	simm.s32 @p0 $0x1B8D  }
0xad: {  	_ =	swait.eq @p0 [sflag:s5], $0x1  }
0xae: {  	[sflag:s5] =	ssyncadd.s32 @p0 $0xFFFFFFFF  }
0xaf: {  	s6 =	sshll.u32 @!p0 s1, $0xE  }
0xb0: {  	s6 =	sor.u32 @!p0 $0x4000, s6;
	s5 =	simm.s32 @!p0 $0x1B8D  }
0xb1: {  	s4 =	sshll.u32 @!p0 s4, $0x11;
	s6 =	sadd.s32 @!p0 $0x11B8D, s6;
	_ =	swait.eq @!p0 [sflag:s5], $0x1  }
0xb2: {  	s4 =	sor.u32 @!p0 s4, s6;
	[sflag:s5] =	ssyncadd.s32 @!p0 $0xFFFFFFFF  }
0xb3: {  	s25 =	simm.s32 $0x1B8E;
	s24 =	sld [smem:$0x3FFE];
	[sflag:s4] =	ssyncadd.remote.s32 @!p0 $0x1  }
0xb4: {  	s26 =	simm.s32 $execute0_lowered;
	[smem:$0x3FD2] =	sst s25  }
0xb5: {  	s5 =	sshll.u32 s26, $0x1;
	_ =	strace $0x80000049;
	[dreg:$0x1] =	wrdreg $0xFFFFFFFF  }
0xb6: {  	s28 =	simm.s32 $_size_execute0_lowered;
	s3 =	sadd.s32 s3, s5;
	[dreg:$0x0] =	wrdreg $0x0  }
0xb7: {  	s5 =	sshll.u32 s28, $0x1;
	[dreg:$0x2] =	wrdreg s3  }
0xb8: {  	[dreg:$0x3] =	wrdreg s5  }
0xb9: {  	[dreg:$0x4] =	wrdreg $0xC0  }
0xba: {  	_ =	task [dreg:s22], $0x5FFFF  }
0xbb: {  	[dreg:$0x1] =	wrdreg $0xFFFFFFFF  }
0xbc: {  	[dreg:$0x0] =	wrdreg $0x60  }
0xbd: {  	[dreg:$0x2] =	wrdreg s24  }
0xbe: {  	[dreg:$0x3] =	wrdreg $0x2C000  }
0xbf: {  	[dreg:$0x4] =	wrdreg $0xA  }
0xc0: {  	_ =	task.clear_ibuf [dreg:s22], $0x5FFFF;
	_ =	strace $0x90000049  }
0xc1: {  	s29 =	simm.s32 $0xA;
	_ =	strace $0x8000004B  }
0xc2: {  	_ =	swait.ge [sflag:s29], $0x1  }
0xc3: {  	[sflag:s29] =	ssyncadd.s32 $0xFFFFFFFF  }
0xc4: {  	_ =	strace $0x9000004B  }
0xc5: {  	_ =	sfence  }
0xc6: {  	s30 =	sld [smem:$0x0];
	_ =	sdelay $0x2  }
0xc7: {  	s31 =	sshll.u32 s1, $0xD;
	s1 =	sshrl.u32 s1, $0x2  }
0xc8: {  	s4 =	sand.u32 $0x4000, s31;
	s1 =	sadd.s32 s1, s30  }
0xc9: {  	s0 =	sor.u32 s4, s0;
	s1 =	sshll.u32 s1, $0x11  }
0xca: {  	s0 =	sor.u32 s1, s0  }
0xcb: {  	s0 =	sadd.s32 $0x8F2B, s0  }
0xcc: {  	[sflag:s0] =	ssyncadd.remote.s32 $0x1  }
0xcd: {  	_ =	sfence.sel $0xFFFF  }
0xce: {  	[dreg:$0x0] =	wrdreg $0xFFFFFFFF;
	(pc) =	sbr.abs _section_cstart, $3  }
0xcf: {  	[dreg:$0x1] =	wrdreg $0xFFFFFFFF  }
0xd0: {  	_ =	task.clear_ibuf [dreg:s22], $0x2FFFF;
	_ =	strace $0x9FFFFFFF  }
0xd1: {  	(tm) =	ssettm $0x7FFFFFFF  }
tec
execute0_lowered:
.L_overlay_start_1:
0x0: {  	(tag) =	ssettag $0x1  }
0x1: {  	s0 =	srdreg.scid;
	s29 =	stileid.u32  }
0x2: {  	s1 =	rddreg [dreg:$0x0];
	s5 =	smul.u32 $0x6400, s29  }
0x3: {  	s2 =	rddreg [dreg:$0x1];
	s9 =	smul.u32 $0x270, s29  }
0x4: {  	s3 =	simm.s32 $0x0;
	s0 =	sand.u32 $0x1, s0;
	s8 =	smul.u32 $0x4E000, s29  }
0x5: {  	s30 =	simm.s32 $0x180;
	s31 =	simm.s32 $0x200;
	s4 =	smul.u32 $0x64000, s0  }
0x6: {  	[smem:$0x7FF] =	sst s3;
	s6 =	smul.u32 $0x27100, s0;
	s0 =	ssub.s32 $0x2, s0  }
0x7: {  	p0 =	sne.s32 s29, $0xF;
	_ =	strace $0x8000004A;
	s10 =	sshrl.u32 s0, $0x1  }
0x8: {  	s15 =	sadd.s32 $0x50, s9;
	s16 =	sadd.s32 $0xA0, s9;
	s17 =	sadd.s32 $0xF0, s9  }
0x9: {  	s18 =	sadd.s32 $0x140, s9;
	s19 =	sadd.s32 $0x190, s9;
	s20 =	sadd.s32 $0x1E0, s9  }
0xa: {  	s21 =	sadd.s32 $0x230, s9;
	s4 =	sadd.s32 s5, s4;
	s5 =	sshrl.u32 s8, $0x2  }
0xb: {  	s0 =	ssub.s32 s0, s10;
	s11 =	sshll.u32 s15, $0x7;
	s12 =	sshll.u32 s16, $0x7  }
0xc: {  	s7 =	sshll.u32 s17, $0x7;
	s8 =	sshll.u32 s18, $0x7;
	s10 =	sshll.u32 s19, $0x7  }
0xd: {  	s13 =	sshll.u32 s21, $0x7;
	s22 =	sshll.u32 s15, $0x4;
	s23 =	sshll.u32 s16, $0x4  }
0xe: {  	s24 =	sshll.u32 s17, $0x4;
	s18 =	sshll.u32 s18, $0x4;
	s25 =	sshll.u32 s19, $0x4  }
0xf: {  	s26 =	sshll.u32 s20, $0x4;
	s28 =	sshll.u32 s21, $0x4;
	s16 =	simm.s32 $0x400  }
0x10: {  	s17 =	simm.s32 $0x1;
	s4 =	sshrl.u32 s4, $0x3;
	s7 =	sadd.s32 s7, s2  }
0x11: {  	s8 =	sadd.s32 s8, s2;
	s9 =	sadd.s32 s10, s2;
	s0 =	smax.u32 s0, $0x1  }
0x12: {  	s14 =	sadd.s32 s4, s1;
	s1 =	sadd.s32 s6, s1;
	s4 =	sadd.s32 s5, s2  }
0x13: {  	s5 =	sadd.s32 s11, s2;
	s6 =	sadd.s32 s12, s2;
	s11 =	sshll.u32 s20, $0x7  }
0x14: {  	s12 =	sadd.s32 $0x138000, s2;
	[dreg:$0x3] =	wrdreg s0;
	s10 =	sadd.s32 s11, s2  }
0x15: {  	s11 =	sadd.s32 s13, s2;
	s13 =	sadd.s32 $0x81C00, s1;
	s1 =	smul.u32 $0x2700, s29  }
0x16: {  	s15 =	sadd.s32 $0x1A00, s14;
	s29 =	simm.s32 $0x100;
	s22 =	sadd.s32 s22, s13  }
0x17: {  	s20 =	sadd.s32 s23, s13;
	s23 =	sadd.s32 s25, s13;
	s25 =	sadd.s32 s28, s13  }
0x18: {  	s28 =	simm.s32 $0x80;
	s21 =	sadd.s32 s1, s13;
	[dreg:$0x5] =	wrdreg s22  }
0x19: {  	s22 =	sadd.s32 s18, s13;
	s1 =	simm.s32 $0x0;
	[dreg:$0x4] =	wrdreg s21  }
0x1a: {  	v0 =	vimm.f32 $0.0e+00;
	v1 =	vimm.f32 $1.000000000e+00;
	s21 =	sadd.s32 s24, s13;
	s24 =	sadd.s32 s26, s13;
	s26 =	simm.s32 $0x50  }
.LBB2_1:
0x1b: {  	s0 =	sand.u32 $0xFE00, s3  }
0x1c: {  	s14 =	sand.u32 $0x70, s3;
	s18 =	sshrl.u32 s0, $0x2  }
0x1d: {  	s0 =	simm.s32 $0x40;
	s18 =	sor.u32 s14, s18;
	s14 =	simm.s32 $0x0  }
.LBB2_2:
0x1e: {  	p1 =	sne.s32 s0, $0x9FC0  }
0x1f: {  	[tilespmem:s18+$0x400] =	vst v0;
	s14 =	sadd.s32 $0x10, s14;
	s18 =	smov.u32 s0;
	s0 =	sadd.s32 $0x40, s0  }
.Ltmp0:
0x20: {  	(pc) =	sbr.rel @p1 .LBB2_2-.Ltmp0, $4  }
0x21: {  	_ = 	snop  }
0x22: {  	s18 =	sand.u32 $0xFE00, s18  }
0x23: {  	s19 =	sand.u32 $0x70, s14;
	s18 =	sshrl.u32 s18, $0x2  }
0x24: {  	s18 =	sor.u32 s19, s18  }
0x25: {  	[tilespmem:s18+$0x400] =	vst v0  }
0x26: {  	[spmem:s4] =	stream.linear.scatter [tilespmem:s16], [sflag:$0x1], $0x2800, $0x38;
	[tilespmem:$0x16480] =	vst v63  }
0x27: {  	_ =	swait.ge [sflag:s17], $0x2800  }
0x28: {  	[sflag:s17] =	ssyncset.done $0x0  }
0x29: {  	[sflag:s17] =	ssyncadd.s32 $0xFFFFD800  }
0x2a: {  	[spmem:s5] =	stream.linear.scatter [tilespmem:s16], [sflag:$0x1], $0x2800, $0x38;
	[tilespmem:$0x16480] =	vst v63  }
0x2b: {  	_ =	swait.ge [sflag:s17], $0x2800  }
0x2c: {  	[sflag:s17] =	ssyncset.done $0x0  }
0x2d: {  	[sflag:s17] =	ssyncadd.s32 $0xFFFFD800  }
0x2e: {  	[spmem:s6] =	stream.linear.scatter [tilespmem:s16], [sflag:$0x1], $0x2800, $0x38;
	[tilespmem:$0x16480] =	vst v63  }
0x2f: {  	_ =	swait.ge [sflag:s17], $0x2800  }
0x30: {  	[sflag:s17] =	ssyncset.done $0x0  }
0x31: {  	[sflag:s17] =	ssyncadd.s32 $0xFFFFD800  }
0x32: {  	[spmem:s7] =	stream.linear.scatter [tilespmem:s16], [sflag:$0x1], $0x2800, $0x38;
	[tilespmem:$0x16480] =	vst v63  }
0x33: {  	_ =	swait.ge [sflag:s17], $0x2800  }
0x34: {  	[sflag:s17] =	ssyncset.done $0x0  }
0x35: {  	[sflag:s17] =	ssyncadd.s32 $0xFFFFD800  }
0x36: {  	[spmem:s8] =	stream.linear.scatter [tilespmem:s16], [sflag:$0x1], $0x2800, $0x38;
	[tilespmem:$0x16480] =	vst v63  }
0x37: {  	_ =	swait.ge [sflag:s17], $0x2800  }
0x38: {  	[sflag:s17] =	ssyncset.done $0x0  }
0x39: {  	[sflag:s17] =	ssyncadd.s32 $0xFFFFD800  }
0x3a: {  	[spmem:s9] =	stream.linear.scatter [tilespmem:s16], [sflag:$0x1], $0x2800, $0x38;
	[tilespmem:$0x16480] =	vst v63  }
0x3b: {  	_ =	swait.ge [sflag:s17], $0x2800  }
0x3c: {  	[sflag:s17] =	ssyncset.done $0x0  }
0x3d: {  	[sflag:s17] =	ssyncadd.s32 $0xFFFFD800  }
0x3e: {  	[spmem:s10] =	stream.linear.scatter [tilespmem:s16], [sflag:$0x1], $0x2800, $0x38;
	[tilespmem:$0x16480] =	vst v63  }
0x3f: {  	_ =	swait.ge [sflag:s17], $0x2800  }
0x40: {  	[sflag:s17] =	ssyncset.done $0x0  }
0x41: {  	[sflag:s17] =	ssyncadd.s32 $0xFFFFD800  }
0x42: {  	[spmem:s11] =	stream.linear.scatter [tilespmem:s16], [sflag:$0x1], $0x2000, $0x38;
	[tilespmem:$0x16480] =	vst v63  }
0x43: {  	_ =	swait.ge [sflag:s17], $0x2000  }
0x44: {  	[sflag:s17] =	ssyncset.done $0x0  }
0x45: {  	s0 =	simm.s32 @!p0 $0x400;
	[sflag:s17] =	ssyncadd.s32 $0xFFFFE000  }
0x46: {  	[spmem:s12] =	stream.linear.scatter @!p0 [tilespmem:s0], [sflag:$0x1], $0x800, $0x38;
	[tilespmem:$0x16480] =	vst v63  }
0x47: {  	s0 =	simm.s32 @!p0 $0x1  }
0x48: {  	_ =	swait.ge @!p0 [sflag:s0], $0x800  }
0x49: {  	[sflag:s0] =	ssyncset.done @!p0 $0x0  }
0x4a: {  	s14 =	simm.s32 $0x0;
	[sflag:s0] =	ssyncadd.s32 @!p0 $0xFFFFF800;
	s0 =	simm.s32 $0x200  }
.LBB2_4:
0x4b: {  	p1 =	sne.s32 s0, $0x9E00;
	[tilespmem:s14+$0x400] =	vst v1;
	s14 =	smov.u32 s0;
	s0 =	sadd.s32 $0x200, s0  }
.Ltmp1:
0x4c: {  	(pc) =	sbr.rel @p1 .LBB2_4-.Ltmp1, $2  }
0x4d: {  	_ =	sdelay $0x2  }
0x4e: {  	s14 =	sshra.s32 s14, $0x2  }
0x4f: {  	[tilespmem:s14+$0x400] =	vst v1  }
0x50: {  	s0 =	sadd.s32 $0x0, s15;
	[bflag:$0x0] =	sbarrier.arrive $0xFFFF  }
0x51: {  	[tilespmem:s3], [sflag:$0x1] =	stream.linear.gather [hbm4b:s0+s3], $0x280, $0x38;
	[tilespmem:$0x16480] =	vst v63  }
0x52: {  	_ =	swait.ge [sflag:s17], $0x280  }
0x53: {  	[sflag:s17] =	ssyncset.done $0x0  }
0x54: {  	[sflag:s17] =	ssyncadd.s32 $0xFFFFFD80  }
0x55: {  	[spmem:s2] =	stream.indirect.scatter.add.f32 [tilespmem:s16], [sflag:$0x1], $0x80, s3, s26, $0xb8;
	[tilespmem:$0x16480] =	vst v63  }
0x56: {  	_ =	swait.ge [sflag:s17], $0x2800  }
0x57: {  	[sflag:s17] =	ssyncset.done $0x0  }
0x58: {  	[sflag:s17] =	ssyncadd.s32 $0xFFFFD800  }
0x59: {  	[spmem:s2] =	stream.indirect.scatter.add.f32 [tilespmem:s16], [sflag:$0x1], $0x80, s28, s26, $0xb8;
	[tilespmem:$0x16480] =	vst v63  }
0x5a: {  	_ =	swait.ge [sflag:s17], $0x2800  }
0x5b: {  	[sflag:s17] =	ssyncset.done $0x0  }
0x5c: {  	[sflag:s17] =	ssyncadd.s32 $0xFFFFD800  }
0x5d: {  	[spmem:s2] =	stream.indirect.scatter.add.f32 [tilespmem:s16], [sflag:$0x1], $0x80, s29, s26, $0xb8;
	[tilespmem:$0x16480] =	vst v63  }
0x5e: {  	_ =	swait.ge [sflag:s17], $0x2800  }
0x5f: {  	[sflag:s17] =	ssyncset.done $0x0  }
0x60: {  	[sflag:s17] =	ssyncadd.s32 $0xFFFFD800  }
0x61: {  	[spmem:s2] =	stream.indirect.scatter.add.f32 [tilespmem:s16], [sflag:$0x1], $0x80, s30, s26, $0xb8;
	[tilespmem:$0x16480] =	vst v63  }
0x62: {  	_ =	swait.ge [sflag:s17], $0x2800  }
0x63: {  	[sflag:s17] =	ssyncset.done $0x0  }
0x64: {  	[sflag:s17] =	ssyncadd.s32 $0xFFFFD800  }
0x65: {  	[spmem:s2] =	stream.indirect.scatter.add.f32 [tilespmem:s16], [sflag:$0x1], $0x80, s31, s26, $0xb8;
	[tilespmem:$0x16480] =	vst v63  }
0x66: {  	_ =	swait.ge [sflag:s17], $0x2800  }
0x67: {  	s14 =	simm.s32 $0x100;
	s0 =	simm.s32 $0x80;
	[sflag:s17] =	ssyncset.done $0x0  }
.LBB2_6:
0x68: {  	s18 =	sadd.s32 s0, s15  }
0x69: {  	[sflag:s17] =	ssyncadd.s32 $0xFFFFD800;
	s0 =	smov.u32 s14;
	s19 =	sadd.s32 $0x80, s14  }
0x6a: {  	[tilespmem:s3], [sflag:$0x1] =	stream.linear.gather [hbm4b:s18+s3], $0x280, $0x38;
	[tilespmem:$0x16480] =	vst v63  }
0x6b: {  	p1 =	sne.s32 s14, $0xC00;
	_ =	swait.ge [sflag:s17], $0x280  }
0x6c: {  	[sflag:s17] =	ssyncset.done $0x0  }
0x6d: {  	[sflag:s17] =	ssyncadd.s32 $0xFFFFFD80  }
0x6e: {  	[spmem:s2] =	stream.indirect.scatter.add.f32 [tilespmem:s16], [sflag:$0x1], $0x80, s3, s26, $0xb8;
	[tilespmem:$0x16480] =	vst v63  }
0x6f: {  	_ =	swait.ge [sflag:s17], $0x2800  }
0x70: {  	[sflag:s17] =	ssyncset.done $0x0  }
0x71: {  	[sflag:s17] =	ssyncadd.s32 $0xFFFFD800  }
0x72: {  	[spmem:s2] =	stream.indirect.scatter.add.f32 [tilespmem:s16], [sflag:$0x1], $0x80, s28, s26, $0xb8;
	[tilespmem:$0x16480] =	vst v63  }
0x73: {  	_ =	swait.ge [sflag:s17], $0x2800  }
0x74: {  	[sflag:s17] =	ssyncset.done $0x0  }
0x75: {  	[sflag:s17] =	ssyncadd.s32 $0xFFFFD800  }
0x76: {  	[spmem:s2] =	stream.indirect.scatter.add.f32 [tilespmem:s16], [sflag:$0x1], $0x80, s29, s26, $0xb8;
	[tilespmem:$0x16480] =	vst v63  }
0x77: {  	_ =	swait.ge [sflag:s17], $0x2800  }
0x78: {  	[sflag:s17] =	ssyncset.done $0x0  }
0x79: {  	[sflag:s17] =	ssyncadd.s32 $0xFFFFD800  }
0x7a: {  	[spmem:s2] =	stream.indirect.scatter.add.f32 [tilespmem:s16], [sflag:$0x1], $0x80, s30, s26, $0xb8;
	[tilespmem:$0x16480] =	vst v63  }
0x7b: {  	_ =	swait.ge [sflag:s17], $0x2800  }
.Ltmp2:
0x7c: {  	[sflag:s17] =	ssyncset.done $0x0;
	(pc) =	sbr.rel @p1 .LBB2_6-.Ltmp2, $4  }
0x7d: {  	[sflag:s17] =	ssyncadd.s32 $0xFFFFD800  }
0x7e: {  	[spmem:s2] =	stream.indirect.scatter.add.f32 [tilespmem:s16], [sflag:$0x1], $0x80, s31, s26, $0xb8;
	[tilespmem:$0x16480] =	vst v63  }
0x7f: {  	_ =	swait.ge [sflag:s17], $0x2800  }
0x80: {  	s14 =	smov.u32 s19;
	[sflag:s17] =	ssyncset.done $0x0  }
0x81: {  	s0 =	sadd.s32 s0, s15;
	[sflag:s17] =	ssyncadd.s32 $0xFFFFD800  }
0x82: {  	[tilespmem:s3], [sflag:$0x1] =	stream.linear.gather [hbm4b:s0+s3], $0x280, $0x38;
	[tilespmem:$0x16480] =	vst v63  }
0x83: {  	_ =	swait.ge [sflag:s17], $0x280  }
0x84: {  	[sflag:s17] =	ssyncset.done $0x0  }
0x85: {  	[sflag:s17] =	ssyncadd.s32 $0xFFFFFD80  }
0x86: {  	[spmem:s2] =	stream.indirect.scatter.add.f32 [tilespmem:s16], [sflag:$0x1], $0x80, s3, s26, $0xb8;
	[tilespmem:$0x16480] =	vst v63  }
0x87: {  	_ =	swait.ge [sflag:s17], $0x2800  }
0x88: {  	[sflag:s17] =	ssyncset.done $0x0  }
0x89: {  	[sflag:s17] =	ssyncadd.s32 $0xFFFFD800  }
0x8a: {  	[spmem:s2] =	stream.indirect.scatter.add.f32 [tilespmem:s16], [sflag:$0x1], $0x80, s28, s26, $0xb8;
	[tilespmem:$0x16480] =	vst v63  }
0x8b: {  	_ =	swait.ge [sflag:s17], $0x2800  }
0x8c: {  	[sflag:s17] =	ssyncset.done $0x0  }
0x8d: {  	[sflag:s17] =	ssyncadd.s32 $0xFFFFD800  }
0x8e: {  	[spmem:s2] =	stream.indirect.scatter.add.f32 [tilespmem:s16], [sflag:$0x1], $0x80, s29, s26, $0xb8;
	[tilespmem:$0x16480] =	vst v63  }
0x8f: {  	_ =	swait.ge [sflag:s17], $0x2800  }
0x90: {  	[sflag:s17] =	ssyncset.done $0x0  }
0x91: {  	[sflag:s17] =	ssyncadd.s32 $0xFFFFD800  }
0x92: {  	[spmem:s2] =	stream.indirect.scatter.add.f32 [tilespmem:s16], [sflag:$0x1], $0x80, s30, s26, $0xb8;
	[tilespmem:$0x16480] =	vst v63  }
0x93: {  	_ =	swait.ge [sflag:s17], $0x2800  }
0x94: {  	[sflag:s17] =	ssyncset.done $0x0  }
0x95: {  	[sflag:s17] =	ssyncadd.s32 $0xFFFFD800  }
0x96: {  	[spmem:s2] =	stream.indirect.scatter.add.f32 [tilespmem:s16], [sflag:$0x1], $0x80, s31, s26, $0xb8;
	[tilespmem:$0x16480] =	vst v63  }
0x97: {  	_ =	swait.ge [sflag:s17], $0x2800  }
0x98: {  	[sflag:s17] =	ssyncset.done $0x0  }
0x99: {  	[sflag:s17] =	ssyncadd.s32 $0xFFFFD800  }
0x9a: {  	[bflag:$0x0] =	sbarrier.arrive $0xFFFF  }
0x9b: {  	[tilespmem:s16], [sflag:$0x1] =	stream.linear.gather [spmem:s4], $0x2800, $0x38;
	[tilespmem:$0x16480] =	vst v63  }
0x9c: {  	_ =	swait.ge [sflag:s17], $0x2800  }
0x9d: {  	[sflag:s17] =	ssyncset.done $0x0  }
0x9e: {  	s14 =	rddreg [dreg:$0x4];
	[sflag:s17] =	ssyncadd.s32 $0xFFFFD800  }
0x9f: {  	[hbm4b:s14+s3] =	stream.linear.scatter [tilespmem:s16], [sflag:$0x1], $0x2800, $0x38;
	[tilespmem:$0x16480] =	vst v63  }
0xa0: {  	_ =	swait.ge [sflag:s17], $0x2800  }
0xa1: {  	[sflag:s17] =	ssyncset.done $0x0  }
0xa2: {  	[sflag:s17] =	ssyncadd.s32 $0xFFFFD800  }
0xa3: {  	[tilespmem:s16], [sflag:$0x1] =	stream.linear.gather [spmem:s5], $0x2800, $0x38;
	[tilespmem:$0x16480] =	vst v63  }
0xa4: {  	_ =	swait.ge [sflag:s17], $0x2800  }
0xa5: {  	[sflag:s17] =	ssyncset.done $0x0  }
0xa6: {  	s18 =	rddreg [dreg:$0x5];
	[sflag:s17] =	ssyncadd.s32 $0xFFFFD800  }
0xa7: {  	[hbm4b:s18+s3] =	stream.linear.scatter [tilespmem:s16], [sflag:$0x1], $0x2800, $0x38;
	[tilespmem:$0x16480] =	vst v63  }
0xa8: {  	_ =	swait.ge [sflag:s17], $0x2800  }
0xa9: {  	[sflag:s17] =	ssyncset.done $0x0  }
0xaa: {  	[sflag:s17] =	ssyncadd.s32 $0xFFFFD800  }
0xab: {  	[tilespmem:s16], [sflag:$0x1] =	stream.linear.gather [spmem:s6], $0x2800, $0x38;
	[tilespmem:$0x16480] =	vst v63  }
0xac: {  	_ =	swait.ge [sflag:s17], $0x2800  }
0xad: {  	[sflag:s17] =	ssyncset.done $0x0  }
0xae: {  	[sflag:s17] =	ssyncadd.s32 $0xFFFFD800  }
0xaf: {  	[hbm4b:s20+s3] =	stream.linear.scatter [tilespmem:s16], [sflag:$0x1], $0x2800, $0x38;
	[tilespmem:$0x16480] =	vst v63  }
0xb0: {  	_ =	swait.ge [sflag:s17], $0x2800  }
0xb1: {  	[sflag:s17] =	ssyncset.done $0x0  }
0xb2: {  	[sflag:s17] =	ssyncadd.s32 $0xFFFFD800  }
0xb3: {  	[tilespmem:s16], [sflag:$0x1] =	stream.linear.gather [spmem:s7], $0x2800, $0x38;
	[tilespmem:$0x16480] =	vst v63  }
0xb4: {  	_ =	swait.ge [sflag:s17], $0x2800  }
0xb5: {  	[sflag:s17] =	ssyncset.done $0x0  }
0xb6: {  	[sflag:s17] =	ssyncadd.s32 $0xFFFFD800  }
0xb7: {  	[hbm4b:s21+s3] =	stream.linear.scatter [tilespmem:s16], [sflag:$0x1], $0x2800, $0x38;
	[tilespmem:$0x16480] =	vst v63  }
0xb8: {  	_ =	swait.ge [sflag:s17], $0x2800  }
0xb9: {  	[sflag:s17] =	ssyncset.done $0x0  }
0xba: {  	[sflag:s17] =	ssyncadd.s32 $0xFFFFD800  }
0xbb: {  	[tilespmem:s16], [sflag:$0x1] =	stream.linear.gather [spmem:s8], $0x2800, $0x38;
	[tilespmem:$0x16480] =	vst v63  }
0xbc: {  	_ =	swait.ge [sflag:s17], $0x2800  }
0xbd: {  	[sflag:s17] =	ssyncset.done $0x0  }
0xbe: {  	[sflag:s17] =	ssyncadd.s32 $0xFFFFD800  }
0xbf: {  	[hbm4b:s22+s3] =	stream.linear.scatter [tilespmem:s16], [sflag:$0x1], $0x2800, $0x38;
	[tilespmem:$0x16480] =	vst v63  }
0xc0: {  	_ =	swait.ge [sflag:s17], $0x2800  }
0xc1: {  	[sflag:s17] =	ssyncset.done $0x0  }
0xc2: {  	[sflag:s17] =	ssyncadd.s32 $0xFFFFD800  }
0xc3: {  	[tilespmem:s16], [sflag:$0x1] =	stream.linear.gather [spmem:s9], $0x2800, $0x38;
	[tilespmem:$0x16480] =	vst v63  }
0xc4: {  	_ =	swait.ge [sflag:s17], $0x2800  }
0xc5: {  	[sflag:s17] =	ssyncset.done $0x0  }
0xc6: {  	[sflag:s17] =	ssyncadd.s32 $0xFFFFD800  }
0xc7: {  	[hbm4b:s23+s3] =	stream.linear.scatter [tilespmem:s16], [sflag:$0x1], $0x2800, $0x38;
	[tilespmem:$0x16480] =	vst v63  }
0xc8: {  	_ =	swait.ge [sflag:s17], $0x2800  }
0xc9: {  	[sflag:s17] =	ssyncset.done $0x0  }
0xca: {  	[sflag:s17] =	ssyncadd.s32 $0xFFFFD800  }
0xcb: {  	[tilespmem:s16], [sflag:$0x1] =	stream.linear.gather [spmem:s10], $0x2800, $0x38;
	[tilespmem:$0x16480] =	vst v63  }
0xcc: {  	_ =	swait.ge [sflag:s17], $0x2800  }
0xcd: {  	[sflag:s17] =	ssyncset.done $0x0  }
0xce: {  	[sflag:s17] =	ssyncadd.s32 $0xFFFFD800  }
0xcf: {  	[hbm4b:s24+s3] =	stream.linear.scatter [tilespmem:s16], [sflag:$0x1], $0x2800, $0x38;
	[tilespmem:$0x16480] =	vst v63  }
0xd0: {  	_ =	swait.ge [sflag:s17], $0x2800  }
0xd1: {  	[sflag:s17] =	ssyncset.done $0x0  }
0xd2: {  	[sflag:s17] =	ssyncadd.s32 $0xFFFFD800  }
0xd3: {  	[tilespmem:s16], [sflag:$0x1] =	stream.linear.gather [spmem:s11], $0x2000, $0x38;
	[tilespmem:$0x16480] =	vst v63  }
0xd4: {  	_ =	swait.ge [sflag:s17], $0x2000  }
0xd5: {  	[sflag:s17] =	ssyncset.done $0x0  }
0xd6: {  	[sflag:s17] =	ssyncadd.s32 $0xFFFFE000  }
0xd7: {  	[hbm4b:s25+s3] =	stream.linear.scatter [tilespmem:s16], [sflag:$0x1], $0x2000, $0x38;
	[tilespmem:$0x16480] =	vst v63  }
0xd8: {  	_ =	swait.ge [sflag:s17], $0x2000  }
0xd9: {  	[sflag:s17] =	ssyncset.done $0x0  }
0xda: {  	s0 =	simm.s32 @!p0 $0x400;
	s14 =	simm.s32 @!p0 $0x1;
	[sflag:s17] =	ssyncadd.s32 $0xFFFFE000  }
0xdb: {  	[tilespmem:s0], [sflag:$0x1] =	stream.linear.gather @!p0 [spmem:s12], $0x800, $0x38;
	[tilespmem:$0x16480] =	vst v63  }
0xdc: {  	_ =	swait.ge @!p0 [sflag:s14], $0x800  }
0xdd: {  	[sflag:s14] =	ssyncset.done @!p0 $0x0  }
0xde: {  	s19 =	simm.s32 @!p0 $0x0;
	s18 =	sadd.s32 @!p0 $0x27000, s13;
	[sflag:s14] =	ssyncadd.s32 @!p0 $0xFFFFF800  }
0xdf: {  	[hbm4b:s18+s19] =	stream.linear.scatter @!p0 [tilespmem:s0], [sflag:$0x1], $0x800, $0x38;
	[tilespmem:$0x16480] =	vst v63  }
0xe0: {  	_ =	swait.ge @!p0 [sflag:s14], $0x800  }
0xe1: {  	s1 =	sadd.s32 $0x1, s1;
	s19 =	rddreg [dreg:$0x3]  }
0xe2: {  	p1 =	sne.s32 s1, s19  }
.Ltmp3:
0xe3: {  	_ = 	snop;
	(pc) =	sbr.rel @p1 .LBB2_1-.Ltmp3, $3  }
0xe4: {  	_ =	sdelay $0x1  }
0xe5: {  	[sflag:s14] =	ssyncset.done @!p0 $0x0  }
0xe6: {  	[sflag:s14] =	ssyncadd.s32 @!p0 $0xFFFFF800  }
0xe7: {  	_ =	sfence.sel $0x180000  }
0xe8: {  	[bflag:$0x0] =	sbarrier.arrive $0xFFFF  }
0xe9: {  	_ =	strace $0x9000004A  }
0xea: {  	s0 =	stileid.u32;
	[bflag:$0x2] =	sbarrier.arrive $0xFFFF  }
0xeb: {  	p0 =	sne.s32 s0, $0x0;
	s0 =	rddreg [dreg:$0x2]  }
0xec: {  	s0 =	sadd.s32 @!p0 $0x100000, s0  }
0xed: {  	[sflag:s0] =	ssyncadd.tile.s32 @!p0 $0x1;
	_ =	shalt  }
.Lfunc_end2:
_tile_overlayer_lowered:
.L_overlay_start_2:
0xee: {  	(tag) =	ssettag $0x2  }
0xef: {  	s0 =	rddreg [dreg:$0x0];
	s2 =	stileid.u32  }
0xf0: {  	s1 =	rddreg [dreg:$0x1];
	p0 =	sne.s32 s2, $0x0  }
0xf1: {  	s3 =	rddreg [dreg:$0x2];
	[bflag:$0x3] =	sbarrier.arrive $0xFFFF;
	s2 =	simm.s32 @!p0 $0x1C01  }
0xf2: {  	[timem:s3], [sflag:s2] =	dma.local @!p0 [hbm:s0], s1  }
0xf3: {  	s0 =	simm.s32 @!p0 $0x1  }
0xf4: {  	_ =	swait.ge @!p0 [sflag:s0], s1  }
0xf5: {  	s1 =	ssub.s32 @!p0 $0x0, s1;
	[sflag:s0] =	ssyncset.done @!p0 $0x0  }
0xf6: {  	[sflag:s0] =	ssyncadd.s32 @!p0 s1  }
0xf7: {  	[bflag:$0x3] =	sbarrier.arrive $0xFFFF  }
0xf8: {  	_ =	shalt  }

// kernel: kernel.13.cloned.1.call-start
scs
__scs_entry_jumppad:
0x0: {  	(pc) =	sbr.rel $0x88, $3  }
0x1: {  	(tag) =	ssettag $0x0;
	lr =	simm.s32 $0x1  }
0x2: {  	[smem:$0x3F99] =	sst lr;
	_ =	strace $0xD0000000  }
0x3: {  	_ = 	snop  }
0x4: {  	_ = 	snop  }
0x5: {  	_ = 	snop  }
0x6: {  	_ = 	snop  }
0x7: {  	_ = 	snop  }
__scs_overlays_trampoline_lowered:
0x8: {  	[smem:$0x3FA8] =	sst s0  }
0x9: {  	[smem:$0x3FA9] =	sst s1  }
0xa: {  	[smem:$0x3FAA] =	sst s2  }
0xb: {  	[smem:$0x3FAB] =	sst s3  }
0xc: {  	[smem:$0x3FAC] =	sst s4  }
0xd: {  	[smem:$0x3FAD] =	sst s5  }
0xe: {  	[smem:$0x3FAE] =	sst s6  }
0xf: {  	[smem:$0x3FAF] =	sst s7  }
0x10: {  	[smem:$0x3FB0] =	sst s8  }
0x11: {  	[smem:$0x3FB1] =	sst s9;
	s0 =	simm.s32 @!p0 $0x0  }
0x12: {  	s1 =	sld [smem:$0x3F97];
	s0 =	simm.s32 @p0 $0x1  }
0x13: {  	[smem:$0x3FB2] =	sst s0;
	s0 =	simm.s32 @!p1 $0x0  }
0x14: {  	s2 =	sld [smem:$0x3F96];
	s0 =	simm.s32 @p1 $0x1  }
0x15: {  	[smem:$0x3FB3] =	sst s0;
	s0 =	simm.s32 @!p2 $0x0  }
0x16: {  	s3 =	sld [smem:$0x3FDB];
	s0 =	simm.s32 @p2 $0x1  }
0x17: {  	s4 =	simm.s32 $0x1BF5;
	[smem:$0x3FB5] =	sst s0  }
0x18: {  	s0 =	sld [smem:$0x3F98];
	_ =	swait.ge [sflag:s4], $0x0  }
0x19: {  	s7 =	sld [smem:$0x3F99]  }
0x1a: {  	s8 =	sadd.s32 $0xFFFFE003, lr  }
0x1b: {  	s9 =	sadd.s32 $0xFFFFFEF7, lr;
	s5 =	simm.s32 $0xFFFFFFFF;
	p2 =	slt.u32 s8, $0xFFFFF086  }
0x1c: {  	p1 =	slt.u32 s9, $0xF7A;
	s5 =	simm.s32 @!p2 $0x0  }
0x1d: {  	s5 =	simm.s32 @p1 $0x1;
	p0 =	seq.s32 s7, s2  }
0x1e: {  	s7 =	smul.u32 @!p0 $0xF7A, s2;
	p2 =	seq.s32 @!p0 s5, $0x0  }
0x1f: {  	s9 =	smul.u32 $0xF7A, s1;
	s8 =	simm.s32 @!p0 $0x1BF5;
	p2 =	por !p2, p0  }
0x20: {  	[sflag:s8] =	ssyncset.s32 @!p0 $0xFFFFF086;
	s6 =	sadd.s32 @!p0 s3, s7;
	s7 =	simm.s32 @!p0 $0x108  }
0x21: {  	s3 =	sadd.s32 s3, s9;
	s6 =	sadd.s32 @!p0 $0x88, s6;
	s7 =	simm.s32 @p2 $0x1082  }
0x22: {  	[simem:s7], [sflag:s8] =	dma.local @!p0 [hbm:s6], $0xF7A  }
0x23: {  	s9 =	sor.u32 $0xD0000000, s2;
	s6 =	simm.s32 $0x108;
	_ =	swait.ge @!p0 [sflag:s8], $0x0  }
0x24: {  	s3 =	sadd.s32 $0x88, s3;
	s6 =	simm.s32 @!p1 $0x1082;
	[sflag:s4] =	ssyncset.s32 $0xFFFFF086  }
0x25: {  	[simem:s6], [sflag:s4] =	dma.local [hbm:s3], $0xF7A  }
0x26: {  	[smem:$0x3F99] =	sst s1;
	(tag) =	ssettag s2;
	_ =	strace s9  }
0x27: {  	s1 =	sld [smem:$0x3FA9]  }
0x28: {  	s2 =	sld [smem:$0x3FAA]  }
0x29: {  	s4 =	sld [smem:$0x3FAC]  }
0x2a: {  	p0 =	seq.s32 s5, $0x0;
	s5 =	sld [smem:$0x3FAD]  }
0x2b: {  	s6 =	sld [smem:$0x3FAE]  }
0x2c: {  	s7 =	sld [smem:$0x3FAF]  }
0x2d: {  	s3 =	simm.s32 $0x108;
	s8 =	sld [smem:$0x3FB0]  }
0x2e: {  	s3 =	simm.s32 @!p0 $0x1082;
	s9 =	sld [smem:$0x3FB1]  }
0x2f: {  	lr =	sadd.s32 s0, s3;
	s0 =	sld [smem:$0x3FA8]  }
0x30: {  	s3 =	sld [smem:$0x3FAB]  }
0x31: {  	[smem:$0x3FB4] =	sst s10  }
0x32: {  	s10 =	sld [smem:$0x3FB2];
	_ =	sdelay $0x3  }
0x33: {  	p0 =	seq.s32 s10, $0x1;
	s10 =	sld [smem:$0x3FB4];
	_ =	sdelay $0x3  }
0x34: {  	[smem:$0x3FB4] =	sst s10  }
0x35: {  	s10 =	sld [smem:$0x3FB3];
	_ =	sdelay $0x3  }
0x36: {  	p1 =	seq.s32 s10, $0x1;
	s10 =	sld [smem:$0x3FB4];
	_ =	sdelay $0x3  }
0x37: {  	[smem:$0x3FB4] =	sst s10  }
0x38: {  	s10 =	sld [smem:$0x3FB5]  }
0x39: {  	_ = 	snop;
	(pc) =	sbr.ind lr, $3  }
0x3a: {  	_ = 	snop  }
0x3b: {  	_ = 	snop  }
0x3c: {  	p2 =	seq.s32 s10, $0x1;
	s10 =	sld [smem:$0x3FB4]  }
0x3d: {  	_ =	shalt  }
0x3e: {  	_ =	shalt  }
0x3f: {  	_ =	shalt  }
0x40: {  	_ =	shalt  }
0x41: {  	_ =	shalt  }
0x42: {  	_ =	shalt  }
0x43: {  	_ =	shalt  }
0x44: {  	_ =	shalt  }
0x45: {  	_ =	shalt  }
0x46: {  	_ =	shalt  }
0x47: {  	_ =	shalt  }
0x48: {  	_ =	shalt  }
0x49: {  	_ =	shalt  }
0x4a: {  	_ =	shalt  }
0x4b: {  	_ =	shalt  }
0x4c: {  	_ =	shalt  }
0x4d: {  	_ =	shalt  }
0x4e: {  	_ =	shalt  }
0x4f: {  	_ =	shalt  }
0x50: {  	_ =	shalt  }
0x51: {  	_ =	shalt  }
0x52: {  	_ =	shalt  }
0x53: {  	_ =	shalt  }
0x54: {  	_ =	shalt  }
0x55: {  	_ =	shalt  }
0x56: {  	_ =	shalt  }
0x57: {  	_ =	shalt  }
0x58: {  	_ =	shalt  }
0x59: {  	_ =	shalt  }
0x5a: {  	_ =	shalt  }
0x5b: {  	_ =	shalt  }
0x5c: {  	_ =	shalt  }
0x5d: {  	_ =	shalt  }
0x5e: {  	_ =	shalt  }
0x5f: {  	_ =	shalt  }
0x60: {  	_ =	shalt  }
0x61: {  	_ =	shalt  }
0x62: {  	_ =	shalt  }
0x63: {  	_ =	shalt  }
0x64: {  	_ =	shalt  }
0x65: {  	_ =	shalt  }
0x66: {  	_ =	shalt  }
0x67: {  	_ =	shalt  }
0x68: {  	_ =	shalt  }
0x69: {  	_ =	shalt  }
0x6a: {  	_ =	shalt  }
0x6b: {  	_ =	shalt  }
0x6c: {  	_ =	shalt  }
0x6d: {  	_ =	shalt  }
0x6e: {  	_ =	shalt  }
0x6f: {  	_ =	shalt  }
0x70: {  	_ =	shalt  }
0x71: {  	_ =	shalt  }
0x72: {  	_ =	shalt  }
0x73: {  	_ =	shalt  }
0x74: {  	_ =	shalt  }
0x75: {  	_ =	shalt  }
0x76: {  	_ =	shalt  }
0x77: {  	_ =	shalt  }
0x78: {  	_ =	shalt  }
0x79: {  	_ =	shalt  }
0x7a: {  	_ =	shalt  }
0x7b: {  	_ =	shalt  }
0x7c: {  	_ =	shalt  }
0x7d: {  	_ =	shalt  }
0x7e: {  	_ =	shalt  }
0x7f: {  	_ =	shalt  }
0x80: {  	_ =	shalt  }
0x81: {  	_ =	shalt  }
0x82: {  	_ =	shalt  }
0x83: {  	_ =	shalt  }
0x84: {  	_ =	shalt  }
0x85: {  	_ =	shalt  }
0x86: {  	_ =	shalt  }
0x87: {  	_ =	shalt  }
.Lfunc_end0:
.L_simem_size_0:
called_computation.2_lowered:
.L_overlay_start_0:
0x88: {  	s2 =	sld [smem:$0x3FD9]  }
0x89: {  	s3 =	sld [smem:$0x3FFE];
	_ =	sdelay $0x1  }
0x8a: {  	s1 =	srdreg.scid  }
0x8b: {  	s0 =	sand.u32 $0x1, s1  }
0x8c: {  	s16 =	sshll.u32 s0, $0xA;
	s2 =	sadd.s32 s3, s2  }
0x8d: {  	s2 =	sadd.s32 s2, s16  }
0x8e: {  	[smem:$0x3FC0] =	sst s2  }
0x8f: {  	_ = 	snop  }
0x90: {  	(tm) =	ssettm $0x1  }
0x91: {  	s17 =	sld [smem:$0x3FFB];
	_ =	sdelay $0x3  }
0x92: {  	_ =	strace s17  }
0x93: {  	s2 =	sld [smem:$0x3FFC];
	_ =	sdelay $0x3  }
0x94: {  	_ =	strace s2  }
0x95: {  	s2 =	sld [smem:$0x3FFD];
	_ =	sdelay $0x3  }
0x96: {  	_ =	strace s2  }
0x97: {  	_ =	strace $0x8FFFFFFF  }
0x98: {  	s18 =	sld [smem:$0x3FDB];
	_ =	sdelay $0x1  }
0x99: {  	s19 =	simm.s32 $_scs_section_size  }
0x9a: {  	s4 =	simm.s32 $_size__tile_overlayer_lowered;
	s5 =	simm.s32 $_tile_overlayer_lowered  }
0x9b: {  	s22 =	simm.s32 $0x1BFF;
	s21 =	sshll.u32 s5, $0x1;
	s2 =	sadd.s32 s19, s18  }
0x9c: {  	s6 =	simm.s32 $0x0;
	s20 =	sshll.u32 s4, $0x1;
	s4 =	sadd.s32 s21, s2  }
0x9d: {  	[timem:s6], [sflag:s22] =	dma.local [hbm:s4], s20  }
0x9e: {  	_ =	swait.ge [sflag:s22], s20  }
0x9f: {  	s3 =	ssub.s32 $0x0, s20;
	[sflag:s22] =	ssyncset.done $0x0  }
0xa0: {  	[sflag:s22] =	ssyncadd.s32 s3;
	_ =	sdelay $0x1  }
0xa1: {  	s23 =	simm.s32 $0x1B8B  }
0xa2: {  	_ =	swait.ge [sflag:s23], $0x1  }
0xa3: {  	[sflag:s23] =	ssyncset.done $0x0  }
0xa4: {  	s25 =	simm.s32 $0x1B8E;
	s24 =	sld [smem:$0x3FFE];
	[sflag:s23] =	ssyncadd.s32 $0xFFFFFFFF  }
0xa5: {  	s26 =	simm.s32 $execute0_lowered;
	[smem:$0x3FD2] =	sst s25  }
0xa6: {  	s4 =	sshll.u32 s26, $0x1;
	_ =	strace $0x8000004C;
	[dreg:$0x1] =	wrdreg $0xFFFFFFFF  }
0xa7: {  	s28 =	simm.s32 $_size_execute0_lowered;
	s2 =	sadd.s32 s2, s4;
	[dreg:$0x0] =	wrdreg $0x0  }
0xa8: {  	s4 =	sshll.u32 s28, $0x1;
	[dreg:$0x2] =	wrdreg s2  }
0xa9: {  	[dreg:$0x3] =	wrdreg s4  }
0xaa: {  	[dreg:$0x4] =	wrdreg $0xC0  }
0xab: {  	_ =	task [dreg:s6], $0x5FFFF  }
0xac: {  	[dreg:$0x1] =	wrdreg $0xFFFFFFFF  }
0xad: {  	[dreg:$0x0] =	wrdreg $0x60  }
0xae: {  	[dreg:$0x2] =	wrdreg s24  }
0xaf: {  	[dreg:$0x3] =	wrdreg $0x30000  }
0xb0: {  	[dreg:$0x4] =	wrdreg $0x9  }
0xb1: {  	_ =	task.clear_ibuf [dreg:s6], $0x5FFFF;
	_ =	strace $0x9000004C  }
0xb2: {  	s29 =	simm.s32 $0x9;
	_ =	strace $0x8000004E  }
0xb3: {  	_ =	swait.ge [sflag:s29], $0x1  }
0xb4: {  	[sflag:s29] =	ssyncadd.s32 $0xFFFFFFFF  }
0xb5: {  	_ =	strace $0x9000004E  }
0xb6: {  	_ =	sfence  }
0xb7: {  	s30 =	sld [smem:$0x0];
	_ =	sdelay $0x2  }
0xb8: {  	s31 =	sshll.u32 s1, $0xD;
	s1 =	sshrl.u32 s1, $0x2  }
0xb9: {  	s3 =	sand.u32 $0x4000, s31;
	s1 =	sadd.s32 s1, s30  }
0xba: {  	s0 =	sor.u32 s3, s0;
	s1 =	sshll.u32 s1, $0x11  }
0xbb: {  	s0 =	sor.u32 s1, s0  }
0xbc: {  	s0 =	sadd.s32 $0x8F2B, s0  }
0xbd: {  	[sflag:s0] =	ssyncadd.remote.s32 $0x1  }
0xbe: {  	_ =	sfence.sel $0xFFFF  }
0xbf: {  	[dreg:$0x0] =	wrdreg $0xFFFFFFFF;
	(pc) =	sbr.abs _section_cstart, $3  }
0xc0: {  	[dreg:$0x1] =	wrdreg $0xFFFFFFFF  }
0xc1: {  	_ =	task.clear_ibuf [dreg:s6], $0x2FFFF;
	_ =	strace $0x9FFFFFFF  }
0xc2: {  	(tm) =	ssettm $0x7FFFFFFF  }
0xc3: {  	_ =	shalt  }
tec
execute0_lowered:
.L_overlay_start_1:
0x0: {  	(tag) =	ssettag $0x1  }
0x1: {  	s0 =	srdreg.scid  }
0x2: {  	s1 =	rddreg [dreg:$0x0];
	s24 =	stileid.u32  }
0x3: {  	s2 =	rddreg [dreg:$0x1];
	s5 =	smul.u32 $0x6400, s24  }
0x4: {  	s3 =	simm.s32 $0x0;
	s28 =	simm.s32 $0x2;
	s10 =	smul.u32 $0x270, s24  }
0x5: {  	s29 =	simm.s32 $0x400;
	s30 =	simm.s32 $0x50;
	s19 =	smul.u32 $0x4E000, s24  }
0x6: {  	s31 =	simm.s32 $0x1;
	s0 =	sand.u32 $0x1, s0;
	s26 =	smul.u32 $0x2700, s24  }
0x7: {  	[smem:$0x7FF] =	sst s3;
	s13 =	sadd.s32 $0x138000, s2;
	s4 =	smul.u32 $0x64000, s0  }
0x8: {  	p0 =	sne.s32 s24, $0xF;
	s18 =	smul.u32 $0x27100, s0;
	s0 =	ssub.s32 $0x2, s0  }
0x9: {  	_ =	strace $0x8000004D;
	s15 =	sadd.s32 $0x50, s10;
	s20 =	sshrl.u32 s0, $0x1  }
0xa: {  	s16 =	sadd.s32 $0xA0, s10;
	s17 =	sadd.s32 $0xF0, s10;
	s4 =	sadd.s32 s5, s4  }
0xb: {  	s7 =	sshll.u32 s15, $0x7;
	s0 =	ssub.s32 s0, s20;
	s23 =	sshll.u32 s16, $0x7  }
0xc: {  	s8 =	sshll.u32 s17, $0x7;
	s20 =	sadd.s32 $0x1E0, s10;
	s15 =	sshll.u32 s15, $0x4  }
0xd: {  	s6 =	sshrl.u32 s4, $0x3;
	s4 =	sadd.s32 $0x33A00, s1;
	s22 =	sadd.s32 s7, s2  }
0xe: {  	s7 =	sadd.s32 s23, s2;
	s8 =	sadd.s32 s8, s2;
	s11 =	sshll.u32 s20, $0x7  }
0xf: {  	s23 =	sshll.u32 s17, $0x4;
	s20 =	sshll.u32 s20, $0x4;
	s0 =	smax.u32 s0, $0x1  }
0x10: {  	s14 =	sadd.s32 s6, s1;
	s1 =	sadd.s32 s18, s1;
	s6 =	sshrl.u32 s19, $0x2  }
0x11: {  	[dreg:$0x4] =	wrdreg s22;
	s18 =	sadd.s32 $0x140, s10;
	s19 =	sadd.s32 $0x190, s10  }
0x12: {  	s11 =	sadd.s32 s11, s2;
	s22 =	sshll.u32 s16, $0x4;
	[dreg:$0x6] =	wrdreg s0  }
0x13: {  	s0 =	simm.s32 $0x480;
	s21 =	sadd.s32 s6, s2;
	s9 =	sshll.u32 s18, $0x7  }
0x14: {  	s25 =	sshll.u32 s19, $0x7;
	s5 =	sadd.s32 $0x5AC00, s1;
	s18 =	sshll.u32 s18, $0x4  }
0x15: {  	s19 =	sshll.u32 s19, $0x4;
	s16 =	sadd.s32 $0x1A00, s14;
	s17 =	sadd.s32 $0x1AA00, s14  }
0x16: {  	s1 =	simm.s32 $0x80;
	[dreg:$0x3] =	wrdreg s21;
	s9 =	sadd.s32 s9, s2  }
0x17: {  	s21 =	sadd.s32 $0x230, s10;
	s6 =	sadd.s32 s26, s5;
	[dreg:$0x5] =	wrdreg s5  }
0x18: {  	s10 =	sadd.s32 s25, s2;
	s14 =	sadd.s32 s15, s5;
	[dreg:$0x7] =	wrdreg s6  }
0x19: {  	s15 =	sadd.s32 s22, s5;
	s22 =	sadd.s32 s23, s5;
	[dreg:$0x8] =	wrdreg s14  }
0x1a: {  	s23 =	sadd.s32 s18, s5;
	s24 =	sadd.s32 s19, s5;
	[dreg:$0x9] =	wrdreg s15  }
0x1b: {  	s25 =	sadd.s32 s20, s5;
	s18 =	simm.s32 $0x500;
	[dreg:$0xa] =	wrdreg s22  }
0x1c: {  	s19 =	simm.s32 $0x180;
	s20 =	simm.s32 $0x580;
	[dreg:$0xb] =	wrdreg s23  }
0x1d: {  	s12 =	sshll.u32 s21, $0x7;
	s21 =	sshll.u32 s21, $0x4;
	[dreg:$0xc] =	wrdreg s24  }
0x1e: {  	[dreg:$0xd] =	wrdreg s25;
	s15 =	simm.s32 $0x100;
	s22 =	simm.s32 $0x600  }
0x1f: {  	s23 =	simm.s32 $0x0;
	s12 =	sadd.s32 s12, s2;
	s26 =	sadd.s32 s21, s5  }
0x20: {  	v0 =	vimm.f32 $0.0e+00;
	s21 =	simm.s32 $0x200;
	[dreg:$0xe] =	wrdreg s26;
	s26 =	simm.s32 $0x800  }
.LBB2_1:
0x21: {  	s14 =	sand.u32 $0xFE00, s3  }
0x22: {  	s25 =	sand.u32 $0x70, s3;
	s14 =	sshrl.u32 s14, $0x2  }
0x23: {  	s24 =	simm.s32 $0x40;
	s14 =	sor.u32 s25, s14;
	s25 =	simm.s32 $0x0  }
.LBB2_2:
0x24: {  	p1 =	sne.s32 s24, $0x9FC0  }
0x25: {  	[tilespmem:s14+$0x800] =	vst v0;
	s25 =	sadd.s32 $0x10, s25;
	s14 =	smov.u32 s24;
	s24 =	sadd.s32 $0x40, s24  }
.Ltmp0:
0x26: {  	(pc) =	sbr.rel @p1 .LBB2_2-.Ltmp0, $4  }
0x27: {  	_ = 	snop  }
0x28: {  	s14 =	sand.u32 $0xFE00, s14  }
0x29: {  	s5 =	sand.u32 $0x70, s25;
	s14 =	sshrl.u32 s14, $0x2  }
0x2a: {  	s14 =	sor.u32 s5, s14  }
0x2b: {  	[tilespmem:s14+$0x800] =	vst v0;
	s5 =	rddreg [dreg:$0x3]  }
0x2c: {  	[spmem:s5] =	stream.linear.scatter [tilespmem:s26], [sflag:$0x2], $0x2800, $0x38;
	[tilespmem:$0x16880] =	vst v63  }
0x2d: {  	_ =	swait.ge [sflag:s28], $0x2800  }
0x2e: {  	[sflag:s28] =	ssyncset.done $0x0  }
0x2f: {  	s14 =	rddreg [dreg:$0x4];
	[sflag:s28] =	ssyncadd.s32 $0xFFFFD800  }
0x30: {  	[spmem:s14] =	stream.linear.scatter [tilespmem:s26], [sflag:$0x2], $0x2800, $0x38;
	[tilespmem:$0x16880] =	vst v63  }
0x31: {  	_ =	swait.ge [sflag:s28], $0x2800  }
0x32: {  	[sflag:s28] =	ssyncset.done $0x0  }
0x33: {  	[sflag:s28] =	ssyncadd.s32 $0xFFFFD800  }
0x34: {  	[spmem:s7] =	stream.linear.scatter [tilespmem:s26], [sflag:$0x2], $0x2800, $0x38;
	[tilespmem:$0x16880] =	vst v63  }
0x35: {  	_ =	swait.ge [sflag:s28], $0x2800  }
0x36: {  	[sflag:s28] =	ssyncset.done $0x0  }
0x37: {  	[sflag:s28] =	ssyncadd.s32 $0xFFFFD800  }
0x38: {  	[spmem:s8] =	stream.linear.scatter [tilespmem:s26], [sflag:$0x2], $0x2800, $0x38;
	[tilespmem:$0x16880] =	vst v63  }
0x39: {  	_ =	swait.ge [sflag:s28], $0x2800  }
0x3a: {  	[sflag:s28] =	ssyncset.done $0x0  }
0x3b: {  	[sflag:s28] =	ssyncadd.s32 $0xFFFFD800  }
0x3c: {  	[spmem:s9] =	stream.linear.scatter [tilespmem:s26], [sflag:$0x2], $0x2800, $0x38;
	[tilespmem:$0x16880] =	vst v63  }
0x3d: {  	_ =	swait.ge [sflag:s28], $0x2800  }
0x3e: {  	[sflag:s28] =	ssyncset.done $0x0  }
0x3f: {  	[sflag:s28] =	ssyncadd.s32 $0xFFFFD800  }
0x40: {  	[spmem:s10] =	stream.linear.scatter [tilespmem:s26], [sflag:$0x2], $0x2800, $0x38;
	[tilespmem:$0x16880] =	vst v63  }
0x41: {  	_ =	swait.ge [sflag:s28], $0x2800  }
0x42: {  	[sflag:s28] =	ssyncset.done $0x0  }
0x43: {  	[sflag:s28] =	ssyncadd.s32 $0xFFFFD800  }
0x44: {  	[spmem:s11] =	stream.linear.scatter [tilespmem:s26], [sflag:$0x2], $0x2800, $0x38;
	[tilespmem:$0x16880] =	vst v63  }
0x45: {  	_ =	swait.ge [sflag:s28], $0x2800  }
0x46: {  	[sflag:s28] =	ssyncset.done $0x0  }
0x47: {  	[sflag:s28] =	ssyncadd.s32 $0xFFFFD800  }
0x48: {  	[spmem:s12] =	stream.linear.scatter [tilespmem:s26], [sflag:$0x2], $0x2000, $0x38;
	[tilespmem:$0x16880] =	vst v63  }
0x49: {  	_ =	swait.ge [sflag:s28], $0x2000  }
0x4a: {  	[sflag:s28] =	ssyncset.done $0x0  }
0x4b: {  	s5 =	simm.s32 @!p0 $0x800;
	[sflag:s28] =	ssyncadd.s32 $0xFFFFE000  }
0x4c: {  	[spmem:s13] =	stream.linear.scatter @!p0 [tilespmem:s5], [sflag:$0x2], $0x800, $0x38;
	[tilespmem:$0x16880] =	vst v63  }
0x4d: {  	s5 =	simm.s32 @!p0 $0x2  }
0x4e: {  	_ =	swait.ge @!p0 [sflag:s5], $0x800  }
0x4f: {  	[sflag:s5] =	ssyncset.done @!p0 $0x0  }
0x50: {  	[sflag:s5] =	ssyncadd.s32 @!p0 $0xFFFFF800  }
0x51: {  	s24 =	sadd.s32 $0x0, s17;
	[bflag:$0x0] =	sbarrier.arrive $0xFFFF  }
0x52: {  	[tilespmem:s3], [sflag:$0x2] =	stream.linear.gather [hbm4b:s24+s3], $0x280, $0x38;
	[tilespmem:$0x16880] =	vst v63  }
0x53: {  	_ =	swait.ge [sflag:s28], $0x280  }
0x54: {  	[sflag:s28] =	ssyncset.done $0x0  }
0x55: {  	s25 =	sadd.s32 $0x0, s16;
	[sflag:s28] =	ssyncadd.s32 $0xFFFFFD80  }
0x56: {  	[tilespmem:s29], [sflag:$0x2] =	stream.linear.gather [hbm4b:s25+s3], $0x280, $0x38;
	[tilespmem:$0x16880] =	vst v63  }
0x57: {  	_ =	swait.ge [sflag:s28], $0x280  }
0x58: {  	[sflag:s28] =	ssyncset.done $0x0  }
0x59: {  	[sflag:s28] =	ssyncadd.s32 $0xFFFFFD80  }
0x5a: {  	[tilespmem:s26], [sflag:$0x1] =	stream.indirect.gather [hbm4b:s4+s30], $0x80, s3, s30, $0xb8;
	[tilespmem:$0x16880] =	vst v63  }
0x5b: {  	_ =	swait.ge [sflag:s31], $0x2800  }
0x5c: {  	[sflag:s31] =	ssyncset.done $0x0  }
0x5d: {  	[sflag:s31] =	ssyncadd.s32 $0xFFFFD800  }
0x5e: {  	[spmem:s2] =	stream.indirect.scatter.add.f32 [tilespmem:s26], [sflag:$0x2], $0x80, s29, s30, $0xb8;
	[tilespmem:$0x16880] =	vst v63  }
0x5f: {  	_ =	swait.ge [sflag:s28], $0x2800  }
0x60: {  	[sflag:s28] =	ssyncset.done $0x0  }
0x61: {  	[sflag:s28] =	ssyncadd.s32 $0xFFFFD800  }
0x62: {  	[tilespmem:s26], [sflag:$0x1] =	stream.indirect.gather [hbm4b:s4+s30], $0x80, s1, s30, $0xb8;
	[tilespmem:$0x16880] =	vst v63  }
0x63: {  	_ =	swait.ge [sflag:s31], $0x2800  }
0x64: {  	[sflag:s31] =	ssyncset.done $0x0  }
0x65: {  	[sflag:s31] =	ssyncadd.s32 $0xFFFFD800  }
0x66: {  	[spmem:s2] =	stream.indirect.scatter.add.f32 [tilespmem:s26], [sflag:$0x2], $0x80, s0, s30, $0xb8;
	[tilespmem:$0x16880] =	vst v63  }
0x67: {  	_ =	swait.ge [sflag:s28], $0x2800  }
0x68: {  	[sflag:s28] =	ssyncset.done $0x0  }
0x69: {  	[sflag:s28] =	ssyncadd.s32 $0xFFFFD800  }
0x6a: {  	[tilespmem:s26], [sflag:$0x1] =	stream.indirect.gather [hbm4b:s4+s30], $0x80, s15, s30, $0xb8;
	[tilespmem:$0x16880] =	vst v63  }
0x6b: {  	_ =	swait.ge [sflag:s31], $0x2800  }
0x6c: {  	[sflag:s31] =	ssyncset.done $0x0  }
0x6d: {  	[sflag:s31] =	ssyncadd.s32 $0xFFFFD800  }
0x6e: {  	[spmem:s2] =	stream.indirect.scatter.add.f32 [tilespmem:s26], [sflag:$0x2], $0x80, s18, s30, $0xb8;
	[tilespmem:$0x16880] =	vst v63  }
0x6f: {  	_ =	swait.ge [sflag:s28], $0x2800  }
0x70: {  	[sflag:s28] =	ssyncset.done $0x0  }
0x71: {  	[sflag:s28] =	ssyncadd.s32 $0xFFFFD800  }
0x72: {  	[tilespmem:s26], [sflag:$0x1] =	stream.indirect.gather [hbm4b:s4+s30], $0x80, s19, s30, $0xb8;
	[tilespmem:$0x16880] =	vst v63  }
0x73: {  	_ =	swait.ge [sflag:s31], $0x2800  }
0x74: {  	[sflag:s31] =	ssyncset.done $0x0  }
0x75: {  	[sflag:s31] =	ssyncadd.s32 $0xFFFFD800  }
0x76: {  	[spmem:s2] =	stream.indirect.scatter.add.f32 [tilespmem:s26], [sflag:$0x2], $0x80, s20, s30, $0xb8;
	[tilespmem:$0x16880] =	vst v63  }
0x77: {  	_ =	swait.ge [sflag:s28], $0x2800  }
0x78: {  	[sflag:s28] =	ssyncset.done $0x0  }
0x79: {  	[sflag:s28] =	ssyncadd.s32 $0xFFFFD800  }
0x7a: {  	[tilespmem:s26], [sflag:$0x1] =	stream.indirect.gather [hbm4b:s4+s30], $0x80, s21, s30, $0xb8;
	[tilespmem:$0x16880] =	vst v63  }
0x7b: {  	_ =	swait.ge [sflag:s31], $0x2800  }
0x7c: {  	[sflag:s31] =	ssyncset.done $0x0  }
0x7d: {  	[sflag:s31] =	ssyncadd.s32 $0xFFFFD800  }
0x7e: {  	[spmem:s2] =	stream.indirect.scatter.add.f32 [tilespmem:s26], [sflag:$0x2], $0x80, s22, s30, $0xb8;
	[tilespmem:$0x16880] =	vst v63  }
0x7f: {  	_ =	swait.ge [sflag:s28], $0x2800  }
0x80: {  	s24 =	simm.s32 $0x80;
	s25 =	simm.s32 $0x100;
	[sflag:s28] =	ssyncset.done $0x0  }
.LBB2_4:
0x81: {  	s5 =	sadd.s32 s24, s17  }
0x82: {  	[sflag:s28] =	ssyncadd.s32 $0xFFFFD800;
	s6 =	smov.u32 s25;
	s14 =	sadd.s32 $0x80, s25  }
0x83: {  	[tilespmem:s3], [sflag:$0x2] =	stream.linear.gather [hbm4b:s5+s3], $0x280, $0x38;
	[tilespmem:$0x16880] =	vst v63  }
0x84: {  	p1 =	sne.s32 s25, $0xC00;
	_ =	swait.ge [sflag:s28], $0x280  }
0x85: {  	[sflag:s28] =	ssyncset.done $0x0  }
0x86: {  	s5 =	sadd.s32 s24, s16;
	s24 =	smov.u32 s6;
	[sflag:s28] =	ssyncadd.s32 $0xFFFFFD80  }
0x87: {  	[tilespmem:s29], [sflag:$0x2] =	stream.linear.gather [hbm4b:s5+s3], $0x280, $0x38;
	[tilespmem:$0x16880] =	vst v63  }
0x88: {  	_ =	swait.ge [sflag:s28], $0x280  }
0x89: {  	[sflag:s28] =	ssyncset.done $0x0  }
0x8a: {  	[sflag:s28] =	ssyncadd.s32 $0xFFFFFD80  }
0x8b: {  	[tilespmem:s26], [sflag:$0x1] =	stream.indirect.gather [hbm4b:s4+s30], $0x80, s3, s30, $0xb8;
	[tilespmem:$0x16880] =	vst v63  }
0x8c: {  	_ =	swait.ge [sflag:s31], $0x2800  }
0x8d: {  	[sflag:s31] =	ssyncset.done $0x0  }
0x8e: {  	[sflag:s31] =	ssyncadd.s32 $0xFFFFD800  }
0x8f: {  	[spmem:s2] =	stream.indirect.scatter.add.f32 [tilespmem:s26], [sflag:$0x2], $0x80, s29, s30, $0xb8;
	[tilespmem:$0x16880] =	vst v63  }
0x90: {  	_ =	swait.ge [sflag:s28], $0x2800  }
0x91: {  	[sflag:s28] =	ssyncset.done $0x0  }
0x92: {  	[sflag:s28] =	ssyncadd.s32 $0xFFFFD800  }
0x93: {  	[tilespmem:s26], [sflag:$0x1] =	stream.indirect.gather [hbm4b:s4+s30], $0x80, s1, s30, $0xb8;
	[tilespmem:$0x16880] =	vst v63  }
0x94: {  	_ =	swait.ge [sflag:s31], $0x2800  }
0x95: {  	[sflag:s31] =	ssyncset.done $0x0  }
0x96: {  	[sflag:s31] =	ssyncadd.s32 $0xFFFFD800  }
0x97: {  	[spmem:s2] =	stream.indirect.scatter.add.f32 [tilespmem:s26], [sflag:$0x2], $0x80, s0, s30, $0xb8;
	[tilespmem:$0x16880] =	vst v63  }
0x98: {  	_ =	swait.ge [sflag:s28], $0x2800  }
0x99: {  	[sflag:s28] =	ssyncset.done $0x0  }
0x9a: {  	[sflag:s28] =	ssyncadd.s32 $0xFFFFD800  }
0x9b: {  	[tilespmem:s26], [sflag:$0x1] =	stream.indirect.gather [hbm4b:s4+s30], $0x80, s15, s30, $0xb8;
	[tilespmem:$0x16880] =	vst v63  }
0x9c: {  	_ =	swait.ge [sflag:s31], $0x2800  }
0x9d: {  	[sflag:s31] =	ssyncset.done $0x0  }
0x9e: {  	[sflag:s31] =	ssyncadd.s32 $0xFFFFD800  }
0x9f: {  	[spmem:s2] =	stream.indirect.scatter.add.f32 [tilespmem:s26], [sflag:$0x2], $0x80, s18, s30, $0xb8;
	[tilespmem:$0x16880] =	vst v63  }
0xa0: {  	_ =	swait.ge [sflag:s28], $0x2800  }
0xa1: {  	[sflag:s28] =	ssyncset.done $0x0  }
0xa2: {  	[sflag:s28] =	ssyncadd.s32 $0xFFFFD800  }
0xa3: {  	[tilespmem:s26], [sflag:$0x1] =	stream.indirect.gather [hbm4b:s4+s30], $0x80, s19, s30, $0xb8;
	[tilespmem:$0x16880] =	vst v63  }
0xa4: {  	_ =	swait.ge [sflag:s31], $0x2800  }
0xa5: {  	[sflag:s31] =	ssyncset.done $0x0  }
0xa6: {  	[sflag:s31] =	ssyncadd.s32 $0xFFFFD800  }
0xa7: {  	[spmem:s2] =	stream.indirect.scatter.add.f32 [tilespmem:s26], [sflag:$0x2], $0x80, s20, s30, $0xb8;
	[tilespmem:$0x16880] =	vst v63  }
0xa8: {  	_ =	swait.ge [sflag:s28], $0x2800  }
0xa9: {  	[sflag:s28] =	ssyncset.done $0x0  }
0xaa: {  	[sflag:s28] =	ssyncadd.s32 $0xFFFFD800  }
0xab: {  	[tilespmem:s26], [sflag:$0x1] =	stream.indirect.gather [hbm4b:s4+s30], $0x80, s21, s30, $0xb8;
	[tilespmem:$0x16880] =	vst v63  }
0xac: {  	_ =	swait.ge [sflag:s31], $0x2800  }
.Ltmp1:
0xad: {  	[sflag:s31] =	ssyncset.done $0x0;
	(pc) =	sbr.rel @p1 .LBB2_4-.Ltmp1, $4  }
0xae: {  	[sflag:s31] =	ssyncadd.s32 $0xFFFFD800  }
0xaf: {  	[spmem:s2] =	stream.indirect.scatter.add.f32 [tilespmem:s26], [sflag:$0x2], $0x80, s22, s30, $0xb8;
	[tilespmem:$0x16880] =	vst v63  }
0xb0: {  	_ =	swait.ge [sflag:s28], $0x2800  }
0xb1: {  	s25 =	smov.u32 s14;
	[sflag:s28] =	ssyncset.done $0x0  }
0xb2: {  	s5 =	sadd.s32 s24, s17;
	[sflag:s28] =	ssyncadd.s32 $0xFFFFD800  }
0xb3: {  	[tilespmem:s3], [sflag:$0x2] =	stream.linear.gather [hbm4b:s5+s3], $0x280, $0x38;
	[tilespmem:$0x16880] =	vst v63  }
0xb4: {  	_ =	swait.ge [sflag:s28], $0x280  }
0xb5: {  	[sflag:s28] =	ssyncset.done $0x0  }
0xb6: {  	s6 =	sadd.s32 s24, s16;
	[sflag:s28] =	ssyncadd.s32 $0xFFFFFD80  }
0xb7: {  	[tilespmem:s29], [sflag:$0x2] =	stream.linear.gather [hbm4b:s6+s3], $0x280, $0x38;
	[tilespmem:$0x16880] =	vst v63  }
0xb8: {  	_ =	swait.ge [sflag:s28], $0x280  }
0xb9: {  	[sflag:s28] =	ssyncset.done $0x0  }
0xba: {  	[sflag:s28] =	ssyncadd.s32 $0xFFFFFD80  }
0xbb: {  	[tilespmem:s26], [sflag:$0x1] =	stream.indirect.gather [hbm4b:s4+s30], $0x80, s3, s30, $0xb8;
	[tilespmem:$0x16880] =	vst v63  }
0xbc: {  	_ =	swait.ge [sflag:s31], $0x2800  }
0xbd: {  	[sflag:s31] =	ssyncset.done $0x0  }
0xbe: {  	[sflag:s31] =	ssyncadd.s32 $0xFFFFD800  }
0xbf: {  	[spmem:s2] =	stream.indirect.scatter.add.f32 [tilespmem:s26], [sflag:$0x2], $0x80, s29, s30, $0xb8;
	[tilespmem:$0x16880] =	vst v63  }
0xc0: {  	_ =	swait.ge [sflag:s28], $0x2800  }
0xc1: {  	[sflag:s28] =	ssyncset.done $0x0  }
0xc2: {  	[sflag:s28] =	ssyncadd.s32 $0xFFFFD800  }
0xc3: {  	[tilespmem:s26], [sflag:$0x1] =	stream.indirect.gather [hbm4b:s4+s30], $0x80, s1, s30, $0xb8;
	[tilespmem:$0x16880] =	vst v63  }
0xc4: {  	_ =	swait.ge [sflag:s31], $0x2800  }
0xc5: {  	[sflag:s31] =	ssyncset.done $0x0  }
0xc6: {  	[sflag:s31] =	ssyncadd.s32 $0xFFFFD800  }
0xc7: {  	[spmem:s2] =	stream.indirect.scatter.add.f32 [tilespmem:s26], [sflag:$0x2], $0x80, s0, s30, $0xb8;
	[tilespmem:$0x16880] =	vst v63  }
0xc8: {  	_ =	swait.ge [sflag:s28], $0x2800  }
0xc9: {  	[sflag:s28] =	ssyncset.done $0x0  }
0xca: {  	[sflag:s28] =	ssyncadd.s32 $0xFFFFD800  }
0xcb: {  	[tilespmem:s26], [sflag:$0x1] =	stream.indirect.gather [hbm4b:s4+s30], $0x80, s15, s30, $0xb8;
	[tilespmem:$0x16880] =	vst v63  }
0xcc: {  	_ =	swait.ge [sflag:s31], $0x2800  }
0xcd: {  	[sflag:s31] =	ssyncset.done $0x0  }
0xce: {  	[sflag:s31] =	ssyncadd.s32 $0xFFFFD800  }
0xcf: {  	[spmem:s2] =	stream.indirect.scatter.add.f32 [tilespmem:s26], [sflag:$0x2], $0x80, s18, s30, $0xb8;
	[tilespmem:$0x16880] =	vst v63  }
0xd0: {  	_ =	swait.ge [sflag:s28], $0x2800  }
0xd1: {  	[sflag:s28] =	ssyncset.done $0x0  }
0xd2: {  	[sflag:s28] =	ssyncadd.s32 $0xFFFFD800  }
0xd3: {  	[tilespmem:s26], [sflag:$0x1] =	stream.indirect.gather [hbm4b:s4+s30], $0x80, s19, s30, $0xb8;
	[tilespmem:$0x16880] =	vst v63  }
0xd4: {  	_ =	swait.ge [sflag:s31], $0x2800  }
0xd5: {  	[sflag:s31] =	ssyncset.done $0x0  }
0xd6: {  	[sflag:s31] =	ssyncadd.s32 $0xFFFFD800  }
0xd7: {  	[spmem:s2] =	stream.indirect.scatter.add.f32 [tilespmem:s26], [sflag:$0x2], $0x80, s20, s30, $0xb8;
	[tilespmem:$0x16880] =	vst v63  }
0xd8: {  	_ =	swait.ge [sflag:s28], $0x2800  }
0xd9: {  	[sflag:s28] =	ssyncset.done $0x0  }
0xda: {  	[sflag:s28] =	ssyncadd.s32 $0xFFFFD800  }
0xdb: {  	[tilespmem:s26], [sflag:$0x1] =	stream.indirect.gather [hbm4b:s4+s30], $0x80, s21, s30, $0xb8;
	[tilespmem:$0x16880] =	vst v63  }
0xdc: {  	_ =	swait.ge [sflag:s31], $0x2800  }
0xdd: {  	[sflag:s31] =	ssyncset.done $0x0  }
0xde: {  	[sflag:s31] =	ssyncadd.s32 $0xFFFFD800  }
0xdf: {  	[spmem:s2] =	stream.indirect.scatter.add.f32 [tilespmem:s26], [sflag:$0x2], $0x80, s22, s30, $0xb8;
	[tilespmem:$0x16880] =	vst v63  }
0xe0: {  	_ =	swait.ge [sflag:s28], $0x2800  }
0xe1: {  	[sflag:s28] =	ssyncset.done $0x0  }
0xe2: {  	[sflag:s28] =	ssyncadd.s32 $0xFFFFD800  }
0xe3: {  	[bflag:$0x0] =	sbarrier.arrive $0xFFFF  }
0xe4: {  	s14 =	rddreg [dreg:$0x3]  }
0xe5: {  	[tilespmem:s26], [sflag:$0x2] =	stream.linear.gather [spmem:s14], $0x2800, $0x38;
	[tilespmem:$0x16880] =	vst v63  }
0xe6: {  	_ =	swait.ge [sflag:s28], $0x2800  }
0xe7: {  	[sflag:s28] =	ssyncset.done $0x0  }
0xe8: {  	s24 =	rddreg [dreg:$0x7];
	[sflag:s28] =	ssyncadd.s32 $0xFFFFD800  }
0xe9: {  	[hbm4b:s24+s3] =	stream.linear.scatter [tilespmem:s26], [sflag:$0x2], $0x2800, $0x38;
	[tilespmem:$0x16880] =	vst v63  }
0xea: {  	_ =	swait.ge [sflag:s28], $0x2800  }
0xeb: {  	[sflag:s28] =	ssyncset.done $0x0  }
0xec: {  	s25 =	rddreg [dreg:$0x4];
	[sflag:s28] =	ssyncadd.s32 $0xFFFFD800  }
0xed: {  	[tilespmem:s26], [sflag:$0x2] =	stream.linear.gather [spmem:s25], $0x2800, $0x38;
	[tilespmem:$0x16880] =	vst v63  }
0xee: {  	_ =	swait.ge [sflag:s28], $0x2800  }
0xef: {  	[sflag:s28] =	ssyncset.done $0x0  }
0xf0: {  	s6 =	rddreg [dreg:$0x8];
	[sflag:s28] =	ssyncadd.s32 $0xFFFFD800  }
0xf1: {  	[hbm4b:s6+s3] =	stream.linear.scatter [tilespmem:s26], [sflag:$0x2], $0x2800, $0x38;
	[tilespmem:$0x16880] =	vst v63  }
0xf2: {  	_ =	swait.ge [sflag:s28], $0x2800  }
0xf3: {  	[sflag:s28] =	ssyncset.done $0x0  }
0xf4: {  	[sflag:s28] =	ssyncadd.s32 $0xFFFFD800  }
0xf5: {  	[tilespmem:s26], [sflag:$0x2] =	stream.linear.gather [spmem:s7], $0x2800, $0x38;
	[tilespmem:$0x16880] =	vst v63  }
0xf6: {  	_ =	swait.ge [sflag:s28], $0x2800  }
0xf7: {  	[sflag:s28] =	ssyncset.done $0x0  }
0xf8: {  	s14 =	rddreg [dreg:$0x9];
	[sflag:s28] =	ssyncadd.s32 $0xFFFFD800  }
0xf9: {  	[hbm4b:s14+s3] =	stream.linear.scatter [tilespmem:s26], [sflag:$0x2], $0x2800, $0x38;
	[tilespmem:$0x16880] =	vst v63  }
0xfa: {  	_ =	swait.ge [sflag:s28], $0x2800  }
0xfb: {  	[sflag:s28] =	ssyncset.done $0x0  }
0xfc: {  	[sflag:s28] =	ssyncadd.s32 $0xFFFFD800  }
0xfd: {  	[tilespmem:s26], [sflag:$0x2] =	stream.linear.gather [spmem:s8], $0x2800, $0x38;
	[tilespmem:$0x16880] =	vst v63  }
0xfe: {  	_ =	swait.ge [sflag:s28], $0x2800  }
0xff: {  	[sflag:s28] =	ssyncset.done $0x0  }
0x100: {  	s24 =	rddreg [dreg:$0xa];
	[sflag:s28] =	ssyncadd.s32 $0xFFFFD800  }
0x101: {  	[hbm4b:s24+s3] =	stream.linear.scatter [tilespmem:s26], [sflag:$0x2], $0x2800, $0x38;
	[tilespmem:$0x16880] =	vst v63  }
0x102: {  	_ =	swait.ge [sflag:s28], $0x2800  }
0x103: {  	[sflag:s28] =	ssyncset.done $0x0  }
0x104: {  	[sflag:s28] =	ssyncadd.s32 $0xFFFFD800  }
0x105: {  	[tilespmem:s26], [sflag:$0x2] =	stream.linear.gather [spmem:s9], $0x2800, $0x38;
	[tilespmem:$0x16880] =	vst v63  }
0x106: {  	_ =	swait.ge [sflag:s28], $0x2800  }
0x107: {  	[sflag:s28] =	ssyncset.done $0x0  }
0x108: {  	s25 =	rddreg [dreg:$0xb];
	[sflag:s28] =	ssyncadd.s32 $0xFFFFD800  }
0x109: {  	[hbm4b:s25+s3] =	stream.linear.scatter [tilespmem:s26], [sflag:$0x2], $0x2800, $0x38;
	[tilespmem:$0x16880] =	vst v63  }
0x10a: {  	_ =	swait.ge [sflag:s28], $0x2800  }
0x10b: {  	[sflag:s28] =	ssyncset.done $0x0  }
0x10c: {  	[sflag:s28] =	ssyncadd.s32 $0xFFFFD800  }
0x10d: {  	[tilespmem:s26], [sflag:$0x2] =	stream.linear.gather [spmem:s10], $0x2800, $0x38;
	[tilespmem:$0x16880] =	vst v63  }
0x10e: {  	_ =	swait.ge [sflag:s28], $0x2800  }
0x10f: {  	[sflag:s28] =	ssyncset.done $0x0  }
0x110: {  	s6 =	rddreg [dreg:$0xc];
	[sflag:s28] =	ssyncadd.s32 $0xFFFFD800  }
0x111: {  	[hbm4b:s6+s3] =	stream.linear.scatter [tilespmem:s26], [sflag:$0x2], $0x2800, $0x38;
	[tilespmem:$0x16880] =	vst v63  }
0x112: {  	_ =	swait.ge [sflag:s28], $0x2800  }
0x113: {  	[sflag:s28] =	ssyncset.done $0x0  }
0x114: {  	[sflag:s28] =	ssyncadd.s32 $0xFFFFD800  }
0x115: {  	[tilespmem:s26], [sflag:$0x2] =	stream.linear.gather [spmem:s11], $0x2800, $0x38;
	[tilespmem:$0x16880] =	vst v63  }
0x116: {  	_ =	swait.ge [sflag:s28], $0x2800  }
0x117: {  	[sflag:s28] =	ssyncset.done $0x0  }
0x118: {  	s14 =	rddreg [dreg:$0xd];
	[sflag:s28] =	ssyncadd.s32 $0xFFFFD800  }
0x119: {  	[hbm4b:s14+s3] =	stream.linear.scatter [tilespmem:s26], [sflag:$0x2], $0x2800, $0x38;
	[tilespmem:$0x16880] =	vst v63  }
0x11a: {  	_ =	swait.ge [sflag:s28], $0x2800  }
0x11b: {  	[sflag:s28] =	ssyncset.done $0x0  }
0x11c: {  	[sflag:s28] =	ssyncadd.s32 $0xFFFFD800  }
0x11d: {  	[tilespmem:s26], [sflag:$0x2] =	stream.linear.gather [spmem:s12], $0x2000, $0x38;
	[tilespmem:$0x16880] =	vst v63  }
0x11e: {  	_ =	swait.ge [sflag:s28], $0x2000  }
0x11f: {  	[sflag:s28] =	ssyncset.done $0x0  }
0x120: {  	s24 =	rddreg [dreg:$0xe];
	[sflag:s28] =	ssyncadd.s32 $0xFFFFE000  }
0x121: {  	[hbm4b:s24+s3] =	stream.linear.scatter [tilespmem:s26], [sflag:$0x2], $0x2000, $0x38;
	[tilespmem:$0x16880] =	vst v63  }
0x122: {  	_ =	swait.ge [sflag:s28], $0x2000  }
0x123: {  	[sflag:s28] =	ssyncset.done $0x0  }
0x124: {  	s5 =	simm.s32 @!p0 $0x800;
	s6 =	simm.s32 @!p0 $0x2;
	[sflag:s28] =	ssyncadd.s32 $0xFFFFE000  }
0x125: {  	[tilespmem:s5], [sflag:$0x2] =	stream.linear.gather @!p0 [spmem:s13], $0x800, $0x38;
	[tilespmem:$0x16880] =	vst v63  }
0x126: {  	_ =	swait.ge @!p0 [sflag:s6], $0x800  }
0x127: {  	[sflag:s6] =	ssyncset.done @!p0 $0x0;
	s14 =	rddreg [dreg:$0x5]  }
0x128: {  	s24 =	simm.s32 @!p0 $0x0;
	[sflag:s6] =	ssyncadd.s32 @!p0 $0xFFFFF800;
	s14 =	sadd.s32 @!p0 $0x27000, s14  }
0x129: {  	[hbm4b:s14+s24] =	stream.linear.scatter @!p0 [tilespmem:s5], [sflag:$0x2], $0x800, $0x38;
	[tilespmem:$0x16880] =	vst v63  }
0x12a: {  	_ =	swait.ge @!p0 [sflag:s6], $0x800  }
0x12b: {  	s23 =	sadd.s32 $0x1, s23;
	s25 =	rddreg [dreg:$0x6]  }
0x12c: {  	p1 =	sne.s32 s23, s25  }
.Ltmp2:
0x12d: {  	_ = 	snop;
	(pc) =	sbr.rel @p1 .LBB2_1-.Ltmp2, $3  }
0x12e: {  	_ =	sdelay $0x1  }
0x12f: {  	[sflag:s6] =	ssyncset.done @!p0 $0x0  }
0x130: {  	[sflag:s6] =	ssyncadd.s32 @!p0 $0xFFFFF800  }
0x131: {  	_ =	sfence.sel $0x180000  }
0x132: {  	[bflag:$0x0] =	sbarrier.arrive $0xFFFF  }
0x133: {  	_ =	strace $0x9000004D  }
0x134: {  	s0 =	stileid.u32;
	[bflag:$0x2] =	sbarrier.arrive $0xFFFF  }
0x135: {  	p0 =	sne.s32 s0, $0x0;
	s0 =	rddreg [dreg:$0x2]  }
0x136: {  	s0 =	sadd.s32 @!p0 $0x100000, s0  }
0x137: {  	[sflag:s0] =	ssyncadd.tile.s32 @!p0 $0x1;
	_ =	shalt  }
.Lfunc_end2:
_tile_overlayer_lowered:
.L_overlay_start_2:
0x138: {  	(tag) =	ssettag $0x2  }
0x139: {  	s0 =	rddreg [dreg:$0x0];
	s2 =	stileid.u32  }
0x13a: {  	s1 =	rddreg [dreg:$0x1];
	p0 =	sne.s32 s2, $0x0  }
0x13b: {  	s3 =	rddreg [dreg:$0x2];
	[bflag:$0x3] =	sbarrier.arrive $0xFFFF;
	s2 =	simm.s32 @!p0 $0x1C02  }
0x13c: {  	[timem:s3], [sflag:s2] =	dma.local @!p0 [hbm:s0], s1  }
0x13d: {  	s0 =	simm.s32 @!p0 $0x2  }
0x13e: {  	_ =	swait.ge @!p0 [sflag:s0], s1  }
0x13f: {  	s1 =	ssub.s32 @!p0 $0x0, s1;
	[sflag:s0] =	ssyncset.done @!p0 $0x0  }
0x140: {  	[sflag:s0] =	ssyncadd.s32 @!p0 s1  }
0x141: {  	[bflag:$0x3] =	sbarrier.arrive $0xFFFF  }
0x142: {  	_ =	shalt  }

// kernel: kernel.7.cloned.1.call-start
scs
__scs_entry_jumppad:
0x0: {  	(pc) =	sbr.rel $0x88, $3  }
0x1: {  	(tag) =	ssettag $0x0;
	lr =	simm.s32 $0x1  }
0x2: {  	[smem:$0x3F99] =	sst lr;
	_ =	strace $0xD0000000  }
0x3: {  	_ = 	snop  }
0x4: {  	_ = 	snop  }
0x5: {  	_ = 	snop  }
0x6: {  	_ = 	snop  }
0x7: {  	_ = 	snop  }
__scs_overlays_trampoline_lowered:
0x8: {  	[smem:$0x3FA8] =	sst s0  }
0x9: {  	[smem:$0x3FA9] =	sst s1  }
0xa: {  	[smem:$0x3FAA] =	sst s2  }
0xb: {  	[smem:$0x3FAB] =	sst s3  }
0xc: {  	[smem:$0x3FAC] =	sst s4  }
0xd: {  	[smem:$0x3FAD] =	sst s5  }
0xe: {  	[smem:$0x3FAE] =	sst s6  }
0xf: {  	[smem:$0x3FAF] =	sst s7  }
0x10: {  	[smem:$0x3FB0] =	sst s8  }
0x11: {  	[smem:$0x3FB1] =	sst s9;
	s0 =	simm.s32 @!p0 $0x0  }
0x12: {  	s1 =	sld [smem:$0x3F97];
	s0 =	simm.s32 @p0 $0x1  }
0x13: {  	[smem:$0x3FB2] =	sst s0;
	s0 =	simm.s32 @!p1 $0x0  }
0x14: {  	s2 =	sld [smem:$0x3F96];
	s0 =	simm.s32 @p1 $0x1  }
0x15: {  	[smem:$0x3FB3] =	sst s0;
	s0 =	simm.s32 @!p2 $0x0  }
0x16: {  	s3 =	sld [smem:$0x3FDB];
	s0 =	simm.s32 @p2 $0x1  }
0x17: {  	s4 =	simm.s32 $0x1BF5;
	[smem:$0x3FB5] =	sst s0  }
0x18: {  	s0 =	sld [smem:$0x3F98];
	_ =	swait.ge [sflag:s4], $0x0  }
0x19: {  	s7 =	sld [smem:$0x3F99]  }
0x1a: {  	s8 =	sadd.s32 $0xFFFFE003, lr  }
0x1b: {  	s9 =	sadd.s32 $0xFFFFFEF7, lr;
	s5 =	simm.s32 $0xFFFFFFFF;
	p2 =	slt.u32 s8, $0xFFFFF086  }
0x1c: {  	p1 =	slt.u32 s9, $0xF7A;
	s5 =	simm.s32 @!p2 $0x0  }
0x1d: {  	s5 =	simm.s32 @p1 $0x1;
	p0 =	seq.s32 s7, s2  }
0x1e: {  	s7 =	smul.u32 @!p0 $0xF7A, s2;
	p2 =	seq.s32 @!p0 s5, $0x0  }
0x1f: {  	s9 =	smul.u32 $0xF7A, s1;
	s8 =	simm.s32 @!p0 $0x1BF5;
	p2 =	por !p2, p0  }
0x20: {  	[sflag:s8] =	ssyncset.s32 @!p0 $0xFFFFF086;
	s6 =	sadd.s32 @!p0 s3, s7;
	s7 =	simm.s32 @!p0 $0x108  }
0x21: {  	s3 =	sadd.s32 s3, s9;
	s6 =	sadd.s32 @!p0 $0x88, s6;
	s7 =	simm.s32 @p2 $0x1082  }
0x22: {  	[simem:s7], [sflag:s8] =	dma.local @!p0 [hbm:s6], $0xF7A  }
0x23: {  	s9 =	sor.u32 $0xD0000000, s2;
	s6 =	simm.s32 $0x108;
	_ =	swait.ge @!p0 [sflag:s8], $0x0  }
0x24: {  	s3 =	sadd.s32 $0x88, s3;
	s6 =	simm.s32 @!p1 $0x1082;
	[sflag:s4] =	ssyncset.s32 $0xFFFFF086  }
0x25: {  	[simem:s6], [sflag:s4] =	dma.local [hbm:s3], $0xF7A  }
0x26: {  	[smem:$0x3F99] =	sst s1;
	(tag) =	ssettag s2;
	_ =	strace s9  }
0x27: {  	s1 =	sld [smem:$0x3FA9]  }
0x28: {  	s2 =	sld [smem:$0x3FAA]  }
0x29: {  	s4 =	sld [smem:$0x3FAC]  }
0x2a: {  	p0 =	seq.s32 s5, $0x0;
	s5 =	sld [smem:$0x3FAD]  }
0x2b: {  	s6 =	sld [smem:$0x3FAE]  }
0x2c: {  	s7 =	sld [smem:$0x3FAF]  }
0x2d: {  	s3 =	simm.s32 $0x108;
	s8 =	sld [smem:$0x3FB0]  }
0x2e: {  	s3 =	simm.s32 @!p0 $0x1082;
	s9 =	sld [smem:$0x3FB1]  }
0x2f: {  	lr =	sadd.s32 s0, s3;
	s0 =	sld [smem:$0x3FA8]  }
0x30: {  	s3 =	sld [smem:$0x3FAB]  }
0x31: {  	[smem:$0x3FB4] =	sst s10  }
0x32: {  	s10 =	sld [smem:$0x3FB2];
	_ =	sdelay $0x3  }
0x33: {  	p0 =	seq.s32 s10, $0x1;
	s10 =	sld [smem:$0x3FB4];
	_ =	sdelay $0x3  }
0x34: {  	[smem:$0x3FB4] =	sst s10  }
0x35: {  	s10 =	sld [smem:$0x3FB3];
	_ =	sdelay $0x3  }
0x36: {  	p1 =	seq.s32 s10, $0x1;
	s10 =	sld [smem:$0x3FB4];
	_ =	sdelay $0x3  }
0x37: {  	[smem:$0x3FB4] =	sst s10  }
0x38: {  	s10 =	sld [smem:$0x3FB5]  }
0x39: {  	_ = 	snop;
	(pc) =	sbr.ind lr, $3  }
0x3a: {  	_ = 	snop  }
0x3b: {  	_ = 	snop  }
0x3c: {  	p2 =	seq.s32 s10, $0x1;
	s10 =	sld [smem:$0x3FB4]  }
0x3d: {  	_ =	shalt  }
0x3e: {  	_ =	shalt  }
0x3f: {  	_ =	shalt  }
0x40: {  	_ =	shalt  }
0x41: {  	_ =	shalt  }
0x42: {  	_ =	shalt  }
0x43: {  	_ =	shalt  }
0x44: {  	_ =	shalt  }
0x45: {  	_ =	shalt  }
0x46: {  	_ =	shalt  }
0x47: {  	_ =	shalt  }
0x48: {  	_ =	shalt  }
0x49: {  	_ =	shalt  }
0x4a: {  	_ =	shalt  }
0x4b: {  	_ =	shalt  }
0x4c: {  	_ =	shalt  }
0x4d: {  	_ =	shalt  }
0x4e: {  	_ =	shalt  }
0x4f: {  	_ =	shalt  }
0x50: {  	_ =	shalt  }
0x51: {  	_ =	shalt  }
0x52: {  	_ =	shalt  }
0x53: {  	_ =	shalt  }
0x54: {  	_ =	shalt  }
0x55: {  	_ =	shalt  }
0x56: {  	_ =	shalt  }
0x57: {  	_ =	shalt  }
0x58: {  	_ =	shalt  }
0x59: {  	_ =	shalt  }
0x5a: {  	_ =	shalt  }
0x5b: {  	_ =	shalt  }
0x5c: {  	_ =	shalt  }
0x5d: {  	_ =	shalt  }
0x5e: {  	_ =	shalt  }
0x5f: {  	_ =	shalt  }
0x60: {  	_ =	shalt  }
0x61: {  	_ =	shalt  }
0x62: {  	_ =	shalt  }
0x63: {  	_ =	shalt  }
0x64: {  	_ =	shalt  }
0x65: {  	_ =	shalt  }
0x66: {  	_ =	shalt  }
0x67: {  	_ =	shalt  }
0x68: {  	_ =	shalt  }
0x69: {  	_ =	shalt  }
0x6a: {  	_ =	shalt  }
0x6b: {  	_ =	shalt  }
0x6c: {  	_ =	shalt  }
0x6d: {  	_ =	shalt  }
0x6e: {  	_ =	shalt  }
0x6f: {  	_ =	shalt  }
0x70: {  	_ =	shalt  }
0x71: {  	_ =	shalt  }
0x72: {  	_ =	shalt  }
0x73: {  	_ =	shalt  }
0x74: {  	_ =	shalt  }
0x75: {  	_ =	shalt  }
0x76: {  	_ =	shalt  }
0x77: {  	_ =	shalt  }
0x78: {  	_ =	shalt  }
0x79: {  	_ =	shalt  }
0x7a: {  	_ =	shalt  }
0x7b: {  	_ =	shalt  }
0x7c: {  	_ =	shalt  }
0x7d: {  	_ =	shalt  }
0x7e: {  	_ =	shalt  }
0x7f: {  	_ =	shalt  }
0x80: {  	_ =	shalt  }
0x81: {  	_ =	shalt  }
0x82: {  	_ =	shalt  }
0x83: {  	_ =	shalt  }
0x84: {  	_ =	shalt  }
0x85: {  	_ =	shalt  }
0x86: {  	_ =	shalt  }
0x87: {  	_ =	shalt  }
.Lfunc_end0:
.L_simem_size_0:
called_computation_lowered:
.L_overlay_start_0:
0x88: {  	s2 =	sld [smem:$0x3FD9]  }
0x89: {  	s3 =	sld [smem:$0x3FFE];
	_ =	sdelay $0x1  }
0x8a: {  	s1 =	srdreg.scid  }
0x8b: {  	s0 =	sand.u32 $0x1, s1  }
0x8c: {  	s17 =	sshll.u32 s0, $0xA;
	s2 =	sadd.s32 s3, s2  }
0x8d: {  	s2 =	sadd.s32 s2, s17  }
0x8e: {  	[smem:$0x3FC0] =	sst s2  }
0x8f: {  	_ = 	snop  }
0x90: {  	s2 =	sld [smem:$0x3FC9];
	(tm) =	ssettm $0x1  }
0x91: {  	s18 =	sld [smem:$0x3FFB];
	_ =	sdelay $0x3  }
0x92: {  	_ =	strace s18  }
0x93: {  	s3 =	sld [smem:$0x3FFC];
	_ =	sdelay $0x3  }
0x94: {  	_ =	strace s3  }
0x95: {  	s3 =	sld [smem:$0x3FFD];
	_ =	sdelay $0x3  }
0x96: {  	_ =	strace s3  }
0x97: {  	_ =	strace $0x8FFFFFFF  }
0x98: {  	s19 =	sld [smem:$0x3FDB];
	_ =	sdelay $0x1  }
0x99: {  	s4 =	simm.s32 $_scs_section_size  }
0x9a: {  	s5 =	simm.s32 $_size__tile_overlayer_lowered;
	s6 =	simm.s32 $_tile_overlayer_lowered  }
0x9b: {  	s22 =	simm.s32 $0x1BFF;
	s21 =	sshll.u32 s6, $0x1;
	s3 =	sadd.s32 s4, s19  }
0x9c: {  	s7 =	simm.s32 $0x0;
	s20 =	sshll.u32 s5, $0x1;
	s5 =	sadd.s32 s21, s3  }
0x9d: {  	[timem:s7], [sflag:s22] =	dma.local [hbm:s5], s20  }
0x9e: {  	_ =	swait.ge [sflag:s22], s20  }
0x9f: {  	s4 =	ssub.s32 $0x0, s20;
	[sflag:s22] =	ssyncset.done $0x0  }
0xa0: {  	[sflag:s22] =	ssyncadd.s32 s4;
	_ =	sdelay $0x1  }
0xa1: {  	s23 =	simm.s32 $0x1B8B  }
0xa2: {  	_ =	swait.ge [sflag:s23], $0x1  }
0xa3: {  	[sflag:s23] =	ssyncset.done $0x0  }
0xa4: {  	s25 =	simm.s32 $0x1B8E;
	s24 =	sld [smem:$0x3FFE];
	[sflag:s23] =	ssyncadd.s32 $0xFFFFFFFF  }
0xa5: {  	s26 =	simm.s32 $execute0_lowered;
	[smem:$0x3FD2] =	sst s25  }
0xa6: {  	s5 =	sshll.u32 s26, $0x1;
	_ =	strace $0x80000046;
	[dreg:$0x1] =	wrdreg $0xFFFFFFFF  }
0xa7: {  	s28 =	simm.s32 $_size_execute0_lowered;
	s3 =	sadd.s32 s3, s5;
	[dreg:$0x0] =	wrdreg $0x0  }
0xa8: {  	s5 =	sshll.u32 s28, $0x1;
	[dreg:$0x2] =	wrdreg s3  }
0xa9: {  	[dreg:$0x3] =	wrdreg s5  }
0xaa: {  	[dreg:$0x4] =	wrdreg $0xC0  }
0xab: {  	_ =	task [dreg:s7], $0x5FFFF  }
0xac: {  	[dreg:$0x1] =	wrdreg $0xFFFFFFFF  }
0xad: {  	[dreg:$0x0] =	wrdreg $0x60  }
0xae: {  	[dreg:$0x2] =	wrdreg s2  }
0xaf: {  	[dreg:$0x3] =	wrdreg s24  }
0xb0: {  	[dreg:$0x4] =	wrdreg $0x30000  }
0xb1: {  	[dreg:$0x5] =	wrdreg $0x9  }
0xb2: {  	_ =	task.clear_ibuf [dreg:s7], $0x6FFFF;
	_ =	strace $0x90000046  }
0xb3: {  	s29 =	simm.s32 $0x9;
	_ =	strace $0x80000048  }
0xb4: {  	_ =	swait.ge [sflag:s29], $0x1  }
0xb5: {  	[sflag:s29] =	ssyncadd.s32 $0xFFFFFFFF  }
0xb6: {  	_ =	strace $0x90000048  }
0xb7: {  	_ =	sfence  }
0xb8: {  	s30 =	sld [smem:$0x0];
	_ =	sdelay $0x2  }
0xb9: {  	s31 =	sshll.u32 s1, $0xD;
	s1 =	sshrl.u32 s1, $0x2  }
0xba: {  	s3 =	sand.u32 $0x4000, s31;
	s1 =	sadd.s32 s1, s30  }
0xbb: {  	s0 =	sor.u32 s3, s0;
	s1 =	sshll.u32 s1, $0x11  }
0xbc: {  	s0 =	sor.u32 s1, s0  }
0xbd: {  	s0 =	sadd.s32 $0x8F2B, s0  }
0xbe: {  	[sflag:s0] =	ssyncadd.remote.s32 $0x1  }
0xbf: {  	_ =	sfence.sel $0xFFFF  }
0xc0: {  	[dreg:$0x0] =	wrdreg $0xFFFFFFFF;
	(pc) =	sbr.abs _section_cstart, $3  }
0xc1: {  	[dreg:$0x1] =	wrdreg $0xFFFFFFFF  }
0xc2: {  	_ =	task.clear_ibuf [dreg:s7], $0x2FFFF;
	_ =	strace $0x9FFFFFFF  }
0xc3: {  	(tm) =	ssettm $0x7FFFFFFF  }
tec
execute0_lowered:
.L_overlay_start_1:
0x0: {  	(tag) =	ssettag $0x1  }
0x1: {  	s1 =	rddreg [dreg:$0x0]  }
0x2: {  	s0 =	srdreg.scid;
	s24 =	stileid.u32  }
0x3: {  	s2 =	rddreg [dreg:$0x1];
	s6 =	smul.u32 $0x6400, s24  }
0x4: {  	s3 =	rddreg [dreg:$0x2];
	s4 =	simm.s32 $0x0;
	s10 =	smul.u32 $0x270, s24  }
0x5: {  	s28 =	simm.s32 $0x2;
	s29 =	simm.s32 $0x400;
	s20 =	smul.u32 $0x4E000, s24  }
0x6: {  	s30 =	simm.s32 $0x50;
	s0 =	sand.u32 $0x1, s0;
	s26 =	smul.u32 $0x2700, s24  }
0x7: {  	s31 =	simm.s32 $0x1;
	[smem:$0x7FF] =	sst s4;
	s5 =	smul.u32 $0x64000, s0  }
0x8: {  	s13 =	sadd.s32 $0x138000, s3;
	p0 =	sne.s32 s24, $0xF;
	s19 =	smul.u32 $0x27100, s0  }
0x9: {  	_ =	strace $0x80000047;
	s0 =	ssub.s32 $0x2, s0;
	s15 =	sadd.s32 $0x50, s10  }
0xa: {  	s21 =	sshrl.u32 s0, $0x1;
	s16 =	sadd.s32 $0xA0, s10;
	s17 =	sadd.s32 $0xF0, s10  }
0xb: {  	s18 =	sadd.s32 $0x140, s10;
	s5 =	sadd.s32 s6, s5;
	s7 =	sshll.u32 s15, $0x7  }
0xc: {  	s0 =	ssub.s32 s0, s21;
	s23 =	sshll.u32 s16, $0x7;
	s8 =	sshll.u32 s17, $0x7  }
0xd: {  	s9 =	sshll.u32 s18, $0x7;
	s21 =	sadd.s32 $0x230, s10;
	s15 =	sshll.u32 s15, $0x4  }
0xe: {  	s18 =	sshll.u32 s18, $0x4;
	s5 =	sshrl.u32 s5, $0x3;
	s22 =	sadd.s32 s7, s3  }
0xf: {  	s7 =	sadd.s32 s23, s3;
	s8 =	sadd.s32 s8, s3;
	s9 =	sadd.s32 s9, s3  }
0x10: {  	s12 =	sshll.u32 s21, $0x7;
	s23 =	sshll.u32 s17, $0x4;
	s21 =	sshll.u32 s21, $0x4  }
0x11: {  	s0 =	smax.u32 s0, $0x1;
	s14 =	sadd.s32 s5, s2;
	s2 =	sadd.s32 s19, s2  }
0x12: {  	s5 =	sshrl.u32 s20, $0x2;
	[dreg:$0x5] =	wrdreg s22;
	s19 =	sadd.s32 $0x190, s10  }
0x13: {  	s20 =	sadd.s32 $0x1E0, s10;
	s12 =	sadd.s32 s12, s3;
	s22 =	sshll.u32 s16, $0x4  }
0x14: {  	[dreg:$0x7] =	wrdreg s0;
	s0 =	simm.s32 $0x480;
	s5 =	sadd.s32 s5, s3  }
0x15: {  	s25 =	sshll.u32 s19, $0x7;
	s11 =	sshll.u32 s20, $0x7;
	s19 =	sshll.u32 s19, $0x4  }
0x16: {  	s20 =	sshll.u32 s20, $0x4;
	[dreg:$0x4] =	wrdreg s5;
	s5 =	sadd.s32 $0x33A00, s2  }
0x17: {  	s16 =	sadd.s32 $0x1A00, s14;
	s6 =	sadd.s32 s26, s5;
	[dreg:$0x6] =	wrdreg s5  }
0x18: {  	s17 =	sadd.s32 $0x1AA00, s14;
	s14 =	sadd.s32 s15, s5;
	[dreg:$0x8] =	wrdreg s6  }
0x19: {  	s10 =	sadd.s32 s25, s3;
	s15 =	sadd.s32 s22, s5;
	[dreg:$0x9] =	wrdreg s14  }
0x1a: {  	s11 =	sadd.s32 s11, s3;
	s22 =	sadd.s32 s23, s5;
	[dreg:$0xa] =	wrdreg s15  }
0x1b: {  	s2 =	simm.s32 $0x80;
	s23 =	sadd.s32 s18, s5;
	[dreg:$0xb] =	wrdreg s22  }
0x1c: {  	s24 =	sadd.s32 s19, s5;
	s25 =	sadd.s32 s20, s5;
	[dreg:$0xc] =	wrdreg s23  }
0x1d: {  	s26 =	sadd.s32 s21, s5;
	s18 =	simm.s32 $0x500;
	[dreg:$0xd] =	wrdreg s24  }
0x1e: {  	s19 =	simm.s32 $0x180;
	s20 =	simm.s32 $0x580;
	[dreg:$0xe] =	wrdreg s25  }
0x1f: {  	s21 =	simm.s32 $0x200;
	[dreg:$0xf] =	wrdreg s26;
	s26 =	simm.s32 $0x800  }
0x20: {  	v0 =	vimm.f32 $0.0e+00;
	s15 =	simm.s32 $0x100;
	s22 =	simm.s32 $0x600;
	s23 =	simm.s32 $0x0  }
.LBB2_1:
0x21: {  	s14 =	sand.u32 $0xFE00, s4  }
0x22: {  	s25 =	sand.u32 $0x70, s4;
	s14 =	sshrl.u32 s14, $0x2  }
0x23: {  	s24 =	simm.s32 $0x40;
	s14 =	sor.u32 s25, s14;
	s25 =	simm.s32 $0x0  }
.LBB2_2:
0x24: {  	p1 =	sne.s32 s24, $0x9FC0  }
0x25: {  	[tilespmem:s14+$0x800] =	vst v0;
	s25 =	sadd.s32 $0x10, s25;
	s14 =	smov.u32 s24;
	s24 =	sadd.s32 $0x40, s24  }
.Ltmp0:
0x26: {  	(pc) =	sbr.rel @p1 .LBB2_2-.Ltmp0, $4  }
0x27: {  	_ = 	snop  }
0x28: {  	s14 =	sand.u32 $0xFE00, s14  }
0x29: {  	s5 =	sand.u32 $0x70, s25;
	s14 =	sshrl.u32 s14, $0x2  }
0x2a: {  	s14 =	sor.u32 s5, s14  }
0x2b: {  	[tilespmem:s14+$0x800] =	vst v0;
	s5 =	rddreg [dreg:$0x4]  }
0x2c: {  	[spmem:s5] =	stream.linear.scatter [tilespmem:s26], [sflag:$0x2], $0x2800, $0x38;
	[tilespmem:$0x16880] =	vst v63  }
0x2d: {  	_ =	swait.ge [sflag:s28], $0x2800  }
0x2e: {  	[sflag:s28] =	ssyncset.done $0x0  }
0x2f: {  	s14 =	rddreg [dreg:$0x5];
	[sflag:s28] =	ssyncadd.s32 $0xFFFFD800  }
0x30: {  	[spmem:s14] =	stream.linear.scatter [tilespmem:s26], [sflag:$0x2], $0x2800, $0x38;
	[tilespmem:$0x16880] =	vst v63  }
0x31: {  	_ =	swait.ge [sflag:s28], $0x2800  }
0x32: {  	[sflag:s28] =	ssyncset.done $0x0  }
0x33: {  	[sflag:s28] =	ssyncadd.s32 $0xFFFFD800  }
0x34: {  	[spmem:s7] =	stream.linear.scatter [tilespmem:s26], [sflag:$0x2], $0x2800, $0x38;
	[tilespmem:$0x16880] =	vst v63  }
0x35: {  	_ =	swait.ge [sflag:s28], $0x2800  }
0x36: {  	[sflag:s28] =	ssyncset.done $0x0  }
0x37: {  	[sflag:s28] =	ssyncadd.s32 $0xFFFFD800  }
0x38: {  	[spmem:s8] =	stream.linear.scatter [tilespmem:s26], [sflag:$0x2], $0x2800, $0x38;
	[tilespmem:$0x16880] =	vst v63  }
0x39: {  	_ =	swait.ge [sflag:s28], $0x2800  }
0x3a: {  	[sflag:s28] =	ssyncset.done $0x0  }
0x3b: {  	[sflag:s28] =	ssyncadd.s32 $0xFFFFD800  }
0x3c: {  	[spmem:s9] =	stream.linear.scatter [tilespmem:s26], [sflag:$0x2], $0x2800, $0x38;
	[tilespmem:$0x16880] =	vst v63  }
0x3d: {  	_ =	swait.ge [sflag:s28], $0x2800  }
0x3e: {  	[sflag:s28] =	ssyncset.done $0x0  }
0x3f: {  	[sflag:s28] =	ssyncadd.s32 $0xFFFFD800  }
0x40: {  	[spmem:s10] =	stream.linear.scatter [tilespmem:s26], [sflag:$0x2], $0x2800, $0x38;
	[tilespmem:$0x16880] =	vst v63  }
0x41: {  	_ =	swait.ge [sflag:s28], $0x2800  }
0x42: {  	[sflag:s28] =	ssyncset.done $0x0  }
0x43: {  	[sflag:s28] =	ssyncadd.s32 $0xFFFFD800  }
0x44: {  	[spmem:s11] =	stream.linear.scatter [tilespmem:s26], [sflag:$0x2], $0x2800, $0x38;
	[tilespmem:$0x16880] =	vst v63  }
0x45: {  	_ =	swait.ge [sflag:s28], $0x2800  }
0x46: {  	[sflag:s28] =	ssyncset.done $0x0  }
0x47: {  	[sflag:s28] =	ssyncadd.s32 $0xFFFFD800  }
0x48: {  	[spmem:s12] =	stream.linear.scatter [tilespmem:s26], [sflag:$0x2], $0x2000, $0x38;
	[tilespmem:$0x16880] =	vst v63  }
0x49: {  	_ =	swait.ge [sflag:s28], $0x2000  }
0x4a: {  	[sflag:s28] =	ssyncset.done $0x0  }
0x4b: {  	s5 =	simm.s32 @!p0 $0x800;
	[sflag:s28] =	ssyncadd.s32 $0xFFFFE000  }
0x4c: {  	[spmem:s13] =	stream.linear.scatter @!p0 [tilespmem:s5], [sflag:$0x2], $0x800, $0x38;
	[tilespmem:$0x16880] =	vst v63  }
0x4d: {  	s5 =	simm.s32 @!p0 $0x2  }
0x4e: {  	_ =	swait.ge @!p0 [sflag:s5], $0x800  }
0x4f: {  	[sflag:s5] =	ssyncset.done @!p0 $0x0  }
0x50: {  	[sflag:s5] =	ssyncadd.s32 @!p0 $0xFFFFF800  }
0x51: {  	s24 =	sadd.s32 $0x0, s17;
	[bflag:$0x0] =	sbarrier.arrive $0xFFFF  }
0x52: {  	[tilespmem:s4], [sflag:$0x2] =	stream.linear.gather [hbm4b:s24+s4], $0x280, $0x38;
	[tilespmem:$0x16880] =	vst v63  }
0x53: {  	_ =	swait.ge [sflag:s28], $0x280  }
0x54: {  	[sflag:s28] =	ssyncset.done $0x0  }
0x55: {  	s25 =	sadd.s32 $0x0, s16;
	[sflag:s28] =	ssyncadd.s32 $0xFFFFFD80  }
0x56: {  	[tilespmem:s29], [sflag:$0x2] =	stream.linear.gather [hbm4b:s25+s4], $0x280, $0x38;
	[tilespmem:$0x16880] =	vst v63  }
0x57: {  	_ =	swait.ge [sflag:s28], $0x280  }
0x58: {  	[sflag:s28] =	ssyncset.done $0x0  }
0x59: {  	[sflag:s28] =	ssyncadd.s32 $0xFFFFFD80  }
0x5a: {  	[tilespmem:s26], [sflag:$0x1] =	stream.indirect.gather [hbm4b:s1+s30], $0x80, s4, s30, $0xb8;
	[tilespmem:$0x16880] =	vst v63  }
0x5b: {  	_ =	swait.ge [sflag:s31], $0x2800  }
0x5c: {  	[sflag:s31] =	ssyncset.done $0x0  }
0x5d: {  	[sflag:s31] =	ssyncadd.s32 $0xFFFFD800  }
0x5e: {  	[spmem:s3] =	stream.indirect.scatter.add.f32 [tilespmem:s26], [sflag:$0x2], $0x80, s29, s30, $0xb8;
	[tilespmem:$0x16880] =	vst v63  }
0x5f: {  	_ =	swait.ge [sflag:s28], $0x2800  }
0x60: {  	[sflag:s28] =	ssyncset.done $0x0  }
0x61: {  	[sflag:s28] =	ssyncadd.s32 $0xFFFFD800  }
0x62: {  	[tilespmem:s26], [sflag:$0x1] =	stream.indirect.gather [hbm4b:s1+s30], $0x80, s2, s30, $0xb8;
	[tilespmem:$0x16880] =	vst v63  }
0x63: {  	_ =	swait.ge [sflag:s31], $0x2800  }
0x64: {  	[sflag:s31] =	ssyncset.done $0x0  }
0x65: {  	[sflag:s31] =	ssyncadd.s32 $0xFFFFD800  }
0x66: {  	[spmem:s3] =	stream.indirect.scatter.add.f32 [tilespmem:s26], [sflag:$0x2], $0x80, s0, s30, $0xb8;
	[tilespmem:$0x16880] =	vst v63  }
0x67: {  	_ =	swait.ge [sflag:s28], $0x2800  }
0x68: {  	[sflag:s28] =	ssyncset.done $0x0  }
0x69: {  	[sflag:s28] =	ssyncadd.s32 $0xFFFFD800  }
0x6a: {  	[tilespmem:s26], [sflag:$0x1] =	stream.indirect.gather [hbm4b:s1+s30], $0x80, s15, s30, $0xb8;
	[tilespmem:$0x16880] =	vst v63  }
0x6b: {  	_ =	swait.ge [sflag:s31], $0x2800  }
0x6c: {  	[sflag:s31] =	ssyncset.done $0x0  }
0x6d: {  	[sflag:s31] =	ssyncadd.s32 $0xFFFFD800  }
0x6e: {  	[spmem:s3] =	stream.indirect.scatter.add.f32 [tilespmem:s26], [sflag:$0x2], $0x80, s18, s30, $0xb8;
	[tilespmem:$0x16880] =	vst v63  }
0x6f: {  	_ =	swait.ge [sflag:s28], $0x2800  }
0x70: {  	[sflag:s28] =	ssyncset.done $0x0  }
0x71: {  	[sflag:s28] =	ssyncadd.s32 $0xFFFFD800  }
0x72: {  	[tilespmem:s26], [sflag:$0x1] =	stream.indirect.gather [hbm4b:s1+s30], $0x80, s19, s30, $0xb8;
	[tilespmem:$0x16880] =	vst v63  }
0x73: {  	_ =	swait.ge [sflag:s31], $0x2800  }
0x74: {  	[sflag:s31] =	ssyncset.done $0x0  }
0x75: {  	[sflag:s31] =	ssyncadd.s32 $0xFFFFD800  }
0x76: {  	[spmem:s3] =	stream.indirect.scatter.add.f32 [tilespmem:s26], [sflag:$0x2], $0x80, s20, s30, $0xb8;
	[tilespmem:$0x16880] =	vst v63  }
0x77: {  	_ =	swait.ge [sflag:s28], $0x2800  }
0x78: {  	[sflag:s28] =	ssyncset.done $0x0  }
0x79: {  	[sflag:s28] =	ssyncadd.s32 $0xFFFFD800  }
0x7a: {  	[tilespmem:s26], [sflag:$0x1] =	stream.indirect.gather [hbm4b:s1+s30], $0x80, s21, s30, $0xb8;
	[tilespmem:$0x16880] =	vst v63  }
0x7b: {  	_ =	swait.ge [sflag:s31], $0x2800  }
0x7c: {  	[sflag:s31] =	ssyncset.done $0x0  }
0x7d: {  	[sflag:s31] =	ssyncadd.s32 $0xFFFFD800  }
0x7e: {  	[spmem:s3] =	stream.indirect.scatter.add.f32 [tilespmem:s26], [sflag:$0x2], $0x80, s22, s30, $0xb8;
	[tilespmem:$0x16880] =	vst v63  }
0x7f: {  	_ =	swait.ge [sflag:s28], $0x2800  }
0x80: {  	s24 =	simm.s32 $0x80;
	s25 =	simm.s32 $0x100;
	[sflag:s28] =	ssyncset.done $0x0  }
.LBB2_4:
0x81: {  	s5 =	sadd.s32 s24, s17  }
0x82: {  	[sflag:s28] =	ssyncadd.s32 $0xFFFFD800;
	s6 =	smov.u32 s25;
	s14 =	sadd.s32 $0x80, s25  }
0x83: {  	[tilespmem:s4], [sflag:$0x2] =	stream.linear.gather [hbm4b:s5+s4], $0x280, $0x38;
	[tilespmem:$0x16880] =	vst v63  }
0x84: {  	p1 =	sne.s32 s25, $0xC00;
	_ =	swait.ge [sflag:s28], $0x280  }
0x85: {  	[sflag:s28] =	ssyncset.done $0x0  }
0x86: {  	s5 =	sadd.s32 s24, s16;
	s24 =	smov.u32 s6;
	[sflag:s28] =	ssyncadd.s32 $0xFFFFFD80  }
0x87: {  	[tilespmem:s29], [sflag:$0x2] =	stream.linear.gather [hbm4b:s5+s4], $0x280, $0x38;
	[tilespmem:$0x16880] =	vst v63  }
0x88: {  	_ =	swait.ge [sflag:s28], $0x280  }
0x89: {  	[sflag:s28] =	ssyncset.done $0x0  }
0x8a: {  	[sflag:s28] =	ssyncadd.s32 $0xFFFFFD80  }
0x8b: {  	[tilespmem:s26], [sflag:$0x1] =	stream.indirect.gather [hbm4b:s1+s30], $0x80, s4, s30, $0xb8;
	[tilespmem:$0x16880] =	vst v63  }
0x8c: {  	_ =	swait.ge [sflag:s31], $0x2800  }
0x8d: {  	[sflag:s31] =	ssyncset.done $0x0  }
0x8e: {  	[sflag:s31] =	ssyncadd.s32 $0xFFFFD800  }
0x8f: {  	[spmem:s3] =	stream.indirect.scatter.add.f32 [tilespmem:s26], [sflag:$0x2], $0x80, s29, s30, $0xb8;
	[tilespmem:$0x16880] =	vst v63  }
0x90: {  	_ =	swait.ge [sflag:s28], $0x2800  }
0x91: {  	[sflag:s28] =	ssyncset.done $0x0  }
0x92: {  	[sflag:s28] =	ssyncadd.s32 $0xFFFFD800  }
0x93: {  	[tilespmem:s26], [sflag:$0x1] =	stream.indirect.gather [hbm4b:s1+s30], $0x80, s2, s30, $0xb8;
	[tilespmem:$0x16880] =	vst v63  }
0x94: {  	_ =	swait.ge [sflag:s31], $0x2800  }
0x95: {  	[sflag:s31] =	ssyncset.done $0x0  }
0x96: {  	[sflag:s31] =	ssyncadd.s32 $0xFFFFD800  }
0x97: {  	[spmem:s3] =	stream.indirect.scatter.add.f32 [tilespmem:s26], [sflag:$0x2], $0x80, s0, s30, $0xb8;
	[tilespmem:$0x16880] =	vst v63  }
0x98: {  	_ =	swait.ge [sflag:s28], $0x2800  }
0x99: {  	[sflag:s28] =	ssyncset.done $0x0  }
0x9a: {  	[sflag:s28] =	ssyncadd.s32 $0xFFFFD800  }
0x9b: {  	[tilespmem:s26], [sflag:$0x1] =	stream.indirect.gather [hbm4b:s1+s30], $0x80, s15, s30, $0xb8;
	[tilespmem:$0x16880] =	vst v63  }
0x9c: {  	_ =	swait.ge [sflag:s31], $0x2800  }
0x9d: {  	[sflag:s31] =	ssyncset.done $0x0  }
0x9e: {  	[sflag:s31] =	ssyncadd.s32 $0xFFFFD800  }
0x9f: {  	[spmem:s3] =	stream.indirect.scatter.add.f32 [tilespmem:s26], [sflag:$0x2], $0x80, s18, s30, $0xb8;
	[tilespmem:$0x16880] =	vst v63  }
0xa0: {  	_ =	swait.ge [sflag:s28], $0x2800  }
0xa1: {  	[sflag:s28] =	ssyncset.done $0x0  }
0xa2: {  	[sflag:s28] =	ssyncadd.s32 $0xFFFFD800  }
0xa3: {  	[tilespmem:s26], [sflag:$0x1] =	stream.indirect.gather [hbm4b:s1+s30], $0x80, s19, s30, $0xb8;
	[tilespmem:$0x16880] =	vst v63  }
0xa4: {  	_ =	swait.ge [sflag:s31], $0x2800  }
0xa5: {  	[sflag:s31] =	ssyncset.done $0x0  }
0xa6: {  	[sflag:s31] =	ssyncadd.s32 $0xFFFFD800  }
0xa7: {  	[spmem:s3] =	stream.indirect.scatter.add.f32 [tilespmem:s26], [sflag:$0x2], $0x80, s20, s30, $0xb8;
	[tilespmem:$0x16880] =	vst v63  }
0xa8: {  	_ =	swait.ge [sflag:s28], $0x2800  }
0xa9: {  	[sflag:s28] =	ssyncset.done $0x0  }
0xaa: {  	[sflag:s28] =	ssyncadd.s32 $0xFFFFD800  }
0xab: {  	[tilespmem:s26], [sflag:$0x1] =	stream.indirect.gather [hbm4b:s1+s30], $0x80, s21, s30, $0xb8;
	[tilespmem:$0x16880] =	vst v63  }
0xac: {  	_ =	swait.ge [sflag:s31], $0x2800  }
.Ltmp1:
0xad: {  	[sflag:s31] =	ssyncset.done $0x0;
	(pc) =	sbr.rel @p1 .LBB2_4-.Ltmp1, $4  }
0xae: {  	[sflag:s31] =	ssyncadd.s32 $0xFFFFD800  }
0xaf: {  	[spmem:s3] =	stream.indirect.scatter.add.f32 [tilespmem:s26], [sflag:$0x2], $0x80, s22, s30, $0xb8;
	[tilespmem:$0x16880] =	vst v63  }
0xb0: {  	_ =	swait.ge [sflag:s28], $0x2800  }
0xb1: {  	s25 =	smov.u32 s14;
	[sflag:s28] =	ssyncset.done $0x0  }
0xb2: {  	s5 =	sadd.s32 s24, s17;
	[sflag:s28] =	ssyncadd.s32 $0xFFFFD800  }
0xb3: {  	[tilespmem:s4], [sflag:$0x2] =	stream.linear.gather [hbm4b:s5+s4], $0x280, $0x38;
	[tilespmem:$0x16880] =	vst v63  }
0xb4: {  	_ =	swait.ge [sflag:s28], $0x280  }
0xb5: {  	[sflag:s28] =	ssyncset.done $0x0  }
0xb6: {  	s6 =	sadd.s32 s24, s16;
	[sflag:s28] =	ssyncadd.s32 $0xFFFFFD80  }
0xb7: {  	[tilespmem:s29], [sflag:$0x2] =	stream.linear.gather [hbm4b:s6+s4], $0x280, $0x38;
	[tilespmem:$0x16880] =	vst v63  }
0xb8: {  	_ =	swait.ge [sflag:s28], $0x280  }
0xb9: {  	[sflag:s28] =	ssyncset.done $0x0  }
0xba: {  	[sflag:s28] =	ssyncadd.s32 $0xFFFFFD80  }
0xbb: {  	[tilespmem:s26], [sflag:$0x1] =	stream.indirect.gather [hbm4b:s1+s30], $0x80, s4, s30, $0xb8;
	[tilespmem:$0x16880] =	vst v63  }
0xbc: {  	_ =	swait.ge [sflag:s31], $0x2800  }
0xbd: {  	[sflag:s31] =	ssyncset.done $0x0  }
0xbe: {  	[sflag:s31] =	ssyncadd.s32 $0xFFFFD800  }
0xbf: {  	[spmem:s3] =	stream.indirect.scatter.add.f32 [tilespmem:s26], [sflag:$0x2], $0x80, s29, s30, $0xb8;
	[tilespmem:$0x16880] =	vst v63  }
0xc0: {  	_ =	swait.ge [sflag:s28], $0x2800  }
0xc1: {  	[sflag:s28] =	ssyncset.done $0x0  }
0xc2: {  	[sflag:s28] =	ssyncadd.s32 $0xFFFFD800  }
0xc3: {  	[tilespmem:s26], [sflag:$0x1] =	stream.indirect.gather [hbm4b:s1+s30], $0x80, s2, s30, $0xb8;
	[tilespmem:$0x16880] =	vst v63  }
0xc4: {  	_ =	swait.ge [sflag:s31], $0x2800  }
0xc5: {  	[sflag:s31] =	ssyncset.done $0x0  }
0xc6: {  	[sflag:s31] =	ssyncadd.s32 $0xFFFFD800  }
0xc7: {  	[spmem:s3] =	stream.indirect.scatter.add.f32 [tilespmem:s26], [sflag:$0x2], $0x80, s0, s30, $0xb8;
	[tilespmem:$0x16880] =	vst v63  }
0xc8: {  	_ =	swait.ge [sflag:s28], $0x2800  }
0xc9: {  	[sflag:s28] =	ssyncset.done $0x0  }
0xca: {  	[sflag:s28] =	ssyncadd.s32 $0xFFFFD800  }
0xcb: {  	[tilespmem:s26], [sflag:$0x1] =	stream.indirect.gather [hbm4b:s1+s30], $0x80, s15, s30, $0xb8;
	[tilespmem:$0x16880] =	vst v63  }
0xcc: {  	_ =	swait.ge [sflag:s31], $0x2800  }
0xcd: {  	[sflag:s31] =	ssyncset.done $0x0  }
0xce: {  	[sflag:s31] =	ssyncadd.s32 $0xFFFFD800  }
0xcf: {  	[spmem:s3] =	stream.indirect.scatter.add.f32 [tilespmem:s26], [sflag:$0x2], $0x80, s18, s30, $0xb8;
	[tilespmem:$0x16880] =	vst v63  }
0xd0: {  	_ =	swait.ge [sflag:s28], $0x2800  }
0xd1: {  	[sflag:s28] =	ssyncset.done $0x0  }
0xd2: {  	[sflag:s28] =	ssyncadd.s32 $0xFFFFD800  }
0xd3: {  	[tilespmem:s26], [sflag:$0x1] =	stream.indirect.gather [hbm4b:s1+s30], $0x80, s19, s30, $0xb8;
	[tilespmem:$0x16880] =	vst v63  }
0xd4: {  	_ =	swait.ge [sflag:s31], $0x2800  }
0xd5: {  	[sflag:s31] =	ssyncset.done $0x0  }
0xd6: {  	[sflag:s31] =	ssyncadd.s32 $0xFFFFD800  }
0xd7: {  	[spmem:s3] =	stream.indirect.scatter.add.f32 [tilespmem:s26], [sflag:$0x2], $0x80, s20, s30, $0xb8;
	[tilespmem:$0x16880] =	vst v63  }
0xd8: {  	_ =	swait.ge [sflag:s28], $0x2800  }
0xd9: {  	[sflag:s28] =	ssyncset.done $0x0  }
0xda: {  	[sflag:s28] =	ssyncadd.s32 $0xFFFFD800  }
0xdb: {  	[tilespmem:s26], [sflag:$0x1] =	stream.indirect.gather [hbm4b:s1+s30], $0x80, s21, s30, $0xb8;
	[tilespmem:$0x16880] =	vst v63  }
0xdc: {  	_ =	swait.ge [sflag:s31], $0x2800  }
0xdd: {  	[sflag:s31] =	ssyncset.done $0x0  }
0xde: {  	[sflag:s31] =	ssyncadd.s32 $0xFFFFD800  }
0xdf: {  	[spmem:s3] =	stream.indirect.scatter.add.f32 [tilespmem:s26], [sflag:$0x2], $0x80, s22, s30, $0xb8;
	[tilespmem:$0x16880] =	vst v63  }
0xe0: {  	_ =	swait.ge [sflag:s28], $0x2800  }
0xe1: {  	[sflag:s28] =	ssyncset.done $0x0  }
0xe2: {  	[sflag:s28] =	ssyncadd.s32 $0xFFFFD800  }
0xe3: {  	[bflag:$0x0] =	sbarrier.arrive $0xFFFF  }
0xe4: {  	s14 =	rddreg [dreg:$0x4]  }
0xe5: {  	[tilespmem:s26], [sflag:$0x2] =	stream.linear.gather [spmem:s14], $0x2800, $0x38;
	[tilespmem:$0x16880] =	vst v63  }
0xe6: {  	_ =	swait.ge [sflag:s28], $0x2800  }
0xe7: {  	[sflag:s28] =	ssyncset.done $0x0  }
0xe8: {  	s24 =	rddreg [dreg:$0x8];
	[sflag:s28] =	ssyncadd.s32 $0xFFFFD800  }
0xe9: {  	[hbm4b:s24+s4] =	stream.linear.scatter [tilespmem:s26], [sflag:$0x2], $0x2800, $0x38;
	[tilespmem:$0x16880] =	vst v63  }
0xea: {  	_ =	swait.ge [sflag:s28], $0x2800  }
0xeb: {  	[sflag:s28] =	ssyncset.done $0x0  }
0xec: {  	s25 =	rddreg [dreg:$0x5];
	[sflag:s28] =	ssyncadd.s32 $0xFFFFD800  }
0xed: {  	[tilespmem:s26], [sflag:$0x2] =	stream.linear.gather [spmem:s25], $0x2800, $0x38;
	[tilespmem:$0x16880] =	vst v63  }
0xee: {  	_ =	swait.ge [sflag:s28], $0x2800  }
0xef: {  	[sflag:s28] =	ssyncset.done $0x0  }
0xf0: {  	s6 =	rddreg [dreg:$0x9];
	[sflag:s28] =	ssyncadd.s32 $0xFFFFD800  }
0xf1: {  	[hbm4b:s6+s4] =	stream.linear.scatter [tilespmem:s26], [sflag:$0x2], $0x2800, $0x38;
	[tilespmem:$0x16880] =	vst v63  }
0xf2: {  	_ =	swait.ge [sflag:s28], $0x2800  }
0xf3: {  	[sflag:s28] =	ssyncset.done $0x0  }
0xf4: {  	[sflag:s28] =	ssyncadd.s32 $0xFFFFD800  }
0xf5: {  	[tilespmem:s26], [sflag:$0x2] =	stream.linear.gather [spmem:s7], $0x2800, $0x38;
	[tilespmem:$0x16880] =	vst v63  }
0xf6: {  	_ =	swait.ge [sflag:s28], $0x2800  }
0xf7: {  	[sflag:s28] =	ssyncset.done $0x0  }
0xf8: {  	s14 =	rddreg [dreg:$0xa];
	[sflag:s28] =	ssyncadd.s32 $0xFFFFD800  }
0xf9: {  	[hbm4b:s14+s4] =	stream.linear.scatter [tilespmem:s26], [sflag:$0x2], $0x2800, $0x38;
	[tilespmem:$0x16880] =	vst v63  }
0xfa: {  	_ =	swait.ge [sflag:s28], $0x2800  }
0xfb: {  	[sflag:s28] =	ssyncset.done $0x0  }
0xfc: {  	[sflag:s28] =	ssyncadd.s32 $0xFFFFD800  }
0xfd: {  	[tilespmem:s26], [sflag:$0x2] =	stream.linear.gather [spmem:s8], $0x2800, $0x38;
	[tilespmem:$0x16880] =	vst v63  }
0xfe: {  	_ =	swait.ge [sflag:s28], $0x2800  }
0xff: {  	[sflag:s28] =	ssyncset.done $0x0  }
0x100: {  	s24 =	rddreg [dreg:$0xb];
	[sflag:s28] =	ssyncadd.s32 $0xFFFFD800  }
0x101: {  	[hbm4b:s24+s4] =	stream.linear.scatter [tilespmem:s26], [sflag:$0x2], $0x2800, $0x38;
	[tilespmem:$0x16880] =	vst v63  }
0x102: {  	_ =	swait.ge [sflag:s28], $0x2800  }
0x103: {  	[sflag:s28] =	ssyncset.done $0x0  }
0x104: {  	[sflag:s28] =	ssyncadd.s32 $0xFFFFD800  }
0x105: {  	[tilespmem:s26], [sflag:$0x2] =	stream.linear.gather [spmem:s9], $0x2800, $0x38;
	[tilespmem:$0x16880] =	vst v63  }
0x106: {  	_ =	swait.ge [sflag:s28], $0x2800  }
0x107: {  	[sflag:s28] =	ssyncset.done $0x0  }
0x108: {  	s25 =	rddreg [dreg:$0xc];
	[sflag:s28] =	ssyncadd.s32 $0xFFFFD800  }
0x109: {  	[hbm4b:s25+s4] =	stream.linear.scatter [tilespmem:s26], [sflag:$0x2], $0x2800, $0x38;
	[tilespmem:$0x16880] =	vst v63  }
0x10a: {  	_ =	swait.ge [sflag:s28], $0x2800  }
0x10b: {  	[sflag:s28] =	ssyncset.done $0x0  }
0x10c: {  	[sflag:s28] =	ssyncadd.s32 $0xFFFFD800  }
0x10d: {  	[tilespmem:s26], [sflag:$0x2] =	stream.linear.gather [spmem:s10], $0x2800, $0x38;
	[tilespmem:$0x16880] =	vst v63  }
0x10e: {  	_ =	swait.ge [sflag:s28], $0x2800  }
0x10f: {  	[sflag:s28] =	ssyncset.done $0x0  }
0x110: {  	s6 =	rddreg [dreg:$0xd];
	[sflag:s28] =	ssyncadd.s32 $0xFFFFD800  }
0x111: {  	[hbm4b:s6+s4] =	stream.linear.scatter [tilespmem:s26], [sflag:$0x2], $0x2800, $0x38;
	[tilespmem:$0x16880] =	vst v63  }
0x112: {  	_ =	swait.ge [sflag:s28], $0x2800  }
0x113: {  	[sflag:s28] =	ssyncset.done $0x0  }
0x114: {  	[sflag:s28] =	ssyncadd.s32 $0xFFFFD800  }
0x115: {  	[tilespmem:s26], [sflag:$0x2] =	stream.linear.gather [spmem:s11], $0x2800, $0x38;
	[tilespmem:$0x16880] =	vst v63  }
0x116: {  	_ =	swait.ge [sflag:s28], $0x2800  }
0x117: {  	[sflag:s28] =	ssyncset.done $0x0  }
0x118: {  	s14 =	rddreg [dreg:$0xe];
	[sflag:s28] =	ssyncadd.s32 $0xFFFFD800  }
0x119: {  	[hbm4b:s14+s4] =	stream.linear.scatter [tilespmem:s26], [sflag:$0x2], $0x2800, $0x38;
	[tilespmem:$0x16880] =	vst v63  }
0x11a: {  	_ =	swait.ge [sflag:s28], $0x2800  }
0x11b: {  	[sflag:s28] =	ssyncset.done $0x0  }
0x11c: {  	[sflag:s28] =	ssyncadd.s32 $0xFFFFD800  }
0x11d: {  	[tilespmem:s26], [sflag:$0x2] =	stream.linear.gather [spmem:s12], $0x2000, $0x38;
	[tilespmem:$0x16880] =	vst v63  }
0x11e: {  	_ =	swait.ge [sflag:s28], $0x2000  }
0x11f: {  	[sflag:s28] =	ssyncset.done $0x0  }
0x120: {  	s24 =	rddreg [dreg:$0xf];
	[sflag:s28] =	ssyncadd.s32 $0xFFFFE000  }
0x121: {  	[hbm4b:s24+s4] =	stream.linear.scatter [tilespmem:s26], [sflag:$0x2], $0x2000, $0x38;
	[tilespmem:$0x16880] =	vst v63  }
0x122: {  	_ =	swait.ge [sflag:s28], $0x2000  }
0x123: {  	[sflag:s28] =	ssyncset.done $0x0  }
0x124: {  	s5 =	simm.s32 @!p0 $0x800;
	s6 =	simm.s32 @!p0 $0x2;
	[sflag:s28] =	ssyncadd.s32 $0xFFFFE000  }
0x125: {  	[tilespmem:s5], [sflag:$0x2] =	stream.linear.gather @!p0 [spmem:s13], $0x800, $0x38;
	[tilespmem:$0x16880] =	vst v63  }
0x126: {  	_ =	swait.ge @!p0 [sflag:s6], $0x800  }
0x127: {  	[sflag:s6] =	ssyncset.done @!p0 $0x0;
	s14 =	rddreg [dreg:$0x6]  }
0x128: {  	s24 =	simm.s32 @!p0 $0x0;
	[sflag:s6] =	ssyncadd.s32 @!p0 $0xFFFFF800;
	s14 =	sadd.s32 @!p0 $0x27000, s14  }
0x129: {  	[hbm4b:s14+s24] =	stream.linear.scatter @!p0 [tilespmem:s5], [sflag:$0x2], $0x800, $0x38;
	[tilespmem:$0x16880] =	vst v63  }
0x12a: {  	_ =	swait.ge @!p0 [sflag:s6], $0x800  }
0x12b: {  	s23 =	sadd.s32 $0x1, s23;
	s25 =	rddreg [dreg:$0x7]  }
0x12c: {  	p1 =	sne.s32 s23, s25  }
.Ltmp2:
0x12d: {  	_ = 	snop;
	(pc) =	sbr.rel @p1 .LBB2_1-.Ltmp2, $3  }
0x12e: {  	_ =	sdelay $0x1  }
0x12f: {  	[sflag:s6] =	ssyncset.done @!p0 $0x0  }
0x130: {  	[sflag:s6] =	ssyncadd.s32 @!p0 $0xFFFFF800  }
0x131: {  	_ =	sfence.sel $0x180000  }
0x132: {  	[bflag:$0x0] =	sbarrier.arrive $0xFFFF  }
0x133: {  	_ =	strace $0x90000047  }
0x134: {  	s0 =	stileid.u32;
	[bflag:$0x2] =	sbarrier.arrive $0xFFFF  }
0x135: {  	p0 =	sne.s32 s0, $0x0;
	s0 =	rddreg [dreg:$0x3]  }
0x136: {  	s0 =	sadd.s32 @!p0 $0x100000, s0  }
0x137: {  	[sflag:s0] =	ssyncadd.tile.s32 @!p0 $0x1;
	_ =	shalt  }
.Lfunc_end2:
_tile_overlayer_lowered:
.L_overlay_start_2:
0x138: {  	(tag) =	ssettag $0x2  }
0x139: {  	s0 =	rddreg [dreg:$0x0];
	s2 =	stileid.u32  }
0x13a: {  	s1 =	rddreg [dreg:$0x1];
	p0 =	sne.s32 s2, $0x0  }
0x13b: {  	s3 =	rddreg [dreg:$0x2];
	[bflag:$0x3] =	sbarrier.arrive $0xFFFF;
	s2 =	simm.s32 @!p0 $0x1C02  }
0x13c: {  	[timem:s3], [sflag:s2] =	dma.local @!p0 [hbm:s0], s1  }
0x13d: {  	s0 =	simm.s32 @!p0 $0x2  }
0x13e: {  	_ =	swait.ge @!p0 [sflag:s0], s1  }
0x13f: {  	s1 =	ssub.s32 @!p0 $0x0, s1;
	[sflag:s0] =	ssyncset.done @!p0 $0x0  }
0x140: {  	[sflag:s0] =	ssyncadd.s32 @!p0 s1  }
0x141: {  	[bflag:$0x3] =	sbarrier.arrive $0xFFFF  }
0x142: {  	_ =	shalt  }

</sc_bundles>
